<compile_context>
chip_gen: v7x
topology: tpu7x:2x2x1
jax: 0.10.2.dev20260603
libtpu: 0.0.44.dev20260713+nightly
codegen_flags: <defaults>
</compile_context>

<pallas_src>
import functools

import jax
import jax.numpy as jnp
import numpy as np
from jax import lax
from jax.experimental import pallas as pl
from jax.experimental.pallas import tpu as pltpu
from jax.experimental.pallas import tpu_sc as plsc

N = 10000
E = 320000
D = 128
DE = 16
H = 128
AUGW = 128
NC = 2
NS = 16
NPAD = 10240
RPT = NPAD // NS
EPT = E // (NC * NS)
CH = 128
NFULL = EPT // CH
TAIL = EPT - NFULL * CH
RB = 1024
GRID = (N + RB - 1) // RB



def _step(w):
    ncols = w.shape[1]
    nrm = jnp.sqrt(jnp.sum(w * w, axis=1, keepdims=True))
    nrm = np.float32(1e-4) + nrm * np.float32(1.0 / np.sqrt(ncols))
    return w / (nrm * np.float32(np.sqrt(ncols)))


def _prep_body(w0, wl1, wr1, wl2, wr2, wf,
               w0e, a1, b1, r1, a2, b2, r2, wfe):
    c_cat = np.sqrt((H + DE) / 0.5)
    ca = np.float32(c_cat / np.sqrt(H) * 0.5 / np.sqrt(2.0))
    cb = np.float32(c_cat / np.sqrt(DE) * 0.5 / np.sqrt(2.0))
    cr = np.float32(1.0 / np.sqrt(2.0))
    w0e[...] = _step(w0[...])
    wle = _step(_step(wl1[...]))
    a1[...] = ca * wle[:, :H]
    b1[...] = cb * wle[:, H:]
    r1[...] = cr * _step(_step(wr1[...]))
    wle2 = _step(_step(wl2[...]))
    a2[...] = ca * wle2[:, :H]
    b2[...] = cb * wle2[:, H:]
    r2[...] = cr * _step(_step(wr2[...]))
    wfe[...] = _step(wf[...])


def _prep_weights(W0, Wl1, Wr1, Wl2, Wr2, Wf):
    f32 = jnp.float32
    return pl.pallas_call(
        _prep_body,
        out_shape=(
            jax.ShapeDtypeStruct((H, D), f32),
            jax.ShapeDtypeStruct((H, H), f32),
            jax.ShapeDtypeStruct((H, DE), f32),
            jax.ShapeDtypeStruct((H, H), f32),
            jax.ShapeDtypeStruct((H, H), f32),
            jax.ShapeDtypeStruct((H, DE), f32),
            jax.ShapeDtypeStruct((H, H), f32),
            jax.ShapeDtypeStruct((H, H), f32),
        ),
    )(W0, Wl1, Wr1, Wl2, Wr2, Wf)


def _dot_t(x, w):
    return lax.dot_general(x, w, (((1,), (1,)), ((), ())),
                           preferred_element_type=jnp.float32)


def _mm_body(x_ref, w_ref, o_ref):
    o_ref[...] = _dot_t(x_ref[...], w_ref[...])


def _matmul(x, w):
    return pl.pallas_call(
        _mm_body,
        grid=(GRID,),
        in_specs=[pl.BlockSpec((RB, x.shape[1]), lambda i: (i, 0)),
                  pl.BlockSpec(w.shape, lambda i: (0, 0))],
        out_specs=pl.BlockSpec((RB, w.shape[0]), lambda i: (i, 0)),
        out_shape=jax.ShapeDtypeStruct((N, w.shape[0]), jnp.float32),
    )(x, w)


def _epi_body(sxa, sxb, ea, eb, h_ref, a_ref, b_ref, r_ref, o_ref):
    aug = ea[...] + eb[...]
    cnt = jnp.maximum(aug[:, DE:DE + 1], 1.0)
    mx = (sxa[...] + sxb[...]) / cnt
    me = aug[:, :DE] / cnt
    o = _dot_t(mx, a_ref[...]) + _dot_t(me, b_ref[...]) + _dot_t(h_ref[...], r_ref[...])
    nrm = jnp.maximum(jnp.sqrt(jnp.sum(o * o, axis=1, keepdims=True)), 1e-12)
    o_ref[...] = o / nrm


def _epif_body(sxa, sxb, ea, eb, h_ref, a_ref, b_ref, r_ref, wf_ref, o_ref):
    aug = ea[...] + eb[...]
    cnt = jnp.maximum(aug[:, DE:DE + 1], 1.0)
    mx = (sxa[...] + sxb[...]) / cnt
    me = aug[:, :DE] / cnt
    o = _dot_t(mx, a_ref[...]) + _dot_t(me, b_ref[...]) + _dot_t(h_ref[...], r_ref[...])
    nrm = jnp.maximum(jnp.sqrt(jnp.sum(o * o, axis=1, keepdims=True)), 1e-12)
    o_ref[...] = _dot_t(o / nrm, wf_ref[...])


def _epilogue_final(sxa, sxb, ea, eb, h, a, b, r, wf):
    return pl.pallas_call(
        _epif_body,
        grid=(GRID,),
        in_specs=[pl.BlockSpec((RB, H), lambda i: (i, 0)),
                  pl.BlockSpec((RB, H), lambda i: (i, 0)),
                  pl.BlockSpec((RB, AUGW), lambda i: (i, 0)),
                  pl.BlockSpec((RB, AUGW), lambda i: (i, 0)),
                  pl.BlockSpec((RB, H), lambda i: (i, 0)),
                  pl.BlockSpec((H, H), lambda i: (0, 0)),
                  pl.BlockSpec((H, DE), lambda i: (0, 0)),
                  pl.BlockSpec((H, H), lambda i: (0, 0)),
                  pl.BlockSpec((H, H), lambda i: (0, 0))],
        out_specs=pl.BlockSpec((RB, H), lambda i: (i, 0)),
        out_shape=jax.ShapeDtypeStruct((N, H), jnp.float32),
    )(sxa, sxb, ea, eb, h, a, b, r, wf)


def _epilogue(sxa, sxb, ea, eb, h, a, b, r):
    return pl.pallas_call(
        _epi_body,
        grid=(GRID,),
        in_specs=[pl.BlockSpec((RB, H), lambda i: (i, 0)),
                  pl.BlockSpec((RB, H), lambda i: (i, 0)),
                  pl.BlockSpec((RB, AUGW), lambda i: (i, 0)),
                  pl.BlockSpec((RB, AUGW), lambda i: (i, 0)),
                  pl.BlockSpec((RB, H), lambda i: (i, 0)),
                  pl.BlockSpec((H, H), lambda i: (0, 0)),
                  pl.BlockSpec((H, DE), lambda i: (0, 0)),
                  pl.BlockSpec((H, H), lambda i: (0, 0))],
        out_specs=pl.BlockSpec((RB, H), lambda i: (i, 0)),
        out_shape=jax.ShapeDtypeStruct((N, H), jnp.float32),
    )(sxa, sxb, ea, eb, h, a, b, r)



_sc_mesh = plsc.VectorSubcoreMesh(core_axis_name="c", subcore_axis_name="s")


def _zero_rows_n(rows, nrows, width):
    def body(r, _):
        for j in range(width // 16):
            rows[r, pl.ds(j * 16, 16)] = jnp.zeros((16,), jnp.float32)
        return 0
    lax.fori_loop(0, nrows, body, 0)


CROWS = 2560
RPW = CROWS // (NC * NS)
EPAD = CROWS * CH - E


@functools.partial(
    pl.kernel,
    mesh=_sc_mesh,
    out_type=jax.ShapeDtypeStruct((NC, NPAD, H), jnp.float32),
    scratch_types=[
        pltpu.VMEM((CH,), jnp.int32),
        pltpu.VMEM((CH,), jnp.int32),
        pltpu.VMEM((CH,), jnp.int32),
        pltpu.VMEM((CH,), jnp.int32),
        pltpu.VMEM((CH, H), jnp.float32),
        pltpu.VMEM((CH, H), jnp.float32),
        pltpu.VMEM_SHARED((NPAD, H), jnp.float32),
        pltpu.SemaphoreType.DMA,
        pltpu.SemaphoreType.DMA,
        pltpu.SemaphoreType.DMA,
        pltpu.SemaphoreType.DMA,
    ],
)
def _sc_segsum(h_hbm, src_hbm, dst_hbm, out_hbm,
               s0, d0, s1, d1, rows0, rows1, acc, sg0, sg1, si0, si1):
    c = lax.axis_index("c")
    s = lax.axis_index("s")
    w = s * NC + c
    _zero_rows_n(rows0, CH, H)
    zbase = s * RPT
    for k in range(RPT // CH):
        pltpu.sync_copy(rows0, acc.at[pl.ds(zbase + k * CH, CH)])
    plsc.subcore_barrier()
    ebase = w * RPW * CH

    def fire_idx(j, sb, db, sem):
        pltpu.async_copy(src_hbm.at[pl.ds(ebase + j * CH, CH)], sb, sem)
        pltpu.async_copy(dst_hbm.at[pl.ds(ebase + j * CH, CH)], db, sem)

    def drain_idx(sb, db, sem):
        pltpu.make_async_copy(src_hbm.at[pl.ds(0, CH)], sb, sem).wait()
        pltpu.make_async_copy(src_hbm.at[pl.ds(0, CH)], db, sem).wait()

    def fire_g(sb, buf, sem):
        pltpu.async_copy(h_hbm.at[sb], buf, sem)

    def drain_g(buf, sem):
        pltpu.make_async_copy(h_hbm.at[pl.ds(0, CH)], buf, sem).wait()

    def scat(db, buf):
        pltpu.sync_copy(buf, acc.at[db], add=True)

    fire_idx(0, s0, d0, si0)
    drain_idx(s0, d0, si0)
    fire_g(s0, rows0, sg0)
    fire_idx(1, s1, d1, si1)

    def body(k, _):
        j0 = 2 * k
        drain_idx(s1, d1, si1)
        fire_g(s1, rows1, sg1)
        drain_g(rows0, sg0)
        scat(d0, rows0)
        fire_idx(j0 + 2, s0, d0, si0)
        drain_g(rows1, sg1)
        scat(d1, rows1)
        drain_idx(s0, d0, si0)
        fire_g(s0, rows0, sg0)
        fire_idx(j0 + 3, s1, d1, si1)
        return 0

    lax.fori_loop(0, RPW // 2 - 1, body, 0)
    drain_idx(s1, d1, si1)
    fire_g(s1, rows1, sg1)
    drain_g(rows0, sg0)
    scat(d0, rows0)
    drain_g(rows1, sg1)
    scat(d1, rows1)
    plsc.subcore_barrier()
    for k in range(RPT // CH):
        off = zbase + k * CH
        pltpu.sync_copy(acc.at[pl.ds(off, CH)], rows0)
        pltpu.sync_copy(rows0, out_hbm.at[c].at[pl.ds(off, CH)])


@functools.partial(
    pl.kernel,
    mesh=_sc_mesh,
    out_type=jax.ShapeDtypeStruct((NC, NPAD, AUGW), jnp.float32),
    scratch_types=[
        pltpu.VMEM((CH,), jnp.int32),
        pltpu.VMEM((CH,), jnp.int32),
        pltpu.VMEM((CH, AUGW), jnp.float32),
        pltpu.VMEM((CH, AUGW), jnp.float32),
        pltpu.VMEM_SHARED((NPAD, AUGW), jnp.float32),
        pltpu.SemaphoreType.DMA,
        pltpu.SemaphoreType.DMA,
        pltpu.SemaphoreType.DMA,
        pltpu.SemaphoreType.DMA,
    ],
)
def _sc_edgeprep(ea_hbm, dst_hbm, out_hbm,
                 d0, d1, rows0, rows1, acc, sl0, sl1, si0, si1):
    c = lax.axis_index("c")
    s = lax.axis_index("s")
    w = s * NC + c
    _zero_rows_n(rows0, CH, AUGW)
    zbase = s * RPT
    for k in range(RPT // CH):
        pltpu.sync_copy(rows0, acc.at[pl.ds(zbase + k * CH, CH)])
    plsc.subcore_barrier()
    ebase = w * RPW * CH

    def fire(j, db, buf, semi, seml):
        pltpu.async_copy(dst_hbm.at[pl.ds(ebase + j * CH, CH)], db, semi)
        pltpu.async_copy(ea_hbm.at[pl.ds(ebase + j * CH, CH)], buf, seml)

    def drain(db, buf, semi, seml):
        pltpu.make_async_copy(dst_hbm.at[pl.ds(0, CH)], db, semi).wait()
        pltpu.make_async_copy(ea_hbm.at[pl.ds(0, CH)], buf, seml).wait()

    def scat(db, buf):
        pltpu.sync_copy(buf, acc.at[db], add=True)

    fire(0, d0, rows0, si0, sl0)
    fire(1, d1, rows1, si1, sl1)

    def body(k, _):
        j0 = 2 * k
        drain(d0, rows0, si0, sl0)
        scat(d0, rows0)
        fire(j0 + 2, d0, rows0, si0, sl0)
        drain(d1, rows1, si1, sl1)
        scat(d1, rows1)
        fire(j0 + 3, d1, rows1, si1, sl1)
        return 0

    lax.fori_loop(0, RPW // 2 - 1, body, 0)
    drain(d0, rows0, si0, sl0)
    scat(d0, rows0)
    drain(d1, rows1, si1, sl1)
    scat(d1, rows1)
    plsc.subcore_barrier()
    for k in range(RPT // CH):
        off = zbase + k * CH
        pltpu.sync_copy(acc.at[pl.ds(off, CH)], rows0)
        pltpu.sync_copy(rows0, out_hbm.at[c].at[pl.ds(off, CH)])



def kernel(x, edge_index, edge_attr, W0, Wl1, Wr1, Wl2, Wr2, Wf):
    src = edge_index[0]
    dst = edge_index[1]
    pad_i = jnp.arange(EPAD, dtype=jnp.int32)
    src2 = jnp.concatenate([src, pad_i % N])
    dst2 = jnp.concatenate([dst, N + pad_i % (NPAD - N)])
    ea_aug = jnp.concatenate([jnp.concatenate(
        [edge_attr,
         jnp.ones((E, 1), jnp.float32),
         jnp.zeros((E, AUGW - DE - 1), jnp.float32)], axis=1),
        jnp.zeros((EPAD, AUGW), jnp.float32)])
    w0e, a1, b1, r1, a2, b2, r2, wfe = _prep_weights(W0, Wl1, Wr1, Wl2, Wr2, Wf)
    eparts = _sc_edgeprep(ea_aug, dst2)
    h = _matmul(x, w0e)
    sx = _sc_segsum(h, src2, dst2)
    h = _epilogue(sx[0], sx[1], eparts[0], eparts[1], h, a1, b1, r1)
    sx = _sc_segsum(h, src2, dst2)
    return _epilogue_final(sx[0], sx[1], eparts[0], eparts[1], h, a2, b2, r2, wfe)

# --- scband reference (transcript-rebuilt; emitter-appended) ---
"""Pipeline reference for scband-hignn-interface-38156489458002 (READ-ONLY COPY).

The authoritative reference and input builder live on the scoring server;
editing this copy changes nothing except your own understanding.
"""

import jax, jax.numpy as jnp
import numpy as np

N = 10000
E = 320000
D = 128
DE = 16
H = 128


def w_normalize(w, eps=1e-4):
    # torch normalize(): norm over all dims except 0, then eps + sqrt(norm.numel()/x.numel())*norm
    norm = jnp.linalg.norm(w.astype(jnp.float32), axis=1, keepdims=True)
    norm = eps + norm * np.sqrt(norm.size / w.size)
    return w / norm


def mp_linear(x, w, gain=1.0):
    # MP_GeoLinear.forward (eval mode)
    w = w_normalize(w)
    w = w * (gain / np.sqrt(w.shape[1]))
    return x @ w.T


def mp_sum(a, b, t=0.5):
    return (a + t * (b - a)) / np.sqrt((1 - t) ** 2 + t ** 2)


def mp_cat(a, b, t=0.5):
    Na = a.shape[1]
    Nb = b.shape[1]
    C = np.sqrt((Na + Nb) / ((1 - t) ** 2 + t ** 2))
    wa = C / np.sqrt(Na) * (1 - t)
    wb = C / np.sqrt(Nb) * t
    return jnp.concatenate([wa * a, wb * b], axis=1)


def hip_conv(x, edge_index, edge_attr, Wl, Wr):
    # normalise_weights(): stored weight becomes normalize(w)/sqrt(fan_in); lin then re-normalizes
    wl = w_normalize(Wl) * (1.0 / np.sqrt(Wl.shape[1]))
    wr = w_normalize(Wr) * (1.0 / np.sqrt(Wr.shape[1]))
    src = edge_index[0]
    dst = edge_index[1]
    # message: mp_cat(x_j, edge_attr); aggr='mean' at destination nodes
    msg = mp_cat(x[src], edge_attr)
    n = x.shape[0]
    s = jax.ops.segment_sum(msg, dst, num_segments=n)
    cnt = jax.ops.segment_sum(jnp.ones((msg.shape[0],), msg.dtype), dst, num_segments=n)
    agg = s / jnp.maximum(cnt, 1.0)[:, None]
    out = mp_linear(agg, wl)
    out = mp_sum(out, mp_linear(x, wr))
    # F.normalize(p=2, dim=-1)
    out = out / jnp.maximum(jnp.linalg.norm(out, axis=-1, keepdims=True), 1e-12)
    return out


def setup_inputs(seed: int = 0) -> dict:
    key = jax.random.key(seed)
    ks = jax.random.split(key, 10)
    x = jax.random.normal(ks[0], (N, D), dtype=jnp.float32)
    edge_index = jax.random.randint(ks[1], (2, E), 0, N, dtype=jnp.int32)
    edge_attr = jax.random.normal(ks[2], (E, DE), dtype=jnp.float32)
    # learned params: lazy MP_GeoLinear(-1,H) materializes to D; conv lin_l in=H+DE (mp_cat), lin_r in=H
    W0 = jax.random.normal(ks[3], (H, D), dtype=jnp.float32)
    Wl1 = jax.random.normal(ks[4], (H, H + DE), dtype=jnp.float32)
    Wr1 = jax.random.normal(ks[5], (H, H), dtype=jnp.float32)
    Wl2 = jax.random.normal(ks[6], (H, H + DE), dtype=jnp.float32)
    Wr2 = jax.random.normal(ks[7], (H, H), dtype=jnp.float32)
    Wf = jax.random.normal(ks[8], (H, H), dtype=jnp.float32)
    return {"x": x, "edge_index": edge_index, "edge_attr": edge_attr, "W0": W0,
            "Wl1": Wl1, "Wr1": Wr1, "Wl2": Wl2, "Wr2": Wr2, "Wf": Wf}


def reference(x, edge_index, edge_attr, W0, Wl1, Wr1, Wl2, Wr2, Wf):
    # MP_GNN under to_hetero with single node/edge type. Note: heterogenous_mp_silu is
    # identity under fx tracing (Proxy is not a torch.Tensor), so no activation is applied.
    h = mp_linear(x, W0)
    h = hip_conv(h, edge_index, edge_attr, Wl1, Wr1)
    h = hip_conv(h, edge_index, edge_attr, Wl2, Wr2)
    h = mp_linear(h, Wf)
    return h

if __name__ == "__main__":
    import jax
    _d = setup_inputs()
    print(jax.jit(kernel)(*tuple(_d.values())))

</pallas_src>

<mosaic_0001>
#map = affine_map<(d0, d1) -> (0, 0)>
#map1 = affine_map<(d0, d1) -> (0)>
#map2 = affine_map<(d0, d1) -> (0, 0, 0)>
module attributes {stable_mosaic.version = 14 : i64} {
  func.func @_sc_segsum(%arg0: i32, %arg1: i32, %arg2: memref<10000x128xf32, #tpu.memory_space<hbm>>, %arg3: memref<327680xi32, #tpu.memory_space<hbm>>, %arg4: memref<327680xi32, #tpu.memory_space<hbm>>, %arg5: memref<2x10240x128xf32, #tpu.memory_space<hbm>>, %arg6: memref<128xi32, #tpu.memory_space<vmem>>, %arg7: memref<128xi32, #tpu.memory_space<vmem>>, %arg8: memref<128xi32, #tpu.memory_space<vmem>>, %arg9: memref<128xi32, #tpu.memory_space<vmem>>, %arg10: memref<128x128xf32, #tpu.memory_space<vmem>>, %arg11: memref<128x128xf32, #tpu.memory_space<vmem>>, %arg12: memref<10240x128xf32, #tpu.memory_space<vmem_shared>>, %arg13: memref<!tpu.dma_semaphore, #tpu.memory_space<semaphore_mem>>, %arg14: memref<!tpu.dma_semaphore, #tpu.memory_space<semaphore_mem>>, %arg15: memref<!tpu.dma_semaphore, #tpu.memory_space<semaphore_mem>>, %arg16: memref<!tpu.dma_semaphore, #tpu.memory_space<semaphore_mem>>) attributes {dimension_semantics = [#tpu.dimension_semantics<core_parallel>, #tpu.dimension_semantics<subcore_parallel>], iteration_bounds = array<i64: 2, 16>, scalar_prefetch = 0 : i64, scratch_operands = 11 : i64, tpu.core_type = #tpu.core_type<sc_vector_subcore>, window_params = [{transform_indices = #map}, {transform_indices = #map1}, {transform_indices = #map1}, {transform_indices = #map2}]} {
    %mul3A = arith.constant 2 : i32
    %mul3A_0 = arith.muli %arg1, %mul3A : i32
    %add3A = arith.addi %mul3A_0, %arg0 : i32
    %scan3A = arith.constant 0 : i32
    %scan3A_1 = arith.constant 0 : i32
    %scan3A_2 = arith.constant 128 : i32
    %scan3A_3 = arith.addi %scan3A_1, %scan3A_2 : i32
    %scan3A_4 = arith.constant 1 : i32
    %scan3A_5 = scf.for %scan3A_89 = %scan3A_1 to %scan3A_3 step %scan3A_4 iter_args(%scan3A_90 = %scan3A) -> (i32)  : i32 {
      %broadcast_in_dim3A = arith.constant 0.000000e+00 : f32
      %broadcast_in_dim3A_91 = vector.broadcast %broadcast_in_dim3A : f32 to vector<16xf32>
      %swap3A = arith.index_cast %scan3A_89 : i32 to index
      %swap3A_92 = arith.constant 0 : index
      %swap3A_93 = tpu.vector_load %arg10[%swap3A, %swap3A_92] {strides = array<i32>} : memref<128x128xf32, #tpu.memory_space<vmem>>, vector<1x16xf32>,
      %swap3A_94 = vector.shape_cast %swap3A_93 : vector<1x16xf32> to vector<16xf32>
      %swap3A_95 = vector.shape_cast %broadcast_in_dim3A_91 : vector<16xf32> to vector<1x16xf32>
      tpu.vector_store %arg10[%swap3A, %swap3A_92], %swap3A_95 {strides = array<i32>} : memref<128x128xf32, #tpu.memory_space<vmem>>, vector<1x16xf32>,
      %broadcast_in_dim3A_96 = arith.constant 0.000000e+00 : f32
      %broadcast_in_dim3A_97 = vector.broadcast %broadcast_in_dim3A_96 : f32 to vector<16xf32>
      %swap3A_98 = arith.index_cast %scan3A_89 : i32 to index
      %swap3A_99 = arith.constant 16 : index
      %swap3A_100 = tpu.vector_load %arg10[%swap3A_98, %swap3A_99] {strides = array<i32>} : memref<128x128xf32, #tpu.memory_space<vmem>>, vector<1x16xf32>,
      %swap3A_101 = vector.shape_cast %swap3A_100 : vector<1x16xf32> to vector<16xf32>
      %swap3A_102 = vector.shape_cast %broadcast_in_dim3A_97 : vector<16xf32> to vector<1x16xf32>
      tpu.vector_store %arg10[%swap3A_98, %swap3A_99], %swap3A_102 {strides = array<i32>} : memref<128x128xf32, #tpu.memory_space<vmem>>, vector<1x16xf32>,
      %broadcast_in_dim3A_103 = arith.constant 0.000000e+00 : f32
      %broadcast_in_dim3A_104 = vector.broadcast %broadcast_in_dim3A_103 : f32 to vector<16xf32>
      %swap3A_105 = arith.index_cast %scan3A_89 : i32 to index
      %swap3A_106 = arith.constant 32 : index
      %swap3A_107 = tpu.vector_load %arg10[%swap3A_105, %swap3A_106] {strides = array<i32>} : memref<128x128xf32, #tpu.memory_space<vmem>>, vector<1x16xf32>,
      %swap3A_108 = vector.shape_cast %swap3A_107 : vector<1x16xf32> to vector<16xf32>
      %swap3A_109 = vector.shape_cast %broadcast_in_dim3A_104 : vector<16xf32> to vector<1x16xf32>
      tpu.vector_store %arg10[%swap3A_105, %swap3A_106], %swap3A_109 {strides = array<i32>} : memref<128x128xf32, #tpu.memory_space<vmem>>, vector<1x16xf32>,
      %broadcast_in_dim3A_110 = arith.constant 0.000000e+00 : f32
      %broadcast_in_dim3A_111 = vector.broadcast %broadcast_in_dim3A_110 : f32 to vector<16xf32>
      %swap3A_112 = arith.index_cast %scan3A_89 : i32 to index
      %swap3A_113 = arith.constant 48 : index
      %swap3A_114 = tpu.vector_load %arg10[%swap3A_112, %swap3A_113] {strides = array<i32>} : memref<128x128xf32, #tpu.memory_space<vmem>>, vector<1x16xf32>,
      %swap3A_115 = vector.shape_cast %swap3A_114 : vector<1x16xf32> to vector<16xf32>
      %swap3A_116 = vector.shape_cast %broadcast_in_dim3A_111 : vector<16xf32> to vector<1x16xf32>
      tpu.vector_store %arg10[%swap3A_112, %swap3A_113], %swap3A_116 {strides = array<i32>} : memref<128x128xf32, #tpu.memory_space<vmem>>, vector<1x16xf32>,
      %broadcast_in_dim3A_117 = arith.constant 0.000000e+00 : f32
      %broadcast_in_dim3A_118 = vector.broadcast %broadcast_in_dim3A_117 : f32 to vector<16xf32>
      %swap3A_119 = arith.index_cast %scan3A_89 : i32 to index
      %swap3A_120 = arith.constant 64 : index
      %swap3A_121 = tpu.vector_load %arg10[%swap3A_119, %swap3A_120] {strides = array<i32>} : memref<128x128xf32, #tpu.memory_space<vmem>>, vector<1x16xf32>,
      %swap3A_122 = vector.shape_cast %swap3A_121 : vector<1x16xf32> to vector<16xf32>
      %swap3A_123 = vector.shape_cast %broadcast_in_dim3A_118 : vector<16xf32> to vector<1x16xf32>
      tpu.vector_store %arg10[%swap3A_119, %swap3A_120], %swap3A_123 {strides = array<i32>} : memref<128x128xf32, #tpu.memory_space<vmem>>, vector<1x16xf32>,
      %broadcast_in_dim3A_124 = arith.constant 0.000000e+00 : f32
      %broadcast_in_dim3A_125 = vector.broadcast %broadcast_in_dim3A_124 : f32 to vector<16xf32>
      %swap3A_126 = arith.index_cast %scan3A_89 : i32 to index
      %swap3A_127 = arith.constant 80 : index
      %swap3A_128 = tpu.vector_load %arg10[%swap3A_126, %swap3A_127] {strides = array<i32>} : memref<128x128xf32, #tpu.memory_space<vmem>>, vector<1x16xf32>,
      %swap3A_129 = vector.shape_cast %swap3A_128 : vector<1x16xf32> to vector<16xf32>
      %swap3A_130 = vector.shape_cast %broadcast_in_dim3A_125 : vector<16xf32> to vector<1x16xf32>
      tpu.vector_store %arg10[%swap3A_126, %swap3A_127], %swap3A_130 {strides = array<i32>} : memref<128x128xf32, #tpu.memory_space<vmem>>, vector<1x16xf32>,
      %broadcast_in_dim3A_131 = arith.constant 0.000000e+00 : f32
      %broadcast_in_dim3A_132 = vector.broadcast %broadcast_in_dim3A_131 : f32 to vector<16xf32>
      %swap3A_133 = arith.index_cast %scan3A_89 : i32 to index
      %swap3A_134 = arith.constant 96 : index
      %swap3A_135 = tpu.vector_load %arg10[%swap3A_133, %swap3A_134] {strides = array<i32>} : memref<128x128xf32, #tpu.memory_space<vmem>>, vector<1x16xf32>,
      %swap3A_136 = vector.shape_cast %swap3A_135 : vector<1x16xf32> to vector<16xf32>
      %swap3A_137 = vector.shape_cast %broadcast_in_dim3A_132 : vector<16xf32> to vector<1x16xf32>
      tpu.vector_store %arg10[%swap3A_133, %swap3A_134], %swap3A_137 {strides = array<i32>} : memref<128x128xf32, #tpu.memory_space<vmem>>, vector<1x16xf32>,
      %broadcast_in_dim3A_138 = arith.constant 0.000000e+00 : f32
      %broadcast_in_dim3A_139 = vector.broadcast %broadcast_in_dim3A_138 : f32 to vector<16xf32>
      %swap3A_140 = arith.index_cast %scan3A_89 : i32 to index
      %swap3A_141 = arith.constant 112 : index
      %swap3A_142 = tpu.vector_load %arg10[%swap3A_140, %swap3A_141] {strides = array<i32>} : memref<128x128xf32, #tpu.memory_space<vmem>>, vector<1x16xf32>,
      %swap3A_143 = vector.shape_cast %swap3A_142 : vector<1x16xf32> to vector<16xf32>
      %swap3A_144 = vector.shape_cast %broadcast_in_dim3A_139 : vector<16xf32> to vector<1x16xf32>
      tpu.vector_store %arg10[%swap3A_140, %swap3A_141], %swap3A_144 {strides = array<i32>} : memref<128x128xf32, #tpu.memory_space<vmem>>, vector<1x16xf32>,
      %scan3A_145 = arith.constant 0 : i32
      scf.yield %scan3A_145 : i32
    }
    %scan3A_6 = arith.constant 128 : i32
    %mul3A_7 = arith.constant 640 : i32
    %mul3A_8 = arith.muli %arg1, %mul3A_7 : i32
    %add3A_9 = arith.constant 0 : i32
    %add3A_10 = arith.addi %mul3A_8, %add3A_9 : i32
    "tpu.region"() ({
      %run_scoped3A = tpu.sem_alloc : memref<!tpu.dma_semaphore, #tpu.memory_space<semaphore_mem>>
      %dma_start3A_89 = arith.constant 0 : i32
      %dma_start3A_90 = tpu.memref_slice %arg12[%add3A_10, %dma_start3A_89] : memref<10240x128xf32, #tpu.memory_space<vmem_shared>> -> memref<128x128xf32, #tpu.memory_space<vmem_shared>>
      %dma_start3A_91 = arith.constant 0 : i32
      %dma_start3A_92 = tpu.memref_slice %arg12[%add3A_10, %dma_start3A_91] : memref<10240x128xf32, #tpu.memory_space<vmem_shared>> -> memref<128x128xf32, #tpu.memory_space<vmem_shared>>
      tpu.enqueue_dma source(%arg10 : memref<128x128xf32, #tpu.memory_space<vmem>>) target(%dma_start3A_92 : memref<128x128xf32, #tpu.memory_space<vmem_shared>>) target_semaphore(%run_scoped3A : memref<!tpu.dma_semaphore, #tpu.memory_space<semaphore_mem>>)
      %dma_wait3A_93 = arith.constant 0 : i32
      %dma_wait3A_94 = tpu.memref_slice %arg12[%add3A_10, %dma_wait3A_93] : memref<10240x128xf32, #tpu.memory_space<vmem_shared>> -> memref<128x128xf32, #tpu.memory_space<vmem_shared>>
      %dma_wait3A_95 = arith.constant 0 : i32
      %dma_wait3A_96 = tpu.memref_slice %arg12[%add3A_10, %dma_wait3A_95] : memref<10240x128xf32, #tpu.memory_space<vmem_shared>> -> memref<128x128xf32, #tpu.memory_space<vmem_shared>>
      tpu.wait_dma2 semaphore(%run_scoped3A : memref<!tpu.dma_semaphore, #tpu.memory_space<semaphore_mem>>) src(%arg10 : memref<128x128xf32, #tpu.memory_space<vmem>>) dst(%dma_wait3A_96 : memref<128x128xf32, #tpu.memory_space<vmem_shared>>)
      tpu.yield
    }) : () -> ()
    %add3A_11 = arith.constant 128 : i32
    %add3A_12 = arith.addi %mul3A_8, %add3A_11 : i32
    "tpu.region"() ({
      %run_scoped3A = tpu.sem_alloc : memref<!tpu.dma_semaphore, #tpu.memory_space<semaphore_mem>>
      %dma_start3A_89 = arith.constant 0 : i32
      %dma_start3A_90 = tpu.memref_slice %arg12[%add3A_12, %dma_start3A_89] : memref<10240x128xf32, #tpu.memory_space<vmem_shared>> -> memref<128x128xf32, #tpu.memory_space<vmem_shared>>
      %dma_start3A_91 = arith.constant 0 : i32
      %dma_start3A_92 = tpu.memref_slice %arg12[%add3A_12, %dma_start3A_91] : memref<10240x128xf32, #tpu.memory_space<vmem_shared>> -> memref<128x128xf32, #tpu.memory_space<vmem_shared>>
      tpu.enqueue_dma source(%arg10 : memref<128x128xf32, #tpu.memory_space<vmem>>) target(%dma_start3A_92 : memref<128x128xf32, #tpu.memory_space<vmem_shared>>) target_semaphore(%run_scoped3A : memref<!tpu.dma_semaphore, #tpu.memory_space<semaphore_mem>>)
      %dma_wait3A_93 = arith.constant 0 : i32
      %dma_wait3A_94 = tpu.memref_slice %arg12[%add3A_12, %dma_wait3A_93] : memref<10240x128xf32, #tpu.memory_space<vmem_shared>> -> memref<128x128xf32, #tpu.memory_space<vmem_shared>>
      %dma_wait3A_95 = arith.constant 0 : i32
      %dma_wait3A_96 = tpu.memref_slice %arg12[%add3A_12, %dma_wait3A_95] : memref<10240x128xf32, #tpu.memory_space<vmem_shared>> -> memref<128x128xf32, #tpu.memory_space<vmem_shared>>
      tpu.wait_dma2 semaphore(%run_scoped3A : memref<!tpu.dma_semaphore, #tpu.memory_space<semaphore_mem>>) src(%arg10 : memref<128x128xf32, #tpu.memory_space<vmem>>) dst(%dma_wait3A_96 : memref<128x128xf32, #tpu.memory_space<vmem_shared>>)
      tpu.yield
    }) : () -> ()
    %add3A_13 = arith.constant 256 : i32
    %add3A_14 = arith.addi %mul3A_8, %add3A_13 : i32
    "tpu.region"() ({
      %run_scoped3A = tpu.sem_alloc : memref<!tpu.dma_semaphore, #tpu.memory_space<semaphore_mem>>
      %dma_start3A_89 = arith.constant 0 : i32
      %dma_start3A_90 = tpu.memref_slice %arg12[%add3A_14, %dma_start3A_89] : memref<10240x128xf32, #tpu.memory_space<vmem_shared>> -> memref<128x128xf32, #tpu.memory_space<vmem_shared>>
      %dma_start3A_91 = arith.constant 0 : i32
      %dma_start3A_92 = tpu.memref_slice %arg12[%add3A_14, %dma_start3A_91] : memref<10240x128xf32, #tpu.memory_space<vmem_shared>> -> memref<128x128xf32, #tpu.memory_space<vmem_shared>>
      tpu.enqueue_dma source(%arg10 : memref<128x128xf32, #tpu.memory_space<vmem>>) target(%dma_start3A_92 : memref<128x128xf32, #tpu.memory_space<vmem_shared>>) target_semaphore(%run_scoped3A : memref<!tpu.dma_semaphore, #tpu.memory_space<semaphore_mem>>)
      %dma_wait3A_93 = arith.constant 0 : i32
      %dma_wait3A_94 = tpu.memref_slice %arg12[%add3A_14, %dma_wait3A_93] : memref<10240x128xf32, #tpu.memory_space<vmem_shared>> -> memref<128x128xf32, #tpu.memory_space<vmem_shared>>
      %dma_wait3A_95 = arith.constant 0 : i32
      %dma_wait3A_96 = tpu.memref_slice %arg12[%add3A_14, %dma_wait3A_95] : memref<10240x128xf32, #tpu.memory_space<vmem_shared>> -> memref<128x128xf32, #tpu.memory_space<vmem_shared>>
      tpu.wait_dma2 semaphore(%run_scoped3A : memref<!tpu.dma_semaphore, #tpu.memory_space<semaphore_mem>>) src(%arg10 : memref<128x128xf32, #tpu.memory_space<vmem>>) dst(%dma_wait3A_96 : memref<128x128xf32, #tpu.memory_space<vmem_shared>>)
      tpu.yield
    }) : () -> ()
    %add3A_15 = arith.constant 384 : i32
    %add3A_16 = arith.addi %mul3A_8, %add3A_15 : i32
    "tpu.region"() ({
      %run_scoped3A = tpu.sem_alloc : memref<!tpu.dma_semaphore, #tpu.memory_space<semaphore_mem>>
      %dma_start3A_89 = arith.constant 0 : i32
      %dma_start3A_90 = tpu.memref_slice %arg12[%add3A_16, %dma_start3A_89] : memref<10240x128xf32, #tpu.memory_space<vmem_shared>> -> memref<128x128xf32, #tpu.memory_space<vmem_shared>>
      %dma_start3A_91 = arith.constant 0 : i32
      %dma_start3A_92 = tpu.memref_slice %arg12[%add3A_16, %dma_start3A_91] : memref<10240x128xf32, #tpu.memory_space<vmem_shared>> -> memref<128x128xf32, #tpu.memory_space<vmem_shared>>
      tpu.enqueue_dma source(%arg10 : memref<128x128xf32, #tpu.memory_space<vmem>>) target(%dma_start3A_92 : memref<128x128xf32, #tpu.memory_space<vmem_shared>>) target_semaphore(%run_scoped3A : memref<!tpu.dma_semaphore, #tpu.memory_space<semaphore_mem>>)
      %dma_wait3A_93 = arith.constant 0 : i32
      %dma_wait3A_94 = tpu.memref_slice %arg12[%add3A_16, %dma_wait3A_93] : memref<10240x128xf32, #tpu.memory_space<vmem_shared>> -> memref<128x128xf32, #tpu.memory_space<vmem_shared>>
      %dma_wait3A_95 = arith.constant 0 : i32
      %dma_wait3A_96 = tpu.memref_slice %arg12[%add3A_16, %dma_wait3A_95] : memref<10240x128xf32, #tpu.memory_space<vmem_shared>> -> memref<128x128xf32, #tpu.memory_space<vmem_shared>>
      tpu.wait_dma2 semaphore(%run_scoped3A : memref<!tpu.dma_semaphore, #tpu.memory_space<semaphore_mem>>) src(%arg10 : memref<128x128xf32, #tpu.memory_space<vmem>>) dst(%dma_wait3A_96 : memref<128x128xf32, #tpu.memory_space<vmem_shared>>)
      tpu.yield
    }) : () -> ()
    %add3A_17 = arith.constant 512 : i32
    %add3A_18 = arith.addi %mul3A_8, %add3A_17 : i32
    "tpu.region"() ({
      %run_scoped3A = tpu.sem_alloc : memref<!tpu.dma_semaphore, #tpu.memory_space<semaphore_mem>>
      %dma_start3A_89 = arith.constant 0 : i32
      %dma_start3A_90 = tpu.memref_slice %arg12[%add3A_18, %dma_start3A_89] : memref<10240x128xf32, #tpu.memory_space<vmem_shared>> -> memref<128x128xf32, #tpu.memory_space<vmem_shared>>
      %dma_start3A_91 = arith.constant 0 : i32
      %dma_start3A_92 = tpu.memref_slice %arg12[%add3A_18, %dma_start3A_91] : memref<10240x128xf32, #tpu.memory_space<vmem_shared>> -> memref<128x128xf32, #tpu.memory_space<vmem_shared>>
      tpu.enqueue_dma source(%arg10 : memref<128x128xf32, #tpu.memory_space<vmem>>) target(%dma_start3A_92 : memref<128x128xf32, #tpu.memory_space<vmem_shared>>) target_semaphore(%run_scoped3A : memref<!tpu.dma_semaphore, #tpu.memory_space<semaphore_mem>>)
      %dma_wait3A_93 = arith.constant 0 : i32
      %dma_wait3A_94 = tpu.memref_slice %arg12[%add3A_18, %dma_wait3A_93] : memref<10240x128xf32, #tpu.memory_space<vmem_shared>> -> memref<128x128xf32, #tpu.memory_space<vmem_shared>>
      %dma_wait3A_95 = arith.constant 0 : i32
      %dma_wait3A_96 = tpu.memref_slice %arg12[%add3A_18, %dma_wait3A_95] : memref<10240x128xf32, #tpu.memory_space<vmem_shared>> -> memref<128x128xf32, #tpu.memory_space<vmem_shared>>
      tpu.wait_dma2 semaphore(%run_scoped3A : memref<!tpu.dma_semaphore, #tpu.memory_space<semaphore_mem>>) src(%arg10 : memref<128x128xf32, #tpu.memory_space<vmem>>) dst(%dma_wait3A_96 : memref<128x128xf32, #tpu.memory_space<vmem_shared>>)
      tpu.yield
    }) : () -> ()
    %barrier3A = arith.constant 0 : index
    tpu.barrier barrier_id(%barrier3A)
    %mul3A_19 = arith.constant 80 : i32
    %mul3A_20 = arith.muli %add3A, %mul3A_19 : i32
    %mul3A_21 = arith.constant 128 : i32
    %mul3A_22 = arith.muli %mul3A_20, %mul3A_21 : i32
    %add3A_23 = arith.constant 0 : i32
    %add3A_24 = arith.addi %mul3A_22, %add3A_23 : i32
    %dma_start3A = tpu.memref_slice %arg3[%add3A_24] : memref<327680xi32, #tpu.memory_space<hbm>> -> memref<128xi32, #tpu.memory_space<hbm>>
    %dma_start3A_25 = tpu.memref_slice %arg3[%add3A_24] : memref<327680xi32, #tpu.memory_space<hbm>> -> memref<128xi32, #tpu.memory_space<hbm>>
    tpu.enqueue_dma source(%dma_start3A_25 : memref<128xi32, #tpu.memory_space<hbm>>) target(%arg6 : memref<128xi32, #tpu.memory_space<vmem>>) target_semaphore(%arg15 : memref<!tpu.dma_semaphore, #tpu.memory_space<semaphore_mem>>)
    %add3A_26 = arith.constant 0 : i32
    %add3A_27 = arith.addi %mul3A_22, %add3A_26 : i32
    %dma_start3A_28 = tpu.memref_slice %arg4[%add3A_27] : memref<327680xi32, #tpu.memory_space<hbm>> -> memref<128xi32, #tpu.memory_space<hbm>>
    %dma_start3A_29 = tpu.memref_slice %arg4[%add3A_27] : memref<327680xi32, #tpu.memory_space<hbm>> -> memref<128xi32, #tpu.memory_space<hbm>>
    tpu.enqueue_dma source(%dma_start3A_29 : memref<128xi32, #tpu.memory_space<hbm>>) target(%arg7 : memref<128xi32, #tpu.memory_space<vmem>>) target_semaphore(%arg15 : memref<!tpu.dma_semaphore, #tpu.memory_space<semaphore_mem>>)
    %dma_wait3A = arith.constant 0 : i32
    %dma_wait3A_30 = tpu.memref_slice %arg3[%dma_wait3A] : memref<327680xi32, #tpu.memory_space<hbm>> -> memref<128xi32, #tpu.memory_space<hbm>>
    %dma_wait3A_31 = arith.constant 0 : i32
    %dma_wait3A_32 = tpu.memref_slice %arg3[%dma_wait3A_31] : memref<327680xi32, #tpu.memory_space<hbm>> -> memref<128xi32, #tpu.memory_space<hbm>>
    tpu.wait_dma2 semaphore(%arg15 : memref<!tpu.dma_semaphore, #tpu.memory_space<semaphore_mem>>) src(%dma_wait3A_32 : memref<128xi32, #tpu.memory_space<hbm>>) dst(%arg6 : memref<128xi32, #tpu.memory_space<vmem>>)
    %dma_wait3A_33 = arith.constant 0 : i32
    %dma_wait3A_34 = tpu.memref_slice %arg3[%dma_wait3A_33] : memref<327680xi32, #tpu.memory_space<hbm>> -> memref<128xi32, #tpu.memory_space<hbm>>
    %dma_wait3A_35 = arith.constant 0 : i32
    %dma_wait3A_36 = tpu.memref_slice %arg3[%dma_wait3A_35] : memref<327680xi32, #tpu.memory_space<hbm>> -> memref<128xi32, #tpu.memory_space<hbm>>
    tpu.wait_dma2 semaphore(%arg15 : memref<!tpu.dma_semaphore, #tpu.memory_space<semaphore_mem>>) src(%dma_wait3A_36 : memref<128xi32, #tpu.memory_space<hbm>>) dst(%arg7 : memref<128xi32, #tpu.memory_space<vmem>>)
    %dma_start3A_37 = arith.constant 0 : i32
    %dma_start3A_38 = arith.constant 0 : i32
    %dma_start3A_39 = tpu.memref_slice %arg2[%dma_start3A_37, %dma_start3A_38] : memref<10000x128xf32, #tpu.memory_space<hbm>> -> memref<10000x128xf32, #tpu.memory_space<hbm>>
    tpu.enqueue_indirect_dma source(%dma_start3A_39 : memref<10000x128xf32, #tpu.memory_space<hbm>>) target(%arg10 : memref<128x128xf32, #tpu.memory_space<vmem>>) offsets(%arg6 : memref<128xi32, #tpu.memory_space<vmem>>) semaphore(%arg13 : memref<!tpu.dma_semaphore, #tpu.memory_space<semaphore_mem>>)
    %add3A_40 = arith.constant 128 : i32
    %add3A_41 = arith.addi %mul3A_22, %add3A_40 : i32
    %dma_start3A_42 = tpu.memref_slice %arg3[%add3A_41] : memref<327680xi32, #tpu.memory_space<hbm>> -> memref<128xi32, #tpu.memory_space<hbm>>
    %dma_start3A_43 = tpu.memref_slice %arg3[%add3A_41] : memref<327680xi32, #tpu.memory_space<hbm>> -> memref<128xi32, #tpu.memory_space<hbm>>
    tpu.enqueue_dma source(%dma_start3A_43 : memref<128xi32, #tpu.memory_space<hbm>>) target(%arg8 : memref<128xi32, #tpu.memory_space<vmem>>) target_semaphore(%arg16 : memref<!tpu.dma_semaphore, #tpu.memory_space<semaphore_mem>>)
    %add3A_44 = arith.constant 128 : i32
    %add3A_45 = arith.addi %mul3A_22, %add3A_44 : i32
    %dma_start3A_46 = tpu.memref_slice %arg4[%add3A_45] : memref<327680xi32, #tpu.memory_space<hbm>> -> memref<128xi32, #tpu.memory_space<hbm>>
    %dma_start3A_47 = tpu.memref_slice %arg4[%add3A_45] : memref<327680xi32, #tpu.memory_space<hbm>> -> memref<128xi32, #tpu.memory_space<hbm>>
    tpu.enqueue_dma source(%dma_start3A_47 : memref<128xi32, #tpu.memory_space<hbm>>) target(%arg9 : memref<128xi32, #tpu.memory_space<vmem>>) target_semaphore(%arg16 : memref<!tpu.dma_semaphore, #tpu.memory_space<semaphore_mem>>)
    %scan3A_48 = arith.constant 0 : i32
    %scan3A_49 = arith.constant 0 : i32
    %scan3A_50 = arith.constant 39 : i32
    %scan3A_51 = arith.addi %scan3A_49, %scan3A_50 : i32
    %scan3A_52 = arith.constant 1 : i32
    %scan3A_53 = scf.for %scan3A_89 = %scan3A_49 to %scan3A_51 step %scan3A_52 iter_args(%scan3A_90 = %scan3A_48) -> (i32)  : i32 {
      %mul3A_91 = arith.constant 2 : i32
      %mul3A_92 = arith.muli %mul3A_91, %scan3A_89 : i32
      %dma_wait3A_93 = arith.constant 0 : i32
      %dma_wait3A_94 = tpu.memref_slice %arg3[%dma_wait3A_93] : memref<327680xi32, #tpu.memory_space<hbm>> -> memref<128xi32, #tpu.memory_space<hbm>>
      %dma_wait3A_95 = arith.constant 0 : i32
      %dma_wait3A_96 = tpu.memref_slice %arg3[%dma_wait3A_95] : memref<327680xi32, #tpu.memory_space<hbm>> -> memref<128xi32, #tpu.memory_space<hbm>>
      tpu.wait_dma2 semaphore(%arg16 : memref<!tpu.dma_semaphore, #tpu.memory_space<semaphore_mem>>) src(%dma_wait3A_96 : memref<128xi32, #tpu.memory_space<hbm>>) dst(%arg8 : memref<128xi32, #tpu.memory_space<vmem>>)
      %dma_wait3A_97 = arith.constant 0 : i32
      %dma_wait3A_98 = tpu.memref_slice %arg3[%dma_wait3A_97] : memref<327680xi32, #tpu.memory_space<hbm>> -> memref<128xi32, #tpu.memory_space<hbm>>
      %dma_wait3A_99 = arith.constant 0 : i32
      %dma_wait3A_100 = tpu.memref_slice %arg3[%dma_wait3A_99] : memref<327680xi32, #tpu.memory_space<hbm>> -> memref<128xi32, #tpu.memory_space<hbm>>
      tpu.wait_dma2 semaphore(%arg16 : memref<!tpu.dma_semaphore, #tpu.memory_space<semaphore_mem>>) src(%dma_wait3A_100 : memref<128xi32, #tpu.memory_space<hbm>>) dst(%arg9 : memref<128xi32, #tpu.memory_space<vmem>>)
      %dma_start3A_101 = arith.constant 0 : i32
      %dma_start3A_102 = arith.constant 0 : i32
      %dma_start3A_103 = tpu.memref_slice %arg2[%dma_start3A_101, %dma_start3A_102] : memref<10000x128xf32, #tpu.memory_space<hbm>> -> memref<10000x128xf32, #tpu.memory_space<hbm>>
      tpu.enqueue_indirect_dma source(%dma_start3A_103 : memref<10000x128xf32, #tpu.memory_space<hbm>>) target(%arg11 : memref<128x128xf32, #tpu.memory_space<vmem>>) offsets(%arg8 : memref<128xi32, #tpu.memory_space<vmem>>) semaphore(%arg14 : memref<!tpu.dma_semaphore, #tpu.memory_space<semaphore_mem>>)
      %dma_wait3A_104 = arith.constant 0 : i32
      %dma_wait3A_105 = arith.constant 0 : i32
      %dma_wait3A_106 = tpu.memref_slice %arg2[%dma_wait3A_104, %dma_wait3A_105] : memref<10000x128xf32, #tpu.memory_space<hbm>> -> memref<128x128xf32, #tpu.memory_space<hbm>>
      %dma_wait3A_107 = arith.constant 0 : i32
      %dma_wait3A_108 = arith.constant 0 : i32
      %dma_wait3A_109 = tpu.memref_slice %arg2[%dma_wait3A_107, %dma_wait3A_108] : memref<10000x128xf32, #tpu.memory_space<hbm>> -> memref<128x128xf32, #tpu.memory_space<hbm>>
      tpu.wait_dma2 semaphore(%arg13 : memref<!tpu.dma_semaphore, #tpu.memory_space<semaphore_mem>>) src(%dma_wait3A_109 : memref<128x128xf32, #tpu.memory_space<hbm>>) dst(%arg10 : memref<128x128xf32, #tpu.memory_space<vmem>>)
      "tpu.region"() ({
        %run_scoped3A = tpu.sem_alloc : memref<!tpu.dma_semaphore, #tpu.memory_space<semaphore_mem>>
        %dma_start3A_152 = arith.constant 0 : i32
        %dma_start3A_153 = arith.constant 0 : i32
        %dma_start3A_154 = tpu.memref_slice %arg12[%dma_start3A_152, %dma_start3A_153] : memref<10240x128xf32, #tpu.memory_space<vmem_shared>> -> memref<10240x128xf32, #tpu.memory_space<vmem_shared>>
        tpu.enqueue_indirect_dma source(%arg10 : memref<128x128xf32, #tpu.memory_space<vmem>>) target(%dma_start3A_154 : memref<10240x128xf32, #tpu.memory_space<vmem_shared>>) offsets(%arg7 : memref<128xi32, #tpu.memory_space<vmem>>) semaphore(%run_scoped3A : memref<!tpu.dma_semaphore, #tpu.memory_space<semaphore_mem>>) {add = true}
        %dma_wait3A_155 = arith.constant 0 : i32
        %dma_wait3A_156 = arith.constant 0 : i32
        %dma_wait3A_157 = tpu.memref_slice %arg12[%dma_wait3A_155, %dma_wait3A_156] : memref<10240x128xf32, #tpu.memory_space<vmem_shared>> -> memref<10240x128xf32, #tpu.memory_space<vmem_shared>>
        tpu.wait_indirect_dma semaphore(%run_scoped3A : memref<!tpu.dma_semaphore, #tpu.memory_space<semaphore_mem>>) src(%arg10 : memref<128x128xf32, #tpu.memory_space<vmem>>) dst(%dma_wait3A_157 : memref<10240x128xf32, #tpu.memory_space<vmem_shared>>)
        tpu.yield
      }) : () -> ()
      %add3A_110 = arith.constant 2 : i32
      %add3A_111 = arith.addi %mul3A_92, %add3A_110 : i32
      %mul3A_112 = arith.constant 128 : i32
      %mul3A_113 = arith.muli %add3A_111, %mul3A_112 : i32
      %add3A_114 = arith.addi %mul3A_22, %mul3A_113 : i32
      %dma_start3A_115 = tpu.memref_slice %arg3[%add3A_114] : memref<327680xi32, #tpu.memory_space<hbm>> -> memref<128xi32, #tpu.memory_space<hbm>>
      %dma_start3A_116 = tpu.memref_slice %arg3[%add3A_114] : memref<327680xi32, #tpu.memory_space<hbm>> -> memref<128xi32, #tpu.memory_space<hbm>>
      tpu.enqueue_dma source(%dma_start3A_116 : memref<128xi32, #tpu.memory_space<hbm>>) target(%arg6 : memref<128xi32, #tpu.memory_space<vmem>>) target_semaphore(%arg15 : memref<!tpu.dma_semaphore, #tpu.memory_space<semaphore_mem>>)
      %mul3A_117 = arith.constant 128 : i32
      %mul3A_118 = arith.muli %add3A_111, %mul3A_117 : i32
      %add3A_119 = arith.addi %mul3A_22, %mul3A_118 : i32
      %dma_start3A_120 = tpu.memref_slice %arg4[%add3A_119] : memref<327680xi32, #tpu.memory_space<hbm>> -> memref<128xi32, #tpu.memory_space<hbm>>
      %dma_start3A_121 = tpu.memref_slice %arg4[%add3A_119] : memref<327680xi32, #tpu.memory_space<hbm>> -> memref<128xi32, #tpu.memory_space<hbm>>
      tpu.enqueue_dma source(%dma_start3A_121 : memref<128xi32, #tpu.memory_space<hbm>>) target(%arg7 : memref<128xi32, #tpu.memory_space<vmem>>) target_semaphore(%arg15 : memref<!tpu.dma_semaphore, #tpu.memory_space<semaphore_mem>>)
      %dma_wait3A_122 = arith.constant 0 : i32
      %dma_wait3A_123 = arith.constant 0 : i32
      %dma_wait3A_124 = tpu.memref_slice %arg2[%dma_wait3A_122, %dma_wait3A_123] : memref<10000x128xf32, #tpu.memory_space<hbm>> -> memref<128x128xf32, #tpu.memory_space<hbm>>
      %dma_wait3A_125 = arith.constant 0 : i32
      %dma_wait3A_126 = arith.constant 0 : i32
      %dma_wait3A_127 = tpu.memref_slice %arg2[%dma_wait3A_125, %dma_wait3A_126] : memref<10000x128xf32, #tpu.memory_space<hbm>> -> memref<128x128xf32, #tpu.memory_space<hbm>>
      tpu.wait_dma2 semaphore(%arg14 : memref<!tpu.dma_semaphore, #tpu.memory_space<semaphore_mem>>) src(%dma_wait3A_127 : memref<128x128xf32, #tpu.memory_space<hbm>>) dst(%arg11 : memref<128x128xf32, #tpu.memory_space<vmem>>)
      "tpu.region"() ({
        %run_scoped3A = tpu.sem_alloc : memref<!tpu.dma_semaphore, #tpu.memory_space<semaphore_mem>>
        %dma_start3A_152 = arith.constant 0 : i32
        %dma_start3A_153 = arith.constant 0 : i32
        %dma_start3A_154 = tpu.memref_slice %arg12[%dma_start3A_152, %dma_start3A_153] : memref<10240x128xf32, #tpu.memory_space<vmem_shared>> -> memref<10240x128xf32, #tpu.memory_space<vmem_shared>>
        tpu.enqueue_indirect_dma source(%arg11 : memref<128x128xf32, #tpu.memory_space<vmem>>) target(%dma_start3A_154 : memref<10240x128xf32, #tpu.memory_space<vmem_shared>>) offsets(%arg9 : memref<128xi32, #tpu.memory_space<vmem>>) semaphore(%run_scoped3A : memref<!tpu.dma_semaphore, #tpu.memory_space<semaphore_mem>>) {add = true}
        %dma_wait3A_155 = arith.constant 0 : i32
        %dma_wait3A_156 = arith.constant 0 : i32
        %dma_wait3A_157 = tpu.memref_slice %arg12[%dma_wait3A_155, %dma_wait3A_156] : memref<10240x128xf32, #tpu.memory_space<vmem_shared>> -> memref<10240x128xf32, #tpu.memory_space<vmem_shared>>
        tpu.wait_indirect_dma semaphore(%run_scoped3A : memref<!tpu.dma_semaphore, #tpu.memory_space<semaphore_mem>>) src(%arg11 : memref<128x128xf32, #tpu.memory_space<vmem>>) dst(%dma_wait3A_157 : memref<10240x128xf32, #tpu.memory_space<vmem_shared>>)
        tpu.yield
      }) : () -> ()
      %dma_wait3A_128 = arith.constant 0 : i32
      %dma_wait3A_129 = tpu.memref_slice %arg3[%dma_wait3A_128] : memref<327680xi32, #tpu.memory_space<hbm>> -> memref<128xi32, #tpu.memory_space<hbm>>
      %dma_wait3A_130 = arith.constant 0 : i32
      %dma_wait3A_131 = tpu.memref_slice %arg3[%dma_wait3A_130] : memref<327680xi32, #tpu.memory_space<hbm>> -> memref<128xi32, #tpu.memory_space<hbm>>
      tpu.wait_dma2 semaphore(%arg15 : memref<!tpu.dma_semaphore, #tpu.memory_space<semaphore_mem>>) src(%dma_wait3A_131 : memref<128xi32, #tpu.memory_space<hbm>>) dst(%arg6 : memref<128xi32, #tpu.memory_space<vmem>>)
      %dma_wait3A_132 = arith.constant 0 : i32
      %dma_wait3A_133 = tpu.memref_slice %arg3[%dma_wait3A_132] : memref<327680xi32, #tpu.memory_space<hbm>> -> memref<128xi32, #tpu.memory_space<hbm>>
      %dma_wait3A_134 = arith.constant 0 : i32
      %dma_wait3A_135 = tpu.memref_slice %arg3[%dma_wait3A_134] : memref<327680xi32, #tpu.memory_space<hbm>> -> memref<128xi32, #tpu.memory_space<hbm>>
      tpu.wait_dma2 semaphore(%arg15 : memref<!tpu.dma_semaphore, #tpu.memory_space<semaphore_mem>>) src(%dma_wait3A_135 : memref<128xi32, #tpu.memory_space<hbm>>) dst(%arg7 : memref<128xi32, #tpu.memory_space<vmem>>)
      %dma_start3A_136 = arith.constant 0 : i32
      %dma_start3A_137 = arith.constant 0 : i32
      %dma_start3A_138 = tpu.memref_slice %arg2[%dma_start3A_136, %dma_start3A_137] : memref<10000x128xf32, #tpu.memory_space<hbm>> -> memref<10000x128xf32, #tpu.memory_space<hbm>>
      tpu.enqueue_indirect_dma source(%dma_start3A_138 : memref<10000x128xf32, #tpu.memory_space<hbm>>) target(%arg10 : memref<128x128xf32, #tpu.memory_space<vmem>>) offsets(%arg6 : memref<128xi32, #tpu.memory_space<vmem>>) semaphore(%arg13 : memref<!tpu.dma_semaphore, #tpu.memory_space<semaphore_mem>>)
      %add3A_139 = arith.constant 3 : i32
      %add3A_140 = arith.addi %mul3A_92, %add3A_139 : i32
      %mul3A_141 = arith.constant 128 : i32
      %mul3A_142 = arith.muli %add3A_140, %mul3A_141 : i32
      %add3A_143 = arith.addi %mul3A_22, %mul3A_142 : i32
      %dma_start3A_144 = tpu.memref_slice %arg3[%add3A_143] : memref<327680xi32, #tpu.memory_space<hbm>> -> memref<128xi32, #tpu.memory_space<hbm>>
      %dma_start3A_145 = tpu.memref_slice %arg3[%add3A_143] : memref<327680xi32, #tpu.memory_space<hbm>> -> memref<128xi32, #tpu.memory_space<hbm>>
      tpu.enqueue_dma source(%dma_start3A_145 : memref<128xi32, #tpu.memory_space<hbm>>) target(%arg8 : memref<128xi32, #tpu.memory_space<vmem>>) target_semaphore(%arg16 : memref<!tpu.dma_semaphore, #tpu.memory_space<semaphore_mem>>)
      %mul3A_146 = arith.constant 128 : i32
      %mul3A_147 = arith.muli %add3A_140, %mul3A_146 : i32
      %add3A_148 = arith.addi %mul3A_22, %mul3A_147 : i32
      %dma_start3A_149 = tpu.memref_slice %arg4[%add3A_148] : memref<327680xi32, #tpu.memory_space<hbm>> -> memref<128xi32, #tpu.memory_space<hbm>>
      %dma_start3A_150 = tpu.memref_slice %arg4[%add3A_148] : memref<327680xi32, #tpu.memory_space<hbm>> -> memref<128xi32, #tpu.memory_space<hbm>>
      tpu.enqueue_dma source(%dma_start3A_150 : memref<128xi32, #tpu.memory_space<hbm>>) target(%arg9 : memref<128xi32, #tpu.memory_space<vmem>>) target_semaphore(%arg16 : memref<!tpu.dma_semaphore, #tpu.memory_space<semaphore_mem>>)
      %scan3A_151 = arith.constant 0 : i32
      scf.yield %scan3A_151 : i32
    }
    %scan3A_54 = arith.constant 39 : i32
    %dma_wait3A_55 = arith.constant 0 : i32
    %dma_wait3A_56 = tpu.memref_slice %arg3[%dma_wait3A_55] : memref<327680xi32, #tpu.memory_space<hbm>> -> memref<128xi32, #tpu.memory_space<hbm>>
    %dma_wait3A_57 = arith.constant 0 : i32
    %dma_wait3A_58 = tpu.memref_slice %arg3[%dma_wait3A_57] : memref<327680xi32, #tpu.memory_space<hbm>> -> memref<128xi32, #tpu.memory_space<hbm>>
    tpu.wait_dma2 semaphore(%arg16 : memref<!tpu.dma_semaphore, #tpu.memory_space<semaphore_mem>>) src(%dma_wait3A_58 : memref<128xi32, #tpu.memory_space<hbm>>) dst(%arg8 : memref<128xi32, #tpu.memory_space<vmem>>)
    %dma_wait3A_59 = arith.constant 0 : i32
    %dma_wait3A_60 = tpu.memref_slice %arg3[%dma_wait3A_59] : memref<327680xi32, #tpu.memory_space<hbm>> -> memref<128xi32, #tpu.memory_space<hbm>>
    %dma_wait3A_61 = arith.constant 0 : i32
    %dma_wait3A_62 = tpu.memref_slice %arg3[%dma_wait3A_61] : memref<327680xi32, #tpu.memory_space<hbm>> -> memref<128xi32, #tpu.memory_space<hbm>>
    tpu.wait_dma2 semaphore(%arg16 : memref<!tpu.dma_semaphore, #tpu.memory_space<semaphore_mem>>) src(%dma_wait3A_62 : memref<128xi32, #tpu.memory_space<hbm>>) dst(%arg9 : memref<128xi32, #tpu.memory_space<vmem>>)
    %dma_start3A_63 = arith.constant 0 : i32
    %dma_start3A_64 = arith.constant 0 : i32
    %dma_start3A_65 = tpu.memref_slice %arg2[%dma_start3A_63, %dma_start3A_64] : memref<10000x128xf32, #tpu.memory_space<hbm>> -> memref<10000x128xf32, #tpu.memory_space<hbm>>
    tpu.enqueue_indirect_dma source(%dma_start3A_65 : memref<10000x128xf32, #tpu.memory_space<hbm>>) target(%arg11 : memref<128x128xf32, #tpu.memory_space<vmem>>) offsets(%arg8 : memref<128xi32, #tpu.memory_space<vmem>>) semaphore(%arg14 : memref<!tpu.dma_semaphore, #tpu.memory_space<semaphore_mem>>)
    %dma_wait3A_66 = arith.constant 0 : i32
    %dma_wait3A_67 = arith.constant 0 : i32
    %dma_wait3A_68 = tpu.memref_slice %arg2[%dma_wait3A_66, %dma_wait3A_67] : memref<10000x128xf32, #tpu.memory_space<hbm>> -> memref<128x128xf32, #tpu.memory_space<hbm>>
    %dma_wait3A_69 = arith.constant 0 : i32
    %dma_wait3A_70 = arith.constant 0 : i32
    %dma_wait3A_71 = tpu.memref_slice %arg2[%dma_wait3A_69, %dma_wait3A_70] : memref<10000x128xf32, #tpu.memory_space<hbm>> -> memref<128x128xf32, #tpu.memory_space<hbm>>
    tpu.wait_dma2 semaphore(%arg13 : memref<!tpu.dma_semaphore, #tpu.memory_space<semaphore_mem>>) src(%dma_wait3A_71 : memref<128x128xf32, #tpu.memory_space<hbm>>) dst(%arg10 : memref<128x128xf32, #tpu.memory_space<vmem>>)
    "tpu.region"() ({
      %run_scoped3A = tpu.sem_alloc : memref<!tpu.dma_semaphore, #tpu.memory_space<semaphore_mem>>
      %dma_start3A_89 = arith.constant 0 : i32
      %dma_start3A_90 = arith.constant 0 : i32
      %dma_start3A_91 = tpu.memref_slice %arg12[%dma_start3A_89, %dma_start3A_90] : memref<10240x128xf32, #tpu.memory_space<vmem_shared>> -> memref<10240x128xf32, #tpu.memory_space<vmem_shared>>
      tpu.enqueue_indirect_dma source(%arg10 : memref<128x128xf32, #tpu.memory_space<vmem>>) target(%dma_start3A_91 : memref<10240x128xf32, #tpu.memory_space<vmem_shared>>) offsets(%arg7 : memref<128xi32, #tpu.memory_space<vmem>>) semaphore(%run_scoped3A : memref<!tpu.dma_semaphore, #tpu.memory_space<semaphore_mem>>) {add = true}
      %dma_wait3A_92 = arith.constant 0 : i32
      %dma_wait3A_93 = arith.constant 0 : i32
      %dma_wait3A_94 = tpu.memref_slice %arg12[%dma_wait3A_92, %dma_wait3A_93] : memref<10240x128xf32, #tpu.memory_space<vmem_shared>> -> memref<10240x128xf32, #tpu.memory_space<vmem_shared>>
      tpu.wait_indirect_dma semaphore(%run_scoped3A : memref<!tpu.dma_semaphore, #tpu.memory_space<semaphore_mem>>) src(%arg10 : memref<128x128xf32, #tpu.memory_space<vmem>>) dst(%dma_wait3A_94 : memref<10240x128xf32, #tpu.memory_space<vmem_shared>>)
      tpu.yield
    }) : () -> ()
    %dma_wait3A_72 = arith.constant 0 : i32
    %dma_wait3A_73 = arith.constant 0 : i32
    %dma_wait3A_74 = tpu.memref_slice %arg2[%dma_wait3A_72, %dma_wait3A_73] : memref<10000x128xf32, #tpu.memory_space<hbm>> -> memref<128x128xf32, #tpu.memory_space<hbm>>
    %dma_wait3A_75 = arith.constant 0 : i32
    %dma_wait3A_76 = arith.constant 0 : i32
    %dma_wait3A_77 = tpu.memref_slice %arg2[%dma_wait3A_75, %dma_wait3A_76] : memref<10000x128xf32, #tpu.memory_space<hbm>> -> memref<128x128xf32, #tpu.memory_space<hbm>>
    tpu.wait_dma2 semaphore(%arg14 : memref<!tpu.dma_semaphore, #tpu.memory_space<semaphore_mem>>) src(%dma_wait3A_77 : memref<128x128xf32, #tpu.memory_space<hbm>>) dst(%arg11 : memref<128x128xf32, #tpu.memory_space<vmem>>)
    "tpu.region"() ({
      %run_scoped3A = tpu.sem_alloc : memref<!tpu.dma_semaphore, #tpu.memory_space<semaphore_mem>>
      %dma_start3A_89 = arith.constant 0 : i32
      %dma_start3A_90 = arith.constant 0 : i32
      %dma_start3A_91 = tpu.memref_slice %arg12[%dma_start3A_89, %dma_start3A_90] : memref<10240x128xf32, #tpu.memory_space<vmem_shared>> -> memref<10240x128xf32, #tpu.memory_space<vmem_shared>>
      tpu.enqueue_indirect_dma source(%arg11 : memref<128x128xf32, #tpu.memory_space<vmem>>) target(%dma_start3A_91 : memref<10240x128xf32, #tpu.memory_space<vmem_shared>>) offsets(%arg9 : memref<128xi32, #tpu.memory_space<vmem>>) semaphore(%run_scoped3A : memref<!tpu.dma_semaphore, #tpu.memory_space<semaphore_mem>>) {add = true}
      %dma_wait3A_92 = arith.constant 0 : i32
      %dma_wait3A_93 = arith.constant 0 : i32
      %dma_wait3A_94 = tpu.memref_slice %arg12[%dma_wait3A_92, %dma_wait3A_93] : memref<10240x128xf32, #tpu.memory_space<vmem_shared>> -> memref<10240x128xf32, #tpu.memory_space<vmem_shared>>
      tpu.wait_indirect_dma semaphore(%run_scoped3A : memref<!tpu.dma_semaphore, #tpu.memory_space<semaphore_mem>>) src(%arg11 : memref<128x128xf32, #tpu.memory_space<vmem>>) dst(%dma_wait3A_94 : memref<10240x128xf32, #tpu.memory_space<vmem_shared>>)
      tpu.yield
    }) : () -> ()
    %barrier3A_78 = arith.constant 0 : index
    tpu.barrier barrier_id(%barrier3A_78)
    %add3A_79 = arith.constant 0 : i32
    %add3A_80 = arith.addi %mul3A_8, %add3A_79 : i32
    "tpu.region"() ({
      %run_scoped3A = tpu.sem_alloc : memref<!tpu.dma_semaphore, #tpu.memory_space<semaphore_mem>>
      %dma_start3A_89 = arith.constant 0 : i32
      %dma_start3A_90 = tpu.memref_slice %arg12[%add3A_80, %dma_start3A_89] : memref<10240x128xf32, #tpu.memory_space<vmem_shared>> -> memref<128x128xf32, #tpu.memory_space<vmem_shared>>
      %dma_start3A_91 = arith.constant 0 : i32
      %dma_start3A_92 = tpu.memref_slice %arg12[%add3A_80, %dma_start3A_91] : memref<10240x128xf32, #tpu.memory_space<vmem_shared>> -> memref<128x128xf32, #tpu.memory_space<vmem_shared>>
      tpu.enqueue_dma source(%dma_start3A_92 : memref<128x128xf32, #tpu.memory_space<vmem_shared>>) target(%arg10 : memref<128x128xf32, #tpu.memory_space<vmem>>) target_semaphore(%run_scoped3A : memref<!tpu.dma_semaphore, #tpu.memory_space<semaphore_mem>>)
      %dma_wait3A_93 = arith.constant 0 : i32
      %dma_wait3A_94 = tpu.memref_slice %arg12[%add3A_80, %dma_wait3A_93] : memref<10240x128xf32, #tpu.memory_space<vmem_shared>> -> memref<128x128xf32, #tpu.memory_space<vmem_shared>>
      %dma_wait3A_95 = arith.constant 0 : i32
      %dma_wait3A_96 = tpu.memref_slice %arg12[%add3A_80, %dma_wait3A_95] : memref<10240x128xf32, #tpu.memory_space<vmem_shared>> -> memref<128x128xf32, #tpu.memory_space<vmem_shared>>
      tpu.wait_dma2 semaphore(%run_scoped3A : memref<!tpu.dma_semaphore, #tpu.memory_space<semaphore_mem>>) src(%dma_wait3A_96 : memref<128x128xf32, #tpu.memory_space<vmem_shared>>) dst(%arg10 : memref<128x128xf32, #tpu.memory_space<vmem>>)
      tpu.yield
    }) : () -> ()
    "tpu.region"() ({
      %run_scoped3A = tpu.sem_alloc : memref<!tpu.dma_semaphore, #tpu.memory_space<semaphore_mem>>
      %dma_start3A_89 = arith.constant 0 : i32
      %dma_start3A_90 = arith.constant 0 : i32
      %dma_start3A_91 = tpu.memref_slice %arg5[%arg0, %dma_start3A_89, %dma_start3A_90] : memref<2x10240x128xf32, #tpu.memory_space<hbm>> -> memref<1x10240x128xf32, #tpu.memory_space<hbm>>
      %dma_start3A_92 = tpu.memref_squeeze %dma_start3A_91 : memref<1x10240x128xf32, #tpu.memory_space<hbm>> -> memref<10240x128xf32, #tpu.memory_space<hbm>>
      %dma_start3A_93 = arith.constant 0 : i32
      %dma_start3A_94 = tpu.memref_slice %dma_start3A_92[%add3A_80, %dma_start3A_93] : memref<10240x128xf32, #tpu.memory_space<hbm>> -> memref<128x128xf32, #tpu.memory_space<hbm>>
      %dma_start3A_95 = arith.constant 0 : i32
      %dma_start3A_96 = arith.constant 0 : i32
      %dma_start3A_97 = tpu.memref_slice %arg5[%arg0, %dma_start3A_95, %dma_start3A_96] : memref<2x10240x128xf32, #tpu.memory_space<hbm>> -> memref<1x10240x128xf32, #tpu.memory_space<hbm>>
      %dma_start3A_98 = tpu.memref_squeeze %dma_start3A_97 : memref<1x10240x128xf32, #tpu.memory_space<hbm>> -> memref<10240x128xf32, #tpu.memory_space<hbm>>
      %dma_start3A_99 = arith.constant 0 : i32
      %dma_start3A_100 = tpu.memref_slice %dma_start3A_98[%add3A_80, %dma_start3A_99] : memref<10240x128xf32, #tpu.memory_space<hbm>> -> memref<128x128xf32, #tpu.memory_space<hbm>>
      tpu.enqueue_dma source(%arg10 : memref<128x128xf32, #tpu.memory_space<vmem>>) target(%dma_start3A_100 : memref<128x128xf32, #tpu.memory_space<hbm>>) target_semaphore(%run_scoped3A : memref<!tpu.dma_semaphore, #tpu.memory_space<semaphore_mem>>)
      %dma_wait3A_101 = arith.constant 0 : i32
      %dma_wait3A_102 = arith.constant 0 : i32
      %dma_wait3A_103 = tpu.memref_slice %arg5[%arg0, %dma_wait3A_101, %dma_wait3A_102] : memref<2x10240x128xf32, #tpu.memory_space<hbm>> -> memref<1x10240x128xf32, #tpu.memory_space<hbm>>
      %dma_wait3A_104 = tpu.memref_squeeze %dma_wait3A_103 : memref<1x10240x128xf32, #tpu.memory_space<hbm>> -> memref<10240x128xf32, #tpu.memory_space<hbm>>
      %dma_wait3A_105 = arith.constant 0 : i32
      %dma_wait3A_106 = tpu.memref_slice %dma_wait3A_104[%add3A_80, %dma_wait3A_105] : memref<10240x128xf32, #tpu.memory_space<hbm>> -> memref<128x128xf32, #tpu.memory_space<hbm>>
      %dma_wait3A_107 = arith.constant 0 : i32
      %dma_wait3A_108 = arith.constant 0 : i32
      %dma_wait3A_109 = tpu.memref_slice %arg5[%arg0, %dma_wait3A_107, %dma_wait3A_108] : memref<2x10240x128xf32, #tpu.memory_space<hbm>> -> memref<1x10240x128xf32, #tpu.memory_space<hbm>>
      %dma_wait3A_110 = tpu.memref_squeeze %dma_wait3A_109 : memref<1x10240x128xf32, #tpu.memory_space<hbm>> -> memref<10240x128xf32, #tpu.memory_space<hbm>>
      %dma_wait3A_111 = arith.constant 0 : i32
      %dma_wait3A_112 = tpu.memref_slice %dma_wait3A_110[%add3A_80, %dma_wait3A_111] : memref<10240x128xf32, #tpu.memory_space<hbm>> -> memref<128x128xf32, #tpu.memory_space<hbm>>
      tpu.wait_dma2 semaphore(%run_scoped3A : memref<!tpu.dma_semaphore, #tpu.memory_space<semaphore_mem>>) src(%arg10 : memref<128x128xf32, #tpu.memory_space<vmem>>) dst(%dma_wait3A_112 : memref<128x128xf32, #tpu.memory_space<hbm>>)
      tpu.yield
    }) : () -> ()
    %add3A_81 = arith.constant 128 : i32
    %add3A_82 = arith.addi %mul3A_8, %add3A_81 : i32
    "tpu.region"() ({
      %run_scoped3A = tpu.sem_alloc : memref<!tpu.dma_semaphore, #tpu.memory_space<semaphore_mem>>
      %dma_start3A_89 = arith.constant 0 : i32
      %dma_start3A_90 = tpu.memref_slice %arg12[%add3A_82, %dma_start3A_89] : memref<10240x128xf32, #tpu.memory_space<vmem_shared>> -> memref<128x128xf32, #tpu.memory_space<vmem_shared>>
      %dma_start3A_91 = arith.constant 0 : i32
      %dma_start3A_92 = tpu.memref_slice %arg12[%add3A_82, %dma_start3A_91] : memref<10240x128xf32, #tpu.memory_space<vmem_shared>> -> memref<128x128xf32, #tpu.memory_space<vmem_shared>>
      tpu.enqueue_dma source(%dma_start3A_92 : memref<128x128xf32, #tpu.memory_space<vmem_shared>>) target(%arg10 : memref<128x128xf32, #tpu.memory_space<vmem>>) target_semaphore(%run_scoped3A : memref<!tpu.dma_semaphore, #tpu.memory_space<semaphore_mem>>)
      %dma_wait3A_93 = arith.constant 0 : i32
      %dma_wait3A_94 = tpu.memref_slice %arg12[%add3A_82, %dma_wait3A_93] : memref<10240x128xf32, #tpu.memory_space<vmem_shared>> -> memref<128x128xf32, #tpu.memory_space<vmem_shared>>
      %dma_wait3A_95 = arith.constant 0 : i32
      %dma_wait3A_96 = tpu.memref_slice %arg12[%add3A_82, %dma_wait3A_95] : memref<10240x128xf32, #tpu.memory_space<vmem_shared>> -> memref<128x128xf32, #tpu.memory_space<vmem_shared>>
      tpu.wait_dma2 semaphore(%run_scoped3A : memref<!tpu.dma_semaphore, #tpu.memory_space<semaphore_mem>>) src(%dma_wait3A_96 : memref<128x128xf32, #tpu.memory_space<vmem_shared>>) dst(%arg10 : memref<128x128xf32, #tpu.memory_space<vmem>>)
      tpu.yield
    }) : () -> ()
    "tpu.region"() ({
      %run_scoped3A = tpu.sem_alloc : memref<!tpu.dma_semaphore, #tpu.memory_space<semaphore_mem>>
      %dma_start3A_89 = arith.constant 0 : i32
      %dma_start3A_90 = arith.constant 0 : i32
      %dma_start3A_91 = tpu.memref_slice %arg5[%arg0, %dma_start3A_89, %dma_start3A_90] : memref<2x10240x128xf32, #tpu.memory_space<hbm>> -> memref<1x10240x128xf32, #tpu.memory_space<hbm>>
      %dma_start3A_92 = tpu.memref_squeeze %dma_start3A_91 : memref<1x10240x128xf32, #tpu.memory_space<hbm>> -> memref<10240x128xf32, #tpu.memory_space<hbm>>
      %dma_start3A_93 = arith.constant 0 : i32
      %dma_start3A_94 = tpu.memref_slice %dma_start3A_92[%add3A_82, %dma_start3A_93] : memref<10240x128xf32, #tpu.memory_space<hbm>> -> memref<128x128xf32, #tpu.memory_space<hbm>>
      %dma_start3A_95 = arith.constant 0 : i32
      %dma_start3A_96 = arith.constant 0 : i32
      %dma_start3A_97 = tpu.memref_slice %arg5[%arg0, %dma_start3A_95, %dma_start3A_96] : memref<2x10240x128xf32, #tpu.memory_space<hbm>> -> memref<1x10240x128xf32, #tpu.memory_space<hbm>>
      %dma_start3A_98 = tpu.memref_squeeze %dma_start3A_97 : memref<1x10240x128xf32, #tpu.memory_space<hbm>> -> memref<10240x128xf32, #tpu.memory_space<hbm>>
      %dma_start3A_99 = arith.constant 0 : i32
      %dma_start3A_100 = tpu.memref_slice %dma_start3A_98[%add3A_82, %dma_start3A_99] : memref<10240x128xf32, #tpu.memory_space<hbm>> -> memref<128x128xf32, #tpu.memory_space<hbm>>
      tpu.enqueue_dma source(%arg10 : memref<128x128xf32, #tpu.memory_space<vmem>>) target(%dma_start3A_100 : memref<128x128xf32, #tpu.memory_space<hbm>>) target_semaphore(%run_scoped3A : memref<!tpu.dma_semaphore, #tpu.memory_space<semaphore_mem>>)
      %dma_wait3A_101 = arith.constant 0 : i32
      %dma_wait3A_102 = arith.constant 0 : i32
      %dma_wait3A_103 = tpu.memref_slice %arg5[%arg0, %dma_wait3A_101, %dma_wait3A_102] : memref<2x10240x128xf32, #tpu.memory_space<hbm>> -> memref<1x10240x128xf32, #tpu.memory_space<hbm>>
      %dma_wait3A_104 = tpu.memref_squeeze %dma_wait3A_103 : memref<1x10240x128xf32, #tpu.memory_space<hbm>> -> memref<10240x128xf32, #tpu.memory_space<hbm>>
      %dma_wait3A_105 = arith.constant 0 : i32
      %dma_wait3A_106 = tpu.memref_slice %dma_wait3A_104[%add3A_82, %dma_wait3A_105] : memref<10240x128xf32, #tpu.memory_space<hbm>> -> memref<128x128xf32, #tpu.memory_space<hbm>>
      %dma_wait3A_107 = arith.constant 0 : i32
      %dma_wait3A_108 = arith.constant 0 : i32
      %dma_wait3A_109 = tpu.memref_slice %arg5[%arg0, %dma_wait3A_107, %dma_wait3A_108] : memref<2x10240x128xf32, #tpu.memory_space<hbm>> -> memref<1x10240x128xf32, #tpu.memory_space<hbm>>
      %dma_wait3A_110 = tpu.memref_squeeze %dma_wait3A_109 : memref<1x10240x128xf32, #tpu.memory_space<hbm>> -> memref<10240x128xf32, #tpu.memory_space<hbm>>
      %dma_wait3A_111 = arith.constant 0 : i32
      %dma_wait3A_112 = tpu.memref_slice %dma_wait3A_110[%add3A_82, %dma_wait3A_111] : memref<10240x128xf32, #tpu.memory_space<hbm>> -> memref<128x128xf32, #tpu.memory_space<hbm>>
      tpu.wait_dma2 semaphore(%run_scoped3A : memref<!tpu.dma_semaphore, #tpu.memory_space<semaphore_mem>>) src(%arg10 : memref<128x128xf32, #tpu.memory_space<vmem>>) dst(%dma_wait3A_112 : memref<128x128xf32, #tpu.memory_space<hbm>>)
      tpu.yield
    }) : () -> ()
    %add3A_83 = arith.constant 256 : i32
    %add3A_84 = arith.addi %mul3A_8, %add3A_83 : i32
    "tpu.region"() ({
      %run_scoped3A = tpu.sem_alloc : memref<!tpu.dma_semaphore, #tpu.memory_space<semaphore_mem>>
      %dma_start3A_89 = arith.constant 0 : i32
      %dma_start3A_90 = tpu.memref_slice %arg12[%add3A_84, %dma_start3A_89] : memref<10240x128xf32, #tpu.memory_space<vmem_shared>> -> memref<128x128xf32, #tpu.memory_space<vmem_shared>>
      %dma_start3A_91 = arith.constant 0 : i32
      %dma_start3A_92 = tpu.memref_slice %arg12[%add3A_84, %dma_start3A_91] : memref<10240x128xf32, #tpu.memory_space<vmem_shared>> -> memref<128x128xf32, #tpu.memory_space<vmem_shared>>
      tpu.enqueue_dma source(%dma_start3A_92 : memref<128x128xf32, #tpu.memory_space<vmem_shared>>) target(%arg10 : memref<128x128xf32, #tpu.memory_space<vmem>>) target_semaphore(%run_scoped3A : memref<!tpu.dma_semaphore, #tpu.memory_space<semaphore_mem>>)
      %dma_wait3A_93 = arith.constant 0 : i32
      %dma_wait3A_94 = tpu.memref_slice %arg12[%add3A_84, %dma_wait3A_93] : memref<10240x128xf32, #tpu.memory_space<vmem_shared>> -> memref<128x128xf32, #tpu.memory_space<vmem_shared>>
      %dma_wait3A_95 = arith.constant 0 : i32
      %dma_wait3A_96 = tpu.memref_slice %arg12[%add3A_84, %dma_wait3A_95] : memref<10240x128xf32, #tpu.memory_space<vmem_shared>> -> memref<128x128xf32, #tpu.memory_space<vmem_shared>>
      tpu.wait_dma2 semaphore(%run_scoped3A : memref<!tpu.dma_semaphore, #tpu.memory_space<semaphore_mem>>) src(%dma_wait3A_96 : memref<128x128xf32, #tpu.memory_space<vmem_shared>>) dst(%arg10 : memref<128x128xf32, #tpu.memory_space<vmem>>)
      tpu.yield
    }) : () -> ()
    "tpu.region"() ({
      %run_scoped3A = tpu.sem_alloc : memref<!tpu.dma_semaphore, #tpu.memory_space<semaphore_mem>>
      %dma_start3A_89 = arith.constant 0 : i32
      %dma_start3A_90 = arith.constant 0 : i32
      %dma_start3A_91 = tpu.memref_slice %arg5[%arg0, %dma_start3A_89, %dma_start3A_90] : memref<2x10240x128xf32, #tpu.memory_space<hbm>> -> memref<1x10240x128xf32, #tpu.memory_space<hbm>>
      %dma_start3A_92 = tpu.memref_squeeze %dma_start3A_91 : memref<1x10240x128xf32, #tpu.memory_space<hbm>> -> memref<10240x128xf32, #tpu.memory_space<hbm>>
      %dma_start3A_93 = arith.constant 0 : i32
      %dma_start3A_94 = tpu.memref_slice %dma_start3A_92[%add3A_84, %dma_start3A_93] : memref<10240x128xf32, #tpu.memory_space<hbm>> -> memref<128x128xf32, #tpu.memory_space<hbm>>
      %dma_start3A_95 = arith.constant 0 : i32
      %dma_start3A_96 = arith.constant 0 : i32
      %dma_start3A_97 = tpu.memref_slice %arg5[%arg0, %dma_start3A_95, %dma_start3A_96] : memref<2x10240x128xf32, #tpu.memory_space<hbm>> -> memref<1x10240x128xf32, #tpu.memory_space<hbm>>
      %dma_start3A_98 = tpu.memref_squeeze %dma_start3A_97 : memref<1x10240x128xf32, #tpu.memory_space<hbm>> -> memref<10240x128xf32, #tpu.memory_space<hbm>>
      %dma_start3A_99 = arith.constant 0 : i32
      %dma_start3A_100 = tpu.memref_slice %dma_start3A_98[%add3A_84, %dma_start3A_99] : memref<10240x128xf32, #tpu.memory_space<hbm>> -> memref<128x128xf32, #tpu.memory_space<hbm>>
      tpu.enqueue_dma source(%arg10 : memref<128x128xf32, #tpu.memory_space<vmem>>) target(%dma_start3A_100 : memref<128x128xf32, #tpu.memory_space<hbm>>) target_semaphore(%run_scoped3A : memref<!tpu.dma_semaphore, #tpu.memory_space<semaphore_mem>>)
      %dma_wait3A_101 = arith.constant 0 : i32
      %dma_wait3A_102 = arith.constant 0 : i32
      %dma_wait3A_103 = tpu.memref_slice %arg5[%arg0, %dma_wait3A_101, %dma_wait3A_102] : memref<2x10240x128xf32, #tpu.memory_space<hbm>> -> memref<1x10240x128xf32, #tpu.memory_space<hbm>>
      %dma_wait3A_104 = tpu.memref_squeeze %dma_wait3A_103 : memref<1x10240x128xf32, #tpu.memory_space<hbm>> -> memref<10240x128xf32, #tpu.memory_space<hbm>>
      %dma_wait3A_105 = arith.constant 0 : i32
      %dma_wait3A_106 = tpu.memref_slice %dma_wait3A_104[%add3A_84, %dma_wait3A_105] : memref<10240x128xf32, #tpu.memory_space<hbm>> -> memref<128x128xf32, #tpu.memory_space<hbm>>
      %dma_wait3A_107 = arith.constant 0 : i32
      %dma_wait3A_108 = arith.constant 0 : i32
      %dma_wait3A_109 = tpu.memref_slice %arg5[%arg0, %dma_wait3A_107, %dma_wait3A_108] : memref<2x10240x128xf32, #tpu.memory_space<hbm>> -> memref<1x10240x128xf32, #tpu.memory_space<hbm>>
      %dma_wait3A_110 = tpu.memref_squeeze %dma_wait3A_109 : memref<1x10240x128xf32, #tpu.memory_space<hbm>> -> memref<10240x128xf32, #tpu.memory_space<hbm>>
      %dma_wait3A_111 = arith.constant 0 : i32
      %dma_wait3A_112 = tpu.memref_slice %dma_wait3A_110[%add3A_84, %dma_wait3A_111] : memref<10240x128xf32, #tpu.memory_space<hbm>> -> memref<128x128xf32, #tpu.memory_space<hbm>>
      tpu.wait_dma2 semaphore(%run_scoped3A : memref<!tpu.dma_semaphore, #tpu.memory_space<semaphore_mem>>) src(%arg10 : memref<128x128xf32, #tpu.memory_space<vmem>>) dst(%dma_wait3A_112 : memref<128x128xf32, #tpu.memory_space<hbm>>)
      tpu.yield
    }) : () -> ()
    %add3A_85 = arith.constant 384 : i32
    %add3A_86 = arith.addi %mul3A_8, %add3A_85 : i32
    "tpu.region"() ({
      %run_scoped3A = tpu.sem_alloc : memref<!tpu.dma_semaphore, #tpu.memory_space<semaphore_mem>>
      %dma_start3A_89 = arith.constant 0 : i32
      %dma_start3A_90 = tpu.memref_slice %arg12[%add3A_86, %dma_start3A_89] : memref<10240x128xf32, #tpu.memory_space<vmem_shared>> -> memref<128x128xf32, #tpu.memory_space<vmem_shared>>
      %dma_start3A_91 = arith.constant 0 : i32
      %dma_start3A_92 = tpu.memref_slice %arg12[%add3A_86, %dma_start3A_91] : memref<10240x128xf32, #tpu.memory_space<vmem_shared>> -> memref<128x128xf32, #tpu.memory_space<vmem_shared>>
      tpu.enqueue_dma source(%dma_start3A_92 : memref<128x128xf32, #tpu.memory_space<vmem_shared>>) target(%arg10 : memref<128x128xf32, #tpu.memory_space<vmem>>) target_semaphore(%run_scoped3A : memref<!tpu.dma_semaphore, #tpu.memory_space<semaphore_mem>>)
      %dma_wait3A_93 = arith.constant 0 : i32
      %dma_wait3A_94 = tpu.memref_slice %arg12[%add3A_86, %dma_wait3A_93] : memref<10240x128xf32, #tpu.memory_space<vmem_shared>> -> memref<128x128xf32, #tpu.memory_space<vmem_shared>>
      %dma_wait3A_95 = arith.constant 0 : i32
      %dma_wait3A_96 = tpu.memref_slice %arg12[%add3A_86, %dma_wait3A_95] : memref<10240x128xf32, #tpu.memory_space<vmem_shared>> -> memref<128x128xf32, #tpu.memory_space<vmem_shared>>
      tpu.wait_dma2 semaphore(%run_scoped3A : memref<!tpu.dma_semaphore, #tpu.memory_space<semaphore_mem>>) src(%dma_wait3A_96 : memref<128x128xf32, #tpu.memory_space<vmem_shared>>) dst(%arg10 : memref<128x128xf32, #tpu.memory_space<vmem>>)
      tpu.yield
    }) : () -> ()
    "tpu.region"() ({
      %run_scoped3A = tpu.sem_alloc : memref<!tpu.dma_semaphore, #tpu.memory_space<semaphore_mem>>
      %dma_start3A_89 = arith.constant 0 : i32
      %dma_start3A_90 = arith.constant 0 : i32
      %dma_start3A_91 = tpu.memref_slice %arg5[%arg0, %dma_start3A_89, %dma_start3A_90] : memref<2x10240x128xf32, #tpu.memory_space<hbm>> -> memref<1x10240x128xf32, #tpu.memory_space<hbm>>
      %dma_start3A_92 = tpu.memref_squeeze %dma_start3A_91 : memref<1x10240x128xf32, #tpu.memory_space<hbm>> -> memref<10240x128xf32, #tpu.memory_space<hbm>>
      %dma_start3A_93 = arith.constant 0 : i32
      %dma_start3A_94 = tpu.memref_slice %dma_start3A_92[%add3A_86, %dma_start3A_93] : memref<10240x128xf32, #tpu.memory_space<hbm>> -> memref<128x128xf32, #tpu.memory_space<hbm>>
      %dma_start3A_95 = arith.constant 0 : i32
      %dma_start3A_96 = arith.constant 0 : i32
      %dma_start3A_97 = tpu.memref_slice %arg5[%arg0, %dma_start3A_95, %dma_start3A_96] : memref<2x10240x128xf32, #tpu.memory_space<hbm>> -> memref<1x10240x128xf32, #tpu.memory_space<hbm>>
      %dma_start3A_98 = tpu.memref_squeeze %dma_start3A_97 : memref<1x10240x128xf32, #tpu.memory_space<hbm>> -> memref<10240x128xf32, #tpu.memory_space<hbm>>
      %dma_start3A_99 = arith.constant 0 : i32
      %dma_start3A_100 = tpu.memref_slice %dma_start3A_98[%add3A_86, %dma_start3A_99] : memref<10240x128xf32, #tpu.memory_space<hbm>> -> memref<128x128xf32, #tpu.memory_space<hbm>>
      tpu.enqueue_dma source(%arg10 : memref<128x128xf32, #tpu.memory_space<vmem>>) target(%dma_start3A_100 : memref<128x128xf32, #tpu.memory_space<hbm>>) target_semaphore(%run_scoped3A : memref<!tpu.dma_semaphore, #tpu.memory_space<semaphore_mem>>)
      %dma_wait3A_101 = arith.constant 0 : i32
      %dma_wait3A_102 = arith.constant 0 : i32
      %dma_wait3A_103 = tpu.memref_slice %arg5[%arg0, %dma_wait3A_101, %dma_wait3A_102] : memref<2x10240x128xf32, #tpu.memory_space<hbm>> -> memref<1x10240x128xf32, #tpu.memory_space<hbm>>
      %dma_wait3A_104 = tpu.memref_squeeze %dma_wait3A_103 : memref<1x10240x128xf32, #tpu.memory_space<hbm>> -> memref<10240x128xf32, #tpu.memory_space<hbm>>
      %dma_wait3A_105 = arith.constant 0 : i32
      %dma_wait3A_106 = tpu.memref_slice %dma_wait3A_104[%add3A_86, %dma_wait3A_105] : memref<10240x128xf32, #tpu.memory_space<hbm>> -> memref<128x128xf32, #tpu.memory_space<hbm>>
      %dma_wait3A_107 = arith.constant 0 : i32
      %dma_wait3A_108 = arith.constant 0 : i32
      %dma_wait3A_109 = tpu.memref_slice %arg5[%arg0, %dma_wait3A_107, %dma_wait3A_108] : memref<2x10240x128xf32, #tpu.memory_space<hbm>> -> memref<1x10240x128xf32, #tpu.memory_space<hbm>>
      %dma_wait3A_110 = tpu.memref_squeeze %dma_wait3A_109 : memref<1x10240x128xf32, #tpu.memory_space<hbm>> -> memref<10240x128xf32, #tpu.memory_space<hbm>>
      %dma_wait3A_111 = arith.constant 0 : i32
      %dma_wait3A_112 = tpu.memref_slice %dma_wait3A_110[%add3A_86, %dma_wait3A_111] : memref<10240x128xf32, #tpu.memory_space<hbm>> -> memref<128x128xf32, #tpu.memory_space<hbm>>
      tpu.wait_dma2 semaphore(%run_scoped3A : memref<!tpu.dma_semaphore, #tpu.memory_space<semaphore_mem>>) src(%arg10 : memref<128x128xf32, #tpu.memory_space<vmem>>) dst(%dma_wait3A_112 : memref<128x128xf32, #tpu.memory_space<hbm>>)
      tpu.yield
    }) : () -> ()
    %add3A_87 = arith.constant 512 : i32
    %add3A_88 = arith.addi %mul3A_8, %add3A_87 : i32
    "tpu.region"() ({
      %run_scoped3A = tpu.sem_alloc : memref<!tpu.dma_semaphore, #tpu.memory_space<semaphore_mem>>
      %dma_start3A_89 = arith.constant 0 : i32
      %dma_start3A_90 = tpu.memref_slice %arg12[%add3A_88, %dma_start3A_89] : memref<10240x128xf32, #tpu.memory_space<vmem_shared>> -> memref<128x128xf32, #tpu.memory_space<vmem_shared>>
      %dma_start3A_91 = arith.constant 0 : i32
      %dma_start3A_92 = tpu.memref_slice %arg12[%add3A_88, %dma_start3A_91] : memref<10240x128xf32, #tpu.memory_space<vmem_shared>> -> memref<128x128xf32, #tpu.memory_space<vmem_shared>>
      tpu.enqueue_dma source(%dma_start3A_92 : memref<128x128xf32, #tpu.memory_space<vmem_shared>>) target(%arg10 : memref<128x128xf32, #tpu.memory_space<vmem>>) target_semaphore(%run_scoped3A : memref<!tpu.dma_semaphore, #tpu.memory_space<semaphore_mem>>)
      %dma_wait3A_93 = arith.constant 0 : i32
      %dma_wait3A_94 = tpu.memref_slice %arg12[%add3A_88, %dma_wait3A_93] : memref<10240x128xf32, #tpu.memory_space<vmem_shared>> -> memref<128x128xf32, #tpu.memory_space<vmem_shared>>
      %dma_wait3A_95 = arith.constant 0 : i32
      %dma_wait3A_96 = tpu.memref_slice %arg12[%add3A_88, %dma_wait3A_95] : memref<10240x128xf32, #tpu.memory_space<vmem_shared>> -> memref<128x128xf32, #tpu.memory_space<vmem_shared>>
      tpu.wait_dma2 semaphore(%run_scoped3A : memref<!tpu.dma_semaphore, #tpu.memory_space<semaphore_mem>>) src(%dma_wait3A_96 : memref<128x128xf32, #tpu.memory_space<vmem_shared>>) dst(%arg10 : memref<128x128xf32, #tpu.memory_space<vmem>>)
      tpu.yield
    }) : () -> ()
    "tpu.region"() ({
      %run_scoped3A = tpu.sem_alloc : memref<!tpu.dma_semaphore, #tpu.memory_space<semaphore_mem>>
      %dma_start3A_89 = arith.constant 0 : i32
      %dma_start3A_90 = arith.constant 0 : i32
      %dma_start3A_91 = tpu.memref_slice %arg5[%arg0, %dma_start3A_89, %dma_start3A_90] : memref<2x10240x128xf32, #tpu.memory_space<hbm>> -> memref<1x10240x128xf32, #tpu.memory_space<hbm>>
      %dma_start3A_92 = tpu.memref_squeeze %dma_start3A_91 : memref<1x10240x128xf32, #tpu.memory_space<hbm>> -> memref<10240x128xf32, #tpu.memory_space<hbm>>
      %dma_start3A_93 = arith.constant 0 : i32
      %dma_start3A_94 = tpu.memref_slice %dma_start3A_92[%add3A_88, %dma_start3A_93] : memref<10240x128xf32, #tpu.memory_space<hbm>> -> memref<128x128xf32, #tpu.memory_space<hbm>>
      %dma_start3A_95 = arith.constant 0 : i32
      %dma_start3A_96 = arith.constant 0 : i32
      %dma_start3A_97 = tpu.memref_slice %arg5[%arg0, %dma_start3A_95, %dma_start3A_96] : memref<2x10240x128xf32, #tpu.memory_space<hbm>> -> memref<1x10240x128xf32, #tpu.memory_space<hbm>>
      %dma_start3A_98 = tpu.memref_squeeze %dma_start3A_97 : memref<1x10240x128xf32, #tpu.memory_space<hbm>> -> memref<10240x128xf32, #tpu.memory_space<hbm>>
      %dma_start3A_99 = arith.constant 0 : i32
      %dma_start3A_100 = tpu.memref_slice %dma_start3A_98[%add3A_88, %dma_start3A_99] : memref<10240x128xf32, #tpu.memory_space<hbm>> -> memref<128x128xf32, #tpu.memory_space<hbm>>
      tpu.enqueue_dma source(%arg10 : memref<128x128xf32, #tpu.memory_space<vmem>>) target(%dma_start3A_100 : memref<128x128xf32, #tpu.memory_space<hbm>>) target_semaphore(%run_scoped3A : memref<!tpu.dma_semaphore, #tpu.memory_space<semaphore_mem>>)
      %dma_wait3A_101 = arith.constant 0 : i32
      %dma_wait3A_102 = arith.constant 0 : i32
      %dma_wait3A_103 = tpu.memref_slice %arg5[%arg0, %dma_wait3A_101, %dma_wait3A_102] : memref<2x10240x128xf32, #tpu.memory_space<hbm>> -> memref<1x10240x128xf32, #tpu.memory_space<hbm>>
      %dma_wait3A_104 = tpu.memref_squeeze %dma_wait3A_103 : memref<1x10240x128xf32, #tpu.memory_space<hbm>> -> memref<10240x128xf32, #tpu.memory_space<hbm>>
      %dma_wait3A_105 = arith.constant 0 : i32
      %dma_wait3A_106 = tpu.memref_slice %dma_wait3A_104[%add3A_88, %dma_wait3A_105] : memref<10240x128xf32, #tpu.memory_space<hbm>> -> memref<128x128xf32, #tpu.memory_space<hbm>>
      %dma_wait3A_107 = arith.constant 0 : i32
      %dma_wait3A_108 = arith.constant 0 : i32
      %dma_wait3A_109 = tpu.memref_slice %arg5[%arg0, %dma_wait3A_107, %dma_wait3A_108] : memref<2x10240x128xf32, #tpu.memory_space<hbm>> -> memref<1x10240x128xf32, #tpu.memory_space<hbm>>
      %dma_wait3A_110 = tpu.memref_squeeze %dma_wait3A_109 : memref<1x10240x128xf32, #tpu.memory_space<hbm>> -> memref<10240x128xf32, #tpu.memory_space<hbm>>
      %dma_wait3A_111 = arith.constant 0 : i32
      %dma_wait3A_112 = tpu.memref_slice %dma_wait3A_110[%add3A_88, %dma_wait3A_111] : memref<10240x128xf32, #tpu.memory_space<hbm>> -> memref<128x128xf32, #tpu.memory_space<hbm>>
      tpu.wait_dma2 semaphore(%run_scoped3A : memref<!tpu.dma_semaphore, #tpu.memory_space<semaphore_mem>>) src(%arg10 : memref<128x128xf32, #tpu.memory_space<vmem>>) dst(%dma_wait3A_112 : memref<128x128xf32, #tpu.memory_space<hbm>>)
      tpu.yield
    }) : () -> ()
    return
  }
}

#map = affine_map<(d0, d1) -> (0, 0)>
#map1 = affine_map<(d0, d1) -> (0)>
#map2 = affine_map<(d0, d1) -> (0, 0, 0)>
module attributes {stable_mosaic.version = 14 : i64} {
  func.func @_sc_segsum(%arg0: i32, %arg1: i32, %arg2: memref<10000x128xf32, #tpu.memory_space<hbm>>, %arg3: memref<327680xi32, #tpu.memory_space<hbm>>, %arg4: memref<327680xi32, #tpu.memory_space<hbm>>, %arg5: memref<2x10240x128xf32, #tpu.memory_space<hbm>>, %arg6: memref<128xi32, #tpu.memory_space<vmem>>, %arg7: memref<128xi32, #tpu.memory_space<vmem>>, %arg8: memref<128xi32, #tpu.memory_space<vmem>>, %arg9: memref<128xi32, #tpu.memory_space<vmem>>, %arg10: memref<128x128xf32, #tpu.memory_space<vmem>>, %arg11: memref<128x128xf32, #tpu.memory_space<vmem>>, %arg12: memref<10240x128xf32, #tpu.memory_space<vmem_shared>>, %arg13: memref<!tpu.dma_semaphore, #tpu.memory_space<semaphore_mem>>, %arg14: memref<!tpu.dma_semaphore, #tpu.memory_space<semaphore_mem>>, %arg15: memref<!tpu.dma_semaphore, #tpu.memory_space<semaphore_mem>>, %arg16: memref<!tpu.dma_semaphore, #tpu.memory_space<semaphore_mem>>) attributes {dimension_semantics = [#tpu.dimension_semantics<core_parallel>, #tpu.dimension_semantics<subcore_parallel>], iteration_bounds = array<i64: 2, 16>, scalar_prefetch = 0 : i64, scratch_operands = 11 : i64, tpu.core_type = #tpu.core_type<sc_vector_subcore>, window_params = [{transform_indices = #map}, {transform_indices = #map1}, {transform_indices = #map1}, {transform_indices = #map2}]} {
    %mul3A = arith.constant 2 : i32
    %mul3A_0 = arith.muli %arg1, %mul3A : i32
    %add3A = arith.addi %mul3A_0, %arg0 : i32
    %scan3A = arith.constant 0 : i32
    %scan3A_1 = arith.constant 0 : i32
    %scan3A_2 = arith.constant 128 : i32
    %scan3A_3 = arith.addi %scan3A_1, %scan3A_2 : i32
    %scan3A_4 = arith.constant 1 : i32
    %scan3A_5 = scf.for %scan3A_89 = %scan3A_1 to %scan3A_3 step %scan3A_4 iter_args(%scan3A_90 = %scan3A) -> (i32)  : i32 {
      %broadcast_in_dim3A = arith.constant 0.000000e+00 : f32
      %broadcast_in_dim3A_91 = vector.broadcast %broadcast_in_dim3A : f32 to vector<16xf32>
      %swap3A = arith.index_cast %scan3A_89 : i32 to index
      %swap3A_92 = arith.constant 0 : index
      %swap3A_93 = tpu.vector_load %arg10[%swap3A, %swap3A_92] {strides = array<i32>} : memref<128x128xf32, #tpu.memory_space<vmem>>, vector<1x16xf32>,
      %swap3A_94 = vector.shape_cast %swap3A_93 : vector<1x16xf32> to vector<16xf32>
      %swap3A_95 = vector.shape_cast %broadcast_in_dim3A_91 : vector<16xf32> to vector<1x16xf32>
      tpu.vector_store %arg10[%swap3A, %swap3A_92], %swap3A_95 {strides = array<i32>} : memref<128x128xf32, #tpu.memory_space<vmem>>, vector<1x16xf32>,
      %broadcast_in_dim3A_96 = arith.constant 0.000000e+00 : f32
      %broadcast_in_dim3A_97 = vector.broadcast %broadcast_in_dim3A_96 : f32 to vector<16xf32>
      %swap3A_98 = arith.index_cast %scan3A_89 : i32 to index
      %swap3A_99 = arith.constant 16 : index
      %swap3A_100 = tpu.vector_load %arg10[%swap3A_98, %swap3A_99] {strides = array<i32>} : memref<128x128xf32, #tpu.memory_space<vmem>>, vector<1x16xf32>,
      %swap3A_101 = vector.shape_cast %swap3A_100 : vector<1x16xf32> to vector<16xf32>
      %swap3A_102 = vector.shape_cast %broadcast_in_dim3A_97 : vector<16xf32> to vector<1x16xf32>
      tpu.vector_store %arg10[%swap3A_98, %swap3A_99], %swap3A_102 {strides = array<i32>} : memref<128x128xf32, #tpu.memory_space<vmem>>, vector<1x16xf32>,
      %broadcast_in_dim3A_103 = arith.constant 0.000000e+00 : f32
      %broadcast_in_dim3A_104 = vector.broadcast %broadcast_in_dim3A_103 : f32 to vector<16xf32>
      %swap3A_105 = arith.index_cast %scan3A_89 : i32 to index
      %swap3A_106 = arith.constant 32 : index
      %swap3A_107 = tpu.vector_load %arg10[%swap3A_105, %swap3A_106] {strides = array<i32>} : memref<128x128xf32, #tpu.memory_space<vmem>>, vector<1x16xf32>,
      %swap3A_108 = vector.shape_cast %swap3A_107 : vector<1x16xf32> to vector<16xf32>
      %swap3A_109 = vector.shape_cast %broadcast_in_dim3A_104 : vector<16xf32> to vector<1x16xf32>
      tpu.vector_store %arg10[%swap3A_105, %swap3A_106], %swap3A_109 {strides = array<i32>} : memref<128x128xf32, #tpu.memory_space<vmem>>, vector<1x16xf32>,
      %broadcast_in_dim3A_110 = arith.constant 0.000000e+00 : f32
      %broadcast_in_dim3A_111 = vector.broadcast %broadcast_in_dim3A_110 : f32 to vector<16xf32>
      %swap3A_112 = arith.index_cast %scan3A_89 : i32 to index
      %swap3A_113 = arith.constant 48 : index
      %swap3A_114 = tpu.vector_load %arg10[%swap3A_112, %swap3A_113] {strides = array<i32>} : memref<128x128xf32, #tpu.memory_space<vmem>>, vector<1x16xf32>,
      %swap3A_115 = vector.shape_cast %swap3A_114 : vector<1x16xf32> to vector<16xf32>
      %swap3A_116 = vector.shape_cast %broadcast_in_dim3A_111 : vector<16xf32> to vector<1x16xf32>
      tpu.vector_store %arg10[%swap3A_112, %swap3A_113], %swap3A_116 {strides = array<i32>} : memref<128x128xf32, #tpu.memory_space<vmem>>, vector<1x16xf32>,
      %broadcast_in_dim3A_117 = arith.constant 0.000000e+00 : f32
      %broadcast_in_dim3A_118 = vector.broadcast %broadcast_in_dim3A_117 : f32 to vector<16xf32>
      %swap3A_119 = arith.index_cast %scan3A_89 : i32 to index
      %swap3A_120 = arith.constant 64 : index
      %swap3A_121 = tpu.vector_load %arg10[%swap3A_119, %swap3A_120] {strides = array<i32>} : memref<128x128xf32, #tpu.memory_space<vmem>>, vector<1x16xf32>,
      %swap3A_122 = vector.shape_cast %swap3A_121 : vector<1x16xf32> to vector<16xf32>
      %swap3A_123 = vector.shape_cast %broadcast_in_dim3A_118 : vector<16xf32> to vector<1x16xf32>
      tpu.vector_store %arg10[%swap3A_119, %swap3A_120], %swap3A_123 {strides = array<i32>} : memref<128x128xf32, #tpu.memory_space<vmem>>, vector<1x16xf32>,
      %broadcast_in_dim3A_124 = arith.constant 0.000000e+00 : f32
      %broadcast_in_dim3A_125 = vector.broadcast %broadcast_in_dim3A_124 : f32 to vector<16xf32>
      %swap3A_126 = arith.index_cast %scan3A_89 : i32 to index
      %swap3A_127 = arith.constant 80 : index
      %swap3A_128 = tpu.vector_load %arg10[%swap3A_126, %swap3A_127] {strides = array<i32>} : memref<128x128xf32, #tpu.memory_space<vmem>>, vector<1x16xf32>,
      %swap3A_129 = vector.shape_cast %swap3A_128 : vector<1x16xf32> to vector<16xf32>
      %swap3A_130 = vector.shape_cast %broadcast_in_dim3A_125 : vector<16xf32> to vector<1x16xf32>
      tpu.vector_store %arg10[%swap3A_126, %swap3A_127], %swap3A_130 {strides = array<i32>} : memref<128x128xf32, #tpu.memory_space<vmem>>, vector<1x16xf32>,
      %broadcast_in_dim3A_131 = arith.constant 0.000000e+00 : f32
      %broadcast_in_dim3A_132 = vector.broadcast %broadcast_in_dim3A_131 : f32 to vector<16xf32>
      %swap3A_133 = arith.index_cast %scan3A_89 : i32 to index
      %swap3A_134 = arith.constant 96 : index
      %swap3A_135 = tpu.vector_load %arg10[%swap3A_133, %swap3A_134] {strides = array<i32>} : memref<128x128xf32, #tpu.memory_space<vmem>>, vector<1x16xf32>,
      %swap3A_136 = vector.shape_cast %swap3A_135 : vector<1x16xf32> to vector<16xf32>
      %swap3A_137 = vector.shape_cast %broadcast_in_dim3A_132 : vector<16xf32> to vector<1x16xf32>
      tpu.vector_store %arg10[%swap3A_133, %swap3A_134], %swap3A_137 {strides = array<i32>} : memref<128x128xf32, #tpu.memory_space<vmem>>, vector<1x16xf32>,
      %broadcast_in_dim3A_138 = arith.constant 0.000000e+00 : f32
      %broadcast_in_dim3A_139 = vector.broadcast %broadcast_in_dim3A_138 : f32 to vector<16xf32>
      %swap3A_140 = arith.index_cast %scan3A_89 : i32 to index
      %swap3A_141 = arith.constant 112 : index
      %swap3A_142 = tpu.vector_load %arg10[%swap3A_140, %swap3A_141] {strides = array<i32>} : memref<128x128xf32, #tpu.memory_space<vmem>>, vector<1x16xf32>,
      %swap3A_143 = vector.shape_cast %swap3A_142 : vector<1x16xf32> to vector<16xf32>
      %swap3A_144 = vector.shape_cast %broadcast_in_dim3A_139 : vector<16xf32> to vector<1x16xf32>
      tpu.vector_store %arg10[%swap3A_140, %swap3A_141], %swap3A_144 {strides = array<i32>} : memref<128x128xf32, #tpu.memory_space<vmem>>, vector<1x16xf32>,
      %scan3A_145 = arith.constant 0 : i32
      scf.yield %scan3A_145 : i32
    }
    %scan3A_6 = arith.constant 128 : i32
    %mul3A_7 = arith.constant 640 : i32
    %mul3A_8 = arith.muli %arg1, %mul3A_7 : i32
    %add3A_9 = arith.constant 0 : i32
    %add3A_10 = arith.addi %mul3A_8, %add3A_9 : i32
    "tpu.region"() ({
      %run_scoped3A = tpu.sem_alloc : memref<!tpu.dma_semaphore, #tpu.memory_space<semaphore_mem>>
      %dma_start3A_89 = arith.constant 0 : i32
      %dma_start3A_90 = tpu.memref_slice %arg12[%add3A_10, %dma_start3A_89] : memref<10240x128xf32, #tpu.memory_space<vmem_shared>> -> memref<128x128xf32, #tpu.memory_space<vmem_shared>>
      %dma_start3A_91 = arith.constant 0 : i32
      %dma_start3A_92 = tpu.memref_slice %arg12[%add3A_10, %dma_start3A_91] : memref<10240x128xf32, #tpu.memory_space<vmem_shared>> -> memref<128x128xf32, #tpu.memory_space<vmem_shared>>
      tpu.enqueue_dma source(%arg10 : memref<128x128xf32, #tpu.memory_space<vmem>>) target(%dma_start3A_92 : memref<128x128xf32, #tpu.memory_space<vmem_shared>>) target_semaphore(%run_scoped3A : memref<!tpu.dma_semaphore, #tpu.memory_space<semaphore_mem>>)
      %dma_wait3A_93 = arith.constant 0 : i32
      %dma_wait3A_94 = tpu.memref_slice %arg12[%add3A_10, %dma_wait3A_93] : memref<10240x128xf32, #tpu.memory_space<vmem_shared>> -> memref<128x128xf32, #tpu.memory_space<vmem_shared>>
      %dma_wait3A_95 = arith.constant 0 : i32
      %dma_wait3A_96 = tpu.memref_slice %arg12[%add3A_10, %dma_wait3A_95] : memref<10240x128xf32, #tpu.memory_space<vmem_shared>> -> memref<128x128xf32, #tpu.memory_space<vmem_shared>>
      tpu.wait_dma2 semaphore(%run_scoped3A : memref<!tpu.dma_semaphore, #tpu.memory_space<semaphore_mem>>) src(%arg10 : memref<128x128xf32, #tpu.memory_space<vmem>>) dst(%dma_wait3A_96 : memref<128x128xf32, #tpu.memory_space<vmem_shared>>)
      tpu.yield
    }) : () -> ()
    %add3A_11 = arith.constant 128 : i32
    %add3A_12 = arith.addi %mul3A_8, %add3A_11 : i32
    "tpu.region"() ({
      %run_scoped3A = tpu.sem_alloc : memref<!tpu.dma_semaphore, #tpu.memory_space<semaphore_mem>>
      %dma_start3A_89 = arith.constant 0 : i32
      %dma_start3A_90 = tpu.memref_slice %arg12[%add3A_12, %dma_start3A_89] : memref<10240x128xf32, #tpu.memory_space<vmem_shared>> -> memref<128x128xf32, #tpu.memory_space<vmem_shared>>
      %dma_start3A_91 = arith.constant 0 : i32
      %dma_start3A_92 = tpu.memref_slice %arg12[%add3A_12, %dma_start3A_91] : memref<10240x128xf32, #tpu.memory_space<vmem_shared>> -> memref<128x128xf32, #tpu.memory_space<vmem_shared>>
      tpu.enqueue_dma source(%arg10 : memref<128x128xf32, #tpu.memory_space<vmem>>) target(%dma_start3A_92 : memref<128x128xf32, #tpu.memory_space<vmem_shared>>) target_semaphore(%run_scoped3A : memref<!tpu.dma_semaphore, #tpu.memory_space<semaphore_mem>>)
      %dma_wait3A_93 = arith.constant 0 : i32
      %dma_wait3A_94 = tpu.memref_slice %arg12[%add3A_12, %dma_wait3A_93] : memref<10240x128xf32, #tpu.memory_space<vmem_shared>> -> memref<128x128xf32, #tpu.memory_space<vmem_shared>>
      %dma_wait3A_95 = arith.constant 0 : i32
      %dma_wait3A_96 = tpu.memref_slice %arg12[%add3A_12, %dma_wait3A_95] : memref<10240x128xf32, #tpu.memory_space<vmem_shared>> -> memref<128x128xf32, #tpu.memory_space<vmem_shared>>
      tpu.wait_dma2 semaphore(%run_scoped3A : memref<!tpu.dma_semaphore, #tpu.memory_space<semaphore_mem>>) src(%arg10 : memref<128x128xf32, #tpu.memory_space<vmem>>) dst(%dma_wait3A_96 : memref<128x128xf32, #tpu.memory_space<vmem_shared>>)
      tpu.yield
    }) : () -> ()
    %add3A_13 = arith.constant 256 : i32
    %add3A_14 = arith.addi %mul3A_8, %add3A_13 : i32
    "tpu.region"() ({
      %run_scoped3A = tpu.sem_alloc : memref<!tpu.dma_semaphore, #tpu.memory_space<semaphore_mem>>
      %dma_start3A_89 = arith.constant 0 : i32
      %dma_start3A_90 = tpu.memref_slice %arg12[%add3A_14, %dma_start3A_89] : memref<10240x128xf32, #tpu.memory_space<vmem_shared>> -> memref<128x128xf32, #tpu.memory_space<vmem_shared>>
      %dma_start3A_91 = arith.constant 0 : i32
      %dma_start3A_92 = tpu.memref_slice %arg12[%add3A_14, %dma_start3A_91] : memref<10240x128xf32, #tpu.memory_space<vmem_shared>> -> memref<128x128xf32, #tpu.memory_space<vmem_shared>>
      tpu.enqueue_dma source(%arg10 : memref<128x128xf32, #tpu.memory_space<vmem>>) target(%dma_start3A_92 : memref<128x128xf32, #tpu.memory_space<vmem_shared>>) target_semaphore(%run_scoped3A : memref<!tpu.dma_semaphore, #tpu.memory_space<semaphore_mem>>)
      %dma_wait3A_93 = arith.constant 0 : i32
      %dma_wait3A_94 = tpu.memref_slice %arg12[%add3A_14, %dma_wait3A_93] : memref<10240x128xf32, #tpu.memory_space<vmem_shared>> -> memref<128x128xf32, #tpu.memory_space<vmem_shared>>
      %dma_wait3A_95 = arith.constant 0 : i32
      %dma_wait3A_96 = tpu.memref_slice %arg12[%add3A_14, %dma_wait3A_95] : memref<10240x128xf32, #tpu.memory_space<vmem_shared>> -> memref<128x128xf32, #tpu.memory_space<vmem_shared>>
      tpu.wait_dma2 semaphore(%run_scoped3A : memref<!tpu.dma_semaphore, #tpu.memory_space<semaphore_mem>>) src(%arg10 : memref<128x128xf32, #tpu.memory_space<vmem>>) dst(%dma_wait3A_96 : memref<128x128xf32, #tpu.memory_space<vmem_shared>>)
      tpu.yield
    }) : () -> ()
    %add3A_15 = arith.constant 384 : i32
    %add3A_16 = arith.addi %mul3A_8, %add3A_15 : i32
    "tpu.region"() ({
      %run_scoped3A = tpu.sem_alloc : memref<!tpu.dma_semaphore, #tpu.memory_space<semaphore_mem>>
      %dma_start3A_89 = arith.constant 0 : i32
      %dma_start3A_90 = tpu.memref_slice %arg12[%add3A_16, %dma_start3A_89] : memref<10240x128xf32, #tpu.memory_space<vmem_shared>> -> memref<128x128xf32, #tpu.memory_space<vmem_shared>>
      %dma_start3A_91 = arith.constant 0 : i32
      %dma_start3A_92 = tpu.memref_slice %arg12[%add3A_16, %dma_start3A_91] : memref<10240x128xf32, #tpu.memory_space<vmem_shared>> -> memref<128x128xf32, #tpu.memory_space<vmem_shared>>
      tpu.enqueue_dma source(%arg10 : memref<128x128xf32, #tpu.memory_space<vmem>>) target(%dma_start3A_92 : memref<128x128xf32, #tpu.memory_space<vmem_shared>>) target_semaphore(%run_scoped3A : memref<!tpu.dma_semaphore, #tpu.memory_space<semaphore_mem>>)
      %dma_wait3A_93 = arith.constant 0 : i32
      %dma_wait3A_94 = tpu.memref_slice %arg12[%add3A_16, %dma_wait3A_93] : memref<10240x128xf32, #tpu.memory_space<vmem_shared>> -> memref<128x128xf32, #tpu.memory_space<vmem_shared>>
      %dma_wait3A_95 = arith.constant 0 : i32
      %dma_wait3A_96 = tpu.memref_slice %arg12[%add3A_16, %dma_wait3A_95] : memref<10240x128xf32, #tpu.memory_space<vmem_shared>> -> memref<128x128xf32, #tpu.memory_space<vmem_shared>>
      tpu.wait_dma2 semaphore(%run_scoped3A : memref<!tpu.dma_semaphore, #tpu.memory_space<semaphore_mem>>) src(%arg10 : memref<128x128xf32, #tpu.memory_space<vmem>>) dst(%dma_wait3A_96 : memref<128x128xf32, #tpu.memory_space<vmem_shared>>)
      tpu.yield
    }) : () -> ()
    %add3A_17 = arith.constant 512 : i32
    %add3A_18 = arith.addi %mul3A_8, %add3A_17 : i32
    "tpu.region"() ({
      %run_scoped3A = tpu.sem_alloc : memref<!tpu.dma_semaphore, #tpu.memory_space<semaphore_mem>>
      %dma_start3A_89 = arith.constant 0 : i32
      %dma_start3A_90 = tpu.memref_slice %arg12[%add3A_18, %dma_start3A_89] : memref<10240x128xf32, #tpu.memory_space<vmem_shared>> -> memref<128x128xf32, #tpu.memory_space<vmem_shared>>
      %dma_start3A_91 = arith.constant 0 : i32
      %dma_start3A_92 = tpu.memref_slice %arg12[%add3A_18, %dma_start3A_91] : memref<10240x128xf32, #tpu.memory_space<vmem_shared>> -> memref<128x128xf32, #tpu.memory_space<vmem_shared>>
      tpu.enqueue_dma source(%arg10 : memref<128x128xf32, #tpu.memory_space<vmem>>) target(%dma_start3A_92 : memref<128x128xf32, #tpu.memory_space<vmem_shared>>) target_semaphore(%run_scoped3A : memref<!tpu.dma_semaphore, #tpu.memory_space<semaphore_mem>>)
      %dma_wait3A_93 = arith.constant 0 : i32
      %dma_wait3A_94 = tpu.memref_slice %arg12[%add3A_18, %dma_wait3A_93] : memref<10240x128xf32, #tpu.memory_space<vmem_shared>> -> memref<128x128xf32, #tpu.memory_space<vmem_shared>>
      %dma_wait3A_95 = arith.constant 0 : i32
      %dma_wait3A_96 = tpu.memref_slice %arg12[%add3A_18, %dma_wait3A_95] : memref<10240x128xf32, #tpu.memory_space<vmem_shared>> -> memref<128x128xf32, #tpu.memory_space<vmem_shared>>
      tpu.wait_dma2 semaphore(%run_scoped3A : memref<!tpu.dma_semaphore, #tpu.memory_space<semaphore_mem>>) src(%arg10 : memref<128x128xf32, #tpu.memory_space<vmem>>) dst(%dma_wait3A_96 : memref<128x128xf32, #tpu.memory_space<vmem_shared>>)
      tpu.yield
    }) : () -> ()
    %barrier3A = arith.constant 0 : index
    tpu.barrier barrier_id(%barrier3A)
    %mul3A_19 = arith.constant 80 : i32
    %mul3A_20 = arith.muli %add3A, %mul3A_19 : i32
    %mul3A_21 = arith.constant 128 : i32
    %mul3A_22 = arith.muli %mul3A_20, %mul3A_21 : i32
    %add3A_23 = arith.constant 0 : i32
    %add3A_24 = arith.addi %mul3A_22, %add3A_23 : i32
    %dma_start3A = tpu.memref_slice %arg3[%add3A_24] : memref<327680xi32, #tpu.memory_space<hbm>> -> memref<128xi32, #tpu.memory_space<hbm>>
    %dma_start3A_25 = tpu.memref_slice %arg3[%add3A_24] : memref<327680xi32, #tpu.memory_space<hbm>> -> memref<128xi32, #tpu.memory_space<hbm>>
    tpu.enqueue_dma source(%dma_start3A_25 : memref<128xi32, #tpu.memory_space<hbm>>) target(%arg6 : memref<128xi32, #tpu.memory_space<vmem>>) target_semaphore(%arg15 : memref<!tpu.dma_semaphore, #tpu.memory_space<semaphore_mem>>)
    %add3A_26 = arith.constant 0 : i32
    %add3A_27 = arith.addi %mul3A_22, %add3A_26 : i32
    %dma_start3A_28 = tpu.memref_slice %arg4[%add3A_27] : memref<327680xi32, #tpu.memory_space<hbm>> -> memref<128xi32, #tpu.memory_space<hbm>>
    %dma_start3A_29 = tpu.memref_slice %arg4[%add3A_27] : memref<327680xi32, #tpu.memory_space<hbm>> -> memref<128xi32, #tpu.memory_space<hbm>>
    tpu.enqueue_dma source(%dma_start3A_29 : memref<128xi32, #tpu.memory_space<hbm>>) target(%arg7 : memref<128xi32, #tpu.memory_space<vmem>>) target_semaphore(%arg15 : memref<!tpu.dma_semaphore, #tpu.memory_space<semaphore_mem>>)
    %dma_wait3A = arith.constant 0 : i32
    %dma_wait3A_30 = tpu.memref_slice %arg3[%dma_wait3A] : memref<327680xi32, #tpu.memory_space<hbm>> -> memref<128xi32, #tpu.memory_space<hbm>>
    %dma_wait3A_31 = arith.constant 0 : i32
    %dma_wait3A_32 = tpu.memref_slice %arg3[%dma_wait3A_31] : memref<327680xi32, #tpu.memory_space<hbm>> -> memref<128xi32, #tpu.memory_space<hbm>>
    tpu.wait_dma2 semaphore(%arg15 : memref<!tpu.dma_semaphore, #tpu.memory_space<semaphore_mem>>) src(%dma_wait3A_32 : memref<128xi32, #tpu.memory_space<hbm>>) dst(%arg6 : memref<128xi32, #tpu.memory_space<vmem>>)
    %dma_wait3A_33 = arith.constant 0 : i32
    %dma_wait3A_34 = tpu.memref_slice %arg3[%dma_wait3A_33] : memref<327680xi32, #tpu.memory_space<hbm>> -> memref<128xi32, #tpu.memory_space<hbm>>
    %dma_wait3A_35 = arith.constant 0 : i32
    %dma_wait3A_36 = tpu.memref_slice %arg3[%dma_wait3A_35] : memref<327680xi32, #tpu.memory_space<hbm>> -> memref<128xi32, #tpu.memory_space<hbm>>
    tpu.wait_dma2 semaphore(%arg15 : memref<!tpu.dma_semaphore, #tpu.memory_space<semaphore_mem>>) src(%dma_wait3A_36 : memref<128xi32, #tpu.memory_space<hbm>>) dst(%arg7 : memref<128xi32, #tpu.memory_space<vmem>>)
    %dma_start3A_37 = arith.constant 0 : i32
    %dma_start3A_38 = arith.constant 0 : i32
    %dma_start3A_39 = tpu.memref_slice %arg2[%dma_start3A_37, %dma_start3A_38] : memref<10000x128xf32, #tpu.memory_space<hbm>> -> memref<10000x128xf32, #tpu.memory_space<hbm>>
    tpu.enqueue_indirect_dma source(%dma_start3A_39 : memref<10000x128xf32, #tpu.memory_space<hbm>>) target(%arg10 : memref<128x128xf32, #tpu.memory_space<vmem>>) offsets(%arg6 : memref<128xi32, #tpu.memory_space<vmem>>) semaphore(%arg13 : memref<!tpu.dma_semaphore, #tpu.memory_space<semaphore_mem>>)
    %add3A_40 = arith.constant 128 : i32
    %add3A_41 = arith.addi %mul3A_22, %add3A_40 : i32
    %dma_start3A_42 = tpu.memref_slice %arg3[%add3A_41] : memref<327680xi32, #tpu.memory_space<hbm>> -> memref<128xi32, #tpu.memory_space<hbm>>
    %dma_start3A_43 = tpu.memref_slice %arg3[%add3A_41] : memref<327680xi32, #tpu.memory_space<hbm>> -> memref<128xi32, #tpu.memory_space<hbm>>
    tpu.enqueue_dma source(%dma_start3A_43 : memref<128xi32, #tpu.memory_space<hbm>>) target(%arg8 : memref<128xi32, #tpu.memory_space<vmem>>) target_semaphore(%arg16 : memref<!tpu.dma_semaphore, #tpu.memory_space<semaphore_mem>>)
    %add3A_44 = arith.constant 128 : i32
    %add3A_45 = arith.addi %mul3A_22, %add3A_44 : i32
    %dma_start3A_46 = tpu.memref_slice %arg4[%add3A_45] : memref<327680xi32, #tpu.memory_space<hbm>> -> memref<128xi32, #tpu.memory_space<hbm>>
    %dma_start3A_47 = tpu.memref_slice %arg4[%add3A_45] : memref<327680xi32, #tpu.memory_space<hbm>> -> memref<128xi32, #tpu.memory_space<hbm>>
    tpu.enqueue_dma source(%dma_start3A_47 : memref<128xi32, #tpu.memory_space<hbm>>) target(%arg9 : memref<128xi32, #tpu.memory_space<vmem>>) target_semaphore(%arg16 : memref<!tpu.dma_semaphore, #tpu.memory_space<semaphore_mem>>)
    %scan3A_48 = arith.constant 0 : i32
    %scan3A_49 = arith.constant 0 : i32
    %scan3A_50 = arith.constant 39 : i32
    %scan3A_51 = arith.addi %scan3A_49, %scan3A_50 : i32
    %scan3A_52 = arith.constant 1 : i32
    %scan3A_53 = scf.for %scan3A_89 = %scan3A_49 to %scan3A_51 step %scan3A_52 iter_args(%scan3A_90 = %scan3A_48) -> (i32)  : i32 {
      %mul3A_91 = arith.constant 2 : i32
      %mul3A_92 = arith.muli %mul3A_91, %scan3A_89 : i32
      %dma_wait3A_93 = arith.constant 0 : i32
      %dma_wait3A_94 = tpu.memref_slice %arg3[%dma_wait3A_93] : memref<327680xi32, #tpu.memory_space<hbm>> -> memref<128xi32, #tpu.memory_space<hbm>>
      %dma_wait3A_95 = arith.constant 0 : i32
      %dma_wait3A_96 = tpu.memref_slice %arg3[%dma_wait3A_95] : memref<327680xi32, #tpu.memory_space<hbm>> -> memref<128xi32, #tpu.memory_space<hbm>>
      tpu.wait_dma2 semaphore(%arg16 : memref<!tpu.dma_semaphore, #tpu.memory_space<semaphore_mem>>) src(%dma_wait3A_96 : memref<128xi32, #tpu.memory_space<hbm>>) dst(%arg8 : memref<128xi32, #tpu.memory_space<vmem>>)
      %dma_wait3A_97 = arith.constant 0 : i32
      %dma_wait3A_98 = tpu.memref_slice %arg3[%dma_wait3A_97] : memref<327680xi32, #tpu.memory_space<hbm>> -> memref<128xi32, #tpu.memory_space<hbm>>
      %dma_wait3A_99 = arith.constant 0 : i32
      %dma_wait3A_100 = tpu.memref_slice %arg3[%dma_wait3A_99] : memref<327680xi32, #tpu.memory_space<hbm>> -> memref<128xi32, #tpu.memory_space<hbm>>
      tpu.wait_dma2 semaphore(%arg16 : memref<!tpu.dma_semaphore, #tpu.memory_space<semaphore_mem>>) src(%dma_wait3A_100 : memref<128xi32, #tpu.memory_space<hbm>>) dst(%arg9 : memref<128xi32, #tpu.memory_space<vmem>>)
      %dma_start3A_101 = arith.constant 0 : i32
      %dma_start3A_102 = arith.constant 0 : i32
      %dma_start3A_103 = tpu.memref_slice %arg2[%dma_start3A_101, %dma_start3A_102] : memref<10000x128xf32, #tpu.memory_space<hbm>> -> memref<10000x128xf32, #tpu.memory_space<hbm>>
      tpu.enqueue_indirect_dma source(%dma_start3A_103 : memref<10000x128xf32, #tpu.memory_space<hbm>>) target(%arg11 : memref<128x128xf32, #tpu.memory_space<vmem>>) offsets(%arg8 : memref<128xi32, #tpu.memory_space<vmem>>) semaphore(%arg14 : memref<!tpu.dma_semaphore, #tpu.memory_space<semaphore_mem>>)
      %dma_wait3A_104 = arith.constant 0 : i32
      %dma_wait3A_105 = arith.constant 0 : i32
      %dma_wait3A_106 = tpu.memref_slice %arg2[%dma_wait3A_104, %dma_wait3A_105] : memref<10000x128xf32, #tpu.memory_space<hbm>> -> memref<128x128xf32, #tpu.memory_space<hbm>>
      %dma_wait3A_107 = arith.constant 0 : i32
      %dma_wait3A_108 = arith.constant 0 : i32
      %dma_wait3A_109 = tpu.memref_slice %arg2[%dma_wait3A_107, %dma_wait3A_108] : memref<10000x128xf32, #tpu.memory_space<hbm>> -> memref<128x128xf32, #tpu.memory_space<hbm>>
      tpu.wait_dma2 semaphore(%arg13 : memref<!tpu.dma_semaphore, #tpu.memory_space<semaphore_mem>>) src(%dma_wait3A_109 : memref<128x128xf32, #tpu.memory_space<hbm>>) dst(%arg10 : memref<128x128xf32, #tpu.memory_space<vmem>>)
      "tpu.region"() ({
        %run_scoped3A = tpu.sem_alloc : memref<!tpu.dma_semaphore, #tpu.memory_space<semaphore_mem>>
        %dma_start3A_152 = arith.constant 0 : i32
        %dma_start3A_153 = arith.constant 0 : i32
        %dma_start3A_154 = tpu.memref_slice %arg12[%dma_start3A_152, %dma_start3A_153] : memref<10240x128xf32, #tpu.memory_space<vmem_shared>> -> memref<10240x128xf32, #tpu.memory_space<vmem_shared>>
        tpu.enqueue_indirect_dma source(%arg10 : memref<128x128xf32, #tpu.memory_space<vmem>>) target(%dma_start3A_154 : memref<10240x128xf32, #tpu.memory_space<vmem_shared>>) offsets(%arg7 : memref<128xi32, #tpu.memory_space<vmem>>) semaphore(%run_scoped3A : memref<!tpu.dma_semaphore, #tpu.memory_space<semaphore_mem>>) {add = true}
        %dma_wait3A_155 = arith.constant 0 : i32
        %dma_wait3A_156 = arith.constant 0 : i32
        %dma_wait3A_157 = tpu.memref_slice %arg12[%dma_wait3A_155, %dma_wait3A_156] : memref<10240x128xf32, #tpu.memory_space<vmem_shared>> -> memref<10240x128xf32, #tpu.memory_space<vmem_shared>>
        tpu.wait_indirect_dma semaphore(%run_scoped3A : memref<!tpu.dma_semaphore, #tpu.memory_space<semaphore_mem>>) src(%arg10 : memref<128x128xf32, #tpu.memory_space<vmem>>) dst(%dma_wait3A_157 : memref<10240x128xf32, #tpu.memory_space<vmem_shared>>)
        tpu.yield
      }) : () -> ()
      %add3A_110 = arith.constant 2 : i32
      %add3A_111 = arith.addi %mul3A_92, %add3A_110 : i32
      %mul3A_112 = arith.constant 128 : i32
      %mul3A_113 = arith.muli %add3A_111, %mul3A_112 : i32
      %add3A_114 = arith.addi %mul3A_22, %mul3A_113 : i32
      %dma_start3A_115 = tpu.memref_slice %arg3[%add3A_114] : memref<327680xi32, #tpu.memory_space<hbm>> -> memref<128xi32, #tpu.memory_space<hbm>>
      %dma_start3A_116 = tpu.memref_slice %arg3[%add3A_114] : memref<327680xi32, #tpu.memory_space<hbm>> -> memref<128xi32, #tpu.memory_space<hbm>>
      tpu.enqueue_dma source(%dma_start3A_116 : memref<128xi32, #tpu.memory_space<hbm>>) target(%arg6 : memref<128xi32, #tpu.memory_space<vmem>>) target_semaphore(%arg15 : memref<!tpu.dma_semaphore, #tpu.memory_space<semaphore_mem>>)
      %mul3A_117 = arith.constant 128 : i32
      %mul3A_118 = arith.muli %add3A_111, %mul3A_117 : i32
      %add3A_119 = arith.addi %mul3A_22, %mul3A_118 : i32
      %dma_start3A_120 = tpu.memref_slice %arg4[%add3A_119] : memref<327680xi32, #tpu.memory_space<hbm>> -> memref<128xi32, #tpu.memory_space<hbm>>
      %dma_start3A_121 = tpu.memref_slice %arg4[%add3A_119] : memref<327680xi32, #tpu.memory_space<hbm>> -> memref<128xi32, #tpu.memory_space<hbm>>
      tpu.enqueue_dma source(%dma_start3A_121 : memref<128xi32, #tpu.memory_space<hbm>>) target(%arg7 : memref<128xi32, #tpu.memory_space<vmem>>) target_semaphore(%arg15 : memref<!tpu.dma_semaphore, #tpu.memory_space<semaphore_mem>>)
      %dma_wait3A_122 = arith.constant 0 : i32
      %dma_wait3A_123 = arith.constant 0 : i32
      %dma_wait3A_124 = tpu.memref_slice %arg2[%dma_wait3A_122, %dma_wait3A_123] : memref<10000x128xf32, #tpu.memory_space<hbm>> -> memref<128x128xf32, #tpu.memory_space<hbm>>
      %dma_wait3A_125 = arith.constant 0 : i32
      %dma_wait3A_126 = arith.constant 0 : i32
      %dma_wait3A_127 = tpu.memref_slice %arg2[%dma_wait3A_125, %dma_wait3A_126] : memref<10000x128xf32, #tpu.memory_space<hbm>> -> memref<128x128xf32, #tpu.memory_space<hbm>>
      tpu.wait_dma2 semaphore(%arg14 : memref<!tpu.dma_semaphore, #tpu.memory_space<semaphore_mem>>) src(%dma_wait3A_127 : memref<128x128xf32, #tpu.memory_space<hbm>>) dst(%arg11 : memref<128x128xf32, #tpu.memory_space<vmem>>)
      "tpu.region"() ({
        %run_scoped3A = tpu.sem_alloc : memref<!tpu.dma_semaphore, #tpu.memory_space<semaphore_mem>>
        %dma_start3A_152 = arith.constant 0 : i32
        %dma_start3A_153 = arith.constant 0 : i32
        %dma_start3A_154 = tpu.memref_slice %arg12[%dma_start3A_152, %dma_start3A_153] : memref<10240x128xf32, #tpu.memory_space<vmem_shared>> -> memref<10240x128xf32, #tpu.memory_space<vmem_shared>>
        tpu.enqueue_indirect_dma source(%arg11 : memref<128x128xf32, #tpu.memory_space<vmem>>) target(%dma_start3A_154 : memref<10240x128xf32, #tpu.memory_space<vmem_shared>>) offsets(%arg9 : memref<128xi32, #tpu.memory_space<vmem>>) semaphore(%run_scoped3A : memref<!tpu.dma_semaphore, #tpu.memory_space<semaphore_mem>>) {add = true}
        %dma_wait3A_155 = arith.constant 0 : i32
        %dma_wait3A_156 = arith.constant 0 : i32
        %dma_wait3A_157 = tpu.memref_slice %arg12[%dma_wait3A_155, %dma_wait3A_156] : memref<10240x128xf32, #tpu.memory_space<vmem_shared>> -> memref<10240x128xf32, #tpu.memory_space<vmem_shared>>
        tpu.wait_indirect_dma semaphore(%run_scoped3A : memref<!tpu.dma_semaphore, #tpu.memory_space<semaphore_mem>>) src(%arg11 : memref<128x128xf32, #tpu.memory_space<vmem>>) dst(%dma_wait3A_157 : memref<10240x128xf32, #tpu.memory_space<vmem_shared>>)
        tpu.yield
      }) : () -> ()
      %dma_wait3A_128 = arith.constant 0 : i32
      %dma_wait3A_129 = tpu.memref_slice %arg3[%dma_wait3A_128] : memref<327680xi32, #tpu.memory_space<hbm>> -> memref<128xi32, #tpu.memory_space<hbm>>
      %dma_wait3A_130 = arith.constant 0 : i32
      %dma_wait3A_131 = tpu.memref_slice %arg3[%dma_wait3A_130] : memref<327680xi32, #tpu.memory_space<hbm>> -> memref<128xi32, #tpu.memory_space<hbm>>
      tpu.wait_dma2 semaphore(%arg15 : memref<!tpu.dma_semaphore, #tpu.memory_space<semaphore_mem>>) src(%dma_wait3A_131 : memref<128xi32, #tpu.memory_space<hbm>>) dst(%arg6 : memref<128xi32, #tpu.memory_space<vmem>>)
      %dma_wait3A_132 = arith.constant 0 : i32
      %dma_wait3A_133 = tpu.memref_slice %arg3[%dma_wait3A_132] : memref<327680xi32, #tpu.memory_space<hbm>> -> memref<128xi32, #tpu.memory_space<hbm>>
      %dma_wait3A_134 = arith.constant 0 : i32
      %dma_wait3A_135 = tpu.memref_slice %arg3[%dma_wait3A_134] : memref<327680xi32, #tpu.memory_space<hbm>> -> memref<128xi32, #tpu.memory_space<hbm>>
      tpu.wait_dma2 semaphore(%arg15 : memref<!tpu.dma_semaphore, #tpu.memory_space<semaphore_mem>>) src(%dma_wait3A_135 : memref<128xi32, #tpu.memory_space<hbm>>) dst(%arg7 : memref<128xi32, #tpu.memory_space<vmem>>)
      %dma_start3A_136 = arith.constant 0 : i32
      %dma_start3A_137 = arith.constant 0 : i32
      %dma_start3A_138 = tpu.memref_slice %arg2[%dma_start3A_136, %dma_start3A_137] : memref<10000x128xf32, #tpu.memory_space<hbm>> -> memref<10000x128xf32, #tpu.memory_space<hbm>>
      tpu.enqueue_indirect_dma source(%dma_start3A_138 : memref<10000x128xf32, #tpu.memory_space<hbm>>) target(%arg10 : memref<128x128xf32, #tpu.memory_space<vmem>>) offsets(%arg6 : memref<128xi32, #tpu.memory_space<vmem>>) semaphore(%arg13 : memref<!tpu.dma_semaphore, #tpu.memory_space<semaphore_mem>>)
      %add3A_139 = arith.constant 3 : i32
      %add3A_140 = arith.addi %mul3A_92, %add3A_139 : i32
      %mul3A_141 = arith.constant 128 : i32
      %mul3A_142 = arith.muli %add3A_140, %mul3A_141 : i32
      %add3A_143 = arith.addi %mul3A_22, %mul3A_142 : i32
      %dma_start3A_144 = tpu.memref_slice %arg3[%add3A_143] : memref<327680xi32, #tpu.memory_space<hbm>> -> memref<128xi32, #tpu.memory_space<hbm>>
      %dma_start3A_145 = tpu.memref_slice %arg3[%add3A_143] : memref<327680xi32, #tpu.memory_space<hbm>> -> memref<128xi32, #tpu.memory_space<hbm>>
      tpu.enqueue_dma source(%dma_start3A_145 : memref<128xi32, #tpu.memory_space<hbm>>) target(%arg8 : memref<128xi32, #tpu.memory_space<vmem>>) target_semaphore(%arg16 : memref<!tpu.dma_semaphore, #tpu.memory_space<semaphore_mem>>)
      %mul3A_146 = arith.constant 128 : i32
      %mul3A_147 = arith.muli %add3A_140, %mul3A_146 : i32
      %add3A_148 = arith.addi %mul3A_22, %mul3A_147 : i32
      %dma_start3A_149 = tpu.memref_slice %arg4[%add3A_148] : memref<327680xi32, #tpu.memory_space<hbm>> -> memref<128xi32, #tpu.memory_space<hbm>>
      %dma_start3A_150 = tpu.memref_slice %arg4[%add3A_148] : memref<327680xi32, #tpu.memory_space<hbm>> -> memref<128xi32, #tpu.memory_space<hbm>>
      tpu.enqueue_dma source(%dma_start3A_150 : memref<128xi32, #tpu.memory_space<hbm>>) target(%arg9 : memref<128xi32, #tpu.memory_space<vmem>>) target_semaphore(%arg16 : memref<!tpu.dma_semaphore, #tpu.memory_space<semaphore_mem>>)
      %scan3A_151 = arith.constant 0 : i32
      scf.yield %scan3A_151 : i32
    }
    %scan3A_54 = arith.constant 39 : i32
    %dma_wait3A_55 = arith.constant 0 : i32
    %dma_wait3A_56 = tpu.memref_slice %arg3[%dma_wait3A_55] : memref<327680xi32, #tpu.memory_space<hbm>> -> memref<128xi32, #tpu.memory_space<hbm>>
    %dma_wait3A_57 = arith.constant 0 : i32
    %dma_wait3A_58 = tpu.memref_slice %arg3[%dma_wait3A_57] : memref<327680xi32, #tpu.memory_space<hbm>> -> memref<128xi32, #tpu.memory_space<hbm>>
    tpu.wait_dma2 semaphore(%arg16 : memref<!tpu.dma_semaphore, #tpu.memory_space<semaphore_mem>>) src(%dma_wait3A_58 : memref<128xi32, #tpu.memory_space<hbm>>) dst(%arg8 : memref<128xi32, #tpu.memory_space<vmem>>)
    %dma_wait3A_59 = arith.constant 0 : i32
    %dma_wait3A_60 = tpu.memref_slice %arg3[%dma_wait3A_59] : memref<327680xi32, #tpu.memory_space<hbm>> -> memref<128xi32, #tpu.memory_space<hbm>>
    %dma_wait3A_61 = arith.constant 0 : i32
    %dma_wait3A_62 = tpu.memref_slice %arg3[%dma_wait3A_61] : memref<327680xi32, #tpu.memory_space<hbm>> -> memref<128xi32, #tpu.memory_space<hbm>>
    tpu.wait_dma2 semaphore(%arg16 : memref<!tpu.dma_semaphore, #tpu.memory_space<semaphore_mem>>) src(%dma_wait3A_62 : memref<128xi32, #tpu.memory_space<hbm>>) dst(%arg9 : memref<128xi32, #tpu.memory_space<vmem>>)
    %dma_start3A_63 = arith.constant 0 : i32
    %dma_start3A_64 = arith.constant 0 : i32
    %dma_start3A_65 = tpu.memref_slice %arg2[%dma_start3A_63, %dma_start3A_64] : memref<10000x128xf32, #tpu.memory_space<hbm>> -> memref<10000x128xf32, #tpu.memory_space<hbm>>
    tpu.enqueue_indirect_dma source(%dma_start3A_65 : memref<10000x128xf32, #tpu.memory_space<hbm>>) target(%arg11 : memref<128x128xf32, #tpu.memory_space<vmem>>) offsets(%arg8 : memref<128xi32, #tpu.memory_space<vmem>>) semaphore(%arg14 : memref<!tpu.dma_semaphore, #tpu.memory_space<semaphore_mem>>)
    %dma_wait3A_66 = arith.constant 0 : i32
    %dma_wait3A_67 = arith.constant 0 : i32
    %dma_wait3A_68 = tpu.memref_slice %arg2[%dma_wait3A_66, %dma_wait3A_67] : memref<10000x128xf32, #tpu.memory_space<hbm>> -> memref<128x128xf32, #tpu.memory_space<hbm>>
    %dma_wait3A_69 = arith.constant 0 : i32
    %dma_wait3A_70 = arith.constant 0 : i32
    %dma_wait3A_71 = tpu.memref_slice %arg2[%dma_wait3A_69, %dma_wait3A_70] : memref<10000x128xf32, #tpu.memory_space<hbm>> -> memref<128x128xf32, #tpu.memory_space<hbm>>
    tpu.wait_dma2 semaphore(%arg13 : memref<!tpu.dma_semaphore, #tpu.memory_space<semaphore_mem>>) src(%dma_wait3A_71 : memref<128x128xf32, #tpu.memory_space<hbm>>) dst(%arg10 : memref<128x128xf32, #tpu.memory_space<vmem>>)
    "tpu.region"() ({
      %run_scoped3A = tpu.sem_alloc : memref<!tpu.dma_semaphore, #tpu.memory_space<semaphore_mem>>
      %dma_start3A_89 = arith.constant 0 : i32
      %dma_start3A_90 = arith.constant 0 : i32
      %dma_start3A_91 = tpu.memref_slice %arg12[%dma_start3A_89, %dma_start3A_90] : memref<10240x128xf32, #tpu.memory_space<vmem_shared>> -> memref<10240x128xf32, #tpu.memory_space<vmem_shared>>
      tpu.enqueue_indirect_dma source(%arg10 : memref<128x128xf32, #tpu.memory_space<vmem>>) target(%dma_start3A_91 : memref<10240x128xf32, #tpu.memory_space<vmem_shared>>) offsets(%arg7 : memref<128xi32, #tpu.memory_space<vmem>>) semaphore(%run_scoped3A : memref<!tpu.dma_semaphore, #tpu.memory_space<semaphore_mem>>) {add = true}
      %dma_wait3A_92 = arith.constant 0 : i32
      %dma_wait3A_93 = arith.constant 0 : i32
      %dma_wait3A_94 = tpu.memref_slice %arg12[%dma_wait3A_92, %dma_wait3A_93] : memref<10240x128xf32, #tpu.memory_space<vmem_shared>> -> memref<10240x128xf32, #tpu.memory_space<vmem_shared>>
      tpu.wait_indirect_dma semaphore(%run_scoped3A : memref<!tpu.dma_semaphore, #tpu.memory_space<semaphore_mem>>) src(%arg10 : memref<128x128xf32, #tpu.memory_space<vmem>>) dst(%dma_wait3A_94 : memref<10240x128xf32, #tpu.memory_space<vmem_shared>>)
      tpu.yield
    }) : () -> ()
    %dma_wait3A_72 = arith.constant 0 : i32
    %dma_wait3A_73 = arith.constant 0 : i32
    %dma_wait3A_74 = tpu.memref_slice %arg2[%dma_wait3A_72, %dma_wait3A_73] : memref<10000x128xf32, #tpu.memory_space<hbm>> -> memref<128x128xf32, #tpu.memory_space<hbm>>
    %dma_wait3A_75 = arith.constant 0 : i32
    %dma_wait3A_76 = arith.constant 0 : i32
    %dma_wait3A_77 = tpu.memref_slice %arg2[%dma_wait3A_75, %dma_wait3A_76] : memref<10000x128xf32, #tpu.memory_space<hbm>> -> memref<128x128xf32, #tpu.memory_space<hbm>>
    tpu.wait_dma2 semaphore(%arg14 : memref<!tpu.dma_semaphore, #tpu.memory_space<semaphore_mem>>) src(%dma_wait3A_77 : memref<128x128xf32, #tpu.memory_space<hbm>>) dst(%arg11 : memref<128x128xf32, #tpu.memory_space<vmem>>)
    "tpu.region"() ({
      %run_scoped3A = tpu.sem_alloc : memref<!tpu.dma_semaphore, #tpu.memory_space<semaphore_mem>>
      %dma_start3A_89 = arith.constant 0 : i32
      %dma_start3A_90 = arith.constant 0 : i32
      %dma_start3A_91 = tpu.memref_slice %arg12[%dma_start3A_89, %dma_start3A_90] : memref<10240x128xf32, #tpu.memory_space<vmem_shared>> -> memref<10240x128xf32, #tpu.memory_space<vmem_shared>>
      tpu.enqueue_indirect_dma source(%arg11 : memref<128x128xf32, #tpu.memory_space<vmem>>) target(%dma_start3A_91 : memref<10240x128xf32, #tpu.memory_space<vmem_shared>>) offsets(%arg9 : memref<128xi32, #tpu.memory_space<vmem>>) semaphore(%run_scoped3A : memref<!tpu.dma_semaphore, #tpu.memory_space<semaphore_mem>>) {add = true}
      %dma_wait3A_92 = arith.constant 0 : i32
      %dma_wait3A_93 = arith.constant 0 : i32
      %dma_wait3A_94 = tpu.memref_slice %arg12[%dma_wait3A_92, %dma_wait3A_93] : memref<10240x128xf32, #tpu.memory_space<vmem_shared>> -> memref<10240x128xf32, #tpu.memory_space<vmem_shared>>
      tpu.wait_indirect_dma semaphore(%run_scoped3A : memref<!tpu.dma_semaphore, #tpu.memory_space<semaphore_mem>>) src(%arg11 : memref<128x128xf32, #tpu.memory_space<vmem>>) dst(%dma_wait3A_94 : memref<10240x128xf32, #tpu.memory_space<vmem_shared>>)
      tpu.yield
    }) : () -> ()
    %barrier3A_78 = arith.constant 0 : index
    tpu.barrier barrier_id(%barrier3A_78)
    %add3A_79 = arith.constant 0 : i32
    %add3A_80 = arith.addi %mul3A_8, %add3A_79 : i32
    "tpu.region"() ({
      %run_scoped3A = tpu.sem_alloc : memref<!tpu.dma_semaphore, #tpu.memory_space<semaphore_mem>>
      %dma_start3A_89 = arith.constant 0 : i32
      %dma_start3A_90 = tpu.memref_slice %arg12[%add3A_80, %dma_start3A_89] : memref<10240x128xf32, #tpu.memory_space<vmem_shared>> -> memref<128x128xf32, #tpu.memory_space<vmem_shared>>
      %dma_start3A_91 = arith.constant 0 : i32
      %dma_start3A_92 = tpu.memref_slice %arg12[%add3A_80, %dma_start3A_91] : memref<10240x128xf32, #tpu.memory_space<vmem_shared>> -> memref<128x128xf32, #tpu.memory_space<vmem_shared>>
      tpu.enqueue_dma source(%dma_start3A_92 : memref<128x128xf32, #tpu.memory_space<vmem_shared>>) target(%arg10 : memref<128x128xf32, #tpu.memory_space<vmem>>) target_semaphore(%run_scoped3A : memref<!tpu.dma_semaphore, #tpu.memory_space<semaphore_mem>>)
      %dma_wait3A_93 = arith.constant 0 : i32
      %dma_wait3A_94 = tpu.memref_slice %arg12[%add3A_80, %dma_wait3A_93] : memref<10240x128xf32, #tpu.memory_space<vmem_shared>> -> memref<128x128xf32, #tpu.memory_space<vmem_shared>>
      %dma_wait3A_95 = arith.constant 0 : i32
      %dma_wait3A_96 = tpu.memref_slice %arg12[%add3A_80, %dma_wait3A_95] : memref<10240x128xf32, #tpu.memory_space<vmem_shared>> -> memref<128x128xf32, #tpu.memory_space<vmem_shared>>
      tpu.wait_dma2 semaphore(%run_scoped3A : memref<!tpu.dma_semaphore, #tpu.memory_space<semaphore_mem>>) src(%dma_wait3A_96 : memref<128x128xf32, #tpu.memory_space<vmem_shared>>) dst(%arg10 : memref<128x128xf32, #tpu.memory_space<vmem>>)
      tpu.yield
    }) : () -> ()
    "tpu.region"() ({
      %run_scoped3A = tpu.sem_alloc : memref<!tpu.dma_semaphore, #tpu.memory_space<semaphore_mem>>
      %dma_start3A_89 = arith.constant 0 : i32
      %dma_start3A_90 = arith.constant 0 : i32
      %dma_start3A_91 = tpu.memref_slice %arg5[%arg0, %dma_start3A_89, %dma_start3A_90] : memref<2x10240x128xf32, #tpu.memory_space<hbm>> -> memref<1x10240x128xf32, #tpu.memory_space<hbm>>
      %dma_start3A_92 = tpu.memref_squeeze %dma_start3A_91 : memref<1x10240x128xf32, #tpu.memory_space<hbm>> -> memref<10240x128xf32, #tpu.memory_space<hbm>>
      %dma_start3A_93 = arith.constant 0 : i32
      %dma_start3A_94 = tpu.memref_slice %dma_start3A_92[%add3A_80, %dma_start3A_93] : memref<10240x128xf32, #tpu.memory_space<hbm>> -> memref<128x128xf32, #tpu.memory_space<hbm>>
      %dma_start3A_95 = arith.constant 0 : i32
      %dma_start3A_96 = arith.constant 0 : i32
      %dma_start3A_97 = tpu.memref_slice %arg5[%arg0, %dma_start3A_95, %dma_start3A_96] : memref<2x10240x128xf32, #tpu.memory_space<hbm>> -> memref<1x10240x128xf32, #tpu.memory_space<hbm>>
      %dma_start3A_98 = tpu.memref_squeeze %dma_start3A_97 : memref<1x10240x128xf32, #tpu.memory_space<hbm>> -> memref<10240x128xf32, #tpu.memory_space<hbm>>
      %dma_start3A_99 = arith.constant 0 : i32
      %dma_start3A_100 = tpu.memref_slice %dma_start3A_98[%add3A_80, %dma_start3A_99] : memref<10240x128xf32, #tpu.memory_space<hbm>> -> memref<128x128xf32, #tpu.memory_space<hbm>>
      tpu.enqueue_dma source(%arg10 : memref<128x128xf32, #tpu.memory_space<vmem>>) target(%dma_start3A_100 : memref<128x128xf32, #tpu.memory_space<hbm>>) target_semaphore(%run_scoped3A : memref<!tpu.dma_semaphore, #tpu.memory_space<semaphore_mem>>)
      %dma_wait3A_101 = arith.constant 0 : i32
      %dma_wait3A_102 = arith.constant 0 : i32
      %dma_wait3A_103 = tpu.memref_slice %arg5[%arg0, %dma_wait3A_101, %dma_wait3A_102] : memref<2x10240x128xf32, #tpu.memory_space<hbm>> -> memref<1x10240x128xf32, #tpu.memory_space<hbm>>
      %dma_wait3A_104 = tpu.memref_squeeze %dma_wait3A_103 : memref<1x10240x128xf32, #tpu.memory_space<hbm>> -> memref<10240x128xf32, #tpu.memory_space<hbm>>
      %dma_wait3A_105 = arith.constant 0 : i32
      %dma_wait3A_106 = tpu.memref_slice %dma_wait3A_104[%add3A_80, %dma_wait3A_105] : memref<10240x128xf32, #tpu.memory_space<hbm>> -> memref<128x128xf32, #tpu.memory_space<hbm>>
      %dma_wait3A_107 = arith.constant 0 : i32
      %dma_wait3A_108 = arith.constant 0 : i32
      %dma_wait3A_109 = tpu.memref_slice %arg5[%arg0, %dma_wait3A_107, %dma_wait3A_108] : memref<2x10240x128xf32, #tpu.memory_space<hbm>> -> memref<1x10240x128xf32, #tpu.memory_space<hbm>>
      %dma_wait3A_110 = tpu.memref_squeeze %dma_wait3A_109 : memref<1x10240x128xf32, #tpu.memory_space<hbm>> -> memref<10240x128xf32, #tpu.memory_space<hbm>>
      %dma_wait3A_111 = arith.constant 0 : i32
      %dma_wait3A_112 = tpu.memref_slice %dma_wait3A_110[%add3A_80, %dma_wait3A_111] : memref<10240x128xf32, #tpu.memory_space<hbm>> -> memref<128x128xf32, #tpu.memory_space<hbm>>
      tpu.wait_dma2 semaphore(%run_scoped3A : memref<!tpu.dma_semaphore, #tpu.memory_space<semaphore_mem>>) src(%arg10 : memref<128x128xf32, #tpu.memory_space<vmem>>) dst(%dma_wait3A_112 : memref<128x128xf32, #tpu.memory_space<hbm>>)
      tpu.yield
    }) : () -> ()
    %add3A_81 = arith.constant 128 : i32
    %add3A_82 = arith.addi %mul3A_8, %add3A_81 : i32
    "tpu.region"() ({
      %run_scoped3A = tpu.sem_alloc : memref<!tpu.dma_semaphore, #tpu.memory_space<semaphore_mem>>
      %dma_start3A_89 = arith.constant 0 : i32
      %dma_start3A_90 = tpu.memref_slice %arg12[%add3A_82, %dma_start3A_89] : memref<10240x128xf32, #tpu.memory_space<vmem_shared>> -> memref<128x128xf32, #tpu.memory_space<vmem_shared>>
      %dma_start3A_91 = arith.constant 0 : i32
      %dma_start3A_92 = tpu.memref_slice %arg12[%add3A_82, %dma_start3A_91] : memref<10240x128xf32, #tpu.memory_space<vmem_shared>> -> memref<128x128xf32, #tpu.memory_space<vmem_shared>>
      tpu.enqueue_dma source(%dma_start3A_92 : memref<128x128xf32, #tpu.memory_space<vmem_shared>>) target(%arg10 : memref<128x128xf32, #tpu.memory_space<vmem>>) target_semaphore(%run_scoped3A : memref<!tpu.dma_semaphore, #tpu.memory_space<semaphore_mem>>)
      %dma_wait3A_93 = arith.constant 0 : i32
      %dma_wait3A_94 = tpu.memref_slice %arg12[%add3A_82, %dma_wait3A_93] : memref<10240x128xf32, #tpu.memory_space<vmem_shared>> -> memref<128x128xf32, #tpu.memory_space<vmem_shared>>
      %dma_wait3A_95 = arith.constant 0 : i32
      %dma_wait3A_96 = tpu.memref_slice %arg12[%add3A_82, %dma_wait3A_95] : memref<10240x128xf32, #tpu.memory_space<vmem_shared>> -> memref<128x128xf32, #tpu.memory_space<vmem_shared>>
      tpu.wait_dma2 semaphore(%run_scoped3A : memref<!tpu.dma_semaphore, #tpu.memory_space<semaphore_mem>>) src(%dma_wait3A_96 : memref<128x128xf32, #tpu.memory_space<vmem_shared>>) dst(%arg10 : memref<128x128xf32, #tpu.memory_space<vmem>>)
      tpu.yield
    }) : () -> ()
    "tpu.region"() ({
      %run_scoped3A = tpu.sem_alloc : memref<!tpu.dma_semaphore, #tpu.memory_space<semaphore_mem>>
      %dma_start3A_89 = arith.constant 0 : i32
      %dma_start3A_90 = arith.constant 0 : i32
      %dma_start3A_91 = tpu.memref_slice %arg5[%arg0, %dma_start3A_89, %dma_start3A_90] : memref<2x10240x128xf32, #tpu.memory_space<hbm>> -> memref<1x10240x128xf32, #tpu.memory_space<hbm>>
      %dma_start3A_92 = tpu.memref_squeeze %dma_start3A_91 : memref<1x10240x128xf32, #tpu.memory_space<hbm>> -> memref<10240x128xf32, #tpu.memory_space<hbm>>
      %dma_start3A_93 = arith.constant 0 : i32
      %dma_start3A_94 = tpu.memref_slice %dma_start3A_92[%add3A_82, %dma_start3A_93] : memref<10240x128xf32, #tpu.memory_space<hbm>> -> memref<128x128xf32, #tpu.memory_space<hbm>>
      %dma_start3A_95 = arith.constant 0 : i32
      %dma_start3A_96 = arith.constant 0 : i32
      %dma_start3A_97 = tpu.memref_slice %arg5[%arg0, %dma_start3A_95, %dma_start3A_96] : memref<2x10240x128xf32, #tpu.memory_space<hbm>> -> memref<1x10240x128xf32, #tpu.memory_space<hbm>>
      %dma_start3A_98 = tpu.memref_squeeze %dma_start3A_97 : memref<1x10240x128xf32, #tpu.memory_space<hbm>> -> memref<10240x128xf32, #tpu.memory_space<hbm>>
      %dma_start3A_99 = arith.constant 0 : i32
      %dma_start3A_100 = tpu.memref_slice %dma_start3A_98[%add3A_82, %dma_start3A_99] : memref<10240x128xf32, #tpu.memory_space<hbm>> -> memref<128x128xf32, #tpu.memory_space<hbm>>
      tpu.enqueue_dma source(%arg10 : memref<128x128xf32, #tpu.memory_space<vmem>>) target(%dma_start3A_100 : memref<128x128xf32, #tpu.memory_space<hbm>>) target_semaphore(%run_scoped3A : memref<!tpu.dma_semaphore, #tpu.memory_space<semaphore_mem>>)
      %dma_wait3A_101 = arith.constant 0 : i32
      %dma_wait3A_102 = arith.constant 0 : i32
      %dma_wait3A_103 = tpu.memref_slice %arg5[%arg0, %dma_wait3A_101, %dma_wait3A_102] : memref<2x10240x128xf32, #tpu.memory_space<hbm>> -> memref<1x10240x128xf32, #tpu.memory_space<hbm>>
      %dma_wait3A_104 = tpu.memref_squeeze %dma_wait3A_103 : memref<1x10240x128xf32, #tpu.memory_space<hbm>> -> memref<10240x128xf32, #tpu.memory_space<hbm>>
      %dma_wait3A_105 = arith.constant 0 : i32
      %dma_wait3A_106 = tpu.memref_slice %dma_wait3A_104[%add3A_82, %dma_wait3A_105] : memref<10240x128xf32, #tpu.memory_space<hbm>> -> memref<128x128xf32, #tpu.memory_space<hbm>>
      %dma_wait3A_107 = arith.constant 0 : i32
      %dma_wait3A_108 = arith.constant 0 : i32
      %dma_wait3A_109 = tpu.memref_slice %arg5[%arg0, %dma_wait3A_107, %dma_wait3A_108] : memref<2x10240x128xf32, #tpu.memory_space<hbm>> -> memref<1x10240x128xf32, #tpu.memory_space<hbm>>
      %dma_wait3A_110 = tpu.memref_squeeze %dma_wait3A_109 : memref<1x10240x128xf32, #tpu.memory_space<hbm>> -> memref<10240x128xf32, #tpu.memory_space<hbm>>
      %dma_wait3A_111 = arith.constant 0 : i32
      %dma_wait3A_112 = tpu.memref_slice %dma_wait3A_110[%add3A_82, %dma_wait3A_111] : memref<10240x128xf32, #tpu.memory_space<hbm>> -> memref<128x128xf32, #tpu.memory_space<hbm>>
      tpu.wait_dma2 semaphore(%run_scoped3A : memref<!tpu.dma_semaphore, #tpu.memory_space<semaphore_mem>>) src(%arg10 : memref<128x128xf32, #tpu.memory_space<vmem>>) dst(%dma_wait3A_112 : memref<128x128xf32, #tpu.memory_space<hbm>>)
      tpu.yield
    }) : () -> ()
    %add3A_83 = arith.constant 256 : i32
    %add3A_84 = arith.addi %mul3A_8, %add3A_83 : i32
    "tpu.region"() ({
      %run_scoped3A = tpu.sem_alloc : memref<!tpu.dma_semaphore, #tpu.memory_space<semaphore_mem>>
      %dma_start3A_89 = arith.constant 0 : i32
      %dma_start3A_90 = tpu.memref_slice %arg12[%add3A_84, %dma_start3A_89] : memref<10240x128xf32, #tpu.memory_space<vmem_shared>> -> memref<128x128xf32, #tpu.memory_space<vmem_shared>>
      %dma_start3A_91 = arith.constant 0 : i32
      %dma_start3A_92 = tpu.memref_slice %arg12[%add3A_84, %dma_start3A_91] : memref<10240x128xf32, #tpu.memory_space<vmem_shared>> -> memref<128x128xf32, #tpu.memory_space<vmem_shared>>
      tpu.enqueue_dma source(%dma_start3A_92 : memref<128x128xf32, #tpu.memory_space<vmem_shared>>) target(%arg10 : memref<128x128xf32, #tpu.memory_space<vmem>>) target_semaphore(%run_scoped3A : memref<!tpu.dma_semaphore, #tpu.memory_space<semaphore_mem>>)
      %dma_wait3A_93 = arith.constant 0 : i32
      %dma_wait3A_94 = tpu.memref_slice %arg12[%add3A_84, %dma_wait3A_93] : memref<10240x128xf32, #tpu.memory_space<vmem_shared>> -> memref<128x128xf32, #tpu.memory_space<vmem_shared>>
      %dma_wait3A_95 = arith.constant 0 : i32
      %dma_wait3A_96 = tpu.memref_slice %arg12[%add3A_84, %dma_wait3A_95] : memref<10240x128xf32, #tpu.memory_space<vmem_shared>> -> memref<128x128xf32, #tpu.memory_space<vmem_shared>>
      tpu.wait_dma2 semaphore(%run_scoped3A : memref<!tpu.dma_semaphore, #tpu.memory_space<semaphore_mem>>) src(%dma_wait3A_96 : memref<128x128xf32, #tpu.memory_space<vmem_shared>>) dst(%arg10 : memref<128x128xf32, #tpu.memory_space<vmem>>)
      tpu.yield
    }) : () -> ()
    "tpu.region"() ({
      %run_scoped3A = tpu.sem_alloc : memref<!tpu.dma_semaphore, #tpu.memory_space<semaphore_mem>>
      %dma_start3A_89 = arith.constant 0 : i32
      %dma_start3A_90 = arith.constant 0 : i32
      %dma_start3A_91 = tpu.memref_slice %arg5[%arg0, %dma_start3A_89, %dma_start3A_90] : memref<2x10240x128xf32, #tpu.memory_space<hbm>> -> memref<1x10240x128xf32, #tpu.memory_space<hbm>>
      %dma_start3A_92 = tpu.memref_squeeze %dma_start3A_91 : memref<1x10240x128xf32, #tpu.memory_space<hbm>> -> memref<10240x128xf32, #tpu.memory_space<hbm>>
      %dma_start3A_93 = arith.constant 0 : i32
      %dma_start3A_94 = tpu.memref_slice %dma_start3A_92[%add3A_84, %dma_start3A_93] : memref<10240x128xf32, #tpu.memory_space<hbm>> -> memref<128x128xf32, #tpu.memory_space<hbm>>
      %dma_start3A_95 = arith.constant 0 : i32
      %dma_start3A_96 = arith.constant 0 : i32
      %dma_start3A_97 = tpu.memref_slice %arg5[%arg0, %dma_start3A_95, %dma_start3A_96] : memref<2x10240x128xf32, #tpu.memory_space<hbm>> -> memref<1x10240x128xf32, #tpu.memory_space<hbm>>
      %dma_start3A_98 = tpu.memref_squeeze %dma_start3A_97 : memref<1x10240x128xf32, #tpu.memory_space<hbm>> -> memref<10240x128xf32, #tpu.memory_space<hbm>>
      %dma_start3A_99 = arith.constant 0 : i32
      %dma_start3A_100 = tpu.memref_slice %dma_start3A_98[%add3A_84, %dma_start3A_99] : memref<10240x128xf32, #tpu.memory_space<hbm>> -> memref<128x128xf32, #tpu.memory_space<hbm>>
      tpu.enqueue_dma source(%arg10 : memref<128x128xf32, #tpu.memory_space<vmem>>) target(%dma_start3A_100 : memref<128x128xf32, #tpu.memory_space<hbm>>) target_semaphore(%run_scoped3A : memref<!tpu.dma_semaphore, #tpu.memory_space<semaphore_mem>>)
      %dma_wait3A_101 = arith.constant 0 : i32
      %dma_wait3A_102 = arith.constant 0 : i32
      %dma_wait3A_103 = tpu.memref_slice %arg5[%arg0, %dma_wait3A_101, %dma_wait3A_102] : memref<2x10240x128xf32, #tpu.memory_space<hbm>> -> memref<1x10240x128xf32, #tpu.memory_space<hbm>>
      %dma_wait3A_104 = tpu.memref_squeeze %dma_wait3A_103 : memref<1x10240x128xf32, #tpu.memory_space<hbm>> -> memref<10240x128xf32, #tpu.memory_space<hbm>>
      %dma_wait3A_105 = arith.constant 0 : i32
      %dma_wait3A_106 = tpu.memref_slice %dma_wait3A_104[%add3A_84, %dma_wait3A_105] : memref<10240x128xf32, #tpu.memory_space<hbm>> -> memref<128x128xf32, #tpu.memory_space<hbm>>
      %dma_wait3A_107 = arith.constant 0 : i32
      %dma_wait3A_108 = arith.constant 0 : i32
      %dma_wait3A_109 = tpu.memref_slice %arg5[%arg0, %dma_wait3A_107, %dma_wait3A_108] : memref<2x10240x128xf32, #tpu.memory_space<hbm>> -> memref<1x10240x128xf32, #tpu.memory_space<hbm>>
      %dma_wait3A_110 = tpu.memref_squeeze %dma_wait3A_109 : memref<1x10240x128xf32, #tpu.memory_space<hbm>> -> memref<10240x128xf32, #tpu.memory_space<hbm>>
      %dma_wait3A_111 = arith.constant 0 : i32
      %dma_wait3A_112 = tpu.memref_slice %dma_wait3A_110[%add3A_84, %dma_wait3A_111] : memref<10240x128xf32, #tpu.memory_space<hbm>> -> memref<128x128xf32, #tpu.memory_space<hbm>>
      tpu.wait_dma2 semaphore(%run_scoped3A : memref<!tpu.dma_semaphore, #tpu.memory_space<semaphore_mem>>) src(%arg10 : memref<128x128xf32, #tpu.memory_space<vmem>>) dst(%dma_wait3A_112 : memref<128x128xf32, #tpu.memory_space<hbm>>)
      tpu.yield
    }) : () -> ()
    %add3A_85 = arith.constant 384 : i32
    %add3A_86 = arith.addi %mul3A_8, %add3A_85 : i32
    "tpu.region"() ({
      %run_scoped3A = tpu.sem_alloc : memref<!tpu.dma_semaphore, #tpu.memory_space<semaphore_mem>>
      %dma_start3A_89 = arith.constant 0 : i32
      %dma_start3A_90 = tpu.memref_slice %arg12[%add3A_86, %dma_start3A_89] : memref<10240x128xf32, #tpu.memory_space<vmem_shared>> -> memref<128x128xf32, #tpu.memory_space<vmem_shared>>
      %dma_start3A_91 = arith.constant 0 : i32
      %dma_start3A_92 = tpu.memref_slice %arg12[%add3A_86, %dma_start3A_91] : memref<10240x128xf32, #tpu.memory_space<vmem_shared>> -> memref<128x128xf32, #tpu.memory_space<vmem_shared>>
      tpu.enqueue_dma source(%dma_start3A_92 : memref<128x128xf32, #tpu.memory_space<vmem_shared>>) target(%arg10 : memref<128x128xf32, #tpu.memory_space<vmem>>) target_semaphore(%run_scoped3A : memref<!tpu.dma_semaphore, #tpu.memory_space<semaphore_mem>>)
      %dma_wait3A_93 = arith.constant 0 : i32
      %dma_wait3A_94 = tpu.memref_slice %arg12[%add3A_86, %dma_wait3A_93] : memref<10240x128xf32, #tpu.memory_space<vmem_shared>> -> memref<128x128xf32, #tpu.memory_space<vmem_shared>>
      %dma_wait3A_95 = arith.constant 0 : i32
      %dma_wait3A_96 = tpu.memref_slice %arg12[%add3A_86, %dma_wait3A_95] : memref<10240x128xf32, #tpu.memory_space<vmem_shared>> -> memref<128x128xf32, #tpu.memory_space<vmem_shared>>
      tpu.wait_dma2 semaphore(%run_scoped3A : memref<!tpu.dma_semaphore, #tpu.memory_space<semaphore_mem>>) src(%dma_wait3A_96 : memref<128x128xf32, #tpu.memory_space<vmem_shared>>) dst(%arg10 : memref<128x128xf32, #tpu.memory_space<vmem>>)
      tpu.yield
    }) : () -> ()
    "tpu.region"() ({
      %run_scoped3A = tpu.sem_alloc : memref<!tpu.dma_semaphore, #tpu.memory_space<semaphore_mem>>
      %dma_start3A_89 = arith.constant 0 : i32
      %dma_start3A_90 = arith.constant 0 : i32
      %dma_start3A_91 = tpu.memref_slice %arg5[%arg0, %dma_start3A_89, %dma_start3A_90] : memref<2x10240x128xf32, #tpu.memory_space<hbm>> -> memref<1x10240x128xf32, #tpu.memory_space<hbm>>
      %dma_start3A_92 = tpu.memref_squeeze %dma_start3A_91 : memref<1x10240x128xf32, #tpu.memory_space<hbm>> -> memref<10240x128xf32, #tpu.memory_space<hbm>>
      %dma_start3A_93 = arith.constant 0 : i32
      %dma_start3A_94 = tpu.memref_slice %dma_start3A_92[%add3A_86, %dma_start3A_93] : memref<10240x128xf32, #tpu.memory_space<hbm>> -> memref<128x128xf32, #tpu.memory_space<hbm>>
      %dma_start3A_95 = arith.constant 0 : i32
      %dma_start3A_96 = arith.constant 0 : i32
      %dma_start3A_97 = tpu.memref_slice %arg5[%arg0, %dma_start3A_95, %dma_start3A_96] : memref<2x10240x128xf32, #tpu.memory_space<hbm>> -> memref<1x10240x128xf32, #tpu.memory_space<hbm>>
      %dma_start3A_98 = tpu.memref_squeeze %dma_start3A_97 : memref<1x10240x128xf32, #tpu.memory_space<hbm>> -> memref<10240x128xf32, #tpu.memory_space<hbm>>
      %dma_start3A_99 = arith.constant 0 : i32
      %dma_start3A_100 = tpu.memref_slice %dma_start3A_98[%add3A_86, %dma_start3A_99] : memref<10240x128xf32, #tpu.memory_space<hbm>> -> memref<128x128xf32, #tpu.memory_space<hbm>>
      tpu.enqueue_dma source(%arg10 : memref<128x128xf32, #tpu.memory_space<vmem>>) target(%dma_start3A_100 : memref<128x128xf32, #tpu.memory_space<hbm>>) target_semaphore(%run_scoped3A : memref<!tpu.dma_semaphore, #tpu.memory_space<semaphore_mem>>)
      %dma_wait3A_101 = arith.constant 0 : i32
      %dma_wait3A_102 = arith.constant 0 : i32
      %dma_wait3A_103 = tpu.memref_slice %arg5[%arg0, %dma_wait3A_101, %dma_wait3A_102] : memref<2x10240x128xf32, #tpu.memory_space<hbm>> -> memref<1x10240x128xf32, #tpu.memory_space<hbm>>
      %dma_wait3A_104 = tpu.memref_squeeze %dma_wait3A_103 : memref<1x10240x128xf32, #tpu.memory_space<hbm>> -> memref<10240x128xf32, #tpu.memory_space<hbm>>
      %dma_wait3A_105 = arith.constant 0 : i32
      %dma_wait3A_106 = tpu.memref_slice %dma_wait3A_104[%add3A_86, %dma_wait3A_105] : memref<10240x128xf32, #tpu.memory_space<hbm>> -> memref<128x128xf32, #tpu.memory_space<hbm>>
      %dma_wait3A_107 = arith.constant 0 : i32
      %dma_wait3A_108 = arith.constant 0 : i32
      %dma_wait3A_109 = tpu.memref_slice %arg5[%arg0, %dma_wait3A_107, %dma_wait3A_108] : memref<2x10240x128xf32, #tpu.memory_space<hbm>> -> memref<1x10240x128xf32, #tpu.memory_space<hbm>>
      %dma_wait3A_110 = tpu.memref_squeeze %dma_wait3A_109 : memref<1x10240x128xf32, #tpu.memory_space<hbm>> -> memref<10240x128xf32, #tpu.memory_space<hbm>>
      %dma_wait3A_111 = arith.constant 0 : i32
      %dma_wait3A_112 = tpu.memref_slice %dma_wait3A_110[%add3A_86, %dma_wait3A_111] : memref<10240x128xf32, #tpu.memory_space<hbm>> -> memref<128x128xf32, #tpu.memory_space<hbm>>
      tpu.wait_dma2 semaphore(%run_scoped3A : memref<!tpu.dma_semaphore, #tpu.memory_space<semaphore_mem>>) src(%arg10 : memref<128x128xf32, #tpu.memory_space<vmem>>) dst(%dma_wait3A_112 : memref<128x128xf32, #tpu.memory_space<hbm>>)
      tpu.yield
    }) : () -> ()
    %add3A_87 = arith.constant 512 : i32
    %add3A_88 = arith.addi %mul3A_8, %add3A_87 : i32
    "tpu.region"() ({
      %run_scoped3A = tpu.sem_alloc : memref<!tpu.dma_semaphore, #tpu.memory_space<semaphore_mem>>
      %dma_start3A_89 = arith.constant 0 : i32
      %dma_start3A_90 = tpu.memref_slice %arg12[%add3A_88, %dma_start3A_89] : memref<10240x128xf32, #tpu.memory_space<vmem_shared>> -> memref<128x128xf32, #tpu.memory_space<vmem_shared>>
      %dma_start3A_91 = arith.constant 0 : i32
      %dma_start3A_92 = tpu.memref_slice %arg12[%add3A_88, %dma_start3A_91] : memref<10240x128xf32, #tpu.memory_space<vmem_shared>> -> memref<128x128xf32, #tpu.memory_space<vmem_shared>>
      tpu.enqueue_dma source(%dma_start3A_92 : memref<128x128xf32, #tpu.memory_space<vmem_shared>>) target(%arg10 : memref<128x128xf32, #tpu.memory_space<vmem>>) target_semaphore(%run_scoped3A : memref<!tpu.dma_semaphore, #tpu.memory_space<semaphore_mem>>)
      %dma_wait3A_93 = arith.constant 0 : i32
      %dma_wait3A_94 = tpu.memref_slice %arg12[%add3A_88, %dma_wait3A_93] : memref<10240x128xf32, #tpu.memory_space<vmem_shared>> -> memref<128x128xf32, #tpu.memory_space<vmem_shared>>
      %dma_wait3A_95 = arith.constant 0 : i32
      %dma_wait3A_96 = tpu.memref_slice %arg12[%add3A_88, %dma_wait3A_95] : memref<10240x128xf32, #tpu.memory_space<vmem_shared>> -> memref<128x128xf32, #tpu.memory_space<vmem_shared>>
      tpu.wait_dma2 semaphore(%run_scoped3A : memref<!tpu.dma_semaphore, #tpu.memory_space<semaphore_mem>>) src(%dma_wait3A_96 : memref<128x128xf32, #tpu.memory_space<vmem_shared>>) dst(%arg10 : memref<128x128xf32, #tpu.memory_space<vmem>>)
      tpu.yield
    }) : () -> ()
    "tpu.region"() ({
      %run_scoped3A = tpu.sem_alloc : memref<!tpu.dma_semaphore, #tpu.memory_space<semaphore_mem>>
      %dma_start3A_89 = arith.constant 0 : i32
      %dma_start3A_90 = arith.constant 0 : i32
      %dma_start3A_91 = tpu.memref_slice %arg5[%arg0, %dma_start3A_89, %dma_start3A_90] : memref<2x10240x128xf32, #tpu.memory_space<hbm>> -> memref<1x10240x128xf32, #tpu.memory_space<hbm>>
      %dma_start3A_92 = tpu.memref_squeeze %dma_start3A_91 : memref<1x10240x128xf32, #tpu.memory_space<hbm>> -> memref<10240x128xf32, #tpu.memory_space<hbm>>
      %dma_start3A_93 = arith.constant 0 : i32
      %dma_start3A_94 = tpu.memref_slice %dma_start3A_92[%add3A_88, %dma_start3A_93] : memref<10240x128xf32, #tpu.memory_space<hbm>> -> memref<128x128xf32, #tpu.memory_space<hbm>>
      %dma_start3A_95 = arith.constant 0 : i32
      %dma_start3A_96 = arith.constant 0 : i32
      %dma_start3A_97 = tpu.memref_slice %arg5[%arg0, %dma_start3A_95, %dma_start3A_96] : memref<2x10240x128xf32, #tpu.memory_space<hbm>> -> memref<1x10240x128xf32, #tpu.memory_space<hbm>>
      %dma_start3A_98 = tpu.memref_squeeze %dma_start3A_97 : memref<1x10240x128xf32, #tpu.memory_space<hbm>> -> memref<10240x128xf32, #tpu.memory_space<hbm>>
      %dma_start3A_99 = arith.constant 0 : i32
      %dma_start3A_100 = tpu.memref_slice %dma_start3A_98[%add3A_88, %dma_start3A_99] : memref<10240x128xf32, #tpu.memory_space<hbm>> -> memref<128x128xf32, #tpu.memory_space<hbm>>
      tpu.enqueue_dma source(%arg10 : memref<128x128xf32, #tpu.memory_space<vmem>>) target(%dma_start3A_100 : memref<128x128xf32, #tpu.memory_space<hbm>>) target_semaphore(%run_scoped3A : memref<!tpu.dma_semaphore, #tpu.memory_space<semaphore_mem>>)
      %dma_wait3A_101 = arith.constant 0 : i32
      %dma_wait3A_102 = arith.constant 0 : i32
      %dma_wait3A_103 = tpu.memref_slice %arg5[%arg0, %dma_wait3A_101, %dma_wait3A_102] : memref<2x10240x128xf32, #tpu.memory_space<hbm>> -> memref<1x10240x128xf32, #tpu.memory_space<hbm>>
      %dma_wait3A_104 = tpu.memref_squeeze %dma_wait3A_103 : memref<1x10240x128xf32, #tpu.memory_space<hbm>> -> memref<10240x128xf32, #tpu.memory_space<hbm>>
      %dma_wait3A_105 = arith.constant 0 : i32
      %dma_wait3A_106 = tpu.memref_slice %dma_wait3A_104[%add3A_88, %dma_wait3A_105] : memref<10240x128xf32, #tpu.memory_space<hbm>> -> memref<128x128xf32, #tpu.memory_space<hbm>>
      %dma_wait3A_107 = arith.constant 0 : i32
      %dma_wait3A_108 = arith.constant 0 : i32
      %dma_wait3A_109 = tpu.memref_slice %arg5[%arg0, %dma_wait3A_107, %dma_wait3A_108] : memref<2x10240x128xf32, #tpu.memory_space<hbm>> -> memref<1x10240x128xf32, #tpu.memory_space<hbm>>
      %dma_wait3A_110 = tpu.memref_squeeze %dma_wait3A_109 : memref<1x10240x128xf32, #tpu.memory_space<hbm>> -> memref<10240x128xf32, #tpu.memory_space<hbm>>
      %dma_wait3A_111 = arith.constant 0 : i32
      %dma_wait3A_112 = tpu.memref_slice %dma_wait3A_110[%add3A_88, %dma_wait3A_111] : memref<10240x128xf32, #tpu.memory_space<hbm>> -> memref<128x128xf32, #tpu.memory_space<hbm>>
      tpu.wait_dma2 semaphore(%run_scoped3A : memref<!tpu.dma_semaphore, #tpu.memory_space<semaphore_mem>>) src(%arg10 : memref<128x128xf32, #tpu.memory_space<vmem>>) dst(%dma_wait3A_112 : memref<128x128xf32, #tpu.memory_space<hbm>>)
      tpu.yield
    }) : () -> ()
    return
  }
}

#map = affine_map<(d0, d1) -> (0, 0)>
#map1 = affine_map<(d0, d1) -> (0)>
#map2 = affine_map<(d0, d1) -> (0, 0, 0)>
module attributes {stable_mosaic.version = 14 : i64} {
  func.func @_sc_edgeprep(%arg0: i32, %arg1: i32, %arg2: memref<327680x128xf32, #tpu.memory_space<hbm>>, %arg3: memref<327680xi32, #tpu.memory_space<hbm>>, %arg4: memref<2x10240x128xf32, #tpu.memory_space<hbm>>, %arg5: memref<128xi32, #tpu.memory_space<vmem>>, %arg6: memref<128xi32, #tpu.memory_space<vmem>>, %arg7: memref<128x128xf32, #tpu.memory_space<vmem>>, %arg8: memref<128x128xf32, #tpu.memory_space<vmem>>, %arg9: memref<10240x128xf32, #tpu.memory_space<vmem_shared>>, %arg10: memref<!tpu.dma_semaphore, #tpu.memory_space<semaphore_mem>>, %arg11: memref<!tpu.dma_semaphore, #tpu.memory_space<semaphore_mem>>, %arg12: memref<!tpu.dma_semaphore, #tpu.memory_space<semaphore_mem>>, %arg13: memref<!tpu.dma_semaphore, #tpu.memory_space<semaphore_mem>>) attributes {dimension_semantics = [#tpu.dimension_semantics<core_parallel>, #tpu.dimension_semantics<subcore_parallel>], iteration_bounds = array<i64: 2, 16>, scalar_prefetch = 0 : i64, scratch_operands = 9 : i64, tpu.core_type = #tpu.core_type<sc_vector_subcore>, window_params = [{transform_indices = #map}, {transform_indices = #map1}, {transform_indices = #map2}]} {
    %mul3A = arith.constant 2 : i32
    %mul3A_0 = arith.muli %arg1, %mul3A : i32
    %add3A = arith.addi %mul3A_0, %arg0 : i32
    %scan3A = arith.constant 0 : i32
    %scan3A_1 = arith.constant 0 : i32
    %scan3A_2 = arith.constant 128 : i32
    %scan3A_3 = arith.addi %scan3A_1, %scan3A_2 : i32
    %scan3A_4 = arith.constant 1 : i32
    %scan3A_5 = scf.for %scan3A_79 = %scan3A_1 to %scan3A_3 step %scan3A_4 iter_args(%scan3A_80 = %scan3A) -> (i32)  : i32 {
      %broadcast_in_dim3A = arith.constant 0.000000e+00 : f32
      %broadcast_in_dim3A_81 = vector.broadcast %broadcast_in_dim3A : f32 to vector<16xf32>
      %swap3A = arith.index_cast %scan3A_79 : i32 to index
      %swap3A_82 = arith.constant 0 : index
      %swap3A_83 = tpu.vector_load %arg7[%swap3A, %swap3A_82] {strides = array<i32>} : memref<128x128xf32, #tpu.memory_space<vmem>>, vector<1x16xf32>,
      %swap3A_84 = vector.shape_cast %swap3A_83 : vector<1x16xf32> to vector<16xf32>
      %swap3A_85 = vector.shape_cast %broadcast_in_dim3A_81 : vector<16xf32> to vector<1x16xf32>
      tpu.vector_store %arg7[%swap3A, %swap3A_82], %swap3A_85 {strides = array<i32>} : memref<128x128xf32, #tpu.memory_space<vmem>>, vector<1x16xf32>,
      %broadcast_in_dim3A_86 = arith.constant 0.000000e+00 : f32
      %broadcast_in_dim3A_87 = vector.broadcast %broadcast_in_dim3A_86 : f32 to vector<16xf32>
      %swap3A_88 = arith.index_cast %scan3A_79 : i32 to index
      %swap3A_89 = arith.constant 16 : index
      %swap3A_90 = tpu.vector_load %arg7[%swap3A_88, %swap3A_89] {strides = array<i32>} : memref<128x128xf32, #tpu.memory_space<vmem>>, vector<1x16xf32>,
      %swap3A_91 = vector.shape_cast %swap3A_90 : vector<1x16xf32> to vector<16xf32>
      %swap3A_92 = vector.shape_cast %broadcast_in_dim3A_87 : vector<16xf32> to vector<1x16xf32>
      tpu.vector_store %arg7[%swap3A_88, %swap3A_89], %swap3A_92 {strides = array<i32>} : memref<128x128xf32, #tpu.memory_space<vmem>>, vector<1x16xf32>,
      %broadcast_in_dim3A_93 = arith.constant 0.000000e+00 : f32
      %broadcast_in_dim3A_94 = vector.broadcast %broadcast_in_dim3A_93 : f32 to vector<16xf32>
      %swap3A_95 = arith.index_cast %scan3A_79 : i32 to index
      %swap3A_96 = arith.constant 32 : index
      %swap3A_97 = tpu.vector_load %arg7[%swap3A_95, %swap3A_96] {strides = array<i32>} : memref<128x128xf32, #tpu.memory_space<vmem>>, vector<1x16xf32>,
      %swap3A_98 = vector.shape_cast %swap3A_97 : vector<1x16xf32> to vector<16xf32>
      %swap3A_99 = vector.shape_cast %broadcast_in_dim3A_94 : vector<16xf32> to vector<1x16xf32>
      tpu.vector_store %arg7[%swap3A_95, %swap3A_96], %swap3A_99 {strides = array<i32>} : memref<128x128xf32, #tpu.memory_space<vmem>>, vector<1x16xf32>,
      %broadcast_in_dim3A_100 = arith.constant 0.000000e+00 : f32
      %broadcast_in_dim3A_101 = vector.broadcast %broadcast_in_dim3A_100 : f32 to vector<16xf32>
      %swap3A_102 = arith.index_cast %scan3A_79 : i32 to index
      %swap3A_103 = arith.constant 48 : index
      %swap3A_104 = tpu.vector_load %arg7[%swap3A_102, %swap3A_103] {strides = array<i32>} : memref<128x128xf32, #tpu.memory_space<vmem>>, vector<1x16xf32>,
      %swap3A_105 = vector.shape_cast %swap3A_104 : vector<1x16xf32> to vector<16xf32>
      %swap3A_106 = vector.shape_cast %broadcast_in_dim3A_101 : vector<16xf32> to vector<1x16xf32>
      tpu.vector_store %arg7[%swap3A_102, %swap3A_103], %swap3A_106 {strides = array<i32>} : memref<128x128xf32, #tpu.memory_space<vmem>>, vector<1x16xf32>,
      %broadcast_in_dim3A_107 = arith.constant 0.000000e+00 : f32
      %broadcast_in_dim3A_108 = vector.broadcast %broadcast_in_dim3A_107 : f32 to vector<16xf32>
      %swap3A_109 = arith.index_cast %scan3A_79 : i32 to index
      %swap3A_110 = arith.constant 64 : index
      %swap3A_111 = tpu.vector_load %arg7[%swap3A_109, %swap3A_110] {strides = array<i32>} : memref<128x128xf32, #tpu.memory_space<vmem>>, vector<1x16xf32>,
      %swap3A_112 = vector.shape_cast %swap3A_111 : vector<1x16xf32> to vector<16xf32>
      %swap3A_113 = vector.shape_cast %broadcast_in_dim3A_108 : vector<16xf32> to vector<1x16xf32>
      tpu.vector_store %arg7[%swap3A_109, %swap3A_110], %swap3A_113 {strides = array<i32>} : memref<128x128xf32, #tpu.memory_space<vmem>>, vector<1x16xf32>,
      %broadcast_in_dim3A_114 = arith.constant 0.000000e+00 : f32
      %broadcast_in_dim3A_115 = vector.broadcast %broadcast_in_dim3A_114 : f32 to vector<16xf32>
      %swap3A_116 = arith.index_cast %scan3A_79 : i32 to index
      %swap3A_117 = arith.constant 80 : index
      %swap3A_118 = tpu.vector_load %arg7[%swap3A_116, %swap3A_117] {strides = array<i32>} : memref<128x128xf32, #tpu.memory_space<vmem>>, vector<1x16xf32>,
      %swap3A_119 = vector.shape_cast %swap3A_118 : vector<1x16xf32> to vector<16xf32>
      %swap3A_120 = vector.shape_cast %broadcast_in_dim3A_115 : vector<16xf32> to vector<1x16xf32>
      tpu.vector_store %arg7[%swap3A_116, %swap3A_117], %swap3A_120 {strides = array<i32>} : memref<128x128xf32, #tpu.memory_space<vmem>>, vector<1x16xf32>,
      %broadcast_in_dim3A_121 = arith.constant 0.000000e+00 : f32
      %broadcast_in_dim3A_122 = vector.broadcast %broadcast_in_dim3A_121 : f32 to vector<16xf32>
      %swap3A_123 = arith.index_cast %scan3A_79 : i32 to index
      %swap3A_124 = arith.constant 96 : index
      %swap3A_125 = tpu.vector_load %arg7[%swap3A_123, %swap3A_124] {strides = array<i32>} : memref<128x128xf32, #tpu.memory_space<vmem>>, vector<1x16xf32>,
      %swap3A_126 = vector.shape_cast %swap3A_125 : vector<1x16xf32> to vector<16xf32>
      %swap3A_127 = vector.shape_cast %broadcast_in_dim3A_122 : vector<16xf32> to vector<1x16xf32>
      tpu.vector_store %arg7[%swap3A_123, %swap3A_124], %swap3A_127 {strides = array<i32>} : memref<128x128xf32, #tpu.memory_space<vmem>>, vector<1x16xf32>,
      %broadcast_in_dim3A_128 = arith.constant 0.000000e+00 : f32
      %broadcast_in_dim3A_129 = vector.broadcast %broadcast_in_dim3A_128 : f32 to vector<16xf32>
      %swap3A_130 = arith.index_cast %scan3A_79 : i32 to index
      %swap3A_131 = arith.constant 112 : index
      %swap3A_132 = tpu.vector_load %arg7[%swap3A_130, %swap3A_131] {strides = array<i32>} : memref<128x128xf32, #tpu.memory_space<vmem>>, vector<1x16xf32>,
      %swap3A_133 = vector.shape_cast %swap3A_132 : vector<1x16xf32> to vector<16xf32>
      %swap3A_134 = vector.shape_cast %broadcast_in_dim3A_129 : vector<16xf32> to vector<1x16xf32>
      tpu.vector_store %arg7[%swap3A_130, %swap3A_131], %swap3A_134 {strides = array<i32>} : memref<128x128xf32, #tpu.memory_space<vmem>>, vector<1x16xf32>,
      %scan3A_135 = arith.constant 0 : i32
      scf.yield %scan3A_135 : i32
    }
    %scan3A_6 = arith.constant 128 : i32
    %mul3A_7 = arith.constant 640 : i32
    %mul3A_8 = arith.muli %arg1, %mul3A_7 : i32
    %add3A_9 = arith.constant 0 : i32
    %add3A_10 = arith.addi %mul3A_8, %add3A_9 : i32
    "tpu.region"() ({
      %run_scoped3A = tpu.sem_alloc : memref<!tpu.dma_semaphore, #tpu.memory_space<semaphore_mem>>
      %dma_start3A_79 = arith.constant 0 : i32
      %dma_start3A_80 = tpu.memref_slice %arg9[%add3A_10, %dma_start3A_79] : memref<10240x128xf32, #tpu.memory_space<vmem_shared>> -> memref<128x128xf32, #tpu.memory_space<vmem_shared>>
      %dma_start3A_81 = arith.constant 0 : i32
      %dma_start3A_82 = tpu.memref_slice %arg9[%add3A_10, %dma_start3A_81] : memref<10240x128xf32, #tpu.memory_space<vmem_shared>> -> memref<128x128xf32, #tpu.memory_space<vmem_shared>>
      tpu.enqueue_dma source(%arg7 : memref<128x128xf32, #tpu.memory_space<vmem>>) target(%dma_start3A_82 : memref<128x128xf32, #tpu.memory_space<vmem_shared>>) target_semaphore(%run_scoped3A : memref<!tpu.dma_semaphore, #tpu.memory_space<semaphore_mem>>)
      %dma_wait3A_83 = arith.constant 0 : i32
      %dma_wait3A_84 = tpu.memref_slice %arg9[%add3A_10, %dma_wait3A_83] : memref<10240x128xf32, #tpu.memory_space<vmem_shared>> -> memref<128x128xf32, #tpu.memory_space<vmem_shared>>
      %dma_wait3A_85 = arith.constant 0 : i32
      %dma_wait3A_86 = tpu.memref_slice %arg9[%add3A_10, %dma_wait3A_85] : memref<10240x128xf32, #tpu.memory_space<vmem_shared>> -> memref<128x128xf32, #tpu.memory_space<vmem_shared>>
      tpu.wait_dma2 semaphore(%run_scoped3A : memref<!tpu.dma_semaphore, #tpu.memory_space<semaphore_mem>>) src(%arg7 : memref<128x128xf32, #tpu.memory_space<vmem>>) dst(%dma_wait3A_86 : memref<128x128xf32, #tpu.memory_space<vmem_shared>>)
      tpu.yield
    }) : () -> ()
    %add3A_11 = arith.constant 128 : i32
    %add3A_12 = arith.addi %mul3A_8, %add3A_11 : i32
    "tpu.region"() ({
      %run_scoped3A = tpu.sem_alloc : memref<!tpu.dma_semaphore, #tpu.memory_space<semaphore_mem>>
      %dma_start3A_79 = arith.constant 0 : i32
      %dma_start3A_80 = tpu.memref_slice %arg9[%add3A_12, %dma_start3A_79] : memref<10240x128xf32, #tpu.memory_space<vmem_shared>> -> memref<128x128xf32, #tpu.memory_space<vmem_shared>>
      %dma_start3A_81 = arith.constant 0 : i32
      %dma_start3A_82 = tpu.memref_slice %arg9[%add3A_12, %dma_start3A_81] : memref<10240x128xf32, #tpu.memory_space<vmem_shared>> -> memref<128x128xf32, #tpu.memory_space<vmem_shared>>
      tpu.enqueue_dma source(%arg7 : memref<128x128xf32, #tpu.memory_space<vmem>>) target(%dma_start3A_82 : memref<128x128xf32, #tpu.memory_space<vmem_shared>>) target_semaphore(%run_scoped3A : memref<!tpu.dma_semaphore, #tpu.memory_space<semaphore_mem>>)
      %dma_wait3A_83 = arith.constant 0 : i32
      %dma_wait3A_84 = tpu.memref_slice %arg9[%add3A_12, %dma_wait3A_83] : memref<10240x128xf32, #tpu.memory_space<vmem_shared>> -> memref<128x128xf32, #tpu.memory_space<vmem_shared>>
      %dma_wait3A_85 = arith.constant 0 : i32
      %dma_wait3A_86 = tpu.memref_slice %arg9[%add3A_12, %dma_wait3A_85] : memref<10240x128xf32, #tpu.memory_space<vmem_shared>> -> memref<128x128xf32, #tpu.memory_space<vmem_shared>>
      tpu.wait_dma2 semaphore(%run_scoped3A : memref<!tpu.dma_semaphore, #tpu.memory_space<semaphore_mem>>) src(%arg7 : memref<128x128xf32, #tpu.memory_space<vmem>>) dst(%dma_wait3A_86 : memref<128x128xf32, #tpu.memory_space<vmem_shared>>)
      tpu.yield
    }) : () -> ()
    %add3A_13 = arith.constant 256 : i32
    %add3A_14 = arith.addi %mul3A_8, %add3A_13 : i32
    "tpu.region"() ({
      %run_scoped3A = tpu.sem_alloc : memref<!tpu.dma_semaphore, #tpu.memory_space<semaphore_mem>>
      %dma_start3A_79 = arith.constant 0 : i32
      %dma_start3A_80 = tpu.memref_slice %arg9[%add3A_14, %dma_start3A_79] : memref<10240x128xf32, #tpu.memory_space<vmem_shared>> -> memref<128x128xf32, #tpu.memory_space<vmem_shared>>
      %dma_start3A_81 = arith.constant 0 : i32
      %dma_start3A_82 = tpu.memref_slice %arg9[%add3A_14, %dma_start3A_81] : memref<10240x128xf32, #tpu.memory_space<vmem_shared>> -> memref<128x128xf32, #tpu.memory_space<vmem_shared>>
      tpu.enqueue_dma source(%arg7 : memref<128x128xf32, #tpu.memory_space<vmem>>) target(%dma_start3A_82 : memref<128x128xf32, #tpu.memory_space<vmem_shared>>) target_semaphore(%run_scoped3A : memref<!tpu.dma_semaphore, #tpu.memory_space<semaphore_mem>>)
      %dma_wait3A_83 = arith.constant 0 : i32
      %dma_wait3A_84 = tpu.memref_slice %arg9[%add3A_14, %dma_wait3A_83] : memref<10240x128xf32, #tpu.memory_space<vmem_shared>> -> memref<128x128xf32, #tpu.memory_space<vmem_shared>>
      %dma_wait3A_85 = arith.constant 0 : i32
      %dma_wait3A_86 = tpu.memref_slice %arg9[%add3A_14, %dma_wait3A_85] : memref<10240x128xf32, #tpu.memory_space<vmem_shared>> -> memref<128x128xf32, #tpu.memory_space<vmem_shared>>
      tpu.wait_dma2 semaphore(%run_scoped3A : memref<!tpu.dma_semaphore, #tpu.memory_space<semaphore_mem>>) src(%arg7 : memref<128x128xf32, #tpu.memory_space<vmem>>) dst(%dma_wait3A_86 : memref<128x128xf32, #tpu.memory_space<vmem_shared>>)
      tpu.yield
    }) : () -> ()
    %add3A_15 = arith.constant 384 : i32
    %add3A_16 = arith.addi %mul3A_8, %add3A_15 : i32
    "tpu.region"() ({
      %run_scoped3A = tpu.sem_alloc : memref<!tpu.dma_semaphore, #tpu.memory_space<semaphore_mem>>
      %dma_start3A_79 = arith.constant 0 : i32
      %dma_start3A_80 = tpu.memref_slice %arg9[%add3A_16, %dma_start3A_79] : memref<10240x128xf32, #tpu.memory_space<vmem_shared>> -> memref<128x128xf32, #tpu.memory_space<vmem_shared>>
      %dma_start3A_81 = arith.constant 0 : i32
      %dma_start3A_82 = tpu.memref_slice %arg9[%add3A_16, %dma_start3A_81] : memref<10240x128xf32, #tpu.memory_space<vmem_shared>> -> memref<128x128xf32, #tpu.memory_space<vmem_shared>>
      tpu.enqueue_dma source(%arg7 : memref<128x128xf32, #tpu.memory_space<vmem>>) target(%dma_start3A_82 : memref<128x128xf32, #tpu.memory_space<vmem_shared>>) target_semaphore(%run_scoped3A : memref<!tpu.dma_semaphore, #tpu.memory_space<semaphore_mem>>)
      %dma_wait3A_83 = arith.constant 0 : i32
      %dma_wait3A_84 = tpu.memref_slice %arg9[%add3A_16, %dma_wait3A_83] : memref<10240x128xf32, #tpu.memory_space<vmem_shared>> -> memref<128x128xf32, #tpu.memory_space<vmem_shared>>
      %dma_wait3A_85 = arith.constant 0 : i32
      %dma_wait3A_86 = tpu.memref_slice %arg9[%add3A_16, %dma_wait3A_85] : memref<10240x128xf32, #tpu.memory_space<vmem_shared>> -> memref<128x128xf32, #tpu.memory_space<vmem_shared>>
      tpu.wait_dma2 semaphore(%run_scoped3A : memref<!tpu.dma_semaphore, #tpu.memory_space<semaphore_mem>>) src(%arg7 : memref<128x128xf32, #tpu.memory_space<vmem>>) dst(%dma_wait3A_86 : memref<128x128xf32, #tpu.memory_space<vmem_shared>>)
      tpu.yield
    }) : () -> ()
    %add3A_17 = arith.constant 512 : i32
    %add3A_18 = arith.addi %mul3A_8, %add3A_17 : i32
    "tpu.region"() ({
      %run_scoped3A = tpu.sem_alloc : memref<!tpu.dma_semaphore, #tpu.memory_space<semaphore_mem>>
      %dma_start3A_79 = arith.constant 0 : i32
      %dma_start3A_80 = tpu.memref_slice %arg9[%add3A_18, %dma_start3A_79] : memref<10240x128xf32, #tpu.memory_space<vmem_shared>> -> memref<128x128xf32, #tpu.memory_space<vmem_shared>>
      %dma_start3A_81 = arith.constant 0 : i32
      %dma_start3A_82 = tpu.memref_slice %arg9[%add3A_18, %dma_start3A_81] : memref<10240x128xf32, #tpu.memory_space<vmem_shared>> -> memref<128x128xf32, #tpu.memory_space<vmem_shared>>
      tpu.enqueue_dma source(%arg7 : memref<128x128xf32, #tpu.memory_space<vmem>>) target(%dma_start3A_82 : memref<128x128xf32, #tpu.memory_space<vmem_shared>>) target_semaphore(%run_scoped3A : memref<!tpu.dma_semaphore, #tpu.memory_space<semaphore_mem>>)
      %dma_wait3A_83 = arith.constant 0 : i32
      %dma_wait3A_84 = tpu.memref_slice %arg9[%add3A_18, %dma_wait3A_83] : memref<10240x128xf32, #tpu.memory_space<vmem_shared>> -> memref<128x128xf32, #tpu.memory_space<vmem_shared>>
      %dma_wait3A_85 = arith.constant 0 : i32
      %dma_wait3A_86 = tpu.memref_slice %arg9[%add3A_18, %dma_wait3A_85] : memref<10240x128xf32, #tpu.memory_space<vmem_shared>> -> memref<128x128xf32, #tpu.memory_space<vmem_shared>>
      tpu.wait_dma2 semaphore(%run_scoped3A : memref<!tpu.dma_semaphore, #tpu.memory_space<semaphore_mem>>) src(%arg7 : memref<128x128xf32, #tpu.memory_space<vmem>>) dst(%dma_wait3A_86 : memref<128x128xf32, #tpu.memory_space<vmem_shared>>)
      tpu.yield
    }) : () -> ()
    %barrier3A = arith.constant 0 : index
    tpu.barrier barrier_id(%barrier3A)
    %mul3A_19 = arith.constant 80 : i32
    %mul3A_20 = arith.muli %add3A, %mul3A_19 : i32
    %mul3A_21 = arith.constant 128 : i32
    %mul3A_22 = arith.muli %mul3A_20, %mul3A_21 : i32
    %add3A_23 = arith.constant 0 : i32
    %add3A_24 = arith.addi %mul3A_22, %add3A_23 : i32
    %dma_start3A = tpu.memref_slice %arg3[%add3A_24] : memref<327680xi32, #tpu.memory_space<hbm>> -> memref<128xi32, #tpu.memory_space<hbm>>
    %dma_start3A_25 = tpu.memref_slice %arg3[%add3A_24] : memref<327680xi32, #tpu.memory_space<hbm>> -> memref<128xi32, #tpu.memory_space<hbm>>
    tpu.enqueue_dma source(%dma_start3A_25 : memref<128xi32, #tpu.memory_space<hbm>>) target(%arg5 : memref<128xi32, #tpu.memory_space<vmem>>) target_semaphore(%arg12 : memref<!tpu.dma_semaphore, #tpu.memory_space<semaphore_mem>>)
    %add3A_26 = arith.constant 0 : i32
    %add3A_27 = arith.addi %mul3A_22, %add3A_26 : i32
    %dma_start3A_28 = arith.constant 0 : i32
    %dma_start3A_29 = tpu.memref_slice %arg2[%add3A_27, %dma_start3A_28] : memref<327680x128xf32, #tpu.memory_space<hbm>> -> memref<128x128xf32, #tpu.memory_space<hbm>>
    %dma_start3A_30 = arith.constant 0 : i32
    %dma_start3A_31 = tpu.memref_slice %arg2[%add3A_27, %dma_start3A_30] : memref<327680x128xf32, #tpu.memory_space<hbm>> -> memref<128x128xf32, #tpu.memory_space<hbm>>
    tpu.enqueue_dma source(%dma_start3A_31 : memref<128x128xf32, #tpu.memory_space<hbm>>) target(%arg7 : memref<128x128xf32, #tpu.memory_space<vmem>>) target_semaphore(%arg10 : memref<!tpu.dma_semaphore, #tpu.memory_space<semaphore_mem>>)
    %add3A_32 = arith.constant 128 : i32
    %add3A_33 = arith.addi %mul3A_22, %add3A_32 : i32
    %dma_start3A_34 = tpu.memref_slice %arg3[%add3A_33] : memref<327680xi32, #tpu.memory_space<hbm>> -> memref<128xi32, #tpu.memory_space<hbm>>
    %dma_start3A_35 = tpu.memref_slice %arg3[%add3A_33] : memref<327680xi32, #tpu.memory_space<hbm>> -> memref<128xi32, #tpu.memory_space<hbm>>
    tpu.enqueue_dma source(%dma_start3A_35 : memref<128xi32, #tpu.memory_space<hbm>>) target(%arg6 : memref<128xi32, #tpu.memory_space<vmem>>) target_semaphore(%arg13 : memref<!tpu.dma_semaphore, #tpu.memory_space<semaphore_mem>>)
    %add3A_36 = arith.constant 128 : i32
    %add3A_37 = arith.addi %mul3A_22, %add3A_36 : i32
    %dma_start3A_38 = arith.constant 0 : i32
    %dma_start3A_39 = tpu.memref_slice %arg2[%add3A_37, %dma_start3A_38] : memref<327680x128xf32, #tpu.memory_space<hbm>> -> memref<128x128xf32, #tpu.memory_space<hbm>>
    %dma_start3A_40 = arith.constant 0 : i32
    %dma_start3A_41 = tpu.memref_slice %arg2[%add3A_37, %dma_start3A_40] : memref<327680x128xf32, #tpu.memory_space<hbm>> -> memref<128x128xf32, #tpu.memory_space<hbm>>
    tpu.enqueue_dma source(%dma_start3A_41 : memref<128x128xf32, #tpu.memory_space<hbm>>) target(%arg8 : memref<128x128xf32, #tpu.memory_space<vmem>>) target_semaphore(%arg11 : memref<!tpu.dma_semaphore, #tpu.memory_space<semaphore_mem>>)
    %scan3A_42 = arith.constant 0 : i32
    %scan3A_43 = arith.constant 0 : i32
    %scan3A_44 = arith.constant 39 : i32
    %scan3A_45 = arith.addi %scan3A_43, %scan3A_44 : i32
    %scan3A_46 = arith.constant 1 : i32
    %scan3A_47 = scf.for %scan3A_79 = %scan3A_43 to %scan3A_45 step %scan3A_46 iter_args(%scan3A_80 = %scan3A_42) -> (i32)  : i32 {
      %mul3A_81 = arith.constant 2 : i32
      %mul3A_82 = arith.muli %mul3A_81, %scan3A_79 : i32
      %dma_wait3A_83 = arith.constant 0 : i32
      %dma_wait3A_84 = tpu.memref_slice %arg3[%dma_wait3A_83] : memref<327680xi32, #tpu.memory_space<hbm>> -> memref<128xi32, #tpu.memory_space<hbm>>
      %dma_wait3A_85 = arith.constant 0 : i32
      %dma_wait3A_86 = tpu.memref_slice %arg3[%dma_wait3A_85] : memref<327680xi32, #tpu.memory_space<hbm>> -> memref<128xi32, #tpu.memory_space<hbm>>
      tpu.wait_dma2 semaphore(%arg12 : memref<!tpu.dma_semaphore, #tpu.memory_space<semaphore_mem>>) src(%dma_wait3A_86 : memref<128xi32, #tpu.memory_space<hbm>>) dst(%arg5 : memref<128xi32, #tpu.memory_space<vmem>>)
      %dma_wait3A_87 = arith.constant 0 : i32
      %dma_wait3A_88 = arith.constant 0 : i32
      %dma_wait3A_89 = tpu.memref_slice %arg2[%dma_wait3A_87, %dma_wait3A_88] : memref<327680x128xf32, #tpu.memory_space<hbm>> -> memref<128x128xf32, #tpu.memory_space<hbm>>
      %dma_wait3A_90 = arith.constant 0 : i32
      %dma_wait3A_91 = arith.constant 0 : i32
      %dma_wait3A_92 = tpu.memref_slice %arg2[%dma_wait3A_90, %dma_wait3A_91] : memref<327680x128xf32, #tpu.memory_space<hbm>> -> memref<128x128xf32, #tpu.memory_space<hbm>>
      tpu.wait_dma2 semaphore(%arg10 : memref<!tpu.dma_semaphore, #tpu.memory_space<semaphore_mem>>) src(%dma_wait3A_92 : memref<128x128xf32, #tpu.memory_space<hbm>>) dst(%arg7 : memref<128x128xf32, #tpu.memory_space<vmem>>)
      "tpu.region"() ({
        %run_scoped3A = tpu.sem_alloc : memref<!tpu.dma_semaphore, #tpu.memory_space<semaphore_mem>>
        %dma_start3A_132 = arith.constant 0 : i32
        %dma_start3A_133 = arith.constant 0 : i32
        %dma_start3A_134 = tpu.memref_slice %arg9[%dma_start3A_132, %dma_start3A_133] : memref<10240x128xf32, #tpu.memory_space<vmem_shared>> -> memref<10240x128xf32, #tpu.memory_space<vmem_shared>>
        tpu.enqueue_indirect_dma source(%arg7 : memref<128x128xf32, #tpu.memory_space<vmem>>) target(%dma_start3A_134 : memref<10240x128xf32, #tpu.memory_space<vmem_shared>>) offsets(%arg5 : memref<128xi32, #tpu.memory_space<vmem>>) semaphore(%run_scoped3A : memref<!tpu.dma_semaphore, #tpu.memory_space<semaphore_mem>>) {add = true}
        %dma_wait3A_135 = arith.constant 0 : i32
        %dma_wait3A_136 = arith.constant 0 : i32
        %dma_wait3A_137 = tpu.memref_slice %arg9[%dma_wait3A_135, %dma_wait3A_136] : memref<10240x128xf32, #tpu.memory_space<vmem_shared>> -> memref<10240x128xf32, #tpu.memory_space<vmem_shared>>
        tpu.wait_indirect_dma semaphore(%run_scoped3A : memref<!tpu.dma_semaphore, #tpu.memory_space<semaphore_mem>>) src(%arg7 : memref<128x128xf32, #tpu.memory_space<vmem>>) dst(%dma_wait3A_137 : memref<10240x128xf32, #tpu.memory_space<vmem_shared>>)
        tpu.yield
      }) : () -> ()
      %add3A_93 = arith.constant 2 : i32
      %add3A_94 = arith.addi %mul3A_82, %add3A_93 : i32
      %mul3A_95 = arith.constant 128 : i32
      %mul3A_96 = arith.muli %add3A_94, %mul3A_95 : i32
      %add3A_97 = arith.addi %mul3A_22, %mul3A_96 : i32
      %dma_start3A_98 = tpu.memref_slice %arg3[%add3A_97] : memref<327680xi32, #tpu.memory_space<hbm>> -> memref<128xi32, #tpu.memory_space<hbm>>
      %dma_start3A_99 = tpu.memref_slice %arg3[%add3A_97] : memref<327680xi32, #tpu.memory_space<hbm>> -> memref<128xi32, #tpu.memory_space<hbm>>
      tpu.enqueue_dma source(%dma_start3A_99 : memref<128xi32, #tpu.memory_space<hbm>>) target(%arg5 : memref<128xi32, #tpu.memory_space<vmem>>) target_semaphore(%arg12 : memref<!tpu.dma_semaphore, #tpu.memory_space<semaphore_mem>>)
      %mul3A_100 = arith.constant 128 : i32
      %mul3A_101 = arith.muli %add3A_94, %mul3A_100 : i32
      %add3A_102 = arith.addi %mul3A_22, %mul3A_101 : i32
      %dma_start3A_103 = arith.constant 0 : i32
      %dma_start3A_104 = tpu.memref_slice %arg2[%add3A_102, %dma_start3A_103] : memref<327680x128xf32, #tpu.memory_space<hbm>> -> memref<128x128xf32, #tpu.memory_space<hbm>>
      %dma_start3A_105 = arith.constant 0 : i32
      %dma_start3A_106 = tpu.memref_slice %arg2[%add3A_102, %dma_start3A_105] : memref<327680x128xf32, #tpu.memory_space<hbm>> -> memref<128x128xf32, #tpu.memory_space<hbm>>
      tpu.enqueue_dma source(%dma_start3A_106 : memref<128x128xf32, #tpu.memory_space<hbm>>) target(%arg7 : memref<128x128xf32, #tpu.memory_space<vmem>>) target_semaphore(%arg10 : memref<!tpu.dma_semaphore, #tpu.memory_space<semaphore_mem>>)
      %dma_wait3A_107 = arith.constant 0 : i32
      %dma_wait3A_108 = tpu.memref_slice %arg3[%dma_wait3A_107] : memref<327680xi32, #tpu.memory_space<hbm>> -> memref<128xi32, #tpu.memory_space<hbm>>
      %dma_wait3A_109 = arith.constant 0 : i32
      %dma_wait3A_110 = tpu.memref_slice %arg3[%dma_wait3A_109] : memref<327680xi32, #tpu.memory_space<hbm>> -> memref<128xi32, #tpu.memory_space<hbm>>
      tpu.wait_dma2 semaphore(%arg13 : memref<!tpu.dma_semaphore, #tpu.memory_space<semaphore_mem>>) src(%dma_wait3A_110 : memref<128xi32, #tpu.memory_space<hbm>>) dst(%arg6 : memref<128xi32, #tpu.memory_space<vmem>>)
      %dma_wait3A_111 = arith.constant 0 : i32
      %dma_wait3A_112 = arith.constant 0 : i32
      %dma_wait3A_113 = tpu.memref_slice %arg2[%dma_wait3A_111, %dma_wait3A_112] : memref<327680x128xf32, #tpu.memory_space<hbm>> -> memref<128x128xf32, #tpu.memory_space<hbm>>
      %dma_wait3A_114 = arith.constant 0 : i32
      %dma_wait3A_115 = arith.constant 0 : i32
      %dma_wait3A_116 = tpu.memref_slice %arg2[%dma_wait3A_114, %dma_wait3A_115] : memref<327680x128xf32, #tpu.memory_space<hbm>> -> memref<128x128xf32, #tpu.memory_space<hbm>>
      tpu.wait_dma2 semaphore(%arg11 : memref<!tpu.dma_semaphore, #tpu.memory_space<semaphore_mem>>) src(%dma_wait3A_116 : memref<128x128xf32, #tpu.memory_space<hbm>>) dst(%arg8 : memref<128x128xf32, #tpu.memory_space<vmem>>)
      "tpu.region"() ({
        %run_scoped3A = tpu.sem_alloc : memref<!tpu.dma_semaphore, #tpu.memory_space<semaphore_mem>>
        %dma_start3A_132 = arith.constant 0 : i32
        %dma_start3A_133 = arith.constant 0 : i32
        %dma_start3A_134 = tpu.memref_slice %arg9[%dma_start3A_132, %dma_start3A_133] : memref<10240x128xf32, #tpu.memory_space<vmem_shared>> -> memref<10240x128xf32, #tpu.memory_space<vmem_shared>>
        tpu.enqueue_indirect_dma source(%arg8 : memref<128x128xf32, #tpu.memory_space<vmem>>) target(%dma_start3A_134 : memref<10240x128xf32, #tpu.memory_space<vmem_shared>>) offsets(%arg6 : memref<128xi32, #tpu.memory_space<vmem>>) semaphore(%run_scoped3A : memref<!tpu.dma_semaphore, #tpu.memory_space<semaphore_mem>>) {add = true}
        %dma_wait3A_135 = arith.constant 0 : i32
        %dma_wait3A_136 = arith.constant 0 : i32
        %dma_wait3A_137 = tpu.memref_slice %arg9[%dma_wait3A_135, %dma_wait3A_136] : memref<10240x128xf32, #tpu.memory_space<vmem_shared>> -> memref<10240x128xf32, #tpu.memory_space<vmem_shared>>
        tpu.wait_indirect_dma semaphore(%run_scoped3A : memref<!tpu.dma_semaphore, #tpu.memory_space<semaphore_mem>>) src(%arg8 : memref<128x128xf32, #tpu.memory_space<vmem>>) dst(%dma_wait3A_137 : memref<10240x128xf32, #tpu.memory_space<vmem_shared>>)
        tpu.yield
      }) : () -> ()
      %add3A_117 = arith.constant 3 : i32
      %add3A_118 = arith.addi %mul3A_82, %add3A_117 : i32
      %mul3A_119 = arith.constant 128 : i32
      %mul3A_120 = arith.muli %add3A_118, %mul3A_119 : i32
      %add3A_121 = arith.addi %mul3A_22, %mul3A_120 : i32
      %dma_start3A_122 = tpu.memref_slice %arg3[%add3A_121] : memref<327680xi32, #tpu.memory_space<hbm>> -> memref<128xi32, #tpu.memory_space<hbm>>
      %dma_start3A_123 = tpu.memref_slice %arg3[%add3A_121] : memref<327680xi32, #tpu.memory_space<hbm>> -> memref<128xi32, #tpu.memory_space<hbm>>
      tpu.enqueue_dma source(%dma_start3A_123 : memref<128xi32, #tpu.memory_space<hbm>>) target(%arg6 : memref<128xi32, #tpu.memory_space<vmem>>) target_semaphore(%arg13 : memref<!tpu.dma_semaphore, #tpu.memory_space<semaphore_mem>>)
      %mul3A_124 = arith.constant 128 : i32
      %mul3A_125 = arith.muli %add3A_118, %mul3A_124 : i32
      %add3A_126 = arith.addi %mul3A_22, %mul3A_125 : i32
      %dma_start3A_127 = arith.constant 0 : i32
      %dma_start3A_128 = tpu.memref_slice %arg2[%add3A_126, %dma_start3A_127] : memref<327680x128xf32, #tpu.memory_space<hbm>> -> memref<128x128xf32, #tpu.memory_space<hbm>>
      %dma_start3A_129 = arith.constant 0 : i32
      %dma_start3A_130 = tpu.memref_slice %arg2[%add3A_126, %dma_start3A_129] : memref<327680x128xf32, #tpu.memory_space<hbm>> -> memref<128x128xf32, #tpu.memory_space<hbm>>
      tpu.enqueue_dma source(%dma_start3A_130 : memref<128x128xf32, #tpu.memory_space<hbm>>) target(%arg8 : memref<128x128xf32, #tpu.memory_space<vmem>>) target_semaphore(%arg11 : memref<!tpu.dma_semaphore, #tpu.memory_space<semaphore_mem>>)
      %scan3A_131 = arith.constant 0 : i32
      scf.yield %scan3A_131 : i32
    }
    %scan3A_48 = arith.constant 39 : i32
    %dma_wait3A = arith.constant 0 : i32
    %dma_wait3A_49 = tpu.memref_slice %arg3[%dma_wait3A] : memref<327680xi32, #tpu.memory_space<hbm>> -> memref<128xi32, #tpu.memory_space<hbm>>
    %dma_wait3A_50 = arith.constant 0 : i32
    %dma_wait3A_51 = tpu.memref_slice %arg3[%dma_wait3A_50] : memref<327680xi32, #tpu.memory_space<hbm>> -> memref<128xi32, #tpu.memory_space<hbm>>
    tpu.wait_dma2 semaphore(%arg12 : memref<!tpu.dma_semaphore, #tpu.memory_space<semaphore_mem>>) src(%dma_wait3A_51 : memref<128xi32, #tpu.memory_space<hbm>>) dst(%arg5 : memref<128xi32, #tpu.memory_space<vmem>>)
    %dma_wait3A_52 = arith.constant 0 : i32
    %dma_wait3A_53 = arith.constant 0 : i32
    %dma_wait3A_54 = tpu.memref_slice %arg2[%dma_wait3A_52, %dma_wait3A_53] : memref<327680x128xf32, #tpu.memory_space<hbm>> -> memref<128x128xf32, #tpu.memory_space<hbm>>
    %dma_wait3A_55 = arith.constant 0 : i32
    %dma_wait3A_56 = arith.constant 0 : i32
    %dma_wait3A_57 = tpu.memref_slice %arg2[%dma_wait3A_55, %dma_wait3A_56] : memref<327680x128xf32, #tpu.memory_space<hbm>> -> memref<128x128xf32, #tpu.memory_space<hbm>>
    tpu.wait_dma2 semaphore(%arg10 : memref<!tpu.dma_semaphore, #tpu.memory_space<semaphore_mem>>) src(%dma_wait3A_57 : memref<128x128xf32, #tpu.memory_space<hbm>>) dst(%arg7 : memref<128x128xf32, #tpu.memory_space<vmem>>)
    "tpu.region"() ({
      %run_scoped3A = tpu.sem_alloc : memref<!tpu.dma_semaphore, #tpu.memory_space<semaphore_mem>>
      %dma_start3A_79 = arith.constant 0 : i32
      %dma_start3A_80 = arith.constant 0 : i32
      %dma_start3A_81 = tpu.memref_slice %arg9[%dma_start3A_79, %dma_start3A_80] : memref<10240x128xf32, #tpu.memory_space<vmem_shared>> -> memref<10240x128xf32, #tpu.memory_space<vmem_shared>>
      tpu.enqueue_indirect_dma source(%arg7 : memref<128x128xf32, #tpu.memory_space<vmem>>) target(%dma_start3A_81 : memref<10240x128xf32, #tpu.memory_space<vmem_shared>>) offsets(%arg5 : memref<128xi32, #tpu.memory_space<vmem>>) semaphore(%run_scoped3A : memref<!tpu.dma_semaphore, #tpu.memory_space<semaphore_mem>>) {add = true}
      %dma_wait3A_82 = arith.constant 0 : i32
      %dma_wait3A_83 = arith.constant 0 : i32
      %dma_wait3A_84 = tpu.memref_slice %arg9[%dma_wait3A_82, %dma_wait3A_83] : memref<10240x128xf32, #tpu.memory_space<vmem_shared>> -> memref<10240x128xf32, #tpu.memory_space<vmem_shared>>
      tpu.wait_indirect_dma semaphore(%run_scoped3A : memref<!tpu.dma_semaphore, #tpu.memory_space<semaphore_mem>>) src(%arg7 : memref<128x128xf32, #tpu.memory_space<vmem>>) dst(%dma_wait3A_84 : memref<10240x128xf32, #tpu.memory_space<vmem_shared>>)
      tpu.yield
    }) : () -> ()
    %dma_wait3A_58 = arith.constant 0 : i32
    %dma_wait3A_59 = tpu.memref_slice %arg3[%dma_wait3A_58] : memref<327680xi32, #tpu.memory_space<hbm>> -> memref<128xi32, #tpu.memory_space<hbm>>
    %dma_wait3A_60 = arith.constant 0 : i32
    %dma_wait3A_61 = tpu.memref_slice %arg3[%dma_wait3A_60] : memref<327680xi32, #tpu.memory_space<hbm>> -> memref<128xi32, #tpu.memory_space<hbm>>
    tpu.wait_dma2 semaphore(%arg13 : memref<!tpu.dma_semaphore, #tpu.memory_space<semaphore_mem>>) src(%dma_wait3A_61 : memref<128xi32, #tpu.memory_space<hbm>>) dst(%arg6 : memref<128xi32, #tpu.memory_space<vmem>>)
    %dma_wait3A_62 = arith.constant 0 : i32
    %dma_wait3A_63 = arith.constant 0 : i32
    %dma_wait3A_64 = tpu.memref_slice %arg2[%dma_wait3A_62, %dma_wait3A_63] : memref<327680x128xf32, #tpu.memory_space<hbm>> -> memref<128x128xf32, #tpu.memory_space<hbm>>
    %dma_wait3A_65 = arith.constant 0 : i32
    %dma_wait3A_66 = arith.constant 0 : i32
    %dma_wait3A_67 = tpu.memref_slice %arg2[%dma_wait3A_65, %dma_wait3A_66] : memref<327680x128xf32, #tpu.memory_space<hbm>> -> memref<128x128xf32, #tpu.memory_space<hbm>>
    tpu.wait_dma2 semaphore(%arg11 : memref<!tpu.dma_semaphore, #tpu.memory_space<semaphore_mem>>) src(%dma_wait3A_67 : memref<128x128xf32, #tpu.memory_space<hbm>>) dst(%arg8 : memref<128x128xf32, #tpu.memory_space<vmem>>)
    "tpu.region"() ({
      %run_scoped3A = tpu.sem_alloc : memref<!tpu.dma_semaphore, #tpu.memory_space<semaphore_mem>>
      %dma_start3A_79 = arith.constant 0 : i32
      %dma_start3A_80 = arith.constant 0 : i32
      %dma_start3A_81 = tpu.memref_slice %arg9[%dma_start3A_79, %dma_start3A_80] : memref<10240x128xf32, #tpu.memory_space<vmem_shared>> -> memref<10240x128xf32, #tpu.memory_space<vmem_shared>>
      tpu.enqueue_indirect_dma source(%arg8 : memref<128x128xf32, #tpu.memory_space<vmem>>) target(%dma_start3A_81 : memref<10240x128xf32, #tpu.memory_space<vmem_shared>>) offsets(%arg6 : memref<128xi32, #tpu.memory_space<vmem>>) semaphore(%run_scoped3A : memref<!tpu.dma_semaphore, #tpu.memory_space<semaphore_mem>>) {add = true}
      %dma_wait3A_82 = arith.constant 0 : i32
      %dma_wait3A_83 = arith.constant 0 : i32
      %dma_wait3A_84 = tpu.memref_slice %arg9[%dma_wait3A_82, %dma_wait3A_83] : memref<10240x128xf32, #tpu.memory_space<vmem_shared>> -> memref<10240x128xf32, #tpu.memory_space<vmem_shared>>
      tpu.wait_indirect_dma semaphore(%run_scoped3A : memref<!tpu.dma_semaphore, #tpu.memory_space<semaphore_mem>>) src(%arg8 : memref<128x128xf32, #tpu.memory_space<vmem>>) dst(%dma_wait3A_84 : memref<10240x128xf32, #tpu.memory_space<vmem_shared>>)
      tpu.yield
    }) : () -> ()
    %barrier3A_68 = arith.constant 0 : index
    tpu.barrier barrier_id(%barrier3A_68)
    %add3A_69 = arith.constant 0 : i32
    %add3A_70 = arith.addi %mul3A_8, %add3A_69 : i32
    "tpu.region"() ({
      %run_scoped3A = tpu.sem_alloc : memref<!tpu.dma_semaphore, #tpu.memory_space<semaphore_mem>>
      %dma_start3A_79 = arith.constant 0 : i32
      %dma_start3A_80 = tpu.memref_slice %arg9[%add3A_70, %dma_start3A_79] : memref<10240x128xf32, #tpu.memory_space<vmem_shared>> -> memref<128x128xf32, #tpu.memory_space<vmem_shared>>
      %dma_start3A_81 = arith.constant 0 : i32
      %dma_start3A_82 = tpu.memref_slice %arg9[%add3A_70, %dma_start3A_81] : memref<10240x128xf32, #tpu.memory_space<vmem_shared>> -> memref<128x128xf32, #tpu.memory_space<vmem_shared>>
      tpu.enqueue_dma source(%dma_start3A_82 : memref<128x128xf32, #tpu.memory_space<vmem_shared>>) target(%arg7 : memref<128x128xf32, #tpu.memory_space<vmem>>) target_semaphore(%run_scoped3A : memref<!tpu.dma_semaphore, #tpu.memory_space<semaphore_mem>>)
      %dma_wait3A_83 = arith.constant 0 : i32
      %dma_wait3A_84 = tpu.memref_slice %arg9[%add3A_70, %dma_wait3A_83] : memref<10240x128xf32, #tpu.memory_space<vmem_shared>> -> memref<128x128xf32, #tpu.memory_space<vmem_shared>>
      %dma_wait3A_85 = arith.constant 0 : i32
      %dma_wait3A_86 = tpu.memref_slice %arg9[%add3A_70, %dma_wait3A_85] : memref<10240x128xf32, #tpu.memory_space<vmem_shared>> -> memref<128x128xf32, #tpu.memory_space<vmem_shared>>
      tpu.wait_dma2 semaphore(%run_scoped3A : memref<!tpu.dma_semaphore, #tpu.memory_space<semaphore_mem>>) src(%dma_wait3A_86 : memref<128x128xf32, #tpu.memory_space<vmem_shared>>) dst(%arg7 : memref<128x128xf32, #tpu.memory_space<vmem>>)
      tpu.yield
    }) : () -> ()
    "tpu.region"() ({
      %run_scoped3A = tpu.sem_alloc : memref<!tpu.dma_semaphore, #tpu.memory_space<semaphore_mem>>
      %dma_start3A_79 = arith.constant 0 : i32
      %dma_start3A_80 = arith.constant 0 : i32
      %dma_start3A_81 = tpu.memref_slice %arg4[%arg0, %dma_start3A_79, %dma_start3A_80] : memref<2x10240x128xf32, #tpu.memory_space<hbm>> -> memref<1x10240x128xf32, #tpu.memory_space<hbm>>
      %dma_start3A_82 = tpu.memref_squeeze %dma_start3A_81 : memref<1x10240x128xf32, #tpu.memory_space<hbm>> -> memref<10240x128xf32, #tpu.memory_space<hbm>>
      %dma_start3A_83 = arith.constant 0 : i32
      %dma_start3A_84 = tpu.memref_slice %dma_start3A_82[%add3A_70, %dma_start3A_83] : memref<10240x128xf32, #tpu.memory_space<hbm>> -> memref<128x128xf32, #tpu.memory_space<hbm>>
      %dma_start3A_85 = arith.constant 0 : i32
      %dma_start3A_86 = arith.constant 0 : i32
      %dma_start3A_87 = tpu.memref_slice %arg4[%arg0, %dma_start3A_85, %dma_start3A_86] : memref<2x10240x128xf32, #tpu.memory_space<hbm>> -> memref<1x10240x128xf32, #tpu.memory_space<hbm>>
      %dma_start3A_88 = tpu.memref_squeeze %dma_start3A_87 : memref<1x10240x128xf32, #tpu.memory_space<hbm>> -> memref<10240x128xf32, #tpu.memory_space<hbm>>
      %dma_start3A_89 = arith.constant 0 : i32
      %dma_start3A_90 = tpu.memref_slice %dma_start3A_88[%add3A_70, %dma_start3A_89] : memref<10240x128xf32, #tpu.memory_space<hbm>> -> memref<128x128xf32, #tpu.memory_space<hbm>>
      tpu.enqueue_dma source(%arg7 : memref<128x128xf32, #tpu.memory_space<vmem>>) target(%dma_start3A_90 : memref<128x128xf32, #tpu.memory_space<hbm>>) target_semaphore(%run_scoped3A : memref<!tpu.dma_semaphore, #tpu.memory_space<semaphore_mem>>)
      %dma_wait3A_91 = arith.constant 0 : i32
      %dma_wait3A_92 = arith.constant 0 : i32
      %dma_wait3A_93 = tpu.memref_slice %arg4[%arg0, %dma_wait3A_91, %dma_wait3A_92] : memref<2x10240x128xf32, #tpu.memory_space<hbm>> -> memref<1x10240x128xf32, #tpu.memory_space<hbm>>
      %dma_wait3A_94 = tpu.memref_squeeze %dma_wait3A_93 : memref<1x10240x128xf32, #tpu.memory_space<hbm>> -> memref<10240x128xf32, #tpu.memory_space<hbm>>
      %dma_wait3A_95 = arith.constant 0 : i32
      %dma_wait3A_96 = tpu.memref_slice %dma_wait3A_94[%add3A_70, %dma_wait3A_95] : memref<10240x128xf32, #tpu.memory_space<hbm>> -> memref<128x128xf32, #tpu.memory_space<hbm>>
      %dma_wait3A_97 = arith.constant 0 : i32
      %dma_wait3A_98 = arith.constant 0 : i32
      %dma_wait3A_99 = tpu.memref_slice %arg4[%arg0, %dma_wait3A_97, %dma_wait3A_98] : memref<2x10240x128xf32, #tpu.memory_space<hbm>> -> memref<1x10240x128xf32, #tpu.memory_space<hbm>>
      %dma_wait3A_100 = tpu.memref_squeeze %dma_wait3A_99 : memref<1x10240x128xf32, #tpu.memory_space<hbm>> -> memref<10240x128xf32, #tpu.memory_space<hbm>>
      %dma_wait3A_101 = arith.constant 0 : i32
      %dma_wait3A_102 = tpu.memref_slice %dma_wait3A_100[%add3A_70, %dma_wait3A_101] : memref<10240x128xf32, #tpu.memory_space<hbm>> -> memref<128x128xf32, #tpu.memory_space<hbm>>
      tpu.wait_dma2 semaphore(%run_scoped3A : memref<!tpu.dma_semaphore, #tpu.memory_space<semaphore_mem>>) src(%arg7 : memref<128x128xf32, #tpu.memory_space<vmem>>) dst(%dma_wait3A_102 : memref<128x128xf32, #tpu.memory_space<hbm>>)
      tpu.yield
    }) : () -> ()
    %add3A_71 = arith.constant 128 : i32
    %add3A_72 = arith.addi %mul3A_8, %add3A_71 : i32
    "tpu.region"() ({
      %run_scoped3A = tpu.sem_alloc : memref<!tpu.dma_semaphore, #tpu.memory_space<semaphore_mem>>
      %dma_start3A_79 = arith.constant 0 : i32
      %dma_start3A_80 = tpu.memref_slice %arg9[%add3A_72, %dma_start3A_79] : memref<10240x128xf32, #tpu.memory_space<vmem_shared>> -> memref<128x128xf32, #tpu.memory_space<vmem_shared>>
      %dma_start3A_81 = arith.constant 0 : i32
      %dma_start3A_82 = tpu.memref_slice %arg9[%add3A_72, %dma_start3A_81] : memref<10240x128xf32, #tpu.memory_space<vmem_shared>> -> memref<128x128xf32, #tpu.memory_space<vmem_shared>>
      tpu.enqueue_dma source(%dma_start3A_82 : memref<128x128xf32, #tpu.memory_space<vmem_shared>>) target(%arg7 : memref<128x128xf32, #tpu.memory_space<vmem>>) target_semaphore(%run_scoped3A : memref<!tpu.dma_semaphore, #tpu.memory_space<semaphore_mem>>)
      %dma_wait3A_83 = arith.constant 0 : i32
      %dma_wait3A_84 = tpu.memref_slice %arg9[%add3A_72, %dma_wait3A_83] : memref<10240x128xf32, #tpu.memory_space<vmem_shared>> -> memref<128x128xf32, #tpu.memory_space<vmem_shared>>
      %dma_wait3A_85 = arith.constant 0 : i32
      %dma_wait3A_86 = tpu.memref_slice %arg9[%add3A_72, %dma_wait3A_85] : memref<10240x128xf32, #tpu.memory_space<vmem_shared>> -> memref<128x128xf32, #tpu.memory_space<vmem_shared>>
      tpu.wait_dma2 semaphore(%run_scoped3A : memref<!tpu.dma_semaphore, #tpu.memory_space<semaphore_mem>>) src(%dma_wait3A_86 : memref<128x128xf32, #tpu.memory_space<vmem_shared>>) dst(%arg7 : memref<128x128xf32, #tpu.memory_space<vmem>>)
      tpu.yield
    }) : () -> ()
    "tpu.region"() ({
      %run_scoped3A = tpu.sem_alloc : memref<!tpu.dma_semaphore, #tpu.memory_space<semaphore_mem>>
      %dma_start3A_79 = arith.constant 0 : i32
      %dma_start3A_80 = arith.constant 0 : i32
      %dma_start3A_81 = tpu.memref_slice %arg4[%arg0, %dma_start3A_79, %dma_start3A_80] : memref<2x10240x128xf32, #tpu.memory_space<hbm>> -> memref<1x10240x128xf32, #tpu.memory_space<hbm>>
      %dma_start3A_82 = tpu.memref_squeeze %dma_start3A_81 : memref<1x10240x128xf32, #tpu.memory_space<hbm>> -> memref<10240x128xf32, #tpu.memory_space<hbm>>
      %dma_start3A_83 = arith.constant 0 : i32
      %dma_start3A_84 = tpu.memref_slice %dma_start3A_82[%add3A_72, %dma_start3A_83] : memref<10240x128xf32, #tpu.memory_space<hbm>> -> memref<128x128xf32, #tpu.memory_space<hbm>>
      %dma_start3A_85 = arith.constant 0 : i32
      %dma_start3A_86 = arith.constant 0 : i32
      %dma_start3A_87 = tpu.memref_slice %arg4[%arg0, %dma_start3A_85, %dma_start3A_86] : memref<2x10240x128xf32, #tpu.memory_space<hbm>> -> memref<1x10240x128xf32, #tpu.memory_space<hbm>>
      %dma_start3A_88 = tpu.memref_squeeze %dma_start3A_87 : memref<1x10240x128xf32, #tpu.memory_space<hbm>> -> memref<10240x128xf32, #tpu.memory_space<hbm>>
      %dma_start3A_89 = arith.constant 0 : i32
      %dma_start3A_90 = tpu.memref_slice %dma_start3A_88[%add3A_72, %dma_start3A_89] : memref<10240x128xf32, #tpu.memory_space<hbm>> -> memref<128x128xf32, #tpu.memory_space<hbm>>
      tpu.enqueue_dma source(%arg7 : memref<128x128xf32, #tpu.memory_space<vmem>>) target(%dma_start3A_90 : memref<128x128xf32, #tpu.memory_space<hbm>>) target_semaphore(%run_scoped3A : memref<!tpu.dma_semaphore, #tpu.memory_space<semaphore_mem>>)
      %dma_wait3A_91 = arith.constant 0 : i32
      %dma_wait3A_92 = arith.constant 0 : i32
      %dma_wait3A_93 = tpu.memref_slice %arg4[%arg0, %dma_wait3A_91, %dma_wait3A_92] : memref<2x10240x128xf32, #tpu.memory_space<hbm>> -> memref<1x10240x128xf32, #tpu.memory_space<hbm>>
      %dma_wait3A_94 = tpu.memref_squeeze %dma_wait3A_93 : memref<1x10240x128xf32, #tpu.memory_space<hbm>> -> memref<10240x128xf32, #tpu.memory_space<hbm>>
      %dma_wait3A_95 = arith.constant 0 : i32
      %dma_wait3A_96 = tpu.memref_slice %dma_wait3A_94[%add3A_72, %dma_wait3A_95] : memref<10240x128xf32, #tpu.memory_space<hbm>> -> memref<128x128xf32, #tpu.memory_space<hbm>>
      %dma_wait3A_97 = arith.constant 0 : i32
      %dma_wait3A_98 = arith.constant 0 : i32
      %dma_wait3A_99 = tpu.memref_slice %arg4[%arg0, %dma_wait3A_97, %dma_wait3A_98] : memref<2x10240x128xf32, #tpu.memory_space<hbm>> -> memref<1x10240x128xf32, #tpu.memory_space<hbm>>
      %dma_wait3A_100 = tpu.memref_squeeze %dma_wait3A_99 : memref<1x10240x128xf32, #tpu.memory_space<hbm>> -> memref<10240x128xf32, #tpu.memory_space<hbm>>
      %dma_wait3A_101 = arith.constant 0 : i32
      %dma_wait3A_102 = tpu.memref_slice %dma_wait3A_100[%add3A_72, %dma_wait3A_101] : memref<10240x128xf32, #tpu.memory_space<hbm>> -> memref<128x128xf32, #tpu.memory_space<hbm>>
      tpu.wait_dma2 semaphore(%run_scoped3A : memref<!tpu.dma_semaphore, #tpu.memory_space<semaphore_mem>>) src(%arg7 : memref<128x128xf32, #tpu.memory_space<vmem>>) dst(%dma_wait3A_102 : memref<128x128xf32, #tpu.memory_space<hbm>>)
      tpu.yield
    }) : () -> ()
    %add3A_73 = arith.constant 256 : i32
    %add3A_74 = arith.addi %mul3A_8, %add3A_73 : i32
    "tpu.region"() ({
      %run_scoped3A = tpu.sem_alloc : memref<!tpu.dma_semaphore, #tpu.memory_space<semaphore_mem>>
      %dma_start3A_79 = arith.constant 0 : i32
      %dma_start3A_80 = tpu.memref_slice %arg9[%add3A_74, %dma_start3A_79] : memref<10240x128xf32, #tpu.memory_space<vmem_shared>> -> memref<128x128xf32, #tpu.memory_space<vmem_shared>>
      %dma_start3A_81 = arith.constant 0 : i32
      %dma_start3A_82 = tpu.memref_slice %arg9[%add3A_74, %dma_start3A_81] : memref<10240x128xf32, #tpu.memory_space<vmem_shared>> -> memref<128x128xf32, #tpu.memory_space<vmem_shared>>
      tpu.enqueue_dma source(%dma_start3A_82 : memref<128x128xf32, #tpu.memory_space<vmem_shared>>) target(%arg7 : memref<128x128xf32, #tpu.memory_space<vmem>>) target_semaphore(%run_scoped3A : memref<!tpu.dma_semaphore, #tpu.memory_space<semaphore_mem>>)
      %dma_wait3A_83 = arith.constant 0 : i32
      %dma_wait3A_84 = tpu.memref_slice %arg9[%add3A_74, %dma_wait3A_83] : memref<10240x128xf32, #tpu.memory_space<vmem_shared>> -> memref<128x128xf32, #tpu.memory_space<vmem_shared>>
      %dma_wait3A_85 = arith.constant 0 : i32
      %dma_wait3A_86 = tpu.memref_slice %arg9[%add3A_74, %dma_wait3A_85] : memref<10240x128xf32, #tpu.memory_space<vmem_shared>> -> memref<128x128xf32, #tpu.memory_space<vmem_shared>>
      tpu.wait_dma2 semaphore(%run_scoped3A : memref<!tpu.dma_semaphore, #tpu.memory_space<semaphore_mem>>) src(%dma_wait3A_86 : memref<128x128xf32, #tpu.memory_space<vmem_shared>>) dst(%arg7 : memref<128x128xf32, #tpu.memory_space<vmem>>)
      tpu.yield
    }) : () -> ()
    "tpu.region"() ({
      %run_scoped3A = tpu.sem_alloc : memref<!tpu.dma_semaphore, #tpu.memory_space<semaphore_mem>>
      %dma_start3A_79 = arith.constant 0 : i32
      %dma_start3A_80 = arith.constant 0 : i32
      %dma_start3A_81 = tpu.memref_slice %arg4[%arg0, %dma_start3A_79, %dma_start3A_80] : memref<2x10240x128xf32, #tpu.memory_space<hbm>> -> memref<1x10240x128xf32, #tpu.memory_space<hbm>>
      %dma_start3A_82 = tpu.memref_squeeze %dma_start3A_81 : memref<1x10240x128xf32, #tpu.memory_space<hbm>> -> memref<10240x128xf32, #tpu.memory_space<hbm>>
      %dma_start3A_83 = arith.constant 0 : i32
      %dma_start3A_84 = tpu.memref_slice %dma_start3A_82[%add3A_74, %dma_start3A_83] : memref<10240x128xf32, #tpu.memory_space<hbm>> -> memref<128x128xf32, #tpu.memory_space<hbm>>
      %dma_start3A_85 = arith.constant 0 : i32
      %dma_start3A_86 = arith.constant 0 : i32
      %dma_start3A_87 = tpu.memref_slice %arg4[%arg0, %dma_start3A_85, %dma_start3A_86] : memref<2x10240x128xf32, #tpu.memory_space<hbm>> -> memref<1x10240x128xf32, #tpu.memory_space<hbm>>
      %dma_start3A_88 = tpu.memref_squeeze %dma_start3A_87 : memref<1x10240x128xf32, #tpu.memory_space<hbm>> -> memref<10240x128xf32, #tpu.memory_space<hbm>>
      %dma_start3A_89 = arith.constant 0 : i32
      %dma_start3A_90 = tpu.memref_slice %dma_start3A_88[%add3A_74, %dma_start3A_89] : memref<10240x128xf32, #tpu.memory_space<hbm>> -> memref<128x128xf32, #tpu.memory_space<hbm>>
      tpu.enqueue_dma source(%arg7 : memref<128x128xf32, #tpu.memory_space<vmem>>) target(%dma_start3A_90 : memref<128x128xf32, #tpu.memory_space<hbm>>) target_semaphore(%run_scoped3A : memref<!tpu.dma_semaphore, #tpu.memory_space<semaphore_mem>>)
      %dma_wait3A_91 = arith.constant 0 : i32
      %dma_wait3A_92 = arith.constant 0 : i32
      %dma_wait3A_93 = tpu.memref_slice %arg4[%arg0, %dma_wait3A_91, %dma_wait3A_92] : memref<2x10240x128xf32, #tpu.memory_space<hbm>> -> memref<1x10240x128xf32, #tpu.memory_space<hbm>>
      %dma_wait3A_94 = tpu.memref_squeeze %dma_wait3A_93 : memref<1x10240x128xf32, #tpu.memory_space<hbm>> -> memref<10240x128xf32, #tpu.memory_space<hbm>>
      %dma_wait3A_95 = arith.constant 0 : i32
      %dma_wait3A_96 = tpu.memref_slice %dma_wait3A_94[%add3A_74, %dma_wait3A_95] : memref<10240x128xf32, #tpu.memory_space<hbm>> -> memref<128x128xf32, #tpu.memory_space<hbm>>
      %dma_wait3A_97 = arith.constant 0 : i32
      %dma_wait3A_98 = arith.constant 0 : i32
      %dma_wait3A_99 = tpu.memref_slice %arg4[%arg0, %dma_wait3A_97, %dma_wait3A_98] : memref<2x10240x128xf32, #tpu.memory_space<hbm>> -> memref<1x10240x128xf32, #tpu.memory_space<hbm>>
      %dma_wait3A_100 = tpu.memref_squeeze %dma_wait3A_99 : memref<1x10240x128xf32, #tpu.memory_space<hbm>> -> memref<10240x128xf32, #tpu.memory_space<hbm>>
      %dma_wait3A_101 = arith.constant 0 : i32
      %dma_wait3A_102 = tpu.memref_slice %dma_wait3A_100[%add3A_74, %dma_wait3A_101] : memref<10240x128xf32, #tpu.memory_space<hbm>> -> memref<128x128xf32, #tpu.memory_space<hbm>>
      tpu.wait_dma2 semaphore(%run_scoped3A : memref<!tpu.dma_semaphore, #tpu.memory_space<semaphore_mem>>) src(%arg7 : memref<128x128xf32, #tpu.memory_space<vmem>>) dst(%dma_wait3A_102 : memref<128x128xf32, #tpu.memory_space<hbm>>)
      tpu.yield
    }) : () -> ()
    %add3A_75 = arith.constant 384 : i32
    %add3A_76 = arith.addi %mul3A_8, %add3A_75 : i32
    "tpu.region"() ({
      %run_scoped3A = tpu.sem_alloc : memref<!tpu.dma_semaphore, #tpu.memory_space<semaphore_mem>>
      %dma_start3A_79 = arith.constant 0 : i32
      %dma_start3A_80 = tpu.memref_slice %arg9[%add3A_76, %dma_start3A_79] : memref<10240x128xf32, #tpu.memory_space<vmem_shared>> -> memref<128x128xf32, #tpu.memory_space<vmem_shared>>
      %dma_start3A_81 = arith.constant 0 : i32
      %dma_start3A_82 = tpu.memref_slice %arg9[%add3A_76, %dma_start3A_81] : memref<10240x128xf32, #tpu.memory_space<vmem_shared>> -> memref<128x128xf32, #tpu.memory_space<vmem_shared>>
      tpu.enqueue_dma source(%dma_start3A_82 : memref<128x128xf32, #tpu.memory_space<vmem_shared>>) target(%arg7 : memref<128x128xf32, #tpu.memory_space<vmem>>) target_semaphore(%run_scoped3A : memref<!tpu.dma_semaphore, #tpu.memory_space<semaphore_mem>>)
      %dma_wait3A_83 = arith.constant 0 : i32
      %dma_wait3A_84 = tpu.memref_slice %arg9[%add3A_76, %dma_wait3A_83] : memref<10240x128xf32, #tpu.memory_space<vmem_shared>> -> memref<128x128xf32, #tpu.memory_space<vmem_shared>>
      %dma_wait3A_85 = arith.constant 0 : i32
      %dma_wait3A_86 = tpu.memref_slice %arg9[%add3A_76, %dma_wait3A_85] : memref<10240x128xf32, #tpu.memory_space<vmem_shared>> -> memref<128x128xf32, #tpu.memory_space<vmem_shared>>
      tpu.wait_dma2 semaphore(%run_scoped3A : memref<!tpu.dma_semaphore, #tpu.memory_space<semaphore_mem>>) src(%dma_wait3A_86 : memref<128x128xf32, #tpu.memory_space<vmem_shared>>) dst(%arg7 : memref<128x128xf32, #tpu.memory_space<vmem>>)
      tpu.yield
    }) : () -> ()
    "tpu.region"() ({
      %run_scoped3A = tpu.sem_alloc : memref<!tpu.dma_semaphore, #tpu.memory_space<semaphore_mem>>
      %dma_start3A_79 = arith.constant 0 : i32
      %dma_start3A_80 = arith.constant 0 : i32
      %dma_start3A_81 = tpu.memref_slice %arg4[%arg0, %dma_start3A_79, %dma_start3A_80] : memref<2x10240x128xf32, #tpu.memory_space<hbm>> -> memref<1x10240x128xf32, #tpu.memory_space<hbm>>
      %dma_start3A_82 = tpu.memref_squeeze %dma_start3A_81 : memref<1x10240x128xf32, #tpu.memory_space<hbm>> -> memref<10240x128xf32, #tpu.memory_space<hbm>>
      %dma_start3A_83 = arith.constant 0 : i32
      %dma_start3A_84 = tpu.memref_slice %dma_start3A_82[%add3A_76, %dma_start3A_83] : memref<10240x128xf32, #tpu.memory_space<hbm>> -> memref<128x128xf32, #tpu.memory_space<hbm>>
      %dma_start3A_85 = arith.constant 0 : i32
      %dma_start3A_86 = arith.constant 0 : i32
      %dma_start3A_87 = tpu.memref_slice %arg4[%arg0, %dma_start3A_85, %dma_start3A_86] : memref<2x10240x128xf32, #tpu.memory_space<hbm>> -> memref<1x10240x128xf32, #tpu.memory_space<hbm>>
      %dma_start3A_88 = tpu.memref_squeeze %dma_start3A_87 : memref<1x10240x128xf32, #tpu.memory_space<hbm>> -> memref<10240x128xf32, #tpu.memory_space<hbm>>
      %dma_start3A_89 = arith.constant 0 : i32
      %dma_start3A_90 = tpu.memref_slice %dma_start3A_88[%add3A_76, %dma_start3A_89] : memref<10240x128xf32, #tpu.memory_space<hbm>> -> memref<128x128xf32, #tpu.memory_space<hbm>>
      tpu.enqueue_dma source(%arg7 : memref<128x128xf32, #tpu.memory_space<vmem>>) target(%dma_start3A_90 : memref<128x128xf32, #tpu.memory_space<hbm>>) target_semaphore(%run_scoped3A : memref<!tpu.dma_semaphore, #tpu.memory_space<semaphore_mem>>)
      %dma_wait3A_91 = arith.constant 0 : i32
      %dma_wait3A_92 = arith.constant 0 : i32
      %dma_wait3A_93 = tpu.memref_slice %arg4[%arg0, %dma_wait3A_91, %dma_wait3A_92] : memref<2x10240x128xf32, #tpu.memory_space<hbm>> -> memref<1x10240x128xf32, #tpu.memory_space<hbm>>
      %dma_wait3A_94 = tpu.memref_squeeze %dma_wait3A_93 : memref<1x10240x128xf32, #tpu.memory_space<hbm>> -> memref<10240x128xf32, #tpu.memory_space<hbm>>
      %dma_wait3A_95 = arith.constant 0 : i32
      %dma_wait3A_96 = tpu.memref_slice %dma_wait3A_94[%add3A_76, %dma_wait3A_95] : memref<10240x128xf32, #tpu.memory_space<hbm>> -> memref<128x128xf32, #tpu.memory_space<hbm>>
      %dma_wait3A_97 = arith.constant 0 : i32
      %dma_wait3A_98 = arith.constant 0 : i32
      %dma_wait3A_99 = tpu.memref_slice %arg4[%arg0, %dma_wait3A_97, %dma_wait3A_98] : memref<2x10240x128xf32, #tpu.memory_space<hbm>> -> memref<1x10240x128xf32, #tpu.memory_space<hbm>>
      %dma_wait3A_100 = tpu.memref_squeeze %dma_wait3A_99 : memref<1x10240x128xf32, #tpu.memory_space<hbm>> -> memref<10240x128xf32, #tpu.memory_space<hbm>>
      %dma_wait3A_101 = arith.constant 0 : i32
      %dma_wait3A_102 = tpu.memref_slice %dma_wait3A_100[%add3A_76, %dma_wait3A_101] : memref<10240x128xf32, #tpu.memory_space<hbm>> -> memref<128x128xf32, #tpu.memory_space<hbm>>
      tpu.wait_dma2 semaphore(%run_scoped3A : memref<!tpu.dma_semaphore, #tpu.memory_space<semaphore_mem>>) src(%arg7 : memref<128x128xf32, #tpu.memory_space<vmem>>) dst(%dma_wait3A_102 : memref<128x128xf32, #tpu.memory_space<hbm>>)
      tpu.yield
    }) : () -> ()
    %add3A_77 = arith.constant 512 : i32
    %add3A_78 = arith.addi %mul3A_8, %add3A_77 : i32
    "tpu.region"() ({
      %run_scoped3A = tpu.sem_alloc : memref<!tpu.dma_semaphore, #tpu.memory_space<semaphore_mem>>
      %dma_start3A_79 = arith.constant 0 : i32
      %dma_start3A_80 = tpu.memref_slice %arg9[%add3A_78, %dma_start3A_79] : memref<10240x128xf32, #tpu.memory_space<vmem_shared>> -> memref<128x128xf32, #tpu.memory_space<vmem_shared>>
      %dma_start3A_81 = arith.constant 0 : i32
      %dma_start3A_82 = tpu.memref_slice %arg9[%add3A_78, %dma_start3A_81] : memref<10240x128xf32, #tpu.memory_space<vmem_shared>> -> memref<128x128xf32, #tpu.memory_space<vmem_shared>>
      tpu.enqueue_dma source(%dma_start3A_82 : memref<128x128xf32, #tpu.memory_space<vmem_shared>>) target(%arg7 : memref<128x128xf32, #tpu.memory_space<vmem>>) target_semaphore(%run_scoped3A : memref<!tpu.dma_semaphore, #tpu.memory_space<semaphore_mem>>)
      %dma_wait3A_83 = arith.constant 0 : i32
      %dma_wait3A_84 = tpu.memref_slice %arg9[%add3A_78, %dma_wait3A_83] : memref<10240x128xf32, #tpu.memory_space<vmem_shared>> -> memref<128x128xf32, #tpu.memory_space<vmem_shared>>
      %dma_wait3A_85 = arith.constant 0 : i32
      %dma_wait3A_86 = tpu.memref_slice %arg9[%add3A_78, %dma_wait3A_85] : memref<10240x128xf32, #tpu.memory_space<vmem_shared>> -> memref<128x128xf32, #tpu.memory_space<vmem_shared>>
      tpu.wait_dma2 semaphore(%run_scoped3A : memref<!tpu.dma_semaphore, #tpu.memory_space<semaphore_mem>>) src(%dma_wait3A_86 : memref<128x128xf32, #tpu.memory_space<vmem_shared>>) dst(%arg7 : memref<128x128xf32, #tpu.memory_space<vmem>>)
      tpu.yield
    }) : () -> ()
    "tpu.region"() ({
      %run_scoped3A = tpu.sem_alloc : memref<!tpu.dma_semaphore, #tpu.memory_space<semaphore_mem>>
      %dma_start3A_79 = arith.constant 0 : i32
      %dma_start3A_80 = arith.constant 0 : i32
      %dma_start3A_81 = tpu.memref_slice %arg4[%arg0, %dma_start3A_79, %dma_start3A_80] : memref<2x10240x128xf32, #tpu.memory_space<hbm>> -> memref<1x10240x128xf32, #tpu.memory_space<hbm>>
      %dma_start3A_82 = tpu.memref_squeeze %dma_start3A_81 : memref<1x10240x128xf32, #tpu.memory_space<hbm>> -> memref<10240x128xf32, #tpu.memory_space<hbm>>
      %dma_start3A_83 = arith.constant 0 : i32
      %dma_start3A_84 = tpu.memref_slice %dma_start3A_82[%add3A_78, %dma_start3A_83] : memref<10240x128xf32, #tpu.memory_space<hbm>> -> memref<128x128xf32, #tpu.memory_space<hbm>>
      %dma_start3A_85 = arith.constant 0 : i32
      %dma_start3A_86 = arith.constant 0 : i32
      %dma_start3A_87 = tpu.memref_slice %arg4[%arg0, %dma_start3A_85, %dma_start3A_86] : memref<2x10240x128xf32, #tpu.memory_space<hbm>> -> memref<1x10240x128xf32, #tpu.memory_space<hbm>>
      %dma_start3A_88 = tpu.memref_squeeze %dma_start3A_87 : memref<1x10240x128xf32, #tpu.memory_space<hbm>> -> memref<10240x128xf32, #tpu.memory_space<hbm>>
      %dma_start3A_89 = arith.constant 0 : i32
      %dma_start3A_90 = tpu.memref_slice %dma_start3A_88[%add3A_78, %dma_start3A_89] : memref<10240x128xf32, #tpu.memory_space<hbm>> -> memref<128x128xf32, #tpu.memory_space<hbm>>
      tpu.enqueue_dma source(%arg7 : memref<128x128xf32, #tpu.memory_space<vmem>>) target(%dma_start3A_90 : memref<128x128xf32, #tpu.memory_space<hbm>>) target_semaphore(%run_scoped3A : memref<!tpu.dma_semaphore, #tpu.memory_space<semaphore_mem>>)
      %dma_wait3A_91 = arith.constant 0 : i32
      %dma_wait3A_92 = arith.constant 0 : i32
      %dma_wait3A_93 = tpu.memref_slice %arg4[%arg0, %dma_wait3A_91, %dma_wait3A_92] : memref<2x10240x128xf32, #tpu.memory_space<hbm>> -> memref<1x10240x128xf32, #tpu.memory_space<hbm>>
      %dma_wait3A_94 = tpu.memref_squeeze %dma_wait3A_93 : memref<1x10240x128xf32, #tpu.memory_space<hbm>> -> memref<10240x128xf32, #tpu.memory_space<hbm>>
      %dma_wait3A_95 = arith.constant 0 : i32
      %dma_wait3A_96 = tpu.memref_slice %dma_wait3A_94[%add3A_78, %dma_wait3A_95] : memref<10240x128xf32, #tpu.memory_space<hbm>> -> memref<128x128xf32, #tpu.memory_space<hbm>>
      %dma_wait3A_97 = arith.constant 0 : i32
      %dma_wait3A_98 = arith.constant 0 : i32
      %dma_wait3A_99 = tpu.memref_slice %arg4[%arg0, %dma_wait3A_97, %dma_wait3A_98] : memref<2x10240x128xf32, #tpu.memory_space<hbm>> -> memref<1x10240x128xf32, #tpu.memory_space<hbm>>
      %dma_wait3A_100 = tpu.memref_squeeze %dma_wait3A_99 : memref<1x10240x128xf32, #tpu.memory_space<hbm>> -> memref<10240x128xf32, #tpu.memory_space<hbm>>
      %dma_wait3A_101 = arith.constant 0 : i32
      %dma_wait3A_102 = tpu.memref_slice %dma_wait3A_100[%add3A_78, %dma_wait3A_101] : memref<10240x128xf32, #tpu.memory_space<hbm>> -> memref<128x128xf32, #tpu.memory_space<hbm>>
      tpu.wait_dma2 semaphore(%run_scoped3A : memref<!tpu.dma_semaphore, #tpu.memory_space<semaphore_mem>>) src(%arg7 : memref<128x128xf32, #tpu.memory_space<vmem>>) dst(%dma_wait3A_102 : memref<128x128xf32, #tpu.memory_space<hbm>>)
      tpu.yield
    }) : () -> ()
    return
  }
}

module attributes {stable_mosaic.version = 14 : i64} {
  func.func @_prep_body(%arg0: memref<128x128xf32, #tpu.memory_space<vmem>>, %arg1: memref<128x144xf32, #tpu.memory_space<vmem>>, %arg2: memref<128x128xf32, #tpu.memory_space<vmem>>, %arg3: memref<128x144xf32, #tpu.memory_space<vmem>>, %arg4: memref<128x128xf32, #tpu.memory_space<vmem>>, %arg5: memref<128x128xf32, #tpu.memory_space<vmem>>, %arg6: memref<128x128xf32, #tpu.memory_space<vmem>>, %arg7: memref<128x128xf32, #tpu.memory_space<vmem>>, %arg8: memref<128x16xf32, #tpu.memory_space<vmem>>, %arg9: memref<128x128xf32, #tpu.memory_space<vmem>>, %arg10: memref<128x128xf32, #tpu.memory_space<vmem>>, %arg11: memref<128x16xf32, #tpu.memory_space<vmem>>, %arg12: memref<128x128xf32, #tpu.memory_space<vmem>>, %arg13: memref<128x128xf32, #tpu.memory_space<vmem>>) attributes {dimension_semantics = [], scalar_prefetch = 0 : i64, scratch_operands = 0 : i64, tpu.core_type = #tpu.core_type<tc>} {
    %get3A = arith.constant 0 : index
    %get3A_0 = arith.constant 0 : index
    %get3A_1 = vector.load %arg0[%get3A, %get3A_0] : memref<128x128xf32, #tpu.memory_space<vmem>>, vector<128x128xf32>
    %mul3A = arith.mulf %get3A_1, %get3A_1 : vector<128x128xf32>
    %reduce_sum3A = arith.constant dense<0.000000e+00> : vector<128xf32>
    %reduce_sum3A_2 = vector.multi_reduction <add>, %mul3A, %reduce_sum3A [1] : vector<128x128xf32> to vector<128xf32>
    %broadcast_in_dim3A = vector.shape_cast %reduce_sum3A_2 : vector<128xf32> to vector<128x1xf32>
    %sqrt3A = math.sqrt %broadcast_in_dim3A : vector<128x1xf32>
    %mul3A_3 = arith.constant 0.0883883461 : f32
    %mul3A_4 = vector.broadcast %mul3A_3 : f32 to vector<128x1xf32>
    %mul3A_5 = arith.mulf %sqrt3A, %mul3A_4 : vector<128x1xf32>
    %add3A = arith.constant 9.99999974E-5 : f32
    %add3A_6 = vector.broadcast %add3A : f32 to vector<128x1xf32>
    %add3A_7 = arith.addf %add3A_6, %mul3A_5 : vector<128x1xf32>
    %mul3A_8 = arith.constant 11.3137083 : f32
    %mul3A_9 = vector.broadcast %mul3A_8 : f32 to vector<128x1xf32>
    %mul3A_10 = arith.mulf %add3A_7, %mul3A_9 : vector<128x1xf32>
    %div3A = vector.broadcast %mul3A_10 : vector<128x1xf32> to vector<128x128xf32>
    %div3A_11 = arith.divf %get3A_1, %div3A : vector<128x128xf32>
    %swap3A = arith.constant 0 : index
    %swap3A_12 = arith.constant 0 : index
    %swap3A_13 = vector.load %arg6[%swap3A, %swap3A_12] : memref<128x128xf32, #tpu.memory_space<vmem>>, vector<128x128xf32>
    tpu.vector_store %arg6[%swap3A, %swap3A_12], %div3A_11 {strides = array<i32>} : memref<128x128xf32, #tpu.memory_space<vmem>>, vector<128x128xf32>,
    %get3A_14 = arith.constant 0 : index
    %get3A_15 = arith.constant 0 : index
    %get3A_16 = vector.load %arg1[%get3A_14, %get3A_15] : memref<128x144xf32, #tpu.memory_space<vmem>>, vector<128x144xf32>
    %mul3A_17 = arith.mulf %get3A_16, %get3A_16 : vector<128x144xf32>
    %reduce_sum3A_18 = arith.constant dense<0.000000e+00> : vector<128xf32>
    %reduce_sum3A_19 = vector.multi_reduction <add>, %mul3A_17, %reduce_sum3A_18 [1] : vector<128x144xf32> to vector<128xf32>
    %broadcast_in_dim3A_20 = vector.shape_cast %reduce_sum3A_19 : vector<128xf32> to vector<128x1xf32>
    %sqrt3A_21 = math.sqrt %broadcast_in_dim3A_20 : vector<128x1xf32>
    %mul3A_22 = arith.constant 0.0833333358 : f32
    %mul3A_23 = vector.broadcast %mul3A_22 : f32 to vector<128x1xf32>
    %mul3A_24 = arith.mulf %sqrt3A_21, %mul3A_23 : vector<128x1xf32>
    %add3A_25 = arith.constant 9.99999974E-5 : f32
    %add3A_26 = vector.broadcast %add3A_25 : f32 to vector<128x1xf32>
    %add3A_27 = arith.addf %add3A_26, %mul3A_24 : vector<128x1xf32>
    %mul3A_28 = arith.constant 1.200000e+01 : f32
    %mul3A_29 = vector.broadcast %mul3A_28 : f32 to vector<128x1xf32>
    %mul3A_30 = arith.mulf %add3A_27, %mul3A_29 : vector<128x1xf32>
    %div3A_31 = vector.broadcast %mul3A_30 : vector<128x1xf32> to vector<128x144xf32>
    %div3A_32 = arith.divf %get3A_16, %div3A_31 : vector<128x144xf32>
    %mul3A_33 = arith.mulf %div3A_32, %div3A_32 : vector<128x144xf32>
    %reduce_sum3A_34 = arith.constant dense<0.000000e+00> : vector<128xf32>
    %reduce_sum3A_35 = vector.multi_reduction <add>, %mul3A_33, %reduce_sum3A_34 [1] : vector<128x144xf32> to vector<128xf32>
    %broadcast_in_dim3A_36 = vector.shape_cast %reduce_sum3A_35 : vector<128xf32> to vector<128x1xf32>
    %sqrt3A_37 = math.sqrt %broadcast_in_dim3A_36 : vector<128x1xf32>
    %mul3A_38 = arith.constant 0.0833333358 : f32
    %mul3A_39 = vector.broadcast %mul3A_38 : f32 to vector<128x1xf32>
    %mul3A_40 = arith.mulf %sqrt3A_37, %mul3A_39 : vector<128x1xf32>
    %add3A_41 = arith.constant 9.99999974E-5 : f32
    %add3A_42 = vector.broadcast %add3A_41 : f32 to vector<128x1xf32>
    %add3A_43 = arith.addf %add3A_42, %mul3A_40 : vector<128x1xf32>
    %mul3A_44 = arith.constant 1.200000e+01 : f32
    %mul3A_45 = vector.broadcast %mul3A_44 : f32 to vector<128x1xf32>
    %mul3A_46 = arith.mulf %add3A_43, %mul3A_45 : vector<128x1xf32>
    %div3A_47 = vector.broadcast %mul3A_46 : vector<128x1xf32> to vector<128x144xf32>
    %div3A_48 = arith.divf %div3A_32, %div3A_47 : vector<128x144xf32>
    %slice3A = vector.extract_strided_slice %div3A_48 {offsets = [0, 0], sizes = [128, 128], strides = [1, 1]} : vector<128x144xf32> to vector<128x128xf32>
    %mul3A_49 = arith.constant 0.530330062 : f32
    %mul3A_50 = vector.broadcast %mul3A_49 : f32 to vector<128x128xf32>
    %mul3A_51 = arith.mulf %mul3A_50, %slice3A : vector<128x128xf32>
    %swap3A_52 = arith.constant 0 : index
    %swap3A_53 = arith.constant 0 : index
    %swap3A_54 = vector.load %arg7[%swap3A_52, %swap3A_53] : memref<128x128xf32, #tpu.memory_space<vmem>>, vector<128x128xf32>
    tpu.vector_store %arg7[%swap3A_52, %swap3A_53], %mul3A_51 {strides = array<i32>} : memref<128x128xf32, #tpu.memory_space<vmem>>, vector<128x128xf32>,
    %slice3A_55 = vector.extract_strided_slice %div3A_48 {offsets = [0, 128], sizes = [128, 16], strides = [1, 1]} : vector<128x144xf32> to vector<128x16xf32>
    %mul3A_56 = arith.constant 1.500000e+00 : f32
    %mul3A_57 = vector.broadcast %mul3A_56 : f32 to vector<128x16xf32>
    %mul3A_58 = arith.mulf %mul3A_57, %slice3A_55 : vector<128x16xf32>
    %swap3A_59 = arith.constant 0 : index
    %swap3A_60 = arith.constant 0 : index
    %swap3A_61 = vector.load %arg8[%swap3A_59, %swap3A_60] : memref<128x16xf32, #tpu.memory_space<vmem>>, vector<128x16xf32>
    tpu.vector_store %arg8[%swap3A_59, %swap3A_60], %mul3A_58 {strides = array<i32>} : memref<128x16xf32, #tpu.memory_space<vmem>>, vector<128x16xf32>,
    %get3A_62 = arith.constant 0 : index
    %get3A_63 = arith.constant 0 : index
    %get3A_64 = vector.load %arg2[%get3A_62, %get3A_63] : memref<128x128xf32, #tpu.memory_space<vmem>>, vector<128x128xf32>
    %mul3A_65 = arith.mulf %get3A_64, %get3A_64 : vector<128x128xf32>
    %reduce_sum3A_66 = arith.constant dense<0.000000e+00> : vector<128xf32>
    %reduce_sum3A_67 = vector.multi_reduction <add>, %mul3A_65, %reduce_sum3A_66 [1] : vector<128x128xf32> to vector<128xf32>
    %broadcast_in_dim3A_68 = vector.shape_cast %reduce_sum3A_67 : vector<128xf32> to vector<128x1xf32>
    %sqrt3A_69 = math.sqrt %broadcast_in_dim3A_68 : vector<128x1xf32>
    %mul3A_70 = arith.constant 0.0883883461 : f32
    %mul3A_71 = vector.broadcast %mul3A_70 : f32 to vector<128x1xf32>
    %mul3A_72 = arith.mulf %sqrt3A_69, %mul3A_71 : vector<128x1xf32>
    %add3A_73 = arith.constant 9.99999974E-5 : f32
    %add3A_74 = vector.broadcast %add3A_73 : f32 to vector<128x1xf32>
    %add3A_75 = arith.addf %add3A_74, %mul3A_72 : vector<128x1xf32>
    %mul3A_76 = arith.constant 11.3137083 : f32
    %mul3A_77 = vector.broadcast %mul3A_76 : f32 to vector<128x1xf32>
    %mul3A_78 = arith.mulf %add3A_75, %mul3A_77 : vector<128x1xf32>
    %div3A_79 = vector.broadcast %mul3A_78 : vector<128x1xf32> to vector<128x128xf32>
    %div3A_80 = arith.divf %get3A_64, %div3A_79 : vector<128x128xf32>
    %mul3A_81 = arith.mulf %div3A_80, %div3A_80 : vector<128x128xf32>
    %reduce_sum3A_82 = arith.constant dense<0.000000e+00> : vector<128xf32>
    %reduce_sum3A_83 = vector.multi_reduction <add>, %mul3A_81, %reduce_sum3A_82 [1] : vector<128x128xf32> to vector<128xf32>
    %broadcast_in_dim3A_84 = vector.shape_cast %reduce_sum3A_83 : vector<128xf32> to vector<128x1xf32>
    %sqrt3A_85 = math.sqrt %broadcast_in_dim3A_84 : vector<128x1xf32>
    %mul3A_86 = arith.constant 0.0883883461 : f32
    %mul3A_87 = vector.broadcast %mul3A_86 : f32 to vector<128x1xf32>
    %mul3A_88 = arith.mulf %sqrt3A_85, %mul3A_87 : vector<128x1xf32>
    %add3A_89 = arith.constant 9.99999974E-5 : f32
    %add3A_90 = vector.broadcast %add3A_89 : f32 to vector<128x1xf32>
    %add3A_91 = arith.addf %add3A_90, %mul3A_88 : vector<128x1xf32>
    %mul3A_92 = arith.constant 11.3137083 : f32
    %mul3A_93 = vector.broadcast %mul3A_92 : f32 to vector<128x1xf32>
    %mul3A_94 = arith.mulf %add3A_91, %mul3A_93 : vector<128x1xf32>
    %div3A_95 = vector.broadcast %mul3A_94 : vector<128x1xf32> to vector<128x128xf32>
    %div3A_96 = arith.divf %div3A_80, %div3A_95 : vector<128x128xf32>
    %mul3A_97 = arith.constant 0.707106769 : f32
    %mul3A_98 = vector.broadcast %mul3A_97 : f32 to vector<128x128xf32>
    %mul3A_99 = arith.mulf %mul3A_98, %div3A_96 : vector<128x128xf32>
    %swap3A_100 = arith.constant 0 : index
    %swap3A_101 = arith.constant 0 : index
    %swap3A_102 = vector.load %arg9[%swap3A_100, %swap3A_101] : memref<128x128xf32, #tpu.memory_space<vmem>>, vector<128x128xf32>
    tpu.vector_store %arg9[%swap3A_100, %swap3A_101], %mul3A_99 {strides = array<i32>} : memref<128x128xf32, #tpu.memory_space<vmem>>, vector<128x128xf32>,
    %get3A_103 = arith.constant 0 : index
    %get3A_104 = arith.constant 0 : index
    %get3A_105 = vector.load %arg3[%get3A_103, %get3A_104] : memref<128x144xf32, #tpu.memory_space<vmem>>, vector<128x144xf32>
    %mul3A_106 = arith.mulf %get3A_105, %get3A_105 : vector<128x144xf32>
    %reduce_sum3A_107 = arith.constant dense<0.000000e+00> : vector<128xf32>
    %reduce_sum3A_108 = vector.multi_reduction <add>, %mul3A_106, %reduce_sum3A_107 [1] : vector<128x144xf32> to vector<128xf32>
    %broadcast_in_dim3A_109 = vector.shape_cast %reduce_sum3A_108 : vector<128xf32> to vector<128x1xf32>
    %sqrt3A_110 = math.sqrt %broadcast_in_dim3A_109 : vector<128x1xf32>
    %mul3A_111 = arith.constant 0.0833333358 : f32
    %mul3A_112 = vector.broadcast %mul3A_111 : f32 to vector<128x1xf32>
    %mul3A_113 = arith.mulf %sqrt3A_110, %mul3A_112 : vector<128x1xf32>
    %add3A_114 = arith.constant 9.99999974E-5 : f32
    %add3A_115 = vector.broadcast %add3A_114 : f32 to vector<128x1xf32>
    %add3A_116 = arith.addf %add3A_115, %mul3A_113 : vector<128x1xf32>
    %mul3A_117 = arith.constant 1.200000e+01 : f32
    %mul3A_118 = vector.broadcast %mul3A_117 : f32 to vector<128x1xf32>
    %mul3A_119 = arith.mulf %add3A_116, %mul3A_118 : vector<128x1xf32>
    %div3A_120 = vector.broadcast %mul3A_119 : vector<128x1xf32> to vector<128x144xf32>
    %div3A_121 = arith.divf %get3A_105, %div3A_120 : vector<128x144xf32>
    %mul3A_122 = arith.mulf %div3A_121, %div3A_121 : vector<128x144xf32>
    %reduce_sum3A_123 = arith.constant dense<0.000000e+00> : vector<128xf32>
    %reduce_sum3A_124 = vector.multi_reduction <add>, %mul3A_122, %reduce_sum3A_123 [1] : vector<128x144xf32> to vector<128xf32>
    %broadcast_in_dim3A_125 = vector.shape_cast %reduce_sum3A_124 : vector<128xf32> to vector<128x1xf32>
    %sqrt3A_126 = math.sqrt %broadcast_in_dim3A_125 : vector<128x1xf32>
    %mul3A_127 = arith.constant 0.0833333358 : f32
    %mul3A_128 = vector.broadcast %mul3A_127 : f32 to vector<128x1xf32>
    %mul3A_129 = arith.mulf %sqrt3A_126, %mul3A_128 : vector<128x1xf32>
    %add3A_130 = arith.constant 9.99999974E-5 : f32
    %add3A_131 = vector.broadcast %add3A_130 : f32 to vector<128x1xf32>
    %add3A_132 = arith.addf %add3A_131, %mul3A_129 : vector<128x1xf32>
    %mul3A_133 = arith.constant 1.200000e+01 : f32
    %mul3A_134 = vector.broadcast %mul3A_133 : f32 to vector<128x1xf32>
    %mul3A_135 = arith.mulf %add3A_132, %mul3A_134 : vector<128x1xf32>
    %div3A_136 = vector.broadcast %mul3A_135 : vector<128x1xf32> to vector<128x144xf32>
    %div3A_137 = arith.divf %div3A_121, %div3A_136 : vector<128x144xf32>
    %slice3A_138 = vector.extract_strided_slice %div3A_137 {offsets = [0, 0], sizes = [128, 128], strides = [1, 1]} : vector<128x144xf32> to vector<128x128xf32>
    %mul3A_139 = arith.constant 0.530330062 : f32
    %mul3A_140 = vector.broadcast %mul3A_139 : f32 to vector<128x128xf32>
    %mul3A_141 = arith.mulf %mul3A_140, %slice3A_138 : vector<128x128xf32>
    %swap3A_142 = arith.constant 0 : index
    %swap3A_143 = arith.constant 0 : index
    %swap3A_144 = vector.load %arg10[%swap3A_142, %swap3A_143] : memref<128x128xf32, #tpu.memory_space<vmem>>, vector<128x128xf32>
    tpu.vector_store %arg10[%swap3A_142, %swap3A_143], %mul3A_141 {strides = array<i32>} : memref<128x128xf32, #tpu.memory_space<vmem>>, vector<128x128xf32>,
    %slice3A_145 = vector.extract_strided_slice %div3A_137 {offsets = [0, 128], sizes = [128, 16], strides = [1, 1]} : vector<128x144xf32> to vector<128x16xf32>
    %mul3A_146 = arith.constant 1.500000e+00 : f32
    %mul3A_147 = vector.broadcast %mul3A_146 : f32 to vector<128x16xf32>
    %mul3A_148 = arith.mulf %mul3A_147, %slice3A_145 : vector<128x16xf32>
    %swap3A_149 = arith.constant 0 : index
    %swap3A_150 = arith.constant 0 : index
    %swap3A_151 = vector.load %arg11[%swap3A_149, %swap3A_150] : memref<128x16xf32, #tpu.memory_space<vmem>>, vector<128x16xf32>
    tpu.vector_store %arg11[%swap3A_149, %swap3A_150], %mul3A_148 {strides = array<i32>} : memref<128x16xf32, #tpu.memory_space<vmem>>, vector<128x16xf32>,
    %get3A_152 = arith.constant 0 : index
    %get3A_153 = arith.constant 0 : index
    %get3A_154 = vector.load %arg4[%get3A_152, %get3A_153] : memref<128x128xf32, #tpu.memory_space<vmem>>, vector<128x128xf32>
    %mul3A_155 = arith.mulf %get3A_154, %get3A_154 : vector<128x128xf32>
    %reduce_sum3A_156 = arith.constant dense<0.000000e+00> : vector<128xf32>
    %reduce_sum3A_157 = vector.multi_reduction <add>, %mul3A_155, %reduce_sum3A_156 [1] : vector<128x128xf32> to vector<128xf32>
    %broadcast_in_dim3A_158 = vector.shape_cast %reduce_sum3A_157 : vector<128xf32> to vector<128x1xf32>
    %sqrt3A_159 = math.sqrt %broadcast_in_dim3A_158 : vector<128x1xf32>
    %mul3A_160 = arith.constant 0.0883883461 : f32
    %mul3A_161 = vector.broadcast %mul3A_160 : f32 to vector<128x1xf32>
    %mul3A_162 = arith.mulf %sqrt3A_159, %mul3A_161 : vector<128x1xf32>
    %add3A_163 = arith.constant 9.99999974E-5 : f32
    %add3A_164 = vector.broadcast %add3A_163 : f32 to vector<128x1xf32>
    %add3A_165 = arith.addf %add3A_164, %mul3A_162 : vector<128x1xf32>
    %mul3A_166 = arith.constant 11.3137083 : f32
    %mul3A_167 = vector.broadcast %mul3A_166 : f32 to vector<128x1xf32>
    %mul3A_168 = arith.mulf %add3A_165, %mul3A_167 : vector<128x1xf32>
    %div3A_169 = vector.broadcast %mul3A_168 : vector<128x1xf32> to vector<128x128xf32>
    %div3A_170 = arith.divf %get3A_154, %div3A_169 : vector<128x128xf32>
    %mul3A_171 = arith.mulf %div3A_170, %div3A_170 : vector<128x128xf32>
    %reduce_sum3A_172 = arith.constant dense<0.000000e+00> : vector<128xf32>
    %reduce_sum3A_173 = vector.multi_reduction <add>, %mul3A_171, %reduce_sum3A_172 [1] : vector<128x128xf32> to vector<128xf32>
    %broadcast_in_dim3A_174 = vector.shape_cast %reduce_sum3A_173 : vector<128xf32> to vector<128x1xf32>
    %sqrt3A_175 = math.sqrt %broadcast_in_dim3A_174 : vector<128x1xf32>
    %mul3A_176 = arith.constant 0.0883883461 : f32
    %mul3A_177 = vector.broadcast %mul3A_176 : f32 to vector<128x1xf32>
    %mul3A_178 = arith.mulf %sqrt3A_175, %mul3A_177 : vector<128x1xf32>
    %add3A_179 = arith.constant 9.99999974E-5 : f32
    %add3A_180 = vector.broadcast %add3A_179 : f32 to vector<128x1xf32>
    %add3A_181 = arith.addf %add3A_180, %mul3A_178 : vector<128x1xf32>
    %mul3A_182 = arith.constant 11.3137083 : f32
    %mul3A_183 = vector.broadcast %mul3A_182 : f32 to vector<128x1xf32>
    %mul3A_184 = arith.mulf %add3A_181, %mul3A_183 : vector<128x1xf32>
    %div3A_185 = vector.broadcast %mul3A_184 : vector<128x1xf32> to vector<128x128xf32>
    %div3A_186 = arith.divf %div3A_170, %div3A_185 : vector<128x128xf32>
    %mul3A_187 = arith.constant 0.707106769 : f32
    %mul3A_188 = vector.broadcast %mul3A_187 : f32 to vector<128x128xf32>
    %mul3A_189 = arith.mulf %mul3A_188, %div3A_186 : vector<128x128xf32>
    %swap3A_190 = arith.constant 0 : index
    %swap3A_191 = arith.constant 0 : index
    %swap3A_192 = vector.load %arg12[%swap3A_190, %swap3A_191] : memref<128x128xf32, #tpu.memory_space<vmem>>, vector<128x128xf32>
    tpu.vector_store %arg12[%swap3A_190, %swap3A_191], %mul3A_189 {strides = array<i32>} : memref<128x128xf32, #tpu.memory_space<vmem>>, vector<128x128xf32>,
    %get3A_193 = arith.constant 0 : index
    %get3A_194 = arith.constant 0 : index
    %get3A_195 = vector.load %arg5[%get3A_193, %get3A_194] : memref<128x128xf32, #tpu.memory_space<vmem>>, vector<128x128xf32>
    %mul3A_196 = arith.mulf %get3A_195, %get3A_195 : vector<128x128xf32>
    %reduce_sum3A_197 = arith.constant dense<0.000000e+00> : vector<128xf32>
    %reduce_sum3A_198 = vector.multi_reduction <add>, %mul3A_196, %reduce_sum3A_197 [1] : vector<128x128xf32> to vector<128xf32>
    %broadcast_in_dim3A_199 = vector.shape_cast %reduce_sum3A_198 : vector<128xf32> to vector<128x1xf32>
    %sqrt3A_200 = math.sqrt %broadcast_in_dim3A_199 : vector<128x1xf32>
    %mul3A_201 = arith.constant 0.0883883461 : f32
    %mul3A_202 = vector.broadcast %mul3A_201 : f32 to vector<128x1xf32>
    %mul3A_203 = arith.mulf %sqrt3A_200, %mul3A_202 : vector<128x1xf32>
    %add3A_204 = arith.constant 9.99999974E-5 : f32
    %add3A_205 = vector.broadcast %add3A_204 : f32 to vector<128x1xf32>
    %add3A_206 = arith.addf %add3A_205, %mul3A_203 : vector<128x1xf32>
    %mul3A_207 = arith.constant 11.3137083 : f32
    %mul3A_208 = vector.broadcast %mul3A_207 : f32 to vector<128x1xf32>
    %mul3A_209 = arith.mulf %add3A_206, %mul3A_208 : vector<128x1xf32>
    %div3A_210 = vector.broadcast %mul3A_209 : vector<128x1xf32> to vector<128x128xf32>
    %div3A_211 = arith.divf %get3A_195, %div3A_210 : vector<128x128xf32>
    %swap3A_212 = arith.constant 0 : index
    %swap3A_213 = arith.constant 0 : index
    %swap3A_214 = vector.load %arg13[%swap3A_212, %swap3A_213] : memref<128x128xf32, #tpu.memory_space<vmem>>, vector<128x128xf32>
    tpu.vector_store %arg13[%swap3A_212, %swap3A_213], %div3A_211 {strides = array<i32>} : memref<128x128xf32, #tpu.memory_space<vmem>>, vector<128x128xf32>,
    return
  }
}

module attributes {stable_mosaic.version = 14 : i64} {
  func.func @_mm_body(%arg0: i32, %arg1: memref<1024x128xf32, #tpu.memory_space<vmem>>, %arg2: memref<128x128xf32, #tpu.memory_space<vmem>>, %arg3: memref<1024x128xf32, #tpu.memory_space<vmem>>) attributes {dimension_semantics = [#tpu.dimension_semantics<arbitrary>], iteration_bounds = array<i64: 10>, scalar_prefetch = 0 : i64, scratch_operands = 0 : i64, tpu.core_type = #tpu.core_type<tc>, window_params = [{transform_indices = @transform_0, window_bounds = array<i64: 1024, 128>}, {pipeline_mode = #tpu.pipeline_mode<synchronous>, transform_indices = @transform_1, window_bounds = array<i64: 128, 128>}, {transform_indices = @transform_2, window_bounds = array<i64: 1024, 128>}]} {
    %get3A = arith.constant 0 : index
    %get3A_0 = arith.constant 0 : index
    %get3A_1 = vector.load %arg1[%get3A, %get3A_0] : memref<1024x128xf32, #tpu.memory_space<vmem>>, vector<1024x128xf32>
    %get3A_2 = arith.constant 0 : index
    %get3A_3 = arith.constant 0 : index
    %get3A_4 = vector.load %arg2[%get3A_2, %get3A_3] : memref<128x128xf32, #tpu.memory_space<vmem>>, vector<128x128xf32>
    %dot_general3A = arith.constant dense<0.000000e+00> : vector<1024x128xf32>
    %dot_general3A_5 = tpu.matmul %get3A_1, %get3A_4, %dot_general3A {dimension_numbers = #tpu.dot_dimension_numbers<[1], [1], [0], [0], [0, 0, 1, 0], [], []>, transpose_lhs_hint = false} : vector<1024x128xf32>, vector<128x128xf32>, vector<1024x128xf32> -> vector<1024x128xf32>
    %swap3A = arith.constant 0 : index
    %swap3A_6 = arith.constant 0 : index
    %swap3A_7 = vector.load %arg3[%swap3A, %swap3A_6] : memref<1024x128xf32, #tpu.memory_space<vmem>>, vector<1024x128xf32>
    tpu.vector_store %arg3[%swap3A, %swap3A_6], %dot_general3A_5 {strides = array<i32>} : memref<1024x128xf32, #tpu.memory_space<vmem>>, vector<1024x128xf32>,
    return
  }
  func.func @transform_0(%arg0: i32) -> (i32, i32) {
    %c0_i32 = arith.constant 0 : i32
    %c0_i32_0 = arith.constant 0 : i32
    return %arg0, %c0_i32 : i32, i32
  }
  func.func @transform_1(%arg0: i32) -> (i32, i32) {
    %c0_i32 = arith.constant 0 : i32
    %c0_i32_0 = arith.constant 0 : i32
    %c0_i32_1 = arith.constant 0 : i32
    return %c0_i32, %c0_i32_0 : i32, i32
  }
  func.func @transform_2(%arg0: i32) -> (i32, i32) {
    %c0_i32 = arith.constant 0 : i32
    %c0_i32_0 = arith.constant 0 : i32
    return %arg0, %c0_i32 : i32, i32
  }
}

module attributes {stable_mosaic.version = 14 : i64} {
  func.func @_epi_body(%arg0: i32, %arg1: memref<1024x128xf32, #tpu.memory_space<vmem>>, %arg2: memref<1024x128xf32, #tpu.memory_space<vmem>>, %arg3: memref<1024x128xf32, #tpu.memory_space<vmem>>, %arg4: memref<1024x128xf32, #tpu.memory_space<vmem>>, %arg5: memref<1024x128xf32, #tpu.memory_space<vmem>>, %arg6: memref<128x128xf32, #tpu.memory_space<vmem>>, %arg7: memref<128x16xf32, #tpu.memory_space<vmem>>, %arg8: memref<128x128xf32, #tpu.memory_space<vmem>>, %arg9: memref<1024x128xf32, #tpu.memory_space<vmem>>) attributes {dimension_semantics = [#tpu.dimension_semantics<arbitrary>], iteration_bounds = array<i64: 10>, scalar_prefetch = 0 : i64, scratch_operands = 0 : i64, tpu.core_type = #tpu.core_type<tc>, window_params = [{transform_indices = @transform_0, window_bounds = array<i64: 1024, 128>}, {transform_indices = @transform_1, window_bounds = array<i64: 1024, 128>}, {transform_indices = @transform_2, window_bounds = array<i64: 1024, 128>}, {transform_indices = @transform_3, window_bounds = array<i64: 1024, 128>}, {transform_indices = @transform_4, window_bounds = array<i64: 1024, 128>}, {pipeline_mode = #tpu.pipeline_mode<synchronous>, transform_indices = @transform_5, window_bounds = array<i64: 128, 128>}, {pipeline_mode = #tpu.pipeline_mode<synchronous>, transform_indices = @transform_6, window_bounds = array<i64: 128, 16>}, {pipeline_mode = #tpu.pipeline_mode<synchronous>, transform_indices = @transform_7, window_bounds = array<i64: 128, 128>}, {transform_indices = @transform_8, window_bounds = array<i64: 1024, 128>}]} {
    %get3A = arith.constant 0 : index
    %get3A_0 = arith.constant 0 : index
    %get3A_1 = vector.load %arg3[%get3A, %get3A_0] : memref<1024x128xf32, #tpu.memory_space<vmem>>, vector<1024x128xf32>
    %get3A_2 = arith.constant 0 : index
    %get3A_3 = arith.constant 0 : index
    %get3A_4 = vector.load %arg4[%get3A_2, %get3A_3] : memref<1024x128xf32, #tpu.memory_space<vmem>>, vector<1024x128xf32>
    %add3A = arith.addf %get3A_1, %get3A_4 : vector<1024x128xf32>
    %slice3A = vector.extract_strided_slice %add3A {offsets = [0, 16], sizes = [1024, 1], strides = [1, 1]} : vector<1024x128xf32> to vector<1024x1xf32>
    %max3A = arith.constant 1.000000e+00 : f32
    %max3A_5 = vector.broadcast %max3A : f32 to vector<1024x1xf32>
    %max3A_6 = arith.maximumf %slice3A, %max3A_5 : vector<1024x1xf32>
    %get3A_7 = arith.constant 0 : index
    %get3A_8 = arith.constant 0 : index
    %get3A_9 = vector.load %arg1[%get3A_7, %get3A_8] : memref<1024x128xf32, #tpu.memory_space<vmem>>, vector<1024x128xf32>
    %get3A_10 = arith.constant 0 : index
    %get3A_11 = arith.constant 0 : index
    %get3A_12 = vector.load %arg2[%get3A_10, %get3A_11] : memref<1024x128xf32, #tpu.memory_space<vmem>>, vector<1024x128xf32>
    %add3A_13 = arith.addf %get3A_9, %get3A_12 : vector<1024x128xf32>
    %div3A = vector.broadcast %max3A_6 : vector<1024x1xf32> to vector<1024x128xf32>
    %div3A_14 = arith.divf %add3A_13, %div3A : vector<1024x128xf32>
    %slice3A_15 = vector.extract_strided_slice %add3A {offsets = [0, 0], sizes = [1024, 16], strides = [1, 1]} : vector<1024x128xf32> to vector<1024x16xf32>
    %div3A_16 = vector.broadcast %max3A_6 : vector<1024x1xf32> to vector<1024x16xf32>
    %div3A_17 = arith.divf %slice3A_15, %div3A_16 : vector<1024x16xf32>
    %get3A_18 = arith.constant 0 : index
    %get3A_19 = arith.constant 0 : index
    %get3A_20 = vector.load %arg6[%get3A_18, %get3A_19] : memref<128x128xf32, #tpu.memory_space<vmem>>, vector<128x128xf32>
    %dot_general3A = arith.constant dense<0.000000e+00> : vector<1024x128xf32>
    %dot_general3A_21 = tpu.matmul %div3A_14, %get3A_20, %dot_general3A {dimension_numbers = #tpu.dot_dimension_numbers<[1], [1], [0], [0], [0, 0, 1, 0], [], []>, transpose_lhs_hint = false} : vector<1024x128xf32>, vector<128x128xf32>, vector<1024x128xf32> -> vector<1024x128xf32>
    %get3A_22 = arith.constant 0 : index
    %get3A_23 = arith.constant 0 : index
    %get3A_24 = vector.load %arg7[%get3A_22, %get3A_23] : memref<128x16xf32, #tpu.memory_space<vmem>>, vector<128x16xf32>
    %dot_general3A_25 = arith.constant dense<0.000000e+00> : vector<1024x128xf32>
    %dot_general3A_26 = tpu.matmul %div3A_17, %get3A_24, %dot_general3A_25 {dimension_numbers = #tpu.dot_dimension_numbers<[1], [1], [0], [0], [0, 0, 1, 0], [], []>, transpose_lhs_hint = false} : vector<1024x16xf32>, vector<128x16xf32>, vector<1024x128xf32> -> vector<1024x128xf32>
    %add3A_27 = arith.addf %dot_general3A_21, %dot_general3A_26 : vector<1024x128xf32>
    %get3A_28 = arith.constant 0 : index
    %get3A_29 = arith.constant 0 : index
    %get3A_30 = vector.load %arg5[%get3A_28, %get3A_29] : memref<1024x128xf32, #tpu.memory_space<vmem>>, vector<1024x128xf32>
    %get3A_31 = arith.constant 0 : index
    %get3A_32 = arith.constant 0 : index
    %get3A_33 = vector.load %arg8[%get3A_31, %get3A_32] : memref<128x128xf32, #tpu.memory_space<vmem>>, vector<128x128xf32>
    %dot_general3A_34 = arith.constant dense<0.000000e+00> : vector<1024x128xf32>
    %dot_general3A_35 = tpu.matmul %get3A_30, %get3A_33, %dot_general3A_34 {dimension_numbers = #tpu.dot_dimension_numbers<[1], [1], [0], [0], [0, 0, 1, 0], [], []>, transpose_lhs_hint = false} : vector<1024x128xf32>, vector<128x128xf32>, vector<1024x128xf32> -> vector<1024x128xf32>
    %add3A_36 = arith.addf %add3A_27, %dot_general3A_35 : vector<1024x128xf32>
    %mul3A = arith.mulf %add3A_36, %add3A_36 : vector<1024x128xf32>
    %reduce_sum3A = arith.constant dense<0.000000e+00> : vector<1024xf32>
    %reduce_sum3A_37 = vector.multi_reduction <add>, %mul3A, %reduce_sum3A [1] : vector<1024x128xf32> to vector<1024xf32>
    %broadcast_in_dim3A = vector.shape_cast %reduce_sum3A_37 : vector<1024xf32> to vector<1024x1xf32>
    %sqrt3A = math.sqrt %broadcast_in_dim3A : vector<1024x1xf32>
    %max3A_38 = arith.constant 9.99999996E-13 : f32
    %max3A_39 = vector.broadcast %max3A_38 : f32 to vector<1024x1xf32>
    %max3A_40 = arith.maximumf %sqrt3A, %max3A_39 : vector<1024x1xf32>
    %div3A_41 = vector.broadcast %max3A_40 : vector<1024x1xf32> to vector<1024x128xf32>
    %div3A_42 = arith.divf %add3A_36, %div3A_41 : vector<1024x128xf32>
    %swap3A = arith.constant 0 : index
    %swap3A_43 = arith.constant 0 : index
    %swap3A_44 = vector.load %arg9[%swap3A, %swap3A_43] : memref<1024x128xf32, #tpu.memory_space<vmem>>, vector<1024x128xf32>
    tpu.vector_store %arg9[%swap3A, %swap3A_43], %div3A_42 {strides = array<i32>} : memref<1024x128xf32, #tpu.memory_space<vmem>>, vector<1024x128xf32>,
    return
  }
  func.func @transform_0(%arg0: i32) -> (i32, i32) {
    %c0_i32 = arith.constant 0 : i32
    %c0_i32_0 = arith.constant 0 : i32
    return %arg0, %c0_i32 : i32, i32
  }
  func.func @transform_1(%arg0: i32) -> (i32, i32) {
    %c0_i32 = arith.constant 0 : i32
    %c0_i32_0 = arith.constant 0 : i32
    return %arg0, %c0_i32 : i32, i32
  }
  func.func @transform_2(%arg0: i32) -> (i32, i32) {
    %c0_i32 = arith.constant 0 : i32
    %c0_i32_0 = arith.constant 0 : i32
    return %arg0, %c0_i32 : i32, i32
  }
  func.func @transform_3(%arg0: i32) -> (i32, i32) {
    %c0_i32 = arith.constant 0 : i32
    %c0_i32_0 = arith.constant 0 : i32
    return %arg0, %c0_i32 : i32, i32
  }
  func.func @transform_4(%arg0: i32) -> (i32, i32) {
    %c0_i32 = arith.constant 0 : i32
    %c0_i32_0 = arith.constant 0 : i32
    return %arg0, %c0_i32 : i32, i32
  }
  func.func @transform_5(%arg0: i32) -> (i32, i32) {
    %c0_i32 = arith.constant 0 : i32
    %c0_i32_0 = arith.constant 0 : i32
    %c0_i32_1 = arith.constant 0 : i32
    return %c0_i32, %c0_i32_0 : i32, i32
  }
  func.func @transform_6(%arg0: i32) -> (i32, i32) {
    %c0_i32 = arith.constant 0 : i32
    %c0_i32_0 = arith.constant 0 : i32
    %c0_i32_1 = arith.constant 0 : i32
    return %c0_i32, %c0_i32_0 : i32, i32
  }
  func.func @transform_7(%arg0: i32) -> (i32, i32) {
    %c0_i32 = arith.constant 0 : i32
    %c0_i32_0 = arith.constant 0 : i32
    %c0_i32_1 = arith.constant 0 : i32
    return %c0_i32, %c0_i32_0 : i32, i32
  }
  func.func @transform_8(%arg0: i32) -> (i32, i32) {
    %c0_i32 = arith.constant 0 : i32
    %c0_i32_0 = arith.constant 0 : i32
    return %arg0, %c0_i32 : i32, i32
  }
}

module attributes {stable_mosaic.version = 14 : i64} {
  func.func @_epif_body(%arg0: i32, %arg1: memref<1024x128xf32, #tpu.memory_space<vmem>>, %arg2: memref<1024x128xf32, #tpu.memory_space<vmem>>, %arg3: memref<1024x128xf32, #tpu.memory_space<vmem>>, %arg4: memref<1024x128xf32, #tpu.memory_space<vmem>>, %arg5: memref<1024x128xf32, #tpu.memory_space<vmem>>, %arg6: memref<128x128xf32, #tpu.memory_space<vmem>>, %arg7: memref<128x16xf32, #tpu.memory_space<vmem>>, %arg8: memref<128x128xf32, #tpu.memory_space<vmem>>, %arg9: memref<128x128xf32, #tpu.memory_space<vmem>>, %arg10: memref<1024x128xf32, #tpu.memory_space<vmem>>) attributes {dimension_semantics = [#tpu.dimension_semantics<arbitrary>], iteration_bounds = array<i64: 10>, scalar_prefetch = 0 : i64, scratch_operands = 0 : i64, tpu.core_type = #tpu.core_type<tc>, window_params = [{transform_indices = @transform_0, window_bounds = array<i64: 1024, 128>}, {transform_indices = @transform_1, window_bounds = array<i64: 1024, 128>}, {transform_indices = @transform_2, window_bounds = array<i64: 1024, 128>}, {transform_indices = @transform_3, window_bounds = array<i64: 1024, 128>}, {transform_indices = @transform_4, window_bounds = array<i64: 1024, 128>}, {pipeline_mode = #tpu.pipeline_mode<synchronous>, transform_indices = @transform_5, window_bounds = array<i64: 128, 128>}, {pipeline_mode = #tpu.pipeline_mode<synchronous>, transform_indices = @transform_6, window_bounds = array<i64: 128, 16>}, {pipeline_mode = #tpu.pipeline_mode<synchronous>, transform_indices = @transform_7, window_bounds = array<i64: 128, 128>}, {pipeline_mode = #tpu.pipeline_mode<synchronous>, transform_indices = @transform_8, window_bounds = array<i64: 128, 128>}, {transform_indices = @transform_9, window_bounds = array<i64: 1024, 128>}]} {
    %get3A = arith.constant 0 : index
    %get3A_0 = arith.constant 0 : index
    %get3A_1 = vector.load %arg3[%get3A, %get3A_0] : memref<1024x128xf32, #tpu.memory_space<vmem>>, vector<1024x128xf32>
    %get3A_2 = arith.constant 0 : index
    %get3A_3 = arith.constant 0 : index
    %get3A_4 = vector.load %arg4[%get3A_2, %get3A_3] : memref<1024x128xf32, #tpu.memory_space<vmem>>, vector<1024x128xf32>
    %add3A = arith.addf %get3A_1, %get3A_4 : vector<1024x128xf32>
    %slice3A = vector.extract_strided_slice %add3A {offsets = [0, 16], sizes = [1024, 1], strides = [1, 1]} : vector<1024x128xf32> to vector<1024x1xf32>
    %max3A = arith.constant 1.000000e+00 : f32
    %max3A_5 = vector.broadcast %max3A : f32 to vector<1024x1xf32>
    %max3A_6 = arith.maximumf %slice3A, %max3A_5 : vector<1024x1xf32>
    %get3A_7 = arith.constant 0 : index
    %get3A_8 = arith.constant 0 : index
    %get3A_9 = vector.load %arg1[%get3A_7, %get3A_8] : memref<1024x128xf32, #tpu.memory_space<vmem>>, vector<1024x128xf32>
    %get3A_10 = arith.constant 0 : index
    %get3A_11 = arith.constant 0 : index
    %get3A_12 = vector.load %arg2[%get3A_10, %get3A_11] : memref<1024x128xf32, #tpu.memory_space<vmem>>, vector<1024x128xf32>
    %add3A_13 = arith.addf %get3A_9, %get3A_12 : vector<1024x128xf32>
    %div3A = vector.broadcast %max3A_6 : vector<1024x1xf32> to vector<1024x128xf32>
    %div3A_14 = arith.divf %add3A_13, %div3A : vector<1024x128xf32>
    %slice3A_15 = vector.extract_strided_slice %add3A {offsets = [0, 0], sizes = [1024, 16], strides = [1, 1]} : vector<1024x128xf32> to vector<1024x16xf32>
    %div3A_16 = vector.broadcast %max3A_6 : vector<1024x1xf32> to vector<1024x16xf32>
    %div3A_17 = arith.divf %slice3A_15, %div3A_16 : vector<1024x16xf32>
    %get3A_18 = arith.constant 0 : index
    %get3A_19 = arith.constant 0 : index
    %get3A_20 = vector.load %arg6[%get3A_18, %get3A_19] : memref<128x128xf32, #tpu.memory_space<vmem>>, vector<128x128xf32>
    %dot_general3A = arith.constant dense<0.000000e+00> : vector<1024x128xf32>
    %dot_general3A_21 = tpu.matmul %div3A_14, %get3A_20, %dot_general3A {dimension_numbers = #tpu.dot_dimension_numbers<[1], [1], [0], [0], [0, 0, 1, 0], [], []>, transpose_lhs_hint = false} : vector<1024x128xf32>, vector<128x128xf32>, vector<1024x128xf32> -> vector<1024x128xf32>
    %get3A_22 = arith.constant 0 : index
    %get3A_23 = arith.constant 0 : index
    %get3A_24 = vector.load %arg7[%get3A_22, %get3A_23] : memref<128x16xf32, #tpu.memory_space<vmem>>, vector<128x16xf32>
    %dot_general3A_25 = arith.constant dense<0.000000e+00> : vector<1024x128xf32>
    %dot_general3A_26 = tpu.matmul %div3A_17, %get3A_24, %dot_general3A_25 {dimension_numbers = #tpu.dot_dimension_numbers<[1], [1], [0], [0], [0, 0, 1, 0], [], []>, transpose_lhs_hint = false} : vector<1024x16xf32>, vector<128x16xf32>, vector<1024x128xf32> -> vector<1024x128xf32>
    %add3A_27 = arith.addf %dot_general3A_21, %dot_general3A_26 : vector<1024x128xf32>
    %get3A_28 = arith.constant 0 : index
    %get3A_29 = arith.constant 0 : index
    %get3A_30 = vector.load %arg5[%get3A_28, %get3A_29] : memref<1024x128xf32, #tpu.memory_space<vmem>>, vector<1024x128xf32>
    %get3A_31 = arith.constant 0 : index
    %get3A_32 = arith.constant 0 : index
    %get3A_33 = vector.load %arg8[%get3A_31, %get3A_32] : memref<128x128xf32, #tpu.memory_space<vmem>>, vector<128x128xf32>
    %dot_general3A_34 = arith.constant dense<0.000000e+00> : vector<1024x128xf32>
    %dot_general3A_35 = tpu.matmul %get3A_30, %get3A_33, %dot_general3A_34 {dimension_numbers = #tpu.dot_dimension_numbers<[1], [1], [0], [0], [0, 0, 1, 0], [], []>, transpose_lhs_hint = false} : vector<1024x128xf32>, vector<128x128xf32>, vector<1024x128xf32> -> vector<1024x128xf32>
    %add3A_36 = arith.addf %add3A_27, %dot_general3A_35 : vector<1024x128xf32>
    %mul3A = arith.mulf %add3A_36, %add3A_36 : vector<1024x128xf32>
    %reduce_sum3A = arith.constant dense<0.000000e+00> : vector<1024xf32>
    %reduce_sum3A_37 = vector.multi_reduction <add>, %mul3A, %reduce_sum3A [1] : vector<1024x128xf32> to vector<1024xf32>
    %broadcast_in_dim3A = vector.shape_cast %reduce_sum3A_37 : vector<1024xf32> to vector<1024x1xf32>
    %sqrt3A = math.sqrt %broadcast_in_dim3A : vector<1024x1xf32>
    %max3A_38 = arith.constant 9.99999996E-13 : f32
    %max3A_39 = vector.broadcast %max3A_38 : f32 to vector<1024x1xf32>
    %max3A_40 = arith.maximumf %sqrt3A, %max3A_39 : vector<1024x1xf32>
    %div3A_41 = vector.broadcast %max3A_40 : vector<1024x1xf32> to vector<1024x128xf32>
    %div3A_42 = arith.divf %add3A_36, %div3A_41 : vector<1024x128xf32>
    %get3A_43 = arith.constant 0 : index
    %get3A_44 = arith.constant 0 : index
    %get3A_45 = vector.load %arg9[%get3A_43, %get3A_44] : memref<128x128xf32, #tpu.memory_space<vmem>>, vector<128x128xf32>
    %dot_general3A_46 = arith.constant dense<0.000000e+00> : vector<1024x128xf32>
    %dot_general3A_47 = tpu.matmul %div3A_42, %get3A_45, %dot_general3A_46 {dimension_numbers = #tpu.dot_dimension_numbers<[1], [1], [0], [0], [0, 0, 1, 0], [], []>, transpose_lhs_hint = false} : vector<1024x128xf32>, vector<128x128xf32>, vector<1024x128xf32> -> vector<1024x128xf32>
    %swap3A = arith.constant 0 : index
    %swap3A_48 = arith.constant 0 : index
    %swap3A_49 = vector.load %arg10[%swap3A, %swap3A_48] : memref<1024x128xf32, #tpu.memory_space<vmem>>, vector<1024x128xf32>
    tpu.vector_store %arg10[%swap3A, %swap3A_48], %dot_general3A_47 {strides = array<i32>} : memref<1024x128xf32, #tpu.memory_space<vmem>>, vector<1024x128xf32>,
    return
  }
  func.func @transform_0(%arg0: i32) -> (i32, i32) {
    %c0_i32 = arith.constant 0 : i32
    %c0_i32_0 = arith.constant 0 : i32
    return %arg0, %c0_i32 : i32, i32
  }
  func.func @transform_1(%arg0: i32) -> (i32, i32) {
    %c0_i32 = arith.constant 0 : i32
    %c0_i32_0 = arith.constant 0 : i32
    return %arg0, %c0_i32 : i32, i32
  }
  func.func @transform_2(%arg0: i32) -> (i32, i32) {
    %c0_i32 = arith.constant 0 : i32
    %c0_i32_0 = arith.constant 0 : i32
    return %arg0, %c0_i32 : i32, i32
  }
  func.func @transform_3(%arg0: i32) -> (i32, i32) {
    %c0_i32 = arith.constant 0 : i32
    %c0_i32_0 = arith.constant 0 : i32
    return %arg0, %c0_i32 : i32, i32
  }
  func.func @transform_4(%arg0: i32) -> (i32, i32) {
    %c0_i32 = arith.constant 0 : i32
    %c0_i32_0 = arith.constant 0 : i32
    return %arg0, %c0_i32 : i32, i32
  }
  func.func @transform_5(%arg0: i32) -> (i32, i32) {
    %c0_i32 = arith.constant 0 : i32
    %c0_i32_0 = arith.constant 0 : i32
    %c0_i32_1 = arith.constant 0 : i32
    return %c0_i32, %c0_i32_0 : i32, i32
  }
  func.func @transform_6(%arg0: i32) -> (i32, i32) {
    %c0_i32 = arith.constant 0 : i32
    %c0_i32_0 = arith.constant 0 : i32
    %c0_i32_1 = arith.constant 0 : i32
    return %c0_i32, %c0_i32_0 : i32, i32
  }
  func.func @transform_7(%arg0: i32) -> (i32, i32) {
    %c0_i32 = arith.constant 0 : i32
    %c0_i32_0 = arith.constant 0 : i32
    %c0_i32_1 = arith.constant 0 : i32
    return %c0_i32, %c0_i32_0 : i32, i32
  }
  func.func @transform_8(%arg0: i32) -> (i32, i32) {
    %c0_i32 = arith.constant 0 : i32
    %c0_i32_0 = arith.constant 0 : i32
    %c0_i32_1 = arith.constant 0 : i32
    return %c0_i32, %c0_i32_0 : i32, i32
  }
  func.func @transform_9(%arg0: i32) -> (i32, i32) {
    %c0_i32 = arith.constant 0 : i32
    %c0_i32_0 = arith.constant 0 : i32
    return %arg0, %c0_i32 : i32, i32
  }
}

</mosaic_0001>

<sc_bundles>
// kernel: kernel.12.cloned.1.call-start
scs
__scs_entry_jumppad:
0x0: {  	(pc) =	sbr.rel $0x88, $3  }
0x1: {  	(tag) =	ssettag $0x0;
	lr =	simm.s32 $0x1  }
0x2: {  	[smem:$0x3F98] =	sst lr;
	_ =	strace $0xD0000000  }
0x3: {  	_ = 	snop  }
0x4: {  	_ = 	snop  }
0x5: {  	_ = 	snop  }
0x6: {  	_ = 	snop  }
0x7: {  	_ = 	snop  }
__scs_overlays_trampoline_lowered:
0x8: {  	[smem:$0x3FA7] =	sst s0  }
0x9: {  	[smem:$0x3FA8] =	sst s1  }
0xa: {  	[smem:$0x3FA9] =	sst s2  }
0xb: {  	[smem:$0x3FAA] =	sst s3  }
0xc: {  	[smem:$0x3FAB] =	sst s4  }
0xd: {  	[smem:$0x3FAC] =	sst s5  }
0xe: {  	[smem:$0x3FAD] =	sst s6  }
0xf: {  	[smem:$0x3FAE] =	sst s7  }
0x10: {  	[smem:$0x3FAF] =	sst s8  }
0x11: {  	[smem:$0x3FB0] =	sst s9;
	s0 =	simm.s32 @!p0 $0x0  }
0x12: {  	s1 =	sld [smem:$0x3F96];
	s0 =	simm.s32 @p0 $0x1  }
0x13: {  	[smem:$0x3FB1] =	sst s0;
	s0 =	simm.s32 @!p1 $0x0  }
0x14: {  	s2 =	sld [smem:$0x3F95];
	s0 =	simm.s32 @p1 $0x1  }
0x15: {  	[smem:$0x3FB2] =	sst s0;
	s0 =	simm.s32 @!p2 $0x0  }
0x16: {  	s3 =	sld [smem:$0x3FDB];
	s0 =	simm.s32 @p2 $0x1  }
0x17: {  	s4 =	simm.s32 $0x1BF5;
	[smem:$0x3FB4] =	sst s0  }
0x18: {  	s0 =	sld [smem:$0x3F97];
	_ =	swait.ge [sflag:s4], $0x0  }
0x19: {  	s7 =	sld [smem:$0x3F98]  }
0x1a: {  	s8 =	sadd.s32 $0xFFFFE003, lr  }
0x1b: {  	s9 =	sadd.s32 $0xFFFFFEF7, lr;
	s5 =	simm.s32 $0xFFFFFFFF;
	p2 =	slt.u32 s8, $0xFFFFF086  }
0x1c: {  	p1 =	slt.u32 s9, $0xF7A;
	s5 =	simm.s32 @!p2 $0x0  }
0x1d: {  	s5 =	simm.s32 @p1 $0x1;
	p0 =	seq.s32 s7, s2  }
0x1e: {  	s7 =	smul.u32 @!p0 $0xF7A, s2;
	p2 =	seq.s32 @!p0 s5, $0x0  }
0x1f: {  	s9 =	smul.u32 $0xF7A, s1;
	s8 =	simm.s32 @!p0 $0x1BF5;
	p2 =	por !p2, p0  }
0x20: {  	[sflag:s8] =	ssyncset.s32 @!p0 $0xFFFFF086;
	s6 =	sadd.s32 @!p0 s3, s7;
	s7 =	simm.s32 @!p0 $0x108  }
0x21: {  	s3 =	sadd.s32 s3, s9;
	s6 =	sadd.s32 @!p0 $0x88, s6;
	s7 =	simm.s32 @p2 $0x1082  }
0x22: {  	[simem:s7], [sflag:s8] =	dma.local @!p0 [hbm:s6], $0xF7A  }
0x23: {  	s9 =	sor.u32 $0xD0000000, s2;
	s6 =	simm.s32 $0x108;
	_ =	swait.ge @!p0 [sflag:s8], $0x0  }
0x24: {  	s3 =	sadd.s32 $0x88, s3;
	s6 =	simm.s32 @!p1 $0x1082;
	[sflag:s4] =	ssyncset.s32 $0xFFFFF086  }
0x25: {  	[simem:s6], [sflag:s4] =	dma.local [hbm:s3], $0xF7A  }
0x26: {  	[smem:$0x3F98] =	sst s1;
	(tag) =	ssettag s2;
	_ =	strace s9  }
0x27: {  	s1 =	sld [smem:$0x3FA8]  }
0x28: {  	s2 =	sld [smem:$0x3FA9]  }
0x29: {  	s4 =	sld [smem:$0x3FAB]  }
0x2a: {  	p0 =	seq.s32 s5, $0x0;
	s5 =	sld [smem:$0x3FAC]  }
0x2b: {  	s6 =	sld [smem:$0x3FAD]  }
0x2c: {  	s7 =	sld [smem:$0x3FAE]  }
0x2d: {  	s3 =	simm.s32 $0x108;
	s8 =	sld [smem:$0x3FAF]  }
0x2e: {  	s3 =	simm.s32 @!p0 $0x1082;
	s9 =	sld [smem:$0x3FB0]  }
0x2f: {  	lr =	sadd.s32 s0, s3;
	s0 =	sld [smem:$0x3FA7]  }
0x30: {  	s3 =	sld [smem:$0x3FAA]  }
0x31: {  	[smem:$0x3FB3] =	sst s10  }
0x32: {  	s10 =	sld [smem:$0x3FB1];
	_ =	sdelay $0x3  }
0x33: {  	p0 =	seq.s32 s10, $0x1;
	s10 =	sld [smem:$0x3FB3];
	_ =	sdelay $0x3  }
0x34: {  	[smem:$0x3FB3] =	sst s10  }
0x35: {  	s10 =	sld [smem:$0x3FB2];
	_ =	sdelay $0x3  }
0x36: {  	p1 =	seq.s32 s10, $0x1;
	s10 =	sld [smem:$0x3FB3];
	_ =	sdelay $0x3  }
0x37: {  	[smem:$0x3FB3] =	sst s10  }
0x38: {  	s10 =	sld [smem:$0x3FB4]  }
0x39: {  	_ = 	snop;
	(pc) =	sbr.ind lr, $3  }
0x3a: {  	_ = 	snop  }
0x3b: {  	_ = 	snop  }
0x3c: {  	p2 =	seq.s32 s10, $0x1;
	s10 =	sld [smem:$0x3FB3]  }
0x3d: {  	_ =	shalt  }
0x3e: {  	_ =	shalt  }
0x3f: {  	_ =	shalt  }
0x40: {  	_ =	shalt  }
0x41: {  	_ =	shalt  }
0x42: {  	_ =	shalt  }
0x43: {  	_ =	shalt  }
0x44: {  	_ =	shalt  }
0x45: {  	_ =	shalt  }
0x46: {  	_ =	shalt  }
0x47: {  	_ =	shalt  }
0x48: {  	_ =	shalt  }
0x49: {  	_ =	shalt  }
0x4a: {  	_ =	shalt  }
0x4b: {  	_ =	shalt  }
0x4c: {  	_ =	shalt  }
0x4d: {  	_ =	shalt  }
0x4e: {  	_ =	shalt  }
0x4f: {  	_ =	shalt  }
0x50: {  	_ =	shalt  }
0x51: {  	_ =	shalt  }
0x52: {  	_ =	shalt  }
0x53: {  	_ =	shalt  }
0x54: {  	_ =	shalt  }
0x55: {  	_ =	shalt  }
0x56: {  	_ =	shalt  }
0x57: {  	_ =	shalt  }
0x58: {  	_ =	shalt  }
0x59: {  	_ =	shalt  }
0x5a: {  	_ =	shalt  }
0x5b: {  	_ =	shalt  }
0x5c: {  	_ =	shalt  }
0x5d: {  	_ =	shalt  }
0x5e: {  	_ =	shalt  }
0x5f: {  	_ =	shalt  }
0x60: {  	_ =	shalt  }
0x61: {  	_ =	shalt  }
0x62: {  	_ =	shalt  }
0x63: {  	_ =	shalt  }
0x64: {  	_ =	shalt  }
0x65: {  	_ =	shalt  }
0x66: {  	_ =	shalt  }
0x67: {  	_ =	shalt  }
0x68: {  	_ =	shalt  }
0x69: {  	_ =	shalt  }
0x6a: {  	_ =	shalt  }
0x6b: {  	_ =	shalt  }
0x6c: {  	_ =	shalt  }
0x6d: {  	_ =	shalt  }
0x6e: {  	_ =	shalt  }
0x6f: {  	_ =	shalt  }
0x70: {  	_ =	shalt  }
0x71: {  	_ =	shalt  }
0x72: {  	_ =	shalt  }
0x73: {  	_ =	shalt  }
0x74: {  	_ =	shalt  }
0x75: {  	_ =	shalt  }
0x76: {  	_ =	shalt  }
0x77: {  	_ =	shalt  }
0x78: {  	_ =	shalt  }
0x79: {  	_ =	shalt  }
0x7a: {  	_ =	shalt  }
0x7b: {  	_ =	shalt  }
0x7c: {  	_ =	shalt  }
0x7d: {  	_ =	shalt  }
0x7e: {  	_ =	shalt  }
0x7f: {  	_ =	shalt  }
0x80: {  	_ =	shalt  }
0x81: {  	_ =	shalt  }
0x82: {  	_ =	shalt  }
0x83: {  	_ =	shalt  }
0x84: {  	_ =	shalt  }
0x85: {  	_ =	shalt  }
0x86: {  	_ =	shalt  }
0x87: {  	_ =	shalt  }
.Lfunc_end0:
.L_simem_size_0:
called_computation.1_lowered:
.L_overlay_start_0:
0x88: {  	s2 =	sld [smem:$0x3FD9]  }
0x89: {  	s3 =	sld [smem:$0x3FFE];
	_ =	sdelay $0x1  }
0x8a: {  	s1 =	srdreg.scid  }
0x8b: {  	s0 =	sand.u32 $0x1, s1  }
0x8c: {  	s17 =	sshll.u32 s0, $0xA;
	s2 =	sadd.s32 s3, s2  }
0x8d: {  	s2 =	sadd.s32 s2, s17  }
0x8e: {  	[smem:$0x3FBF] =	sst s2  }
0x8f: {  	_ = 	snop  }
0x90: {  	s2 =	sld [smem:$0x3FD0];
	(tm) =	ssettm $0x1  }
0x91: {  	s18 =	sld [smem:$0x3FFB];
	_ =	sdelay $0x3  }
0x92: {  	_ =	strace s18  }
0x93: {  	s3 =	sld [smem:$0x3FFC];
	_ =	sdelay $0x3  }
0x94: {  	_ =	strace s3  }
0x95: {  	s3 =	sld [smem:$0x3FFD];
	_ =	sdelay $0x3  }
0x96: {  	_ =	strace s3  }
0x97: {  	_ =	strace $0x8FFFFFFF  }
0x98: {  	s19 =	sld [smem:$0x3FDB];
	_ =	sdelay $0x1  }
0x99: {  	s4 =	simm.s32 $_scs_section_size  }
0x9a: {  	s5 =	simm.s32 $_size__tile_overlayer_lowered;
	s6 =	simm.s32 $_tile_overlayer_lowered  }
0x9b: {  	s22 =	simm.s32 $0x1BFF;
	s21 =	sshll.u32 s6, $0x1;
	s3 =	sadd.s32 s4, s19  }
0x9c: {  	s7 =	simm.s32 $0x0;
	s20 =	sshll.u32 s5, $0x1;
	s5 =	sadd.s32 s21, s3  }
0x9d: {  	[timem:s7], [sflag:s22] =	dma.local [hbm:s5], s20  }
0x9e: {  	_ =	swait.ge [sflag:s22], s20  }
0x9f: {  	s4 =	ssub.s32 $0x0, s20;
	[sflag:s22] =	ssyncset.done $0x0  }
0xa0: {  	[sflag:s22] =	ssyncadd.s32 s4;
	_ =	sdelay $0x1  }
0xa1: {  	s23 =	simm.s32 $0x1B8B  }
0xa2: {  	_ =	swait.ge [sflag:s23], $0x1  }
0xa3: {  	[sflag:s23] =	ssyncset.done $0x0  }
0xa4: {  	s25 =	simm.s32 $0x1B8E;
	s24 =	sld [smem:$0x3FFE];
	[sflag:s23] =	ssyncadd.s32 $0xFFFFFFFF  }
0xa5: {  	s26 =	simm.s32 $execute0_lowered;
	[smem:$0x3FD2] =	sst s25  }
0xa6: {  	s5 =	sshll.u32 s26, $0x1;
	_ =	strace $0x80000046;
	[dreg:$0x1] =	wrdreg $0xFFFFFFFF  }
0xa7: {  	s28 =	simm.s32 $_size_execute0_lowered;
	s3 =	sadd.s32 s3, s5;
	[dreg:$0x0] =	wrdreg $0x0  }
0xa8: {  	s5 =	sshll.u32 s28, $0x1;
	[dreg:$0x2] =	wrdreg s3  }
0xa9: {  	[dreg:$0x3] =	wrdreg s5  }
0xaa: {  	[dreg:$0x4] =	wrdreg $0xC0  }
0xab: {  	_ =	task [dreg:s7], $0x5FFFF  }
0xac: {  	[dreg:$0x1] =	wrdreg $0xFFFFFFFF  }
0xad: {  	[dreg:$0x0] =	wrdreg $0x60  }
0xae: {  	[dreg:$0x2] =	wrdreg s2  }
0xaf: {  	[dreg:$0x3] =	wrdreg s24  }
0xb0: {  	[dreg:$0x4] =	wrdreg $0x82000  }
0xb1: {  	[dreg:$0x5] =	wrdreg $0xA  }
0xb2: {  	_ =	task.clear_ibuf [dreg:s7], $0x6FFFF;
	_ =	strace $0x90000046  }
0xb3: {  	s29 =	simm.s32 $0xA;
	_ =	strace $0x80000048  }
0xb4: {  	_ =	swait.ge [sflag:s29], $0x1  }
0xb5: {  	[sflag:s29] =	ssyncadd.s32 $0xFFFFFFFF  }
0xb6: {  	_ =	strace $0x90000048  }
0xb7: {  	_ =	sfence  }
0xb8: {  	s30 =	sld [smem:$0x0];
	_ =	sdelay $0x2  }
0xb9: {  	s31 =	sshll.u32 s1, $0xD;
	s1 =	sshrl.u32 s1, $0x2  }
0xba: {  	s3 =	sand.u32 $0x4000, s31;
	s1 =	sadd.s32 s1, s30  }
0xbb: {  	s0 =	sor.u32 s3, s0;
	s1 =	sshll.u32 s1, $0x11  }
0xbc: {  	s0 =	sor.u32 s1, s0  }
0xbd: {  	s0 =	sadd.s32 $0x8F2B, s0  }
0xbe: {  	[sflag:s0] =	ssyncadd.remote.s32 $0x1  }
0xbf: {  	_ =	sfence.sel $0xFFFF  }
0xc0: {  	[dreg:$0x0] =	wrdreg $0xFFFFFFFF;
	(pc) =	sbr.abs _section_cstart, $3  }
0xc1: {  	[dreg:$0x1] =	wrdreg $0xFFFFFFFF  }
0xc2: {  	_ =	task.clear_ibuf [dreg:s7], $0x2FFFF;
	_ =	strace $0x9FFFFFFF  }
0xc3: {  	(tm) =	ssettm $0x7FFFFFFF  }
tec
execute0_lowered:
.L_overlay_start_1:
0x0: {  	(tag) =	ssettag $0x1  }
0x1: {  	s1 =	rddreg [dreg:$0x0]  }
0x2: {  	s0 =	rddreg [dreg:$0x1]  }
0x3: {  	s2 =	rddreg [dreg:$0x2];
	s3 =	simm.s32 $0x0;
	s4 =	srdreg.scid  }
0x4: {  	s20 =	stileid.u32;
	s28 =	simm.s32 $0x3;
	s29 =	simm.s32 $0x100  }
0x5: {  	s30 =	simm.s32 $0x180;
	s31 =	simm.s32 $0x4;
	[smem:$0x7FF] =	sst s3  }
0x6: {  	s4 =	sand.u32 $0x1, s4;
	s10 =	sadd.s32 $0x9600, s0;
	s7 =	smul.u32 $0x280, s20  }
0x7: {  	s11 =	sadd.s32 $0x13600, s0;
	s8 =	sshll.u32 s20, $0x1;
	s9 =	smul.u32 $0x50000, s20  }
0x8: {  	_ =	strace $0x80000047;
	s5 =	smul.u32 $0x28000, s4;
	s15 =	ssub.s32 $0x2, s4  }
0x9: {  	s8 =	sor.u32 s4, s8;
	s4 =	smul.u32 $0x2800, s4;
	s6 =	sshrl.u32 s15, $0x1  }
0xa: {  	s13 =	sadd.s32 $0x80, s7;
	s16 =	sshrl.u32 s9, $0x2;
	s14 =	sadd.s32 $0x100, s7  }
0xb: {  	s0 =	sadd.s32 s5, s0;
	s12 =	ssub.s32 s15, s6;
	s17 =	sshll.u32 s13, $0x7  }
0xc: {  	s5 =	sadd.s32 s16, s2;
	s18 =	sshll.u32 s14, $0x7;
	s15 =	sadd.s32 $0x180, s7  }
0xd: {  	s16 =	sadd.s32 $0x200, s7;
	s13 =	sshll.u32 s13, $0x4;
	s6 =	sadd.s32 s17, s2  }
0xe: {  	s17 =	smul.u32 $0x2800, s8;
	s7 =	sadd.s32 s18, s2;
	s19 =	sshll.u32 s15, $0x7  }
0xf: {  	s21 =	sshll.u32 s16, $0x7;
	s0 =	sadd.s32 $0x1D600, s0;
	s12 =	smax.u32 s12, $0x1  }
0x10: {  	s8 =	sadd.s32 s19, s2;
	s9 =	sadd.s32 s21, s2;
	s19 =	smul.u32 $0x5000, s20  }
0x11: {  	s20 =	smul.u32 $0x2800, s20;
	[dreg:$0x8] =	wrdreg s12;
	s17 =	sshrl.u32 s17, $0x3  }
0x12: {  	s21 =	sadd.s32 s13, s0;
	s18 =	sadd.s32 s10, s17;
	s22 =	sor.u32 $0x10, s17  }
0x13: {  	s17 =	sadd.s32 s11, s17;
	s4 =	sadd.s32 s4, s19;
	[dreg:$0x4] =	wrdreg s18  }
0x14: {  	s19 =	simm.s32 $0x200;
	s20 =	sadd.s32 s20, s0;
	[dreg:$0x5] =	wrdreg s17  }
0x15: {  	s23 =	sadd.s32 s10, s22;
	s24 =	sadd.s32 s11, s22;
	s22 =	sshll.u32 s14, $0x4  }
0x16: {  	s25 =	sor.u32 $0x180, s4;
	s4 =	sor.u32 $0x100, s4;
	[dreg:$0x6] =	wrdreg s23  }
0x17: {  	[dreg:$0x7] =	wrdreg s24;
	s23 =	sshll.u32 s15, $0x4;
	s24 =	sshll.u32 s16, $0x4  }
0x18: {  	s26 =	sshrl.u32 s25, $0x3;
	s4 =	sshrl.u32 s4, $0x3;
	s22 =	sadd.s32 s22, s0  }
0x19: {  	s25 =	simm.s32 $0x5;
	s15 =	sadd.s32 s26, s11;
	s16 =	sadd.s32 s26, s10  }
0x1a: {  	s17 =	sadd.s32 s4, s11;
	s18 =	sadd.s32 s4, s10;
	s23 =	sadd.s32 s23, s0  }
0x1b: {  	s24 =	sadd.s32 s24, s0;
	s26 =	simm.s32 $0x80;
	s0 =	simm.s32 $0x4200  }
0x1c: {  	v0 =	vimm.f32 $0.0e+00;
	s4 =	simm.s32 $0x1;
	s10 =	simm.s32 $0x2;
	s11 =	simm.s32 $0x0  }
.LBB2_1:
0x1d: {  	s12 =	simm.s32 $0x0;
	s13 =	simm.s32 $0x200  }
.LBB2_2:
0x1e: {  	p0 =	sne.s32 s13, $0xFE00;
	[tilespmem:s12+$0x270] =	vst v0  }
0x1f: {  	[tilespmem:s12+$0x200] =	vst v0  }
0x20: {  	[tilespmem:s12+$0x210] =	vst v0  }
.Ltmp0:
0x21: {  	[tilespmem:s12+$0x220] =	vst v0;
	(pc) =	sbr.rel @p0 .LBB2_2-.Ltmp0, $4  }
0x22: {  	[tilespmem:s12+$0x230] =	vst v0  }
0x23: {  	[tilespmem:s12+$0x240] =	vst v0  }
0x24: {  	[tilespmem:s12+$0x250] =	vst v0  }
0x25: {  	[tilespmem:s12+$0x260] =	vst v0;
	s12 =	sshra.s32 s13, $0x2;
	s13 =	sadd.s32 $0x200, s13  }
0x26: {  	[tilespmem:s12+$0x270] =	vst v0  }
0x27: {  	[tilespmem:s12+$0x200] =	vst v0  }
0x28: {  	[tilespmem:s12+$0x210] =	vst v0  }
0x29: {  	[tilespmem:s12+$0x220] =	vst v0  }
0x2a: {  	[tilespmem:s12+$0x230] =	vst v0  }
0x2b: {  	[tilespmem:s12+$0x240] =	vst v0  }
0x2c: {  	[tilespmem:s12+$0x250] =	vst v0  }
0x2d: {  	[tilespmem:s12+$0x260] =	vst v0  }
0x2e: {  	[spmem:s5] =	stream.linear.scatter [tilespmem:s19], [sflag:$0x5], $0x4000, $0x38;
	[tilespmem:$0x1C200] =	vst v63  }
0x2f: {  	_ =	swait.ge [sflag:s25], $0x4000  }
0x30: {  	[sflag:s25] =	ssyncset.done $0x0  }
0x31: {  	[sflag:s25] =	ssyncadd.s32 $0xFFFFC000  }
0x32: {  	[spmem:s6] =	stream.linear.scatter [tilespmem:s19], [sflag:$0x5], $0x4000, $0x38;
	[tilespmem:$0x1C200] =	vst v63  }
0x33: {  	_ =	swait.ge [sflag:s25], $0x4000  }
0x34: {  	[sflag:s25] =	ssyncset.done $0x0  }
0x35: {  	[sflag:s25] =	ssyncadd.s32 $0xFFFFC000  }
0x36: {  	[spmem:s7] =	stream.linear.scatter [tilespmem:s19], [sflag:$0x5], $0x4000, $0x38;
	[tilespmem:$0x1C200] =	vst v63  }
0x37: {  	_ =	swait.ge [sflag:s25], $0x4000  }
0x38: {  	[sflag:s25] =	ssyncset.done $0x0  }
0x39: {  	[sflag:s25] =	ssyncadd.s32 $0xFFFFC000  }
0x3a: {  	[spmem:s8] =	stream.linear.scatter [tilespmem:s19], [sflag:$0x5], $0x4000, $0x38;
	[tilespmem:$0x1C200] =	vst v63  }
0x3b: {  	_ =	swait.ge [sflag:s25], $0x4000  }
0x3c: {  	[sflag:s25] =	ssyncset.done $0x0  }
0x3d: {  	[sflag:s25] =	ssyncadd.s32 $0xFFFFC000  }
0x3e: {  	[spmem:s9] =	stream.linear.scatter [tilespmem:s19], [sflag:$0x5], $0x4000, $0x38;
	[tilespmem:$0x1C200] =	vst v63  }
0x3f: {  	_ =	swait.ge [sflag:s25], $0x4000  }
0x40: {  	[sflag:s25] =	ssyncset.done $0x0  }
0x41: {  	[sflag:s25] =	ssyncadd.s32 $0xFFFFC000  }
0x42: {  	[bflag:$0x0] =	sbarrier.arrive $0xFFFF  }
0x43: {  	s12 =	simm.s32 $0x0;
	s13 =	rddreg [dreg:$0x4]  }
0x44: {  	[tilespmem:s12], [sflag:$0x3] =	stream.linear.gather [hbm4b:s13+s12], $0x80, $0x38;
	[tilespmem:$0x1C200] =	vst v63  }
0x45: {  	s14 =	rddreg [dreg:$0x5]  }
0x46: {  	[tilespmem:s26], [sflag:$0x3] =	stream.linear.gather [hbm4b:s14+s12], $0x80, $0x38;
	[tilespmem:$0x1C200] =	vst v63  }
0x47: {  	_ =	swait.ge [sflag:s28], $0x80  }
0x48: {  	[sflag:s28] =	ssyncset.done $0x0  }
0x49: {  	[sflag:s28] =	ssyncadd.s32 $0xFFFFFF80  }
0x4a: {  	_ =	swait.ge [sflag:s28], $0x80  }
0x4b: {  	[sflag:s28] =	ssyncset.done $0x0  }
0x4c: {  	[sflag:s28] =	ssyncadd.s32 $0xFFFFFF80  }
0x4d: {  	[tilespmem:s19], [sflag:$0x1] =	stream.indirect.gather [hbm4b:s1+s26], $0x80, s12, s26, $0xb8;
	[tilespmem:$0x1C200] =	vst v63  }
0x4e: {  	s14 =	rddreg [dreg:$0x6]  }
0x4f: {  	[tilespmem:s29], [sflag:$0x4] =	stream.linear.gather [hbm4b:s14+s12], $0x80, $0x38;
	[tilespmem:$0x1C200] =	vst v63  }
0x50: {  	s14 =	rddreg [dreg:$0x7]  }
0x51: {  	[tilespmem:s30], [sflag:$0x4] =	stream.linear.gather [hbm4b:s14+s12], $0x80, $0x38;
	[tilespmem:$0x1C200] =	vst v63  }
0x52: {  	_ =	swait.ge [sflag:s31], $0x80  }
0x53: {  	[sflag:s31] =	ssyncset.done $0x0  }
0x54: {  	[sflag:s31] =	ssyncadd.s32 $0xFFFFFF80  }
0x55: {  	_ =	swait.ge [sflag:s31], $0x80  }
0x56: {  	[sflag:s31] =	ssyncset.done $0x0  }
0x57: {  	[sflag:s31] =	ssyncadd.s32 $0xFFFFFF80  }
0x58: {  	[tilespmem:s0], [sflag:$0x2] =	stream.indirect.gather [hbm4b:s1+s26], $0x80, s29, s26, $0xb8;
	[tilespmem:$0x1C200] =	vst v63  }
0x59: {  	_ =	swait.ge [sflag:s4], $0x4000  }
0x5a: {  	[sflag:s4] =	ssyncset.done $0x0  }
0x5b: {  	[sflag:s4] =	ssyncadd.s32 $0xFFFFC000  }
0x5c: {  	[spmem:s2] =	stream.indirect.scatter.add.f32 [tilespmem:s19], [sflag:$0x5], $0x80, s26, s26, $0xb8;
	[tilespmem:$0x1C200] =	vst v63  }
0x5d: {  	_ =	swait.ge [sflag:s25], $0x4000  }
0x5e: {  	[sflag:s25] =	ssyncset.done $0x0  }
0x5f: {  	s14 =	sadd.s32 $0x0, s18;
	[sflag:s25] =	ssyncadd.s32 $0xFFFFC000  }
0x60: {  	[tilespmem:s3], [sflag:$0x3] =	stream.linear.gather [hbm4b:s14+s3], $0x80, $0x38;
	[tilespmem:$0x1C200] =	vst v63  }
0x61: {  	s13 =	sadd.s32 $0x0, s17  }
0x62: {  	[tilespmem:s26], [sflag:$0x3] =	stream.linear.gather [hbm4b:s13+s3], $0x80, $0x38;
	[tilespmem:$0x1C200] =	vst v63  }
0x63: {  	_ =	swait.ge [sflag:s10], $0x4000  }
0x64: {  	[sflag:s10] =	ssyncset.done $0x0  }
0x65: {  	[sflag:s10] =	ssyncadd.s32 $0xFFFFC000  }
0x66: {  	[spmem:s2] =	stream.indirect.scatter.add.f32 [tilespmem:s0], [sflag:$0x5], $0x80, s30, s26, $0xb8;
	[tilespmem:$0x1C200] =	vst v63  }
0x67: {  	_ =	swait.ge [sflag:s25], $0x4000  }
0x68: {  	[sflag:s25] =	ssyncset.done $0x0  }
0x69: {  	[sflag:s25] =	ssyncadd.s32 $0xFFFFC000  }
0x6a: {  	_ =	swait.ge [sflag:s28], $0x80  }
0x6b: {  	[sflag:s28] =	ssyncset.done $0x0  }
0x6c: {  	[sflag:s28] =	ssyncadd.s32 $0xFFFFFF80  }
0x6d: {  	_ =	swait.ge [sflag:s28], $0x80  }
0x6e: {  	[sflag:s28] =	ssyncset.done $0x0  }
0x6f: {  	[sflag:s28] =	ssyncadd.s32 $0xFFFFFF80  }
0x70: {  	[tilespmem:s19], [sflag:$0x1] =	stream.indirect.gather [hbm4b:s1+s26], $0x80, s3, s26, $0xb8;
	[tilespmem:$0x1C200] =	vst v63  }
0x71: {  	s12 =	simm.s32 $0x20;
	s14 =	sadd.s32 $0x0, s16;
	s13 =	sadd.s32 $0x0, s15  }
0x72: {  	[tilespmem:s29], [sflag:$0x4] =	stream.linear.gather [hbm4b:s14+s3], $0x80, $0x38;
	[tilespmem:$0x1C200] =	vst v63  }
.LBB2_4:
0x73: {  	[tilespmem:s30], [sflag:$0x4] =	stream.linear.gather [hbm4b:s13+s3], $0x80, $0x38;
	[tilespmem:$0x1C200] =	vst v63  }
0x74: {  	s13 =	smov.u32 s12  }
0x75: {  	p0 =	sne.s32 s12, $0x4C0;
	s12 =	sadd.s32 $0x20, s12;
	_ =	swait.ge [sflag:s31], $0x80  }
0x76: {  	[sflag:s31] =	ssyncset.done $0x0  }
0x77: {  	[sflag:s31] =	ssyncadd.s32 $0xFFFFFF80  }
0x78: {  	_ =	swait.ge [sflag:s31], $0x80  }
0x79: {  	[sflag:s31] =	ssyncset.done $0x0  }
0x7a: {  	[sflag:s31] =	ssyncadd.s32 $0xFFFFFF80  }
0x7b: {  	[tilespmem:s0], [sflag:$0x2] =	stream.indirect.gather [hbm4b:s1+s26], $0x80, s29, s26, $0xb8;
	[tilespmem:$0x1C200] =	vst v63  }
0x7c: {  	_ =	swait.ge [sflag:s4], $0x4000  }
0x7d: {  	[sflag:s4] =	ssyncset.done $0x0  }
0x7e: {  	[sflag:s4] =	ssyncadd.s32 $0xFFFFC000  }
0x7f: {  	[spmem:s2] =	stream.indirect.scatter.add.f32 [tilespmem:s19], [sflag:$0x5], $0x80, s26, s26, $0xb8;
	[tilespmem:$0x1C200] =	vst v63  }
0x80: {  	_ =	swait.ge [sflag:s25], $0x4000  }
0x81: {  	[sflag:s25] =	ssyncset.done $0x0  }
0x82: {  	s14 =	sadd.s32 s13, s18;
	[sflag:s25] =	ssyncadd.s32 $0xFFFFC000  }
0x83: {  	[tilespmem:s3], [sflag:$0x3] =	stream.linear.gather [hbm4b:s14+s3], $0x80, $0x38;
	[tilespmem:$0x1C200] =	vst v63  }
0x84: {  	s14 =	sadd.s32 s13, s17  }
0x85: {  	[tilespmem:s26], [sflag:$0x3] =	stream.linear.gather [hbm4b:s14+s3], $0x80, $0x38;
	[tilespmem:$0x1C200] =	vst v63  }
0x86: {  	_ =	swait.ge [sflag:s10], $0x4000  }
0x87: {  	[sflag:s10] =	ssyncset.done $0x0  }
0x88: {  	[sflag:s10] =	ssyncadd.s32 $0xFFFFC000  }
0x89: {  	[spmem:s2] =	stream.indirect.scatter.add.f32 [tilespmem:s0], [sflag:$0x5], $0x80, s30, s26, $0xb8;
	[tilespmem:$0x1C200] =	vst v63  }
0x8a: {  	_ =	swait.ge [sflag:s25], $0x4000  }
0x8b: {  	[sflag:s25] =	ssyncset.done $0x0  }
0x8c: {  	[sflag:s25] =	ssyncadd.s32 $0xFFFFC000  }
0x8d: {  	_ =	swait.ge [sflag:s28], $0x80  }
0x8e: {  	[sflag:s28] =	ssyncset.done $0x0  }
0x8f: {  	[sflag:s28] =	ssyncadd.s32 $0xFFFFFF80  }
0x90: {  	_ =	swait.ge [sflag:s28], $0x80  }
0x91: {  	[sflag:s28] =	ssyncset.done $0x0  }
.Ltmp1:
0x92: {  	[sflag:s28] =	ssyncadd.s32 $0xFFFFFF80;
	(pc) =	sbr.rel @p0 .LBB2_4-.Ltmp1, $4  }
0x93: {  	[tilespmem:s19], [sflag:$0x1] =	stream.indirect.gather [hbm4b:s1+s26], $0x80, s3, s26, $0xb8;
	[tilespmem:$0x1C200] =	vst v63  }
0x94: {  	s14 =	sadd.s32 s13, s16  }
0x95: {  	[tilespmem:s29], [sflag:$0x4] =	stream.linear.gather [hbm4b:s14+s3], $0x80, $0x38;
	[tilespmem:$0x1C200] =	vst v63  }
0x96: {  	s13 =	sadd.s32 s13, s15  }
0x97: {  	[tilespmem:s30], [sflag:$0x4] =	stream.linear.gather [hbm4b:s13+s3], $0x80, $0x38;
	[tilespmem:$0x1C200] =	vst v63  }
0x98: {  	_ =	swait.ge [sflag:s31], $0x80  }
0x99: {  	[sflag:s31] =	ssyncset.done $0x0  }
0x9a: {  	[sflag:s31] =	ssyncadd.s32 $0xFFFFFF80  }
0x9b: {  	_ =	swait.ge [sflag:s31], $0x80  }
0x9c: {  	[sflag:s31] =	ssyncset.done $0x0  }
0x9d: {  	[sflag:s31] =	ssyncadd.s32 $0xFFFFFF80  }
0x9e: {  	[tilespmem:s0], [sflag:$0x2] =	stream.indirect.gather [hbm4b:s1+s26], $0x80, s29, s26, $0xb8;
	[tilespmem:$0x1C200] =	vst v63  }
0x9f: {  	_ =	swait.ge [sflag:s4], $0x4000  }
0xa0: {  	[sflag:s4] =	ssyncset.done $0x0  }
0xa1: {  	[sflag:s4] =	ssyncadd.s32 $0xFFFFC000  }
0xa2: {  	[spmem:s2] =	stream.indirect.scatter.add.f32 [tilespmem:s19], [sflag:$0x5], $0x80, s26, s26, $0xb8;
	[tilespmem:$0x1C200] =	vst v63  }
0xa3: {  	_ =	swait.ge [sflag:s25], $0x4000  }
0xa4: {  	[sflag:s25] =	ssyncset.done $0x0  }
0xa5: {  	[sflag:s25] =	ssyncadd.s32 $0xFFFFC000  }
0xa6: {  	_ =	swait.ge [sflag:s10], $0x4000  }
0xa7: {  	[sflag:s10] =	ssyncset.done $0x0  }
0xa8: {  	[sflag:s10] =	ssyncadd.s32 $0xFFFFC000  }
0xa9: {  	[spmem:s2] =	stream.indirect.scatter.add.f32 [tilespmem:s0], [sflag:$0x5], $0x80, s30, s26, $0xb8;
	[tilespmem:$0x1C200] =	vst v63  }
0xaa: {  	_ =	swait.ge [sflag:s25], $0x4000  }
0xab: {  	[sflag:s25] =	ssyncset.done $0x0  }
0xac: {  	[sflag:s25] =	ssyncadd.s32 $0xFFFFC000  }
0xad: {  	[bflag:$0x0] =	sbarrier.arrive $0xFFFF  }
0xae: {  	[tilespmem:s19], [sflag:$0x5] =	stream.linear.gather [spmem:s5], $0x4000, $0x38;
	[tilespmem:$0x1C200] =	vst v63  }
0xaf: {  	_ =	swait.ge [sflag:s25], $0x4000  }
0xb0: {  	[sflag:s25] =	ssyncset.done $0x0  }
0xb1: {  	[sflag:s25] =	ssyncadd.s32 $0xFFFFC000  }
0xb2: {  	[hbm4b:s20+s3] =	stream.linear.scatter [tilespmem:s19], [sflag:$0x5], $0x4000, $0x38;
	[tilespmem:$0x1C200] =	vst v63  }
0xb3: {  	_ =	swait.ge [sflag:s25], $0x4000  }
0xb4: {  	[sflag:s25] =	ssyncset.done $0x0  }
0xb5: {  	[sflag:s25] =	ssyncadd.s32 $0xFFFFC000  }
0xb6: {  	[tilespmem:s19], [sflag:$0x5] =	stream.linear.gather [spmem:s6], $0x4000, $0x38;
	[tilespmem:$0x1C200] =	vst v63  }
0xb7: {  	_ =	swait.ge [sflag:s25], $0x4000  }
0xb8: {  	[sflag:s25] =	ssyncset.done $0x0  }
0xb9: {  	[sflag:s25] =	ssyncadd.s32 $0xFFFFC000  }
0xba: {  	[hbm4b:s21+s3] =	stream.linear.scatter [tilespmem:s19], [sflag:$0x5], $0x4000, $0x38;
	[tilespmem:$0x1C200] =	vst v63  }
0xbb: {  	_ =	swait.ge [sflag:s25], $0x4000  }
0xbc: {  	[sflag:s25] =	ssyncset.done $0x0  }
0xbd: {  	[sflag:s25] =	ssyncadd.s32 $0xFFFFC000  }
0xbe: {  	[tilespmem:s19], [sflag:$0x5] =	stream.linear.gather [spmem:s7], $0x4000, $0x38;
	[tilespmem:$0x1C200] =	vst v63  }
0xbf: {  	_ =	swait.ge [sflag:s25], $0x4000  }
0xc0: {  	[sflag:s25] =	ssyncset.done $0x0  }
0xc1: {  	[sflag:s25] =	ssyncadd.s32 $0xFFFFC000  }
0xc2: {  	[hbm4b:s22+s3] =	stream.linear.scatter [tilespmem:s19], [sflag:$0x5], $0x4000, $0x38;
	[tilespmem:$0x1C200] =	vst v63  }
0xc3: {  	_ =	swait.ge [sflag:s25], $0x4000  }
0xc4: {  	[sflag:s25] =	ssyncset.done $0x0  }
0xc5: {  	[sflag:s25] =	ssyncadd.s32 $0xFFFFC000  }
0xc6: {  	[tilespmem:s19], [sflag:$0x5] =	stream.linear.gather [spmem:s8], $0x4000, $0x38;
	[tilespmem:$0x1C200] =	vst v63  }
0xc7: {  	_ =	swait.ge [sflag:s25], $0x4000  }
0xc8: {  	[sflag:s25] =	ssyncset.done $0x0  }
0xc9: {  	[sflag:s25] =	ssyncadd.s32 $0xFFFFC000  }
0xca: {  	[hbm4b:s23+s3] =	stream.linear.scatter [tilespmem:s19], [sflag:$0x5], $0x4000, $0x38;
	[tilespmem:$0x1C200] =	vst v63  }
0xcb: {  	_ =	swait.ge [sflag:s25], $0x4000  }
0xcc: {  	[sflag:s25] =	ssyncset.done $0x0  }
0xcd: {  	[sflag:s25] =	ssyncadd.s32 $0xFFFFC000  }
0xce: {  	[tilespmem:s19], [sflag:$0x5] =	stream.linear.gather [spmem:s9], $0x4000, $0x38;
	[tilespmem:$0x1C200] =	vst v63  }
0xcf: {  	_ =	swait.ge [sflag:s25], $0x4000  }
0xd0: {  	[sflag:s25] =	ssyncset.done $0x0  }
0xd1: {  	[sflag:s25] =	ssyncadd.s32 $0xFFFFC000  }
0xd2: {  	[hbm4b:s24+s3] =	stream.linear.scatter [tilespmem:s19], [sflag:$0x5], $0x4000, $0x38;
	[tilespmem:$0x1C200] =	vst v63  }
0xd3: {  	_ =	swait.ge [sflag:s25], $0x4000  }
0xd4: {  	s11 =	sadd.s32 $0x1, s11;
	s12 =	rddreg [dreg:$0x8]  }
0xd5: {  	p0 =	sne.s32 s11, s12  }
.Ltmp2:
0xd6: {  	_ = 	snop;
	(pc) =	sbr.rel @p0 .LBB2_1-.Ltmp2, $3  }
0xd7: {  	_ =	sdelay $0x1  }
0xd8: {  	[sflag:s25] =	ssyncset.done $0x0  }
0xd9: {  	[sflag:s25] =	ssyncadd.s32 $0xFFFFC000  }
0xda: {  	_ =	sfence.sel $0x180000  }
0xdb: {  	[bflag:$0x0] =	sbarrier.arrive $0xFFFF  }
0xdc: {  	_ =	strace $0x90000047  }
0xdd: {  	s0 =	stileid.u32;
	[bflag:$0x2] =	sbarrier.arrive $0xFFFF  }
0xde: {  	p0 =	sne.s32 s0, $0x0;
	s0 =	rddreg [dreg:$0x3]  }
0xdf: {  	s0 =	sadd.s32 @!p0 $0x100000, s0  }
0xe0: {  	[sflag:s0] =	ssyncadd.tile.s32 @!p0 $0x1;
	_ =	shalt  }
.Lfunc_end2:
_tile_overlayer_lowered:
.L_overlay_start_2:
0xe1: {  	(tag) =	ssettag $0x2  }
0xe2: {  	s0 =	rddreg [dreg:$0x0];
	s2 =	stileid.u32  }
0xe3: {  	s1 =	rddreg [dreg:$0x1];
	p0 =	sne.s32 s2, $0x0  }
0xe4: {  	s3 =	rddreg [dreg:$0x2];
	[bflag:$0x3] =	sbarrier.arrive $0xFFFF;
	s2 =	simm.s32 @!p0 $0x1C05  }
0xe5: {  	[timem:s3], [sflag:s2] =	dma.local @!p0 [hbm:s0], s1  }
0xe6: {  	s0 =	simm.s32 @!p0 $0x5  }
0xe7: {  	_ =	swait.ge @!p0 [sflag:s0], s1  }
0xe8: {  	s1 =	ssub.s32 @!p0 $0x0, s1;
	[sflag:s0] =	ssyncset.done @!p0 $0x0  }
0xe9: {  	[sflag:s0] =	ssyncadd.s32 @!p0 s1  }
0xea: {  	[bflag:$0x3] =	sbarrier.arrive $0xFFFF  }
0xeb: {  	_ =	shalt  }

// kernel: kernel.15.cloned.1.call-start
scs
__scs_entry_jumppad:
0x0: {  	(pc) =	sbr.rel $0x88, $3  }
0x1: {  	(tag) =	ssettag $0x0;
	lr =	simm.s32 $0x1  }
0x2: {  	[smem:$0x3F98] =	sst lr;
	_ =	strace $0xD0000000  }
0x3: {  	_ = 	snop  }
0x4: {  	_ = 	snop  }
0x5: {  	_ = 	snop  }
0x6: {  	_ = 	snop  }
0x7: {  	_ = 	snop  }
__scs_overlays_trampoline_lowered:
0x8: {  	[smem:$0x3FA7] =	sst s0  }
0x9: {  	[smem:$0x3FA8] =	sst s1  }
0xa: {  	[smem:$0x3FA9] =	sst s2  }
0xb: {  	[smem:$0x3FAA] =	sst s3  }
0xc: {  	[smem:$0x3FAB] =	sst s4  }
0xd: {  	[smem:$0x3FAC] =	sst s5  }
0xe: {  	[smem:$0x3FAD] =	sst s6  }
0xf: {  	[smem:$0x3FAE] =	sst s7  }
0x10: {  	[smem:$0x3FAF] =	sst s8  }
0x11: {  	[smem:$0x3FB0] =	sst s9;
	s0 =	simm.s32 @!p0 $0x0  }
0x12: {  	s1 =	sld [smem:$0x3F96];
	s0 =	simm.s32 @p0 $0x1  }
0x13: {  	[smem:$0x3FB1] =	sst s0;
	s0 =	simm.s32 @!p1 $0x0  }
0x14: {  	s2 =	sld [smem:$0x3F95];
	s0 =	simm.s32 @p1 $0x1  }
0x15: {  	[smem:$0x3FB2] =	sst s0;
	s0 =	simm.s32 @!p2 $0x0  }
0x16: {  	s3 =	sld [smem:$0x3FDB];
	s0 =	simm.s32 @p2 $0x1  }
0x17: {  	s4 =	simm.s32 $0x1BF5;
	[smem:$0x3FB4] =	sst s0  }
0x18: {  	s0 =	sld [smem:$0x3F97];
	_ =	swait.ge [sflag:s4], $0x0  }
0x19: {  	s7 =	sld [smem:$0x3F98]  }
0x1a: {  	s8 =	sadd.s32 $0xFFFFE003, lr  }
0x1b: {  	s9 =	sadd.s32 $0xFFFFFEF7, lr;
	s5 =	simm.s32 $0xFFFFFFFF;
	p2 =	slt.u32 s8, $0xFFFFF086  }
0x1c: {  	p1 =	slt.u32 s9, $0xF7A;
	s5 =	simm.s32 @!p2 $0x0  }
0x1d: {  	s5 =	simm.s32 @p1 $0x1;
	p0 =	seq.s32 s7, s2  }
0x1e: {  	s7 =	smul.u32 @!p0 $0xF7A, s2;
	p2 =	seq.s32 @!p0 s5, $0x0  }
0x1f: {  	s9 =	smul.u32 $0xF7A, s1;
	s8 =	simm.s32 @!p0 $0x1BF5;
	p2 =	por !p2, p0  }
0x20: {  	[sflag:s8] =	ssyncset.s32 @!p0 $0xFFFFF086;
	s6 =	sadd.s32 @!p0 s3, s7;
	s7 =	simm.s32 @!p0 $0x108  }
0x21: {  	s3 =	sadd.s32 s3, s9;
	s6 =	sadd.s32 @!p0 $0x88, s6;
	s7 =	simm.s32 @p2 $0x1082  }
0x22: {  	[simem:s7], [sflag:s8] =	dma.local @!p0 [hbm:s6], $0xF7A  }
0x23: {  	s9 =	sor.u32 $0xD0000000, s2;
	s6 =	simm.s32 $0x108;
	_ =	swait.ge @!p0 [sflag:s8], $0x0  }
0x24: {  	s3 =	sadd.s32 $0x88, s3;
	s6 =	simm.s32 @!p1 $0x1082;
	[sflag:s4] =	ssyncset.s32 $0xFFFFF086  }
0x25: {  	[simem:s6], [sflag:s4] =	dma.local [hbm:s3], $0xF7A  }
0x26: {  	[smem:$0x3F98] =	sst s1;
	(tag) =	ssettag s2;
	_ =	strace s9  }
0x27: {  	s1 =	sld [smem:$0x3FA8]  }
0x28: {  	s2 =	sld [smem:$0x3FA9]  }
0x29: {  	s4 =	sld [smem:$0x3FAB]  }
0x2a: {  	p0 =	seq.s32 s5, $0x0;
	s5 =	sld [smem:$0x3FAC]  }
0x2b: {  	s6 =	sld [smem:$0x3FAD]  }
0x2c: {  	s7 =	sld [smem:$0x3FAE]  }
0x2d: {  	s3 =	simm.s32 $0x108;
	s8 =	sld [smem:$0x3FAF]  }
0x2e: {  	s3 =	simm.s32 @!p0 $0x1082;
	s9 =	sld [smem:$0x3FB0]  }
0x2f: {  	lr =	sadd.s32 s0, s3;
	s0 =	sld [smem:$0x3FA7]  }
0x30: {  	s3 =	sld [smem:$0x3FAA]  }
0x31: {  	[smem:$0x3FB3] =	sst s10  }
0x32: {  	s10 =	sld [smem:$0x3FB1];
	_ =	sdelay $0x3  }
0x33: {  	p0 =	seq.s32 s10, $0x1;
	s10 =	sld [smem:$0x3FB3];
	_ =	sdelay $0x3  }
0x34: {  	[smem:$0x3FB3] =	sst s10  }
0x35: {  	s10 =	sld [smem:$0x3FB2];
	_ =	sdelay $0x3  }
0x36: {  	p1 =	seq.s32 s10, $0x1;
	s10 =	sld [smem:$0x3FB3];
	_ =	sdelay $0x3  }
0x37: {  	[smem:$0x3FB3] =	sst s10  }
0x38: {  	s10 =	sld [smem:$0x3FB4]  }
0x39: {  	_ = 	snop;
	(pc) =	sbr.ind lr, $3  }
0x3a: {  	_ = 	snop  }
0x3b: {  	_ = 	snop  }
0x3c: {  	p2 =	seq.s32 s10, $0x1;
	s10 =	sld [smem:$0x3FB3]  }
0x3d: {  	_ =	shalt  }
0x3e: {  	_ =	shalt  }
0x3f: {  	_ =	shalt  }
0x40: {  	_ =	shalt  }
0x41: {  	_ =	shalt  }
0x42: {  	_ =	shalt  }
0x43: {  	_ =	shalt  }
0x44: {  	_ =	shalt  }
0x45: {  	_ =	shalt  }
0x46: {  	_ =	shalt  }
0x47: {  	_ =	shalt  }
0x48: {  	_ =	shalt  }
0x49: {  	_ =	shalt  }
0x4a: {  	_ =	shalt  }
0x4b: {  	_ =	shalt  }
0x4c: {  	_ =	shalt  }
0x4d: {  	_ =	shalt  }
0x4e: {  	_ =	shalt  }
0x4f: {  	_ =	shalt  }
0x50: {  	_ =	shalt  }
0x51: {  	_ =	shalt  }
0x52: {  	_ =	shalt  }
0x53: {  	_ =	shalt  }
0x54: {  	_ =	shalt  }
0x55: {  	_ =	shalt  }
0x56: {  	_ =	shalt  }
0x57: {  	_ =	shalt  }
0x58: {  	_ =	shalt  }
0x59: {  	_ =	shalt  }
0x5a: {  	_ =	shalt  }
0x5b: {  	_ =	shalt  }
0x5c: {  	_ =	shalt  }
0x5d: {  	_ =	shalt  }
0x5e: {  	_ =	shalt  }
0x5f: {  	_ =	shalt  }
0x60: {  	_ =	shalt  }
0x61: {  	_ =	shalt  }
0x62: {  	_ =	shalt  }
0x63: {  	_ =	shalt  }
0x64: {  	_ =	shalt  }
0x65: {  	_ =	shalt  }
0x66: {  	_ =	shalt  }
0x67: {  	_ =	shalt  }
0x68: {  	_ =	shalt  }
0x69: {  	_ =	shalt  }
0x6a: {  	_ =	shalt  }
0x6b: {  	_ =	shalt  }
0x6c: {  	_ =	shalt  }
0x6d: {  	_ =	shalt  }
0x6e: {  	_ =	shalt  }
0x6f: {  	_ =	shalt  }
0x70: {  	_ =	shalt  }
0x71: {  	_ =	shalt  }
0x72: {  	_ =	shalt  }
0x73: {  	_ =	shalt  }
0x74: {  	_ =	shalt  }
0x75: {  	_ =	shalt  }
0x76: {  	_ =	shalt  }
0x77: {  	_ =	shalt  }
0x78: {  	_ =	shalt  }
0x79: {  	_ =	shalt  }
0x7a: {  	_ =	shalt  }
0x7b: {  	_ =	shalt  }
0x7c: {  	_ =	shalt  }
0x7d: {  	_ =	shalt  }
0x7e: {  	_ =	shalt  }
0x7f: {  	_ =	shalt  }
0x80: {  	_ =	shalt  }
0x81: {  	_ =	shalt  }
0x82: {  	_ =	shalt  }
0x83: {  	_ =	shalt  }
0x84: {  	_ =	shalt  }
0x85: {  	_ =	shalt  }
0x86: {  	_ =	shalt  }
0x87: {  	_ =	shalt  }
.Lfunc_end0:
.L_simem_size_0:
called_computation.2_lowered:
.L_overlay_start_0:
0x88: {  	s2 =	sld [smem:$0x3FD9]  }
0x89: {  	s3 =	sld [smem:$0x3FFE];
	_ =	sdelay $0x1  }
0x8a: {  	s1 =	srdreg.scid  }
0x8b: {  	s0 =	sand.u32 $0x1, s1  }
0x8c: {  	s17 =	sshll.u32 s0, $0xA;
	s2 =	sadd.s32 s3, s2  }
0x8d: {  	s2 =	sadd.s32 s2, s17  }
0x8e: {  	[smem:$0x3FBF] =	sst s2  }
0x8f: {  	_ = 	snop  }
0x90: {  	s2 =	sld [smem:$0x3FD0];
	(tm) =	ssettm $0x1  }
0x91: {  	s18 =	sld [smem:$0x3FFB];
	_ =	sdelay $0x3  }
0x92: {  	_ =	strace s18  }
0x93: {  	s3 =	sld [smem:$0x3FFC];
	_ =	sdelay $0x3  }
0x94: {  	_ =	strace s3  }
0x95: {  	s3 =	sld [smem:$0x3FFD];
	_ =	sdelay $0x3  }
0x96: {  	_ =	strace s3  }
0x97: {  	_ =	strace $0x8FFFFFFF  }
0x98: {  	s19 =	sld [smem:$0x3FDB];
	_ =	sdelay $0x1  }
0x99: {  	s4 =	simm.s32 $_scs_section_size  }
0x9a: {  	s5 =	simm.s32 $_size__tile_overlayer_lowered;
	s6 =	simm.s32 $_tile_overlayer_lowered  }
0x9b: {  	s22 =	simm.s32 $0x1BFF;
	s21 =	sshll.u32 s6, $0x1;
	s3 =	sadd.s32 s4, s19  }
0x9c: {  	s7 =	simm.s32 $0x0;
	s20 =	sshll.u32 s5, $0x1;
	s5 =	sadd.s32 s21, s3  }
0x9d: {  	[timem:s7], [sflag:s22] =	dma.local [hbm:s5], s20  }
0x9e: {  	_ =	swait.ge [sflag:s22], s20  }
0x9f: {  	s4 =	ssub.s32 $0x0, s20;
	[sflag:s22] =	ssyncset.done $0x0  }
0xa0: {  	[sflag:s22] =	ssyncadd.s32 s4;
	_ =	sdelay $0x1  }
0xa1: {  	s23 =	simm.s32 $0x1B8B  }
0xa2: {  	_ =	swait.ge [sflag:s23], $0x1  }
0xa3: {  	[sflag:s23] =	ssyncset.done $0x0  }
0xa4: {  	s25 =	simm.s32 $0x1B8E;
	s24 =	sld [smem:$0x3FFE];
	[sflag:s23] =	ssyncadd.s32 $0xFFFFFFFF  }
0xa5: {  	s26 =	simm.s32 $execute0_lowered;
	[smem:$0x3FD2] =	sst s25  }
0xa6: {  	s5 =	sshll.u32 s26, $0x1;
	_ =	strace $0x8000004C;
	[dreg:$0x1] =	wrdreg $0xFFFFFFFF  }
0xa7: {  	s28 =	simm.s32 $_size_execute0_lowered;
	s3 =	sadd.s32 s3, s5;
	[dreg:$0x0] =	wrdreg $0x0  }
0xa8: {  	s5 =	sshll.u32 s28, $0x1;
	[dreg:$0x2] =	wrdreg s3  }
0xa9: {  	[dreg:$0x3] =	wrdreg s5  }
0xaa: {  	[dreg:$0x4] =	wrdreg $0xC0  }
0xab: {  	_ =	task [dreg:s7], $0x5FFFF  }
0xac: {  	[dreg:$0x1] =	wrdreg $0xFFFFFFFF  }
0xad: {  	[dreg:$0x0] =	wrdreg $0x60  }
0xae: {  	[dreg:$0x2] =	wrdreg s2  }
0xaf: {  	[dreg:$0x3] =	wrdreg s24  }
0xb0: {  	[dreg:$0x4] =	wrdreg $0x82000  }
0xb1: {  	[dreg:$0x5] =	wrdreg $0x9  }
0xb2: {  	_ =	task.clear_ibuf [dreg:s7], $0x6FFFF;
	_ =	strace $0x9000004C  }
0xb3: {  	s29 =	simm.s32 $0x9;
	_ =	strace $0x8000004E  }
0xb4: {  	_ =	swait.ge [sflag:s29], $0x1  }
0xb5: {  	[sflag:s29] =	ssyncadd.s32 $0xFFFFFFFF  }
0xb6: {  	_ =	strace $0x9000004E  }
0xb7: {  	_ =	sfence  }
0xb8: {  	s30 =	sld [smem:$0x0];
	_ =	sdelay $0x2  }
0xb9: {  	s31 =	sshll.u32 s1, $0xD;
	s1 =	sshrl.u32 s1, $0x2  }
0xba: {  	s3 =	sand.u32 $0x4000, s31;
	s1 =	sadd.s32 s1, s30  }
0xbb: {  	s0 =	sor.u32 s3, s0;
	s1 =	sshll.u32 s1, $0x11  }
0xbc: {  	s0 =	sor.u32 s1, s0  }
0xbd: {  	s0 =	sadd.s32 $0x8F2B, s0  }
0xbe: {  	[sflag:s0] =	ssyncadd.remote.s32 $0x1  }
0xbf: {  	_ =	sfence.sel $0xFFFF  }
0xc0: {  	[dreg:$0x0] =	wrdreg $0xFFFFFFFF;
	(pc) =	sbr.abs _section_cstart, $3  }
0xc1: {  	[dreg:$0x1] =	wrdreg $0xFFFFFFFF  }
0xc2: {  	_ =	task.clear_ibuf [dreg:s7], $0x2FFFF;
	_ =	strace $0x9FFFFFFF  }
0xc3: {  	(tm) =	ssettm $0x7FFFFFFF  }
tec
execute0_lowered:
.L_overlay_start_1:
0x0: {  	(tag) =	ssettag $0x1  }
0x1: {  	s1 =	rddreg [dreg:$0x0]  }
0x2: {  	s0 =	rddreg [dreg:$0x1]  }
0x3: {  	s2 =	rddreg [dreg:$0x2];
	s3 =	simm.s32 $0x0;
	s4 =	srdreg.scid  }
0x4: {  	s20 =	stileid.u32;
	s28 =	simm.s32 $0x3;
	s29 =	simm.s32 $0x100  }
0x5: {  	s30 =	simm.s32 $0x180;
	s31 =	simm.s32 $0x4;
	[smem:$0x7FF] =	sst s3  }
0x6: {  	s4 =	sand.u32 $0x1, s4;
	s10 =	sadd.s32 $0x9600, s0;
	s7 =	smul.u32 $0x280, s20  }
0x7: {  	s11 =	sadd.s32 $0x13600, s0;
	s8 =	sshll.u32 s20, $0x1;
	s9 =	smul.u32 $0x50000, s20  }
0x8: {  	_ =	strace $0x8000004D;
	s5 =	smul.u32 $0x28000, s4;
	s15 =	ssub.s32 $0x2, s4  }
0x9: {  	s8 =	sor.u32 s4, s8;
	s4 =	smul.u32 $0x2800, s4;
	s6 =	sshrl.u32 s15, $0x1  }
0xa: {  	s13 =	sadd.s32 $0x80, s7;
	s16 =	sshrl.u32 s9, $0x2;
	s14 =	sadd.s32 $0x100, s7  }
0xb: {  	s0 =	sadd.s32 s5, s0;
	s12 =	ssub.s32 s15, s6;
	s17 =	sshll.u32 s13, $0x7  }
0xc: {  	s5 =	sadd.s32 s16, s2;
	s18 =	sshll.u32 s14, $0x7;
	s15 =	sadd.s32 $0x180, s7  }
0xd: {  	s16 =	sadd.s32 $0x200, s7;
	s13 =	sshll.u32 s13, $0x4;
	s6 =	sadd.s32 s17, s2  }
0xe: {  	s17 =	smul.u32 $0x2800, s8;
	s7 =	sadd.s32 s18, s2;
	s19 =	sshll.u32 s15, $0x7  }
0xf: {  	s21 =	sshll.u32 s16, $0x7;
	s0 =	sadd.s32 $0x6D600, s0;
	s12 =	smax.u32 s12, $0x1  }
0x10: {  	s8 =	sadd.s32 s19, s2;
	s9 =	sadd.s32 s21, s2;
	s19 =	smul.u32 $0x5000, s20  }
0x11: {  	s20 =	smul.u32 $0x2800, s20;
	[dreg:$0x8] =	wrdreg s12;
	s17 =	sshrl.u32 s17, $0x3  }
0x12: {  	s21 =	sadd.s32 s13, s0;
	s18 =	sadd.s32 s10, s17;
	s22 =	sor.u32 $0x10, s17  }
0x13: {  	s17 =	sadd.s32 s11, s17;
	s4 =	sadd.s32 s4, s19;
	[dreg:$0x4] =	wrdreg s18  }
0x14: {  	s19 =	simm.s32 $0x200;
	s20 =	sadd.s32 s20, s0;
	[dreg:$0x5] =	wrdreg s17  }
0x15: {  	s23 =	sadd.s32 s10, s22;
	s24 =	sadd.s32 s11, s22;
	s22 =	sshll.u32 s14, $0x4  }
0x16: {  	s25 =	sor.u32 $0x180, s4;
	s4 =	sor.u32 $0x100, s4;
	[dreg:$0x6] =	wrdreg s23  }
0x17: {  	[dreg:$0x7] =	wrdreg s24;
	s23 =	sshll.u32 s15, $0x4;
	s24 =	sshll.u32 s16, $0x4  }
0x18: {  	s26 =	sshrl.u32 s25, $0x3;
	s4 =	sshrl.u32 s4, $0x3;
	s22 =	sadd.s32 s22, s0  }
0x19: {  	s25 =	simm.s32 $0x5;
	s15 =	sadd.s32 s26, s11;
	s16 =	sadd.s32 s26, s10  }
0x1a: {  	s17 =	sadd.s32 s4, s11;
	s18 =	sadd.s32 s4, s10;
	s23 =	sadd.s32 s23, s0  }
0x1b: {  	s24 =	sadd.s32 s24, s0;
	s26 =	simm.s32 $0x80;
	s0 =	simm.s32 $0x4200  }
0x1c: {  	v0 =	vimm.f32 $0.0e+00;
	s4 =	simm.s32 $0x1;
	s10 =	simm.s32 $0x2;
	s11 =	simm.s32 $0x0  }
.LBB2_1:
0x1d: {  	s12 =	simm.s32 $0x0;
	s13 =	simm.s32 $0x200  }
.LBB2_2:
0x1e: {  	p0 =	sne.s32 s13, $0xFE00;
	[tilespmem:s12+$0x270] =	vst v0  }
0x1f: {  	[tilespmem:s12+$0x200] =	vst v0  }
0x20: {  	[tilespmem:s12+$0x210] =	vst v0  }
.Ltmp0:
0x21: {  	[tilespmem:s12+$0x220] =	vst v0;
	(pc) =	sbr.rel @p0 .LBB2_2-.Ltmp0, $4  }
0x22: {  	[tilespmem:s12+$0x230] =	vst v0  }
0x23: {  	[tilespmem:s12+$0x240] =	vst v0  }
0x24: {  	[tilespmem:s12+$0x250] =	vst v0  }
0x25: {  	[tilespmem:s12+$0x260] =	vst v0;
	s12 =	sshra.s32 s13, $0x2;
	s13 =	sadd.s32 $0x200, s13  }
0x26: {  	[tilespmem:s12+$0x270] =	vst v0  }
0x27: {  	[tilespmem:s12+$0x200] =	vst v0  }
0x28: {  	[tilespmem:s12+$0x210] =	vst v0  }
0x29: {  	[tilespmem:s12+$0x220] =	vst v0  }
0x2a: {  	[tilespmem:s12+$0x230] =	vst v0  }
0x2b: {  	[tilespmem:s12+$0x240] =	vst v0  }
0x2c: {  	[tilespmem:s12+$0x250] =	vst v0  }
0x2d: {  	[tilespmem:s12+$0x260] =	vst v0  }
0x2e: {  	[spmem:s5] =	stream.linear.scatter [tilespmem:s19], [sflag:$0x5], $0x4000, $0x38;
	[tilespmem:$0x1C200] =	vst v63  }
0x2f: {  	_ =	swait.ge [sflag:s25], $0x4000  }
0x30: {  	[sflag:s25] =	ssyncset.done $0x0  }
0x31: {  	[sflag:s25] =	ssyncadd.s32 $0xFFFFC000  }
0x32: {  	[spmem:s6] =	stream.linear.scatter [tilespmem:s19], [sflag:$0x5], $0x4000, $0x38;
	[tilespmem:$0x1C200] =	vst v63  }
0x33: {  	_ =	swait.ge [sflag:s25], $0x4000  }
0x34: {  	[sflag:s25] =	ssyncset.done $0x0  }
0x35: {  	[sflag:s25] =	ssyncadd.s32 $0xFFFFC000  }
0x36: {  	[spmem:s7] =	stream.linear.scatter [tilespmem:s19], [sflag:$0x5], $0x4000, $0x38;
	[tilespmem:$0x1C200] =	vst v63  }
0x37: {  	_ =	swait.ge [sflag:s25], $0x4000  }
0x38: {  	[sflag:s25] =	ssyncset.done $0x0  }
0x39: {  	[sflag:s25] =	ssyncadd.s32 $0xFFFFC000  }
0x3a: {  	[spmem:s8] =	stream.linear.scatter [tilespmem:s19], [sflag:$0x5], $0x4000, $0x38;
	[tilespmem:$0x1C200] =	vst v63  }
0x3b: {  	_ =	swait.ge [sflag:s25], $0x4000  }
0x3c: {  	[sflag:s25] =	ssyncset.done $0x0  }
0x3d: {  	[sflag:s25] =	ssyncadd.s32 $0xFFFFC000  }
0x3e: {  	[spmem:s9] =	stream.linear.scatter [tilespmem:s19], [sflag:$0x5], $0x4000, $0x38;
	[tilespmem:$0x1C200] =	vst v63  }
0x3f: {  	_ =	swait.ge [sflag:s25], $0x4000  }
0x40: {  	[sflag:s25] =	ssyncset.done $0x0  }
0x41: {  	[sflag:s25] =	ssyncadd.s32 $0xFFFFC000  }
0x42: {  	[bflag:$0x0] =	sbarrier.arrive $0xFFFF  }
0x43: {  	s12 =	simm.s32 $0x0;
	s13 =	rddreg [dreg:$0x4]  }
0x44: {  	[tilespmem:s12], [sflag:$0x3] =	stream.linear.gather [hbm4b:s13+s12], $0x80, $0x38;
	[tilespmem:$0x1C200] =	vst v63  }
0x45: {  	s14 =	rddreg [dreg:$0x5]  }
0x46: {  	[tilespmem:s26], [sflag:$0x3] =	stream.linear.gather [hbm4b:s14+s12], $0x80, $0x38;
	[tilespmem:$0x1C200] =	vst v63  }
0x47: {  	_ =	swait.ge [sflag:s28], $0x80  }
0x48: {  	[sflag:s28] =	ssyncset.done $0x0  }
0x49: {  	[sflag:s28] =	ssyncadd.s32 $0xFFFFFF80  }
0x4a: {  	_ =	swait.ge [sflag:s28], $0x80  }
0x4b: {  	[sflag:s28] =	ssyncset.done $0x0  }
0x4c: {  	[sflag:s28] =	ssyncadd.s32 $0xFFFFFF80  }
0x4d: {  	[tilespmem:s19], [sflag:$0x1] =	stream.indirect.gather [hbm4b:s1+s26], $0x80, s12, s26, $0xb8;
	[tilespmem:$0x1C200] =	vst v63  }
0x4e: {  	s14 =	rddreg [dreg:$0x6]  }
0x4f: {  	[tilespmem:s29], [sflag:$0x4] =	stream.linear.gather [hbm4b:s14+s12], $0x80, $0x38;
	[tilespmem:$0x1C200] =	vst v63  }
0x50: {  	s14 =	rddreg [dreg:$0x7]  }
0x51: {  	[tilespmem:s30], [sflag:$0x4] =	stream.linear.gather [hbm4b:s14+s12], $0x80, $0x38;
	[tilespmem:$0x1C200] =	vst v63  }
0x52: {  	_ =	swait.ge [sflag:s31], $0x80  }
0x53: {  	[sflag:s31] =	ssyncset.done $0x0  }
0x54: {  	[sflag:s31] =	ssyncadd.s32 $0xFFFFFF80  }
0x55: {  	_ =	swait.ge [sflag:s31], $0x80  }
0x56: {  	[sflag:s31] =	ssyncset.done $0x0  }
0x57: {  	[sflag:s31] =	ssyncadd.s32 $0xFFFFFF80  }
0x58: {  	[tilespmem:s0], [sflag:$0x2] =	stream.indirect.gather [hbm4b:s1+s26], $0x80, s29, s26, $0xb8;
	[tilespmem:$0x1C200] =	vst v63  }
0x59: {  	_ =	swait.ge [sflag:s4], $0x4000  }
0x5a: {  	[sflag:s4] =	ssyncset.done $0x0  }
0x5b: {  	[sflag:s4] =	ssyncadd.s32 $0xFFFFC000  }
0x5c: {  	[spmem:s2] =	stream.indirect.scatter.add.f32 [tilespmem:s19], [sflag:$0x5], $0x80, s26, s26, $0xb8;
	[tilespmem:$0x1C200] =	vst v63  }
0x5d: {  	_ =	swait.ge [sflag:s25], $0x4000  }
0x5e: {  	[sflag:s25] =	ssyncset.done $0x0  }
0x5f: {  	s14 =	sadd.s32 $0x0, s18;
	[sflag:s25] =	ssyncadd.s32 $0xFFFFC000  }
0x60: {  	[tilespmem:s3], [sflag:$0x3] =	stream.linear.gather [hbm4b:s14+s3], $0x80, $0x38;
	[tilespmem:$0x1C200] =	vst v63  }
0x61: {  	s13 =	sadd.s32 $0x0, s17  }
0x62: {  	[tilespmem:s26], [sflag:$0x3] =	stream.linear.gather [hbm4b:s13+s3], $0x80, $0x38;
	[tilespmem:$0x1C200] =	vst v63  }
0x63: {  	_ =	swait.ge [sflag:s10], $0x4000  }
0x64: {  	[sflag:s10] =	ssyncset.done $0x0  }
0x65: {  	[sflag:s10] =	ssyncadd.s32 $0xFFFFC000  }
0x66: {  	[spmem:s2] =	stream.indirect.scatter.add.f32 [tilespmem:s0], [sflag:$0x5], $0x80, s30, s26, $0xb8;
	[tilespmem:$0x1C200] =	vst v63  }
0x67: {  	_ =	swait.ge [sflag:s25], $0x4000  }
0x68: {  	[sflag:s25] =	ssyncset.done $0x0  }
0x69: {  	[sflag:s25] =	ssyncadd.s32 $0xFFFFC000  }
0x6a: {  	_ =	swait.ge [sflag:s28], $0x80  }
0x6b: {  	[sflag:s28] =	ssyncset.done $0x0  }
0x6c: {  	[sflag:s28] =	ssyncadd.s32 $0xFFFFFF80  }
0x6d: {  	_ =	swait.ge [sflag:s28], $0x80  }
0x6e: {  	[sflag:s28] =	ssyncset.done $0x0  }
0x6f: {  	[sflag:s28] =	ssyncadd.s32 $0xFFFFFF80  }
0x70: {  	[tilespmem:s19], [sflag:$0x1] =	stream.indirect.gather [hbm4b:s1+s26], $0x80, s3, s26, $0xb8;
	[tilespmem:$0x1C200] =	vst v63  }
0x71: {  	s12 =	simm.s32 $0x20;
	s14 =	sadd.s32 $0x0, s16;
	s13 =	sadd.s32 $0x0, s15  }
0x72: {  	[tilespmem:s29], [sflag:$0x4] =	stream.linear.gather [hbm4b:s14+s3], $0x80, $0x38;
	[tilespmem:$0x1C200] =	vst v63  }
.LBB2_4:
0x73: {  	[tilespmem:s30], [sflag:$0x4] =	stream.linear.gather [hbm4b:s13+s3], $0x80, $0x38;
	[tilespmem:$0x1C200] =	vst v63  }
0x74: {  	s13 =	smov.u32 s12  }
0x75: {  	p0 =	sne.s32 s12, $0x4C0;
	s12 =	sadd.s32 $0x20, s12;
	_ =	swait.ge [sflag:s31], $0x80  }
0x76: {  	[sflag:s31] =	ssyncset.done $0x0  }
0x77: {  	[sflag:s31] =	ssyncadd.s32 $0xFFFFFF80  }
0x78: {  	_ =	swait.ge [sflag:s31], $0x80  }
0x79: {  	[sflag:s31] =	ssyncset.done $0x0  }
0x7a: {  	[sflag:s31] =	ssyncadd.s32 $0xFFFFFF80  }
0x7b: {  	[tilespmem:s0], [sflag:$0x2] =	stream.indirect.gather [hbm4b:s1+s26], $0x80, s29, s26, $0xb8;
	[tilespmem:$0x1C200] =	vst v63  }
0x7c: {  	_ =	swait.ge [sflag:s4], $0x4000  }
0x7d: {  	[sflag:s4] =	ssyncset.done $0x0  }
0x7e: {  	[sflag:s4] =	ssyncadd.s32 $0xFFFFC000  }
0x7f: {  	[spmem:s2] =	stream.indirect.scatter.add.f32 [tilespmem:s19], [sflag:$0x5], $0x80, s26, s26, $0xb8;
	[tilespmem:$0x1C200] =	vst v63  }
0x80: {  	_ =	swait.ge [sflag:s25], $0x4000  }
0x81: {  	[sflag:s25] =	ssyncset.done $0x0  }
0x82: {  	s14 =	sadd.s32 s13, s18;
	[sflag:s25] =	ssyncadd.s32 $0xFFFFC000  }
0x83: {  	[tilespmem:s3], [sflag:$0x3] =	stream.linear.gather [hbm4b:s14+s3], $0x80, $0x38;
	[tilespmem:$0x1C200] =	vst v63  }
0x84: {  	s14 =	sadd.s32 s13, s17  }
0x85: {  	[tilespmem:s26], [sflag:$0x3] =	stream.linear.gather [hbm4b:s14+s3], $0x80, $0x38;
	[tilespmem:$0x1C200] =	vst v63  }
0x86: {  	_ =	swait.ge [sflag:s10], $0x4000  }
0x87: {  	[sflag:s10] =	ssyncset.done $0x0  }
0x88: {  	[sflag:s10] =	ssyncadd.s32 $0xFFFFC000  }
0x89: {  	[spmem:s2] =	stream.indirect.scatter.add.f32 [tilespmem:s0], [sflag:$0x5], $0x80, s30, s26, $0xb8;
	[tilespmem:$0x1C200] =	vst v63  }
0x8a: {  	_ =	swait.ge [sflag:s25], $0x4000  }
0x8b: {  	[sflag:s25] =	ssyncset.done $0x0  }
0x8c: {  	[sflag:s25] =	ssyncadd.s32 $0xFFFFC000  }
0x8d: {  	_ =	swait.ge [sflag:s28], $0x80  }
0x8e: {  	[sflag:s28] =	ssyncset.done $0x0  }
0x8f: {  	[sflag:s28] =	ssyncadd.s32 $0xFFFFFF80  }
0x90: {  	_ =	swait.ge [sflag:s28], $0x80  }
0x91: {  	[sflag:s28] =	ssyncset.done $0x0  }
.Ltmp1:
0x92: {  	[sflag:s28] =	ssyncadd.s32 $0xFFFFFF80;
	(pc) =	sbr.rel @p0 .LBB2_4-.Ltmp1, $4  }
0x93: {  	[tilespmem:s19], [sflag:$0x1] =	stream.indirect.gather [hbm4b:s1+s26], $0x80, s3, s26, $0xb8;
	[tilespmem:$0x1C200] =	vst v63  }
0x94: {  	s14 =	sadd.s32 s13, s16  }
0x95: {  	[tilespmem:s29], [sflag:$0x4] =	stream.linear.gather [hbm4b:s14+s3], $0x80, $0x38;
	[tilespmem:$0x1C200] =	vst v63  }
0x96: {  	s13 =	sadd.s32 s13, s15  }
0x97: {  	[tilespmem:s30], [sflag:$0x4] =	stream.linear.gather [hbm4b:s13+s3], $0x80, $0x38;
	[tilespmem:$0x1C200] =	vst v63  }
0x98: {  	_ =	swait.ge [sflag:s31], $0x80  }
0x99: {  	[sflag:s31] =	ssyncset.done $0x0  }
0x9a: {  	[sflag:s31] =	ssyncadd.s32 $0xFFFFFF80  }
0x9b: {  	_ =	swait.ge [sflag:s31], $0x80  }
0x9c: {  	[sflag:s31] =	ssyncset.done $0x0  }
0x9d: {  	[sflag:s31] =	ssyncadd.s32 $0xFFFFFF80  }
0x9e: {  	[tilespmem:s0], [sflag:$0x2] =	stream.indirect.gather [hbm4b:s1+s26], $0x80, s29, s26, $0xb8;
	[tilespmem:$0x1C200] =	vst v63  }
0x9f: {  	_ =	swait.ge [sflag:s4], $0x4000  }
0xa0: {  	[sflag:s4] =	ssyncset.done $0x0  }
0xa1: {  	[sflag:s4] =	ssyncadd.s32 $0xFFFFC000  }
0xa2: {  	[spmem:s2] =	stream.indirect.scatter.add.f32 [tilespmem:s19], [sflag:$0x5], $0x80, s26, s26, $0xb8;
	[tilespmem:$0x1C200] =	vst v63  }
0xa3: {  	_ =	swait.ge [sflag:s25], $0x4000  }
0xa4: {  	[sflag:s25] =	ssyncset.done $0x0  }
0xa5: {  	[sflag:s25] =	ssyncadd.s32 $0xFFFFC000  }
0xa6: {  	_ =	swait.ge [sflag:s10], $0x4000  }
0xa7: {  	[sflag:s10] =	ssyncset.done $0x0  }
0xa8: {  	[sflag:s10] =	ssyncadd.s32 $0xFFFFC000  }
0xa9: {  	[spmem:s2] =	stream.indirect.scatter.add.f32 [tilespmem:s0], [sflag:$0x5], $0x80, s30, s26, $0xb8;
	[tilespmem:$0x1C200] =	vst v63  }
0xaa: {  	_ =	swait.ge [sflag:s25], $0x4000  }
0xab: {  	[sflag:s25] =	ssyncset.done $0x0  }
0xac: {  	[sflag:s25] =	ssyncadd.s32 $0xFFFFC000  }
0xad: {  	[bflag:$0x0] =	sbarrier.arrive $0xFFFF  }
0xae: {  	[tilespmem:s19], [sflag:$0x5] =	stream.linear.gather [spmem:s5], $0x4000, $0x38;
	[tilespmem:$0x1C200] =	vst v63  }
0xaf: {  	_ =	swait.ge [sflag:s25], $0x4000  }
0xb0: {  	[sflag:s25] =	ssyncset.done $0x0  }
0xb1: {  	[sflag:s25] =	ssyncadd.s32 $0xFFFFC000  }
0xb2: {  	[hbm4b:s20+s3] =	stream.linear.scatter [tilespmem:s19], [sflag:$0x5], $0x4000, $0x38;
	[tilespmem:$0x1C200] =	vst v63  }
0xb3: {  	_ =	swait.ge [sflag:s25], $0x4000  }
0xb4: {  	[sflag:s25] =	ssyncset.done $0x0  }
0xb5: {  	[sflag:s25] =	ssyncadd.s32 $0xFFFFC000  }
0xb6: {  	[tilespmem:s19], [sflag:$0x5] =	stream.linear.gather [spmem:s6], $0x4000, $0x38;
	[tilespmem:$0x1C200] =	vst v63  }
0xb7: {  	_ =	swait.ge [sflag:s25], $0x4000  }
0xb8: {  	[sflag:s25] =	ssyncset.done $0x0  }
0xb9: {  	[sflag:s25] =	ssyncadd.s32 $0xFFFFC000  }
0xba: {  	[hbm4b:s21+s3] =	stream.linear.scatter [tilespmem:s19], [sflag:$0x5], $0x4000, $0x38;
	[tilespmem:$0x1C200] =	vst v63  }
0xbb: {  	_ =	swait.ge [sflag:s25], $0x4000  }
0xbc: {  	[sflag:s25] =	ssyncset.done $0x0  }
0xbd: {  	[sflag:s25] =	ssyncadd.s32 $0xFFFFC000  }
0xbe: {  	[tilespmem:s19], [sflag:$0x5] =	stream.linear.gather [spmem:s7], $0x4000, $0x38;
	[tilespmem:$0x1C200] =	vst v63  }
0xbf: {  	_ =	swait.ge [sflag:s25], $0x4000  }
0xc0: {  	[sflag:s25] =	ssyncset.done $0x0  }
0xc1: {  	[sflag:s25] =	ssyncadd.s32 $0xFFFFC000  }
0xc2: {  	[hbm4b:s22+s3] =	stream.linear.scatter [tilespmem:s19], [sflag:$0x5], $0x4000, $0x38;
	[tilespmem:$0x1C200] =	vst v63  }
0xc3: {  	_ =	swait.ge [sflag:s25], $0x4000  }
0xc4: {  	[sflag:s25] =	ssyncset.done $0x0  }
0xc5: {  	[sflag:s25] =	ssyncadd.s32 $0xFFFFC000  }
0xc6: {  	[tilespmem:s19], [sflag:$0x5] =	stream.linear.gather [spmem:s8], $0x4000, $0x38;
	[tilespmem:$0x1C200] =	vst v63  }
0xc7: {  	_ =	swait.ge [sflag:s25], $0x4000  }
0xc8: {  	[sflag:s25] =	ssyncset.done $0x0  }
0xc9: {  	[sflag:s25] =	ssyncadd.s32 $0xFFFFC000  }
0xca: {  	[hbm4b:s23+s3] =	stream.linear.scatter [tilespmem:s19], [sflag:$0x5], $0x4000, $0x38;
	[tilespmem:$0x1C200] =	vst v63  }
0xcb: {  	_ =	swait.ge [sflag:s25], $0x4000  }
0xcc: {  	[sflag:s25] =	ssyncset.done $0x0  }
0xcd: {  	[sflag:s25] =	ssyncadd.s32 $0xFFFFC000  }
0xce: {  	[tilespmem:s19], [sflag:$0x5] =	stream.linear.gather [spmem:s9], $0x4000, $0x38;
	[tilespmem:$0x1C200] =	vst v63  }
0xcf: {  	_ =	swait.ge [sflag:s25], $0x4000  }
0xd0: {  	[sflag:s25] =	ssyncset.done $0x0  }
0xd1: {  	[sflag:s25] =	ssyncadd.s32 $0xFFFFC000  }
0xd2: {  	[hbm4b:s24+s3] =	stream.linear.scatter [tilespmem:s19], [sflag:$0x5], $0x4000, $0x38;
	[tilespmem:$0x1C200] =	vst v63  }
0xd3: {  	_ =	swait.ge [sflag:s25], $0x4000  }
0xd4: {  	s11 =	sadd.s32 $0x1, s11;
	s12 =	rddreg [dreg:$0x8]  }
0xd5: {  	p0 =	sne.s32 s11, s12  }
.Ltmp2:
0xd6: {  	_ = 	snop;
	(pc) =	sbr.rel @p0 .LBB2_1-.Ltmp2, $3  }
0xd7: {  	_ =	sdelay $0x1  }
0xd8: {  	[sflag:s25] =	ssyncset.done $0x0  }
0xd9: {  	[sflag:s25] =	ssyncadd.s32 $0xFFFFC000  }
0xda: {  	_ =	sfence.sel $0x180000  }
0xdb: {  	[bflag:$0x0] =	sbarrier.arrive $0xFFFF  }
0xdc: {  	_ =	strace $0x9000004D  }
0xdd: {  	s0 =	stileid.u32;
	[bflag:$0x2] =	sbarrier.arrive $0xFFFF  }
0xde: {  	p0 =	sne.s32 s0, $0x0;
	s0 =	rddreg [dreg:$0x3]  }
0xdf: {  	s0 =	sadd.s32 @!p0 $0x100000, s0  }
0xe0: {  	[sflag:s0] =	ssyncadd.tile.s32 @!p0 $0x1;
	_ =	shalt  }
.Lfunc_end2:
_tile_overlayer_lowered:
.L_overlay_start_2:
0xe1: {  	(tag) =	ssettag $0x2  }
0xe2: {  	s0 =	rddreg [dreg:$0x0];
	s2 =	stileid.u32  }
0xe3: {  	s1 =	rddreg [dreg:$0x1];
	p0 =	sne.s32 s2, $0x0  }
0xe4: {  	s3 =	rddreg [dreg:$0x2];
	[bflag:$0x3] =	sbarrier.arrive $0xFFFF;
	s2 =	simm.s32 @!p0 $0x1C05  }
0xe5: {  	[timem:s3], [sflag:s2] =	dma.local @!p0 [hbm:s0], s1  }
0xe6: {  	s0 =	simm.s32 @!p0 $0x5  }
0xe7: {  	_ =	swait.ge @!p0 [sflag:s0], s1  }
0xe8: {  	s1 =	ssub.s32 @!p0 $0x0, s1;
	[sflag:s0] =	ssyncset.done @!p0 $0x0  }
0xe9: {  	[sflag:s0] =	ssyncadd.s32 @!p0 s1  }
0xea: {  	[bflag:$0x3] =	sbarrier.arrive $0xFFFF  }
0xeb: {  	_ =	shalt  }

// kernel: kernel.9.cloned.1.call-start
scs
__scs_entry_jumppad:
0x0: {  	(pc) =	sbr.rel $0x88, $3  }
0x1: {  	(tag) =	ssettag $0x0;
	lr =	simm.s32 $0x1  }
0x2: {  	[smem:$0x3F98] =	sst lr;
	_ =	strace $0xD0000000  }
0x3: {  	_ = 	snop  }
0x4: {  	_ = 	snop  }
0x5: {  	_ = 	snop  }
0x6: {  	_ = 	snop  }
0x7: {  	_ = 	snop  }
__scs_overlays_trampoline_lowered:
0x8: {  	[smem:$0x3FA7] =	sst s0  }
0x9: {  	[smem:$0x3FA8] =	sst s1  }
0xa: {  	[smem:$0x3FA9] =	sst s2  }
0xb: {  	[smem:$0x3FAA] =	sst s3  }
0xc: {  	[smem:$0x3FAB] =	sst s4  }
0xd: {  	[smem:$0x3FAC] =	sst s5  }
0xe: {  	[smem:$0x3FAD] =	sst s6  }
0xf: {  	[smem:$0x3FAE] =	sst s7  }
0x10: {  	[smem:$0x3FAF] =	sst s8  }
0x11: {  	[smem:$0x3FB0] =	sst s9;
	s0 =	simm.s32 @!p0 $0x0  }
0x12: {  	s1 =	sld [smem:$0x3F96];
	s0 =	simm.s32 @p0 $0x1  }
0x13: {  	[smem:$0x3FB1] =	sst s0;
	s0 =	simm.s32 @!p1 $0x0  }
0x14: {  	s2 =	sld [smem:$0x3F95];
	s0 =	simm.s32 @p1 $0x1  }
0x15: {  	[smem:$0x3FB2] =	sst s0;
	s0 =	simm.s32 @!p2 $0x0  }
0x16: {  	s3 =	sld [smem:$0x3FDB];
	s0 =	simm.s32 @p2 $0x1  }
0x17: {  	s4 =	simm.s32 $0x1BF5;
	[smem:$0x3FB4] =	sst s0  }
0x18: {  	s0 =	sld [smem:$0x3F97];
	_ =	swait.ge [sflag:s4], $0x0  }
0x19: {  	s7 =	sld [smem:$0x3F98]  }
0x1a: {  	s8 =	sadd.s32 $0xFFFFE003, lr  }
0x1b: {  	s9 =	sadd.s32 $0xFFFFFEF7, lr;
	s5 =	simm.s32 $0xFFFFFFFF;
	p2 =	slt.u32 s8, $0xFFFFF086  }
0x1c: {  	p1 =	slt.u32 s9, $0xF7A;
	s5 =	simm.s32 @!p2 $0x0  }
0x1d: {  	s5 =	simm.s32 @p1 $0x1;
	p0 =	seq.s32 s7, s2  }
0x1e: {  	s7 =	smul.u32 @!p0 $0xF7A, s2;
	p2 =	seq.s32 @!p0 s5, $0x0  }
0x1f: {  	s9 =	smul.u32 $0xF7A, s1;
	s8 =	simm.s32 @!p0 $0x1BF5;
	p2 =	por !p2, p0  }
0x20: {  	[sflag:s8] =	ssyncset.s32 @!p0 $0xFFFFF086;
	s6 =	sadd.s32 @!p0 s3, s7;
	s7 =	simm.s32 @!p0 $0x108  }
0x21: {  	s3 =	sadd.s32 s3, s9;
	s6 =	sadd.s32 @!p0 $0x88, s6;
	s7 =	simm.s32 @p2 $0x1082  }
0x22: {  	[simem:s7], [sflag:s8] =	dma.local @!p0 [hbm:s6], $0xF7A  }
0x23: {  	s9 =	sor.u32 $0xD0000000, s2;
	s6 =	simm.s32 $0x108;
	_ =	swait.ge @!p0 [sflag:s8], $0x0  }
0x24: {  	s3 =	sadd.s32 $0x88, s3;
	s6 =	simm.s32 @!p1 $0x1082;
	[sflag:s4] =	ssyncset.s32 $0xFFFFF086  }
0x25: {  	[simem:s6], [sflag:s4] =	dma.local [hbm:s3], $0xF7A  }
0x26: {  	[smem:$0x3F98] =	sst s1;
	(tag) =	ssettag s2;
	_ =	strace s9  }
0x27: {  	s1 =	sld [smem:$0x3FA8]  }
0x28: {  	s2 =	sld [smem:$0x3FA9]  }
0x29: {  	s4 =	sld [smem:$0x3FAB]  }
0x2a: {  	p0 =	seq.s32 s5, $0x0;
	s5 =	sld [smem:$0x3FAC]  }
0x2b: {  	s6 =	sld [smem:$0x3FAD]  }
0x2c: {  	s7 =	sld [smem:$0x3FAE]  }
0x2d: {  	s3 =	simm.s32 $0x108;
	s8 =	sld [smem:$0x3FAF]  }
0x2e: {  	s3 =	simm.s32 @!p0 $0x1082;
	s9 =	sld [smem:$0x3FB0]  }
0x2f: {  	lr =	sadd.s32 s0, s3;
	s0 =	sld [smem:$0x3FA7]  }
0x30: {  	s3 =	sld [smem:$0x3FAA]  }
0x31: {  	[smem:$0x3FB3] =	sst s10  }
0x32: {  	s10 =	sld [smem:$0x3FB1];
	_ =	sdelay $0x3  }
0x33: {  	p0 =	seq.s32 s10, $0x1;
	s10 =	sld [smem:$0x3FB3];
	_ =	sdelay $0x3  }
0x34: {  	[smem:$0x3FB3] =	sst s10  }
0x35: {  	s10 =	sld [smem:$0x3FB2];
	_ =	sdelay $0x3  }
0x36: {  	p1 =	seq.s32 s10, $0x1;
	s10 =	sld [smem:$0x3FB3];
	_ =	sdelay $0x3  }
0x37: {  	[smem:$0x3FB3] =	sst s10  }
0x38: {  	s10 =	sld [smem:$0x3FB4]  }
0x39: {  	_ = 	snop;
	(pc) =	sbr.ind lr, $3  }
0x3a: {  	_ = 	snop  }
0x3b: {  	_ = 	snop  }
0x3c: {  	p2 =	seq.s32 s10, $0x1;
	s10 =	sld [smem:$0x3FB3]  }
0x3d: {  	_ =	shalt  }
0x3e: {  	_ =	shalt  }
0x3f: {  	_ =	shalt  }
0x40: {  	_ =	shalt  }
0x41: {  	_ =	shalt  }
0x42: {  	_ =	shalt  }
0x43: {  	_ =	shalt  }
0x44: {  	_ =	shalt  }
0x45: {  	_ =	shalt  }
0x46: {  	_ =	shalt  }
0x47: {  	_ =	shalt  }
0x48: {  	_ =	shalt  }
0x49: {  	_ =	shalt  }
0x4a: {  	_ =	shalt  }
0x4b: {  	_ =	shalt  }
0x4c: {  	_ =	shalt  }
0x4d: {  	_ =	shalt  }
0x4e: {  	_ =	shalt  }
0x4f: {  	_ =	shalt  }
0x50: {  	_ =	shalt  }
0x51: {  	_ =	shalt  }
0x52: {  	_ =	shalt  }
0x53: {  	_ =	shalt  }
0x54: {  	_ =	shalt  }
0x55: {  	_ =	shalt  }
0x56: {  	_ =	shalt  }
0x57: {  	_ =	shalt  }
0x58: {  	_ =	shalt  }
0x59: {  	_ =	shalt  }
0x5a: {  	_ =	shalt  }
0x5b: {  	_ =	shalt  }
0x5c: {  	_ =	shalt  }
0x5d: {  	_ =	shalt  }
0x5e: {  	_ =	shalt  }
0x5f: {  	_ =	shalt  }
0x60: {  	_ =	shalt  }
0x61: {  	_ =	shalt  }
0x62: {  	_ =	shalt  }
0x63: {  	_ =	shalt  }
0x64: {  	_ =	shalt  }
0x65: {  	_ =	shalt  }
0x66: {  	_ =	shalt  }
0x67: {  	_ =	shalt  }
0x68: {  	_ =	shalt  }
0x69: {  	_ =	shalt  }
0x6a: {  	_ =	shalt  }
0x6b: {  	_ =	shalt  }
0x6c: {  	_ =	shalt  }
0x6d: {  	_ =	shalt  }
0x6e: {  	_ =	shalt  }
0x6f: {  	_ =	shalt  }
0x70: {  	_ =	shalt  }
0x71: {  	_ =	shalt  }
0x72: {  	_ =	shalt  }
0x73: {  	_ =	shalt  }
0x74: {  	_ =	shalt  }
0x75: {  	_ =	shalt  }
0x76: {  	_ =	shalt  }
0x77: {  	_ =	shalt  }
0x78: {  	_ =	shalt  }
0x79: {  	_ =	shalt  }
0x7a: {  	_ =	shalt  }
0x7b: {  	_ =	shalt  }
0x7c: {  	_ =	shalt  }
0x7d: {  	_ =	shalt  }
0x7e: {  	_ =	shalt  }
0x7f: {  	_ =	shalt  }
0x80: {  	_ =	shalt  }
0x81: {  	_ =	shalt  }
0x82: {  	_ =	shalt  }
0x83: {  	_ =	shalt  }
0x84: {  	_ =	shalt  }
0x85: {  	_ =	shalt  }
0x86: {  	_ =	shalt  }
0x87: {  	_ =	shalt  }
.Lfunc_end0:
.L_simem_size_0:
called_computation_lowered:
.L_overlay_start_0:
0x88: {  	s2 =	sld [smem:$0x3FD9]  }
0x89: {  	s3 =	sld [smem:$0x3FFE];
	_ =	sdelay $0x1  }
0x8a: {  	s1 =	srdreg.scid  }
0x8b: {  	s0 =	sand.u32 $0x1, s1  }
0x8c: {  	s17 =	sshll.u32 s0, $0xA;
	s2 =	sadd.s32 s3, s2  }
0x8d: {  	s2 =	sadd.s32 s2, s17  }
0x8e: {  	[smem:$0x3FBF] =	sst s2  }
0x8f: {  	_ = 	snop  }
0x90: {  	(tm) =	ssettm $0x1  }
0x91: {  	s18 =	sld [smem:$0x3FFB];
	_ =	sdelay $0x3  }
0x92: {  	_ =	strace s18  }
0x93: {  	s2 =	sld [smem:$0x3FFC];
	_ =	sdelay $0x3  }
0x94: {  	_ =	strace s2  }
0x95: {  	s2 =	sld [smem:$0x3FFD];
	_ =	sdelay $0x3  }
0x96: {  	_ =	strace s2  }
0x97: {  	_ =	strace $0x8FFFFFFF  }
0x98: {  	s19 =	sld [smem:$0x3FDB];
	_ =	sdelay $0x1  }
0x99: {  	s20 =	simm.s32 $_scs_section_size  }
0x9a: {  	s4 =	simm.s32 $_size__tile_overlayer_lowered;
	s5 =	simm.s32 $_tile_overlayer_lowered  }
0x9b: {  	s6 =	simm.s32 $0x1BFF;
	s21 =	sshll.u32 s5, $0x1;
	s3 =	sadd.s32 s20, s19  }
0x9c: {  	s22 =	simm.s32 $0x0;
	s4 =	sshll.u32 s4, $0x1;
	s5 =	sadd.s32 s21, s3  }
0x9d: {  	[timem:s22], [sflag:s6] =	dma.local [hbm:s5], s4  }
0x9e: {  	_ =	swait.ge [sflag:s6], s4  }
0x9f: {  	s4 =	ssub.s32 $0x0, s4;
	[sflag:s6] =	ssyncset.done $0x0  }
0xa0: {  	[sflag:s6] =	ssyncadd.s32 s4;
	_ =	sdelay $0x1  }
0xa1: {  	s23 =	simm.s32 $0x1B8B  }
0xa2: {  	_ =	swait.ge [sflag:s23], $0x1  }
0xa3: {  	[sflag:s23] =	ssyncset.done $0x0  }
0xa4: {  	[sflag:s23] =	ssyncadd.s32 $0xFFFFFFFF  }
0xa5: {  	s4 =	sld [smem:$0x0]  }
0xa6: {  	s5 =	sand.u32 $0xFFFFFFFE, s1  }
0xa7: {  	p0 =	sne.s32 s1, s5  }
0xa8: {  	s5 =	sshll.u32 @p0 s5, $0xE  }
0xa9: {  	s5 =	sadd.s32 @p0 $0x11B8D, s5;
	s6 =	sshll.u32 @p0 s4, $0x11  }
0xaa: {  	s5 =	sor.u32 @p0 s6, s5  }
0xab: {  	[sflag:s5] =	ssyncadd.remote.s32 @p0 $0x1;
	_ =	sdelay $0x1  }
0xac: {  	s5 =	simm.s32 @p0 $0x1B8D  }
0xad: {  	_ =	swait.eq @p0 [sflag:s5], $0x1  }
0xae: {  	[sflag:s5] =	ssyncadd.s32 @p0 $0xFFFFFFFF  }
0xaf: {  	s6 =	sshll.u32 @!p0 s1, $0xE  }
0xb0: {  	s6 =	sor.u32 @!p0 $0x4000, s6;
	s5 =	simm.s32 @!p0 $0x1B8D  }
0xb1: {  	s4 =	sshll.u32 @!p0 s4, $0x11;
	s6 =	sadd.s32 @!p0 $0x11B8D, s6;
	_ =	swait.eq @!p0 [sflag:s5], $0x1  }
0xb2: {  	s4 =	sor.u32 @!p0 s4, s6;
	[sflag:s5] =	ssyncadd.s32 @!p0 $0xFFFFFFFF  }
0xb3: {  	s25 =	simm.s32 $0x1B8E;
	s24 =	sld [smem:$0x3FFE];
	[sflag:s4] =	ssyncadd.remote.s32 @!p0 $0x1  }
0xb4: {  	s26 =	simm.s32 $execute0_lowered;
	[smem:$0x3FD2] =	sst s25  }
0xb5: {  	s5 =	sshll.u32 s26, $0x1;
	_ =	strace $0x80000049;
	[dreg:$0x1] =	wrdreg $0xFFFFFFFF  }
0xb6: {  	s28 =	simm.s32 $_size_execute0_lowered;
	s3 =	sadd.s32 s3, s5;
	[dreg:$0x0] =	wrdreg $0x0  }
0xb7: {  	s5 =	sshll.u32 s28, $0x1;
	[dreg:$0x2] =	wrdreg s3  }
0xb8: {  	[dreg:$0x3] =	wrdreg s5  }
0xb9: {  	[dreg:$0x4] =	wrdreg $0xC0  }
0xba: {  	_ =	task [dreg:s22], $0x5FFFF  }
0xbb: {  	[dreg:$0x1] =	wrdreg $0xFFFFFFFF  }
0xbc: {  	[dreg:$0x0] =	wrdreg $0x60  }
0xbd: {  	[dreg:$0x2] =	wrdreg s24  }
0xbe: {  	[dreg:$0x3] =	wrdreg $0x81000  }
0xbf: {  	[dreg:$0x4] =	wrdreg $0x9  }
0xc0: {  	_ =	task.clear_ibuf [dreg:s22], $0x5FFFF;
	_ =	strace $0x90000049  }
0xc1: {  	s29 =	simm.s32 $0x9;
	_ =	strace $0x8000004B  }
0xc2: {  	_ =	swait.ge [sflag:s29], $0x1  }
0xc3: {  	[sflag:s29] =	ssyncadd.s32 $0xFFFFFFFF  }
0xc4: {  	_ =	strace $0x9000004B  }
0xc5: {  	_ =	sfence  }
0xc6: {  	s30 =	sld [smem:$0x0];
	_ =	sdelay $0x2  }
0xc7: {  	s31 =	sshll.u32 s1, $0xD;
	s1 =	sshrl.u32 s1, $0x2  }
0xc8: {  	s4 =	sand.u32 $0x4000, s31;
	s1 =	sadd.s32 s1, s30  }
0xc9: {  	s0 =	sor.u32 s4, s0;
	s1 =	sshll.u32 s1, $0x11  }
0xca: {  	s0 =	sor.u32 s1, s0  }
0xcb: {  	s0 =	sadd.s32 $0x8F2B, s0  }
0xcc: {  	[sflag:s0] =	ssyncadd.remote.s32 $0x1  }
0xcd: {  	_ =	sfence.sel $0xFFFF  }
0xce: {  	[dreg:$0x0] =	wrdreg $0xFFFFFFFF;
	(pc) =	sbr.abs _section_cstart, $3  }
0xcf: {  	[dreg:$0x1] =	wrdreg $0xFFFFFFFF  }
0xd0: {  	_ =	task.clear_ibuf [dreg:s22], $0x2FFFF;
	_ =	strace $0x9FFFFFFF  }
0xd1: {  	(tm) =	ssettm $0x7FFFFFFF  }
tec
execute0_lowered:
.L_overlay_start_1:
0x0: {  	(tag) =	ssettag $0x1  }
0x1: {  	s0 =	rddreg [dreg:$0x0]  }
0x2: {  	s1 =	rddreg [dreg:$0x1];
	s2 =	simm.s32 $0x0;
	s3 =	srdreg.scid  }
0x3: {  	s22 =	stileid.u32;
	s28 =	simm.s32 $0x1;
	s29 =	simm.s32 $0x4  }
0x4: {  	s30 =	simm.s32 $0x2;
	s31 =	simm.s32 $0x0;
	[smem:$0x7FF] =	sst s2  }
0x5: {  	s3 =	sand.u32 $0x1, s3;
	s9 =	sadd.s32 $0xA31600, s0;
	s7 =	smul.u32 $0x280, s22  }
0x6: {  	s16 =	sadd.s32 $0x13600, s0;
	s6 =	sshll.u32 s22, $0x1;
	s15 =	smul.u32 $0x50000, s22  }
0x7: {  	_ =	strace $0x8000004A;
	s14 =	smul.u32 $0x28000, s3;
	s4 =	ssub.s32 $0x2, s3  }
0x8: {  	s8 =	sor.u32 s3, s6;
	s3 =	smul.u32 $0x2800, s3;
	s5 =	sshrl.u32 s4, $0x1  }
0x9: {  	s19 =	sshrl.u32 s15, $0x2;
	s17 =	sadd.s32 $0x80, s7;
	s11 =	smul.u32 $0x2800, s8  }
0xa: {  	s18 =	sadd.s32 $0x100, s7;
	s12 =	smul.u32 $0x28000, s8;
	s0 =	sadd.s32 s14, s0  }
0xb: {  	s13 =	ssub.s32 s4, s5;
	s4 =	sadd.s32 s19, s1;
	s20 =	sshll.u32 s17, $0x7  }
0xc: {  	s21 =	sshll.u32 s18, $0x7;
	s19 =	sadd.s32 $0x180, s7;
	s5 =	sadd.s32 s20, s1  }
0xd: {  	s6 =	sadd.s32 s21, s1;
	s10 =	sshll.u32 s19, $0x7;
	s20 =	sadd.s32 $0x200, s7  }
0xe: {  	s24 =	sshrl.u32 s11, $0x3;
	s21 =	sor.u32 $0x80, s11;
	s25 =	sadd.s32 s9, s12  }
0xf: {  	s0 =	sadd.s32 $0x6D600, s0;
	s13 =	smax.u32 s13, $0x1;
	s7 =	sadd.s32 s10, s1  }
0x10: {  	s23 =	sshll.u32 s20, $0x7;
	s10 =	sadd.s32 s16, s24;
	[dreg:$0x4] =	wrdreg s25  }
0x11: {  	s11 =	sshrl.u32 s21, $0x3;
	s24 =	sshll.u32 s18, $0x4;
	s25 =	sshll.u32 s19, $0x4  }
0x12: {  	s18 =	simm.s32 $0x5;
	s19 =	simm.s32 $0x80;
	s8 =	sadd.s32 s23, s1  }
0x13: {  	[dreg:$0x3] =	wrdreg s10;
	s26 =	sadd.s32 s16, s11;
	s11 =	smul.u32 $0x5000, s22  }
0x14: {  	s10 =	sshll.u32 s21, $0x4;
	s22 =	smul.u32 $0x2800, s22;
	s23 =	sshll.u32 s17, $0x4  }
0x15: {  	s17 =	simm.s32 $0x100;
	[dreg:$0x5] =	wrdreg s26;
	s12 =	sadd.s32 s9, s10  }
0x16: {  	s26 =	sshll.u32 s20, $0x4;
	s9 =	sadd.s32 s15, s9;
	s3 =	sadd.s32 s3, s11  }
0x17: {  	s9 =	sadd.s32 s14, s9;
	s20 =	sor.u32 $0x180, s3;
	s3 =	sor.u32 $0x100, s3  }
0x18: {  	s9 =	sadd.s32 $0x1800, s9;
	s21 =	sshrl.u32 s20, $0x3;
	s3 =	sshrl.u32 s3, $0x3  }
0x19: {  	s20 =	sadd.s32 s22, s0;
	s22 =	sadd.s32 s24, s0;
	s24 =	sadd.s32 s26, s0  }
0x1a: {  	s26 =	simm.s32 $0x3;
	s15 =	sadd.s32 s21, s16;
	s16 =	sadd.s32 s3, s16  }
0x1b: {  	v0 =	vimm.f32 $0.0e+00;
	s21 =	sadd.s32 s23, s0;
	s23 =	sadd.s32 s25, s0;
	s25 =	simm.s32 $0x4100  }
.LBB2_1:
0x1c: {  	s0 =	simm.s32 $0x0;
	s3 =	simm.s32 $0x200  }
.LBB2_2:
0x1d: {  	p0 =	sne.s32 s3, $0xFE00;
	[tilespmem:s0+$0x170] =	vst v0  }
0x1e: {  	[tilespmem:s0+$0x100] =	vst v0  }
0x1f: {  	[tilespmem:s0+$0x110] =	vst v0  }
.Ltmp0:
0x20: {  	[tilespmem:s0+$0x120] =	vst v0;
	(pc) =	sbr.rel @p0 .LBB2_2-.Ltmp0, $4  }
0x21: {  	[tilespmem:s0+$0x130] =	vst v0  }
0x22: {  	[tilespmem:s0+$0x140] =	vst v0  }
0x23: {  	[tilespmem:s0+$0x150] =	vst v0  }
0x24: {  	[tilespmem:s0+$0x160] =	vst v0;
	s0 =	sshra.s32 s3, $0x2;
	s3 =	sadd.s32 $0x200, s3  }
0x25: {  	[tilespmem:s0+$0x170] =	vst v0  }
0x26: {  	[tilespmem:s0+$0x100] =	vst v0  }
0x27: {  	[tilespmem:s0+$0x110] =	vst v0  }
0x28: {  	[tilespmem:s0+$0x120] =	vst v0  }
0x29: {  	[tilespmem:s0+$0x130] =	vst v0  }
0x2a: {  	[tilespmem:s0+$0x140] =	vst v0  }
0x2b: {  	[tilespmem:s0+$0x150] =	vst v0  }
0x2c: {  	[tilespmem:s0+$0x160] =	vst v0  }
0x2d: {  	[spmem:s4] =	stream.linear.scatter [tilespmem:s17], [sflag:$0x5], $0x4000, $0x38;
	[tilespmem:$0x1C100] =	vst v63  }
0x2e: {  	_ =	swait.ge [sflag:s18], $0x4000  }
0x2f: {  	[sflag:s18] =	ssyncset.done $0x0  }
0x30: {  	[sflag:s18] =	ssyncadd.s32 $0xFFFFC000  }
0x31: {  	[spmem:s5] =	stream.linear.scatter [tilespmem:s17], [sflag:$0x5], $0x4000, $0x38;
	[tilespmem:$0x1C100] =	vst v63  }
0x32: {  	_ =	swait.ge [sflag:s18], $0x4000  }
0x33: {  	[sflag:s18] =	ssyncset.done $0x0  }
0x34: {  	[sflag:s18] =	ssyncadd.s32 $0xFFFFC000  }
0x35: {  	[spmem:s6] =	stream.linear.scatter [tilespmem:s17], [sflag:$0x5], $0x4000, $0x38;
	[tilespmem:$0x1C100] =	vst v63  }
0x36: {  	_ =	swait.ge [sflag:s18], $0x4000  }
0x37: {  	[sflag:s18] =	ssyncset.done $0x0  }
0x38: {  	[sflag:s18] =	ssyncadd.s32 $0xFFFFC000  }
0x39: {  	[spmem:s7] =	stream.linear.scatter [tilespmem:s17], [sflag:$0x5], $0x4000, $0x38;
	[tilespmem:$0x1C100] =	vst v63  }
0x3a: {  	_ =	swait.ge [sflag:s18], $0x4000  }
0x3b: {  	[sflag:s18] =	ssyncset.done $0x0  }
0x3c: {  	[sflag:s18] =	ssyncadd.s32 $0xFFFFC000  }
0x3d: {  	[spmem:s8] =	stream.linear.scatter [tilespmem:s17], [sflag:$0x5], $0x4000, $0x38;
	[tilespmem:$0x1C100] =	vst v63  }
0x3e: {  	_ =	swait.ge [sflag:s18], $0x4000  }
0x3f: {  	[sflag:s18] =	ssyncset.done $0x0  }
0x40: {  	[sflag:s18] =	ssyncadd.s32 $0xFFFFC000  }
0x41: {  	[bflag:$0x0] =	sbarrier.arrive $0xFFFF  }
0x42: {  	s10 =	simm.s32 $0x0;
	s3 =	rddreg [dreg:$0x3]  }
0x43: {  	[tilespmem:s10], [sflag:$0x3] =	stream.linear.gather [hbm4b:s3+s10], $0x80, $0x38;
	[tilespmem:$0x1C100] =	vst v63  }
0x44: {  	s11 =	rddreg [dreg:$0x4]  }
0x45: {  	[tilespmem:s17], [sflag:$0x1] =	stream.linear.gather [hbm4b:s11+s10], $0x4000, $0x38;
	[tilespmem:$0x1C100] =	vst v63  }
0x46: {  	s14 =	rddreg [dreg:$0x5]  }
0x47: {  	[tilespmem:s19], [sflag:$0x4] =	stream.linear.gather [hbm4b:s14+s10], $0x80, $0x38;
	[tilespmem:$0x1C100] =	vst v63  }
0x48: {  	_ = 	snop  }
0x49: {  	[tilespmem:s25], [sflag:$0x2] =	stream.linear.gather [hbm4b:s12+s10], $0x4000, $0x38;
	[tilespmem:$0x1C100] =	vst v63  }
0x4a: {  	_ =	swait.ge [sflag:s26], $0x80  }
0x4b: {  	[sflag:s26] =	ssyncset.done $0x0  }
0x4c: {  	[sflag:s26] =	ssyncadd.s32 $0xFFFFFF80  }
0x4d: {  	_ =	swait.ge [sflag:s28], $0x4000  }
0x4e: {  	[sflag:s28] =	ssyncset.done $0x0  }
0x4f: {  	[sflag:s28] =	ssyncadd.s32 $0xFFFFC000  }
0x50: {  	[spmem:s1] =	stream.indirect.scatter.add.f32 [tilespmem:s17], [sflag:$0x5], $0x80, s2, s19, $0xb8;
	[tilespmem:$0x1C100] =	vst v63  }
0x51: {  	_ =	swait.ge [sflag:s18], $0x4000  }
0x52: {  	[sflag:s18] =	ssyncset.done $0x0  }
0x53: {  	s10 =	sadd.s32 $0x0, s16;
	[sflag:s18] =	ssyncadd.s32 $0xFFFFC000  }
0x54: {  	[tilespmem:s2], [sflag:$0x3] =	stream.linear.gather [hbm4b:s10+s2], $0x80, $0x38;
	[tilespmem:$0x1C100] =	vst v63  }
0x55: {  	s11 =	sadd.s32 $0xFFFFF800, s9  }
0x56: {  	[tilespmem:s17], [sflag:$0x1] =	stream.linear.gather [hbm4b:s11+s2], $0x4000, $0x38;
	[tilespmem:$0x1C100] =	vst v63  }
0x57: {  	_ =	swait.ge [sflag:s29], $0x80  }
0x58: {  	[sflag:s29] =	ssyncset.done $0x0  }
0x59: {  	[sflag:s29] =	ssyncadd.s32 $0xFFFFFF80  }
0x5a: {  	_ =	swait.ge [sflag:s30], $0x4000  }
0x5b: {  	[sflag:s30] =	ssyncset.done $0x0  }
0x5c: {  	[sflag:s30] =	ssyncadd.s32 $0xFFFFC000  }
0x5d: {  	[spmem:s1] =	stream.indirect.scatter.add.f32 [tilespmem:s25], [sflag:$0x5], $0x80, s19, s19, $0xb8;
	[tilespmem:$0x1C100] =	vst v63  }
0x5e: {  	_ =	swait.ge [sflag:s18], $0x4000  }
0x5f: {  	[sflag:s18] =	ssyncset.done $0x0  }
0x60: {  	s14 =	sadd.s32 $0x0, s15;
	[sflag:s18] =	ssyncadd.s32 $0xFFFFC000  }
0x61: {  	[tilespmem:s19], [sflag:$0x4] =	stream.linear.gather [hbm4b:s14+s2], $0x80, $0x38;
	[tilespmem:$0x1C100] =	vst v63  }
0x62: {  	s0 =	simm.s32 $0x20;
	s3 =	sadd.s32 $0x1000, s9;
	s14 =	smov.u32 s9  }
.LBB2_4:
0x63: {  	[tilespmem:s25], [sflag:$0x2] =	stream.linear.gather [hbm4b:s14+s2], $0x4000, $0x38;
	[tilespmem:$0x1C100] =	vst v63  }
0x64: {  	s10 =	smov.u32 s0;
	s14 =	smov.u32 s3  }
0x65: {  	p0 =	sne.s32 s0, $0x4C0;
	s0 =	sadd.s32 $0x20, s0;
	_ =	swait.ge [sflag:s26], $0x80  }
0x66: {  	[sflag:s26] =	ssyncset.done $0x0  }
0x67: {  	[sflag:s26] =	ssyncadd.s32 $0xFFFFFF80  }
0x68: {  	_ =	swait.ge [sflag:s28], $0x4000  }
0x69: {  	[sflag:s28] =	ssyncset.done $0x0  }
0x6a: {  	[sflag:s28] =	ssyncadd.s32 $0xFFFFC000  }
0x6b: {  	[spmem:s1] =	stream.indirect.scatter.add.f32 [tilespmem:s17], [sflag:$0x5], $0x80, s2, s19, $0xb8;
	[tilespmem:$0x1C100] =	vst v63  }
0x6c: {  	_ =	swait.ge [sflag:s18], $0x4000  }
0x6d: {  	[sflag:s18] =	ssyncset.done $0x0  }
0x6e: {  	s11 =	sadd.s32 s10, s16;
	[sflag:s18] =	ssyncadd.s32 $0xFFFFC000  }
0x6f: {  	[tilespmem:s2], [sflag:$0x3] =	stream.linear.gather [hbm4b:s11+s2], $0x80, $0x38;
	[tilespmem:$0x1C100] =	vst v63  }
0x70: {  	s11 =	sadd.s32 $0xFFFFF800, s3  }
0x71: {  	[tilespmem:s17], [sflag:$0x1] =	stream.linear.gather [hbm4b:s11+s2], $0x4000, $0x38;
	[tilespmem:$0x1C100] =	vst v63  }
0x72: {  	_ =	swait.ge [sflag:s29], $0x80  }
0x73: {  	[sflag:s29] =	ssyncset.done $0x0  }
0x74: {  	[sflag:s29] =	ssyncadd.s32 $0xFFFFFF80  }
0x75: {  	_ =	swait.ge [sflag:s30], $0x4000  }
0x76: {  	[sflag:s30] =	ssyncset.done $0x0  }
0x77: {  	[sflag:s30] =	ssyncadd.s32 $0xFFFFC000  }
0x78: {  	[spmem:s1] =	stream.indirect.scatter.add.f32 [tilespmem:s25], [sflag:$0x5], $0x80, s19, s19, $0xb8;
	[tilespmem:$0x1C100] =	vst v63  }
.Ltmp1:
0x79: {  	_ =	swait.ge [sflag:s18], $0x4000;
	(pc) =	sbr.rel @p0 .LBB2_4-.Ltmp1, $4  }
0x7a: {  	[sflag:s18] =	ssyncset.done $0x0  }
0x7b: {  	s10 =	sadd.s32 s10, s15;
	[sflag:s18] =	ssyncadd.s32 $0xFFFFC000  }
0x7c: {  	[tilespmem:s19], [sflag:$0x4] =	stream.linear.gather [hbm4b:s10+s2], $0x80, $0x38;
	[tilespmem:$0x1C100] =	vst v63  }
0x7d: {  	s3 =	sadd.s32 $0x1000, s3  }
0x7e: {  	[tilespmem:s25], [sflag:$0x2] =	stream.linear.gather [hbm4b:s14+s2], $0x4000, $0x38;
	[tilespmem:$0x1C100] =	vst v63  }
0x7f: {  	_ =	swait.ge [sflag:s26], $0x80  }
0x80: {  	[sflag:s26] =	ssyncset.done $0x0  }
0x81: {  	[sflag:s26] =	ssyncadd.s32 $0xFFFFFF80  }
0x82: {  	_ =	swait.ge [sflag:s28], $0x4000  }
0x83: {  	[sflag:s28] =	ssyncset.done $0x0  }
0x84: {  	[sflag:s28] =	ssyncadd.s32 $0xFFFFC000  }
0x85: {  	[spmem:s1] =	stream.indirect.scatter.add.f32 [tilespmem:s17], [sflag:$0x5], $0x80, s2, s19, $0xb8;
	[tilespmem:$0x1C100] =	vst v63  }
0x86: {  	_ =	swait.ge [sflag:s18], $0x4000  }
0x87: {  	[sflag:s18] =	ssyncset.done $0x0  }
0x88: {  	[sflag:s18] =	ssyncadd.s32 $0xFFFFC000  }
0x89: {  	_ =	swait.ge [sflag:s29], $0x80  }
0x8a: {  	[sflag:s29] =	ssyncset.done $0x0  }
0x8b: {  	[sflag:s29] =	ssyncadd.s32 $0xFFFFFF80  }
0x8c: {  	_ =	swait.ge [sflag:s30], $0x4000  }
0x8d: {  	[sflag:s30] =	ssyncset.done $0x0  }
0x8e: {  	[sflag:s30] =	ssyncadd.s32 $0xFFFFC000  }
0x8f: {  	[spmem:s1] =	stream.indirect.scatter.add.f32 [tilespmem:s25], [sflag:$0x5], $0x80, s19, s19, $0xb8;
	[tilespmem:$0x1C100] =	vst v63  }
0x90: {  	_ =	swait.ge [sflag:s18], $0x4000  }
0x91: {  	[sflag:s18] =	ssyncset.done $0x0  }
0x92: {  	[sflag:s18] =	ssyncadd.s32 $0xFFFFC000  }
0x93: {  	[bflag:$0x0] =	sbarrier.arrive $0xFFFF  }
0x94: {  	[tilespmem:s17], [sflag:$0x5] =	stream.linear.gather [spmem:s4], $0x4000, $0x38;
	[tilespmem:$0x1C100] =	vst v63  }
0x95: {  	_ =	swait.ge [sflag:s18], $0x4000  }
0x96: {  	[sflag:s18] =	ssyncset.done $0x0  }
0x97: {  	[sflag:s18] =	ssyncadd.s32 $0xFFFFC000  }
0x98: {  	[hbm4b:s20+s2] =	stream.linear.scatter [tilespmem:s17], [sflag:$0x5], $0x4000, $0x38;
	[tilespmem:$0x1C100] =	vst v63  }
0x99: {  	_ =	swait.ge [sflag:s18], $0x4000  }
0x9a: {  	[sflag:s18] =	ssyncset.done $0x0  }
0x9b: {  	[sflag:s18] =	ssyncadd.s32 $0xFFFFC000  }
0x9c: {  	[tilespmem:s17], [sflag:$0x5] =	stream.linear.gather [spmem:s5], $0x4000, $0x38;
	[tilespmem:$0x1C100] =	vst v63  }
0x9d: {  	_ =	swait.ge [sflag:s18], $0x4000  }
0x9e: {  	[sflag:s18] =	ssyncset.done $0x0  }
0x9f: {  	[sflag:s18] =	ssyncadd.s32 $0xFFFFC000  }
0xa0: {  	[hbm4b:s21+s2] =	stream.linear.scatter [tilespmem:s17], [sflag:$0x5], $0x4000, $0x38;
	[tilespmem:$0x1C100] =	vst v63  }
0xa1: {  	_ =	swait.ge [sflag:s18], $0x4000  }
0xa2: {  	[sflag:s18] =	ssyncset.done $0x0  }
0xa3: {  	[sflag:s18] =	ssyncadd.s32 $0xFFFFC000  }
0xa4: {  	[tilespmem:s17], [sflag:$0x5] =	stream.linear.gather [spmem:s6], $0x4000, $0x38;
	[tilespmem:$0x1C100] =	vst v63  }
0xa5: {  	_ =	swait.ge [sflag:s18], $0x4000  }
0xa6: {  	[sflag:s18] =	ssyncset.done $0x0  }
0xa7: {  	[sflag:s18] =	ssyncadd.s32 $0xFFFFC000  }
0xa8: {  	[hbm4b:s22+s2] =	stream.linear.scatter [tilespmem:s17], [sflag:$0x5], $0x4000, $0x38;
	[tilespmem:$0x1C100] =	vst v63  }
0xa9: {  	_ =	swait.ge [sflag:s18], $0x4000  }
0xaa: {  	[sflag:s18] =	ssyncset.done $0x0  }
0xab: {  	[sflag:s18] =	ssyncadd.s32 $0xFFFFC000  }
0xac: {  	[tilespmem:s17], [sflag:$0x5] =	stream.linear.gather [spmem:s7], $0x4000, $0x38;
	[tilespmem:$0x1C100] =	vst v63  }
0xad: {  	_ =	swait.ge [sflag:s18], $0x4000  }
0xae: {  	[sflag:s18] =	ssyncset.done $0x0  }
0xaf: {  	[sflag:s18] =	ssyncadd.s32 $0xFFFFC000  }
0xb0: {  	[hbm4b:s23+s2] =	stream.linear.scatter [tilespmem:s17], [sflag:$0x5], $0x4000, $0x38;
	[tilespmem:$0x1C100] =	vst v63  }
0xb1: {  	_ =	swait.ge [sflag:s18], $0x4000  }
0xb2: {  	[sflag:s18] =	ssyncset.done $0x0  }
0xb3: {  	[sflag:s18] =	ssyncadd.s32 $0xFFFFC000  }
0xb4: {  	[tilespmem:s17], [sflag:$0x5] =	stream.linear.gather [spmem:s8], $0x4000, $0x38;
	[tilespmem:$0x1C100] =	vst v63  }
0xb5: {  	s31 =	sadd.s32 $0x1, s31;
	_ =	swait.ge [sflag:s18], $0x4000  }
0xb6: {  	p0 =	sne.s32 s31, s13;
	[sflag:s18] =	ssyncset.done $0x0  }
.Ltmp2:
0xb7: {  	[sflag:s18] =	ssyncadd.s32 $0xFFFFC000;
	(pc) =	sbr.rel @p0 .LBB2_1-.Ltmp2, $4  }
0xb8: {  	[hbm4b:s24+s2] =	stream.linear.scatter [tilespmem:s17], [sflag:$0x5], $0x4000, $0x38;
	[tilespmem:$0x1C100] =	vst v63  }
0xb9: {  	_ =	swait.ge [sflag:s18], $0x4000  }
0xba: {  	[sflag:s18] =	ssyncset.done $0x0  }
0xbb: {  	[sflag:s18] =	ssyncadd.s32 $0xFFFFC000  }
0xbc: {  	_ =	sfence.sel $0x180000  }
0xbd: {  	[bflag:$0x0] =	sbarrier.arrive $0xFFFF  }
0xbe: {  	_ =	strace $0x9000004A  }
0xbf: {  	s0 =	stileid.u32;
	[bflag:$0x2] =	sbarrier.arrive $0xFFFF  }
0xc0: {  	p0 =	sne.s32 s0, $0x0;
	s0 =	rddreg [dreg:$0x2]  }
0xc1: {  	s0 =	sadd.s32 @!p0 $0x100000, s0  }
0xc2: {  	[sflag:s0] =	ssyncadd.tile.s32 @!p0 $0x1;
	_ =	shalt  }
.Lfunc_end2:
_tile_overlayer_lowered:
.L_overlay_start_2:
0xc3: {  	(tag) =	ssettag $0x2  }
0xc4: {  	s0 =	rddreg [dreg:$0x0];
	s2 =	stileid.u32  }
0xc5: {  	s1 =	rddreg [dreg:$0x1];
	p0 =	sne.s32 s2, $0x0  }
0xc6: {  	s3 =	rddreg [dreg:$0x2];
	[bflag:$0x3] =	sbarrier.arrive $0xFFFF;
	s2 =	simm.s32 @!p0 $0x1C05  }
0xc7: {  	[timem:s3], [sflag:s2] =	dma.local @!p0 [hbm:s0], s1  }
0xc8: {  	s0 =	simm.s32 @!p0 $0x5  }
0xc9: {  	_ =	swait.ge @!p0 [sflag:s0], s1  }
0xca: {  	s1 =	ssub.s32 @!p0 $0x0, s1;
	[sflag:s0] =	ssyncset.done @!p0 $0x0  }
0xcb: {  	[sflag:s0] =	ssyncadd.s32 @!p0 s1  }
0xcc: {  	[bflag:$0x3] =	sbarrier.arrive $0xFFFF  }
0xcd: {  	_ =	shalt  }

</sc_bundles>
